<compile_context>
chip_gen: v7x
topology: tpu7x:2x2x1
jax: 0.10.2.dev20260603
libtpu: 0.0.44.dev20260713+nightly
codegen_flags: <defaults>
</compile_context>

<pallas_src>
import functools

import jax
import jax.numpy as jnp
from jax import lax
from jax.experimental import pallas as pl
from jax.experimental.pallas import tpu as pltpu
from jax.experimental.pallas import tpu_sc as plsc

N = 10000
NP = 10240
NW = 32
BLK1 = 128
NBLK1 = 82
CHUNK = NBLK1 * BLK1
E_PAD = NW * CHUNK
BLK2 = 64
NBLK2 = CHUNK // BLK2
SLICE = NP // 16
D_IN = 128
D_HID = 64

_SC_PARAMS = pltpu.CompilerParams(
    needs_layout_passes=False, use_tc_tiling_on_sc=False)


def _alpha_outs(h, avs, avd):
    a_s = h @ avs
    a_d = h @ avd
    al = jnp.concatenate([a_s[None, :], a_d[None, :]], axis=0)
    am = jnp.concatenate(
        [jnp.full((1, 128), jnp.max(a_s), jnp.float32),
         jnp.full((1, 128), jnp.max(a_d), jnp.float32)], axis=0)
    return al, am


def _mm1_body(x_ref, w_ref, avs_ref, avd_ref, h_ref, al_ref, am_ref):
    h = jnp.dot(x_ref[...], w_ref[...], preferred_element_type=jnp.float32)
    h_ref[...] = h
    al, am = _alpha_outs(h, avs_ref[0, :], avd_ref[0, :])
    al_ref[...] = al
    am_ref[...] = am


def _tc_layer1(xp, W1, a_src1, a_dst1):
    return pl.pallas_call(
        _mm1_body,
        out_shape=(
            jax.ShapeDtypeStruct((NP, D_HID), jnp.float32),
            jax.ShapeDtypeStruct((2, NP), jnp.float32),
            jax.ShapeDtypeStruct((2, 128), jnp.float32),
        ),
    )(xp, W1, a_src1.reshape(1, -1), a_dst1.reshape(1, -1))


def _mm2_body(p_ref, den_ref, b_ref, w_ref, avs_ref, avd_ref,
              midh_ref, h2_ref, al_ref, am_ref):
    dsum = den_ref[0] + den_ref[1] + 1e-16
    m = (p_ref[0] + p_ref[1]) / dsum[:, None] + b_ref[0, :]
    m = jnp.maximum(m, 0.01 * m)
    rows = lax.broadcasted_iota(jnp.int32, (NP, D_HID), 0)
    m = jnp.where(rows < N, m, 0.0)
    midh_ref[...] = m
    h2 = jnp.dot(m, w_ref[...], preferred_element_type=jnp.float32)
    h2_ref[...] = h2
    al, am = _alpha_outs(h2, avs_ref[0, :], avd_ref[0, :])
    al_ref[...] = al
    am_ref[...] = am


def _tc_layer2(p, den, b1, W2, a_src2, a_dst2):
    return pl.pallas_call(
        _mm2_body,
        out_shape=(
            jax.ShapeDtypeStruct((NP, D_HID), jnp.float32),
            jax.ShapeDtypeStruct((NP, D_IN), jnp.float32),
            jax.ShapeDtypeStruct((2, NP), jnp.float32),
            jax.ShapeDtypeStruct((2, 128), jnp.float32),
        ),
    )(p, den, b1.reshape(1, -1), W2, a_src2.reshape(1, -1),
      a_dst2.reshape(1, -1))


def _fin_body(p_ref, den_ref, b_ref, dec_ref):
    dsum = den_ref[0] + den_ref[1] + 1e-16
    d = (p_ref[0] + p_ref[1]) / dsum[:, None] + b_ref[0, :]
    dec_ref[...] = jnp.maximum(d, 0.01 * d)


def _tc_final(p, den, b2):
    return pl.pallas_call(
        _fin_body,
        out_shape=jax.ShapeDtypeStruct((NP, D_IN), jnp.float32),
    )(p, den, b2.reshape(1, -1))


def _make_pass1():
    mesh = plsc.VectorSubcoreMesh(core_axis_name="c", subcore_axis_name="s")

    @functools.partial(
        pl.kernel,
        out_type=(
            jax.ShapeDtypeStruct((2, NP), jnp.float32),
            jax.ShapeDtypeStruct((NW, NBLK1, BLK1), jnp.float32),
        ),
        mesh=mesh,
        compiler_params=_SC_PARAMS,
        scratch_types=[
            pltpu.VMEM((NBLK1, BLK1), jnp.int32),
            pltpu.VMEM((NBLK1, BLK1), jnp.int32),
            pltpu.VMEM((NP,), jnp.float32),
            pltpu.VMEM((NP,), jnp.float32),
            pltpu.VMEM((NBLK1, BLK1), jnp.float32),
            pltpu.VMEM((SLICE,), jnp.float32),
            pltpu.VMEM((2, 128), jnp.float32),
            pltpu.VMEM_SHARED((NP,), jnp.float32),
        ],
    )
    def pass1(src_hbm, dst_hbm, as_hbm, ad_hbm, am_hbm, den_hbm, ex_hbm,
              srcv, dstv, asv, adv, exv, zbuf, amv, shden):
        c = lax.axis_index("c")
        s = lax.axis_index("s")
        wid = s * 2 + c
        pltpu.sync_copy(src_hbm.at[wid], srcv)
        pltpu.sync_copy(dst_hbm.at[wid], dstv)
        pltpu.sync_copy(as_hbm, asv)
        pltpu.sync_copy(ad_hbm, adv)
        pltpu.sync_copy(am_hbm, amv)

        zero16 = jnp.zeros((16,), jnp.float32)

        def zb(i, _):
            zbuf[pl.ds(i * 16, 16)] = zero16
            return 0

        lax.fori_loop(0, SLICE // 16, zb, 0)
        pltpu.sync_copy(zbuf, shden.at[pl.ds(s * SLICE, SLICE)])

        z = amv[0, pl.ds(0, 16)] + amv[1, pl.ds(0, 16)]
        M = jnp.maximum(z, 0.2 * z)

        plsc.subcore_barrier()

        def blk(j, _):
            for l in range(BLK1 // 16):
                sl = pl.ds(l * 16, 16)
                sidx = srcv[j, sl]
                didx = dstv[j, sl]
                a = plsc.load_gather(asv, [sidx])
                b = plsc.load_gather(adv, [didx])
                e = a + b
                e = jnp.maximum(e, 0.2 * e)
                exv[j, sl] = jnp.exp(e - M)
            pltpu.sync_copy(exv.at[j], shden.at[dstv.at[j]], add=True)
            return 0

        lax.fori_loop(0, NBLK1, blk, 0)

        pltpu.sync_copy(exv, ex_hbm.at[wid])
        plsc.subcore_barrier()
        pltpu.sync_copy(shden.at[pl.ds(s * SLICE, SLICE)],
                        den_hbm.at[c, pl.ds(s * SLICE, SLICE)])

    return pass1


def _make_fused(D, B, NB):
    mesh = plsc.VectorSubcoreMesh(core_axis_name="c", subcore_axis_name="s")

    @functools.partial(
        pl.kernel,
        out_type=(
            jax.ShapeDtypeStruct((2, NP), jnp.float32),
            jax.ShapeDtypeStruct((2, NP, D), jnp.float32),
        ),
        mesh=mesh,
        compiler_params=_SC_PARAMS,
        scratch_types=[
            pltpu.VMEM((NB, B), jnp.int32),
            pltpu.VMEM((NB, B), jnp.int32),
            pltpu.VMEM((NP,), jnp.float32),
            pltpu.VMEM((NP,), jnp.float32),
            pltpu.VMEM((B,), jnp.float32),
            pltpu.VMEM((SLICE,), jnp.float32),
            pltpu.VMEM((2, 128), jnp.float32),
            pltpu.VMEM((B, D), jnp.float32),
            pltpu.VMEM((B, D), jnp.float32),
            pltpu.VMEM_SHARED((NP,), jnp.float32),
            pltpu.VMEM_SHARED((NP, D), jnp.float32),
            pltpu.SemaphoreType.DMA,
            pltpu.SemaphoreType.DMA,
        ],
    )
    def fused(src_hbm, dst_hbm, as_hbm, ad_hbm, am_hbm, h_hbm,
              den_hbm, out_hbm,
              srcv, dstv, asv, adv, exq, zbuf, amv, rows0, rows1,
              shden, shout, semg, sems):
        c = lax.axis_index("c")
        s = lax.axis_index("s")
        wid = s * 2 + c
        sl_nodes = pl.ds(s * SLICE, SLICE)
        pltpu.sync_copy(src_hbm.at[wid], srcv)
        pltpu.sync_copy(dst_hbm.at[wid], dstv)
        pltpu.sync_copy(as_hbm, asv)
        pltpu.sync_copy(ad_hbm, adv)
        pltpu.sync_copy(am_hbm, amv)

        zero16 = jnp.zeros((16,), jnp.float32)

        def zb(i, _):
            zbuf[pl.ds(i * 16, 16)] = zero16
            return 0

        lax.fori_loop(0, SLICE // 16, zb, 0)
        pltpu.sync_copy(zbuf, shden.at[sl_nodes])

        def zr(r, _):
            for k in range(D // 16):
                rows0[r, pl.ds(k * 16, 16)] = zero16
            return 0

        lax.fori_loop(0, B, zr, 0)
        for q in range(SLICE // B):
            pltpu.sync_copy(rows0, shout.at[pl.ds(s * SLICE + q * B, B), :])

        z = amv[0, pl.ds(0, 16)] + amv[1, pl.ds(0, 16)]
        M = jnp.maximum(z, 0.2 * z)

        plsc.subcore_barrier()

        bufs = (rows0, rows1)

        def gath_start(p, j):
            pltpu.async_copy(h_hbm.at[srcv.at[j]], bufs[p], semg)

        def gath_wait(p, j):
            pltpu.make_async_copy(h_hbm.at[srcv.at[j]], bufs[p], semg).wait()

        def sct_start(p, j):
            pltpu.async_copy(bufs[p], shout.at[dstv.at[j]], sems, add=True)

        def sct_wait(p):
            pltpu.make_async_copy(h_hbm.at[pl.ds(0, B), :], bufs[p],
                                  sems).wait()

        gath_start(0, 0)

        def body(jj, _):
            for p in range(2):
                j = jj * 2 + p
                buf = bufs[p]
                gath_wait(p, j)

                for l in range(B // 16):
                    sl = pl.ds(l * 16, 16)
                    a = plsc.load_gather(asv, [srcv[j, sl]])
                    b = plsc.load_gather(adv, [dstv[j, sl]])
                    e = a + b
                    e = jnp.maximum(e, 0.2 * e)
                    exq[sl] = jnp.exp(e - M)

                pltpu.sync_copy(exq, shden.at[dstv.at[j]], add=True)

                @pl.when(j >= 1)
                def _():
                    sct_wait(1 - p)

                @pl.when(j + 1 < NB)
                def _():
                    gath_start(1 - p, j + 1)

                def scl(r, _):
                    bidx = jnp.broadcast_to(r, (16,)).astype(jnp.int32)
                    sc = plsc.load_gather(exq, [bidx])
                    for k in range(D // 16):
                        sl = pl.ds(k * 16, 16)
                        buf[r, sl] = buf[r, sl] * sc
                    return 0

                lax.fori_loop(0, B, scl, 0)
                sct_start(p, j)
            return 0

        lax.fori_loop(0, NB // 2, body, 0)

        sct_wait(1)
        plsc.subcore_barrier()
        pltpu.sync_copy(shden.at[sl_nodes], den_hbm.at[c, sl_nodes])
        pltpu.sync_copy(shout.at[sl_nodes, :], out_hbm.at[c, sl_nodes, :])

    return fused


def _make_pass2(D, B, NB):
    mesh = plsc.VectorSubcoreMesh(core_axis_name="c", subcore_axis_name="s")

    @functools.partial(
        pl.kernel,
        out_type=jax.ShapeDtypeStruct((2, NP, D), jnp.float32),
        mesh=mesh,
        compiler_params=_SC_PARAMS,
        scratch_types=[
            pltpu.VMEM((2, B), jnp.int32),
            pltpu.VMEM((2, B), jnp.int32),
            pltpu.VMEM((2, B), jnp.int32),
            pltpu.VMEM((2, B), jnp.float32),
            pltpu.VMEM((B, D), jnp.float32),
            pltpu.VMEM((B, D), jnp.float32),
            pltpu.VMEM_SHARED((NP, D), jnp.float32),
            pltpu.SemaphoreType.DMA,
            pltpu.SemaphoreType.DMA,
            pltpu.SemaphoreType.DMA,
        ],
    )
    def pass2(src_hbm, dst_hbm, ex_hbm, h_hbm, out_hbm,
              srcb, dstb, sdstb, exb, rows0, rows1, shout, semi, semg, sems):
        c = lax.axis_index("c")
        s = lax.axis_index("s")
        wid = s * 2 + c
        sl_nodes = pl.ds(s * SLICE, SLICE)

        zero16 = jnp.zeros((16,), jnp.float32)

        def zr(r, _):
            for k in range(D // 16):
                rows0[r, pl.ds(k * 16, 16)] = zero16
            return 0

        lax.fori_loop(0, B, zr, 0)
        for q in range(SLICE // B):
            pltpu.sync_copy(rows0, shout.at[pl.ds(s * SLICE + q * B, B), :])
        plsc.subcore_barrier()

        bufs = (rows0, rows1)

        def idx_start(j, p):
            pltpu.async_copy(src_hbm.at[wid, j], srcb.at[p], semi)
            pltpu.async_copy(dst_hbm.at[wid, j], dstb.at[p], semi)
            pltpu.async_copy(ex_hbm.at[wid, j], exb.at[p], semi)

        def idx_wait(p):
            pltpu.make_async_copy(src_hbm.at[wid, 0], srcb.at[p], semi).wait()
            pltpu.make_async_copy(dst_hbm.at[wid, 0], dstb.at[p], semi).wait()
            pltpu.make_async_copy(ex_hbm.at[wid, 0], exb.at[p], semi).wait()

        def gath_start(p):
            pltpu.async_copy(h_hbm.at[srcb.at[p]], bufs[p], semg)

        def gath_wait(p):
            pltpu.make_async_copy(h_hbm.at[srcb.at[p]], bufs[p], semg).wait()

        def sct_start(p):
            pltpu.async_copy(bufs[p], shout.at[sdstb.at[p]], sems, add=True)

        def sct_wait(p):
            pltpu.make_async_copy(h_hbm.at[pl.ds(0, B), :], bufs[p],
                                  sems).wait()

        idx_start(0, 0)
        idx_wait(0)
        gath_start(0)
        idx_start(1, 1)

        def body(jj, _):
            for p in range(2):
                j = jj * 2 + p
                buf = bufs[p]
                gath_wait(p)

                for l in range(B // 16):
                    sl = pl.ds(l * 16, 16)
                    sdstb[p, sl] = dstb[p, sl]

                @pl.when(j >= 1)
                def _():
                    sct_wait(1 - p)

                @pl.when(j + 1 < NB)
                def _():
                    idx_wait(1 - p)
                    gath_start(1 - p)

                pidx = jnp.full((16,), p, jnp.int32)

                def scl(r, _):
                    bidx = jnp.broadcast_to(r, (16,)).astype(jnp.int32)
                    sc = plsc.load_gather(exb, [pidx, bidx])
                    for k in range(D // 16):
                        sl = pl.ds(k * 16, 16)
                        buf[r, sl] = buf[r, sl] * sc
                    return 0

                lax.fori_loop(0, B, scl, 0)

                @pl.when(j + 2 < NB)
                def _():
                    idx_start(j + 2, p)

                sct_start(p)
            return 0

        lax.fori_loop(0, NB // 2, body, 0)

        sct_wait(1)
        plsc.subcore_barrier()
        pltpu.sync_copy(shout.at[sl_nodes, :],
                        out_hbm.at[c, sl_nodes, :])

    return pass2


_pass1 = _make_pass1()
_fused_l1 = _make_fused(D_HID, BLK1, NBLK1)
_pass2_l2 = _make_pass2(D_IN, BLK1, NBLK1)


def kernel(x, edge_index, trainflag, W1, a_src1, a_dst1, b1, W2, a_src2, a_dst2, b2):
    ei = edge_index.astype(jnp.int32)
    loop = jnp.arange(N, dtype=jnp.int32)
    n_edges = ei.shape[1]
    n_pad = E_PAD - (n_edges + N)
    src = jnp.concatenate([ei[0], loop, jnp.zeros((n_pad,), jnp.int32)])
    dst = jnp.concatenate([ei[1], loop, jnp.full((n_pad,), N, jnp.int32)])
    src1 = src.reshape(NW, NBLK1, BLK1)
    dst1 = dst.reshape(NW, NBLK1, BLK1)
    xp = jnp.pad(x, ((0, NP - N), (0, 0)))

    h1, al1, am1 = _tc_layer1(xp, W1, a_src1, a_dst1)
    den1, p1 = _fused_l1(src1, dst1, al1[0], al1[1], am1, h1)

    midh, h2, al2, am2 = _tc_layer2(p1, den1, b1, W2, a_src2, a_dst2)
    den2, ex2 = _pass1(src1, dst1, al2[0], al2[1], am2)
    p2 = _pass2_l2(src1, dst1, ex2, h2)

    dec = _tc_final(p2, den2, b2)
    return (midh[:N], dec[:N])

# --- scband reference (transcript-rebuilt; emitter-appended) ---
"""Pipeline reference for scband-gatmodel2-l-76785425318471 (READ-ONLY COPY).

The authoritative reference and input builder live on the scoring server;
editing this copy changes nothing except your own understanding.
"""

import jax, jax.numpy as jnp
import numpy as np

N_NODES = 10000
N_EDGES = 320000
D_IN = 128
D_OUT = 64


def segment_softmax(scores, seg, num_segments):
    m = jax.ops.segment_max(scores, seg, num_segments=num_segments)
    ex = jnp.exp(scores - m[seg])
    denom = jax.ops.segment_sum(ex, seg, num_segments=num_segments)
    return ex / (denom[seg] + 1e-16)


def gat_conv(x, edge_index, W, a_src, a_dst, b, num_nodes):
    # PyG GATConv, heads=1, add_self_loops=True, negative_slope=0.2
    h = x @ W
    loop = jnp.arange(num_nodes, dtype=edge_index.dtype)
    src = jnp.concatenate([edge_index[0], loop])
    dst = jnp.concatenate([edge_index[1], loop])
    alpha_src = (h * a_src).sum(-1)
    alpha_dst = (h * a_dst).sum(-1)
    e = alpha_src[src] + alpha_dst[dst]
    e = jax.nn.leaky_relu(e, 0.2)
    att = segment_softmax(e, dst, num_nodes)
    out = jax.ops.segment_sum(h[src] * att[:, None], dst, num_segments=num_nodes)
    return out + b


def setup_inputs(seed: int = 0) -> dict:
    key = jax.random.key(seed)
    ks = jax.random.split(key, 10)
    x = jax.random.normal(ks[0], (N_NODES, D_IN), dtype=jnp.float32)
    edge_index = jax.random.randint(ks[1], (2, N_EDGES), 0, N_NODES, dtype=jnp.int64)
    W1 = jax.random.normal(ks[2], (D_IN, D_OUT), dtype=jnp.float32) * 0.1
    a_src1 = jax.random.normal(ks[3], (D_OUT,), dtype=jnp.float32) * 0.1
    a_dst1 = jax.random.normal(ks[4], (D_OUT,), dtype=jnp.float32) * 0.1
    b1 = jnp.zeros((D_OUT,), dtype=jnp.float32)
    W2 = jax.random.normal(ks[5], (D_OUT, D_IN), dtype=jnp.float32) * 0.1
    a_src2 = jax.random.normal(ks[6], (D_IN,), dtype=jnp.float32) * 0.1
    a_dst2 = jax.random.normal(ks[7], (D_IN,), dtype=jnp.float32) * 0.1
    b2 = jnp.zeros((D_IN,), dtype=jnp.float32)
    return {"x": x, "edge_index": edge_index, "trainflag": False,
            "W1": W1, "a_src1": a_src1, "a_dst1": a_dst1, "b1": b1,
            "W2": W2, "a_src2": a_src2, "a_dst2": a_dst2, "b2": b2}


def reference(x, edge_index, trainflag, W1, a_src1, a_dst1, b1, W2, a_src2, a_dst2, b2):
    num_nodes = x.shape[0]
    # F.dropout(x, 0.1, training=trainflag): trainflag=False -> identity
    h = gat_conv(x, edge_index, W1, a_src1, a_dst1, b1, num_nodes)
    h = jax.nn.leaky_relu(h, 0.01)
    midh = h
    # second dropout also identity for trainflag=False
    dec = gat_conv(h, edge_index, W2, a_src2, a_dst2, b2, num_nodes)
    dec = jax.nn.leaky_relu(dec, 0.01)
    return (midh, dec)

if __name__ == "__main__":
    import jax
    _d = setup_inputs()
    print(jax.jit(kernel)(*tuple(_d.values())))

</pallas_src>

<mosaic_0001>
#map = affine_map<(d0, d1) -> (0, 0, 0)>
#map1 = affine_map<(d0, d1) -> (0, 0)>
module attributes {stable_mosaic.version = 14 : i64} {
  func.func @pass2(%arg0: i32, %arg1: i32, %arg2: memref<32x82x128xi32, #tpu.memory_space<hbm>>, %arg3: memref<32x82x128xi32, #tpu.memory_space<hbm>>, %arg4: memref<32x82x128xf32, #tpu.memory_space<hbm>>, %arg5: memref<10240x128xf32, #tpu.memory_space<hbm>>, %arg6: memref<2x10240x128xf32, #tpu.memory_space<hbm>>, %arg7: memref<2x128xi32, #tpu.memory_space<vmem>>, %arg8: memref<2x128xi32, #tpu.memory_space<vmem>>, %arg9: memref<2x128xi32, #tpu.memory_space<vmem>>, %arg10: memref<2x128xf32, #tpu.memory_space<vmem>>, %arg11: memref<128x128xf32, #tpu.memory_space<vmem>>, %arg12: memref<128x128xf32, #tpu.memory_space<vmem>>, %arg13: memref<10240x128xf32, #tpu.memory_space<vmem_shared>>, %arg14: memref<!tpu.dma_semaphore, #tpu.memory_space<semaphore_mem>>, %arg15: memref<!tpu.dma_semaphore, #tpu.memory_space<semaphore_mem>>, %arg16: memref<!tpu.dma_semaphore, #tpu.memory_space<semaphore_mem>>) attributes {dimension_semantics = [#tpu.dimension_semantics<core_parallel>, #tpu.dimension_semantics<subcore_parallel>], iteration_bounds = array<i64: 2, 16>, scalar_prefetch = 0 : i64, scratch_operands = 10 : i64, tpu.core_type = #tpu.core_type<sc_vector_subcore>, window_params = [{transform_indices = #map}, {transform_indices = #map}, {transform_indices = #map}, {transform_indices = #map1}, {transform_indices = #map}]} {
    %mul3A = arith.constant 2 : i32
    %mul3A_0 = arith.muli %arg1, %mul3A : i32
    %add3A = arith.addi %mul3A_0, %arg0 : i32
    %mul3A_1 = arith.constant 640 : i32
    %mul3A_2 = arith.muli %arg1, %mul3A_1 : i32
    %broadcast_in_dim3A = arith.constant 0.000000e+00 : f32
    %broadcast_in_dim3A_3 = vector.broadcast %broadcast_in_dim3A : f32 to vector<16xf32>
    %scan3A = arith.constant 0 : i32
    %scan3A_4 = arith.constant 0 : i32
    %scan3A_5 = arith.constant 128 : i32
    %scan3A_6 = arith.addi %scan3A_4, %scan3A_5 : i32
    %scan3A_7 = arith.constant 1 : i32
    %scan3A_8 = scf.for %scan3A_175 = %scan3A_4 to %scan3A_6 step %scan3A_7 iter_args(%scan3A_176 = %scan3A) -> (i32)  : i32 {
      %swap3A = arith.index_cast %scan3A_175 : i32 to index
      %swap3A_177 = arith.constant 0 : index
      %swap3A_178 = tpu.vector_load %arg11[%swap3A, %swap3A_177] {strides = array<i32>} : memref<128x128xf32, #tpu.memory_space<vmem>>, vector<16xf32>,
      tpu.vector_store %arg11[%swap3A, %swap3A_177], %broadcast_in_dim3A_3 {strides = array<i32>} : memref<128x128xf32, #tpu.memory_space<vmem>>, vector<16xf32>,
      %swap3A_179 = arith.index_cast %scan3A_175 : i32 to index
      %swap3A_180 = arith.constant 16 : index
      %swap3A_181 = tpu.vector_load %arg11[%swap3A_179, %swap3A_180] {strides = array<i32>} : memref<128x128xf32, #tpu.memory_space<vmem>>, vector<16xf32>,
      tpu.vector_store %arg11[%swap3A_179, %swap3A_180], %broadcast_in_dim3A_3 {strides = array<i32>} : memref<128x128xf32, #tpu.memory_space<vmem>>, vector<16xf32>,
      %swap3A_182 = arith.index_cast %scan3A_175 : i32 to index
      %swap3A_183 = arith.constant 32 : index
      %swap3A_184 = tpu.vector_load %arg11[%swap3A_182, %swap3A_183] {strides = array<i32>} : memref<128x128xf32, #tpu.memory_space<vmem>>, vector<16xf32>,
      tpu.vector_store %arg11[%swap3A_182, %swap3A_183], %broadcast_in_dim3A_3 {strides = array<i32>} : memref<128x128xf32, #tpu.memory_space<vmem>>, vector<16xf32>,
      %swap3A_185 = arith.index_cast %scan3A_175 : i32 to index
      %swap3A_186 = arith.constant 48 : index
      %swap3A_187 = tpu.vector_load %arg11[%swap3A_185, %swap3A_186] {strides = array<i32>} : memref<128x128xf32, #tpu.memory_space<vmem>>, vector<16xf32>,
      tpu.vector_store %arg11[%swap3A_185, %swap3A_186], %broadcast_in_dim3A_3 {strides = array<i32>} : memref<128x128xf32, #tpu.memory_space<vmem>>, vector<16xf32>,
      %swap3A_188 = arith.index_cast %scan3A_175 : i32 to index
      %swap3A_189 = arith.constant 64 : index
      %swap3A_190 = tpu.vector_load %arg11[%swap3A_188, %swap3A_189] {strides = array<i32>} : memref<128x128xf32, #tpu.memory_space<vmem>>, vector<16xf32>,
      tpu.vector_store %arg11[%swap3A_188, %swap3A_189], %broadcast_in_dim3A_3 {strides = array<i32>} : memref<128x128xf32, #tpu.memory_space<vmem>>, vector<16xf32>,
      %swap3A_191 = arith.index_cast %scan3A_175 : i32 to index
      %swap3A_192 = arith.constant 80 : index
      %swap3A_193 = tpu.vector_load %arg11[%swap3A_191, %swap3A_192] {strides = array<i32>} : memref<128x128xf32, #tpu.memory_space<vmem>>, vector<16xf32>,
      tpu.vector_store %arg11[%swap3A_191, %swap3A_192], %broadcast_in_dim3A_3 {strides = array<i32>} : memref<128x128xf32, #tpu.memory_space<vmem>>, vector<16xf32>,
      %swap3A_194 = arith.index_cast %scan3A_175 : i32 to index
      %swap3A_195 = arith.constant 96 : index
      %swap3A_196 = tpu.vector_load %arg11[%swap3A_194, %swap3A_195] {strides = array<i32>} : memref<128x128xf32, #tpu.memory_space<vmem>>, vector<16xf32>,
      tpu.vector_store %arg11[%swap3A_194, %swap3A_195], %broadcast_in_dim3A_3 {strides = array<i32>} : memref<128x128xf32, #tpu.memory_space<vmem>>, vector<16xf32>,
      %swap3A_197 = arith.index_cast %scan3A_175 : i32 to index
      %swap3A_198 = arith.constant 112 : index
      %swap3A_199 = tpu.vector_load %arg11[%swap3A_197, %swap3A_198] {strides = array<i32>} : memref<128x128xf32, #tpu.memory_space<vmem>>, vector<16xf32>,
      tpu.vector_store %arg11[%swap3A_197, %swap3A_198], %broadcast_in_dim3A_3 {strides = array<i32>} : memref<128x128xf32, #tpu.memory_space<vmem>>, vector<16xf32>,
      %scan3A_200 = arith.constant 0 : i32
      scf.yield %scan3A_200 : i32
    }
    %scan3A_9 = arith.constant 128 : i32
    %mul3A_10 = arith.constant 640 : i32
    %mul3A_11 = arith.muli %arg1, %mul3A_10 : i32
    %add3A_12 = arith.constant 0 : i32
    %add3A_13 = arith.addi %mul3A_11, %add3A_12 : i32
    "tpu.region"() ({
      %run_scoped3A = tpu.sem_alloc : memref<!tpu.dma_semaphore, #tpu.memory_space<semaphore_mem>>
      %dma_start3A_175 = arith.constant 0 : i32
      %dma_start3A_176 = tpu.memref_slice %arg13[%add3A_13, %dma_start3A_175] : memref<10240x128xf32, #tpu.memory_space<vmem_shared>> -> memref<128x128xf32, #tpu.memory_space<vmem_shared>>
      %dma_start3A_177 = arith.constant 0 : i32
      %dma_start3A_178 = tpu.memref_slice %arg13[%add3A_13, %dma_start3A_177] : memref<10240x128xf32, #tpu.memory_space<vmem_shared>> -> memref<128x128xf32, #tpu.memory_space<vmem_shared>>
      tpu.enqueue_dma source(%arg11 : memref<128x128xf32, #tpu.memory_space<vmem>>) target(%dma_start3A_178 : memref<128x128xf32, #tpu.memory_space<vmem_shared>>) target_semaphore(%run_scoped3A : memref<!tpu.dma_semaphore, #tpu.memory_space<semaphore_mem>>)
      %dma_wait3A_179 = arith.constant 0 : i32
      %dma_wait3A_180 = tpu.memref_slice %arg13[%add3A_13, %dma_wait3A_179] : memref<10240x128xf32, #tpu.memory_space<vmem_shared>> -> memref<128x128xf32, #tpu.memory_space<vmem_shared>>
      %dma_wait3A_181 = arith.constant 0 : i32
      %dma_wait3A_182 = tpu.memref_slice %arg13[%add3A_13, %dma_wait3A_181] : memref<10240x128xf32, #tpu.memory_space<vmem_shared>> -> memref<128x128xf32, #tpu.memory_space<vmem_shared>>
      tpu.wait_dma2 semaphore(%run_scoped3A : memref<!tpu.dma_semaphore, #tpu.memory_space<semaphore_mem>>) src(%arg11 : memref<128x128xf32, #tpu.memory_space<vmem>>) dst(%dma_wait3A_182 : memref<128x128xf32, #tpu.memory_space<vmem_shared>>)
      tpu.yield
    }) : () -> ()
    %mul3A_14 = arith.constant 640 : i32
    %mul3A_15 = arith.muli %arg1, %mul3A_14 : i32
    %add3A_16 = arith.constant 128 : i32
    %add3A_17 = arith.addi %mul3A_15, %add3A_16 : i32
    "tpu.region"() ({
      %run_scoped3A = tpu.sem_alloc : memref<!tpu.dma_semaphore, #tpu.memory_space<semaphore_mem>>
      %dma_start3A_175 = arith.constant 0 : i32
      %dma_start3A_176 = tpu.memref_slice %arg13[%add3A_17, %dma_start3A_175] : memref<10240x128xf32, #tpu.memory_space<vmem_shared>> -> memref<128x128xf32, #tpu.memory_space<vmem_shared>>
      %dma_start3A_177 = arith.constant 0 : i32
      %dma_start3A_178 = tpu.memref_slice %arg13[%add3A_17, %dma_start3A_177] : memref<10240x128xf32, #tpu.memory_space<vmem_shared>> -> memref<128x128xf32, #tpu.memory_space<vmem_shared>>
      tpu.enqueue_dma source(%arg11 : memref<128x128xf32, #tpu.memory_space<vmem>>) target(%dma_start3A_178 : memref<128x128xf32, #tpu.memory_space<vmem_shared>>) target_semaphore(%run_scoped3A : memref<!tpu.dma_semaphore, #tpu.memory_space<semaphore_mem>>)
      %dma_wait3A_179 = arith.constant 0 : i32
      %dma_wait3A_180 = tpu.memref_slice %arg13[%add3A_17, %dma_wait3A_179] : memref<10240x128xf32, #tpu.memory_space<vmem_shared>> -> memref<128x128xf32, #tpu.memory_space<vmem_shared>>
      %dma_wait3A_181 = arith.constant 0 : i32
      %dma_wait3A_182 = tpu.memref_slice %arg13[%add3A_17, %dma_wait3A_181] : memref<10240x128xf32, #tpu.memory_space<vmem_shared>> -> memref<128x128xf32, #tpu.memory_space<vmem_shared>>
      tpu.wait_dma2 semaphore(%run_scoped3A : memref<!tpu.dma_semaphore, #tpu.memory_space<semaphore_mem>>) src(%arg11 : memref<128x128xf32, #tpu.memory_space<vmem>>) dst(%dma_wait3A_182 : memref<128x128xf32, #tpu.memory_space<vmem_shared>>)
      tpu.yield
    }) : () -> ()
    %mul3A_18 = arith.constant 640 : i32
    %mul3A_19 = arith.muli %arg1, %mul3A_18 : i32
    %add3A_20 = arith.constant 256 : i32
    %add3A_21 = arith.addi %mul3A_19, %add3A_20 : i32
    "tpu.region"() ({
      %run_scoped3A = tpu.sem_alloc : memref<!tpu.dma_semaphore, #tpu.memory_space<semaphore_mem>>
      %dma_start3A_175 = arith.constant 0 : i32
      %dma_start3A_176 = tpu.memref_slice %arg13[%add3A_21, %dma_start3A_175] : memref<10240x128xf32, #tpu.memory_space<vmem_shared>> -> memref<128x128xf32, #tpu.memory_space<vmem_shared>>
      %dma_start3A_177 = arith.constant 0 : i32
      %dma_start3A_178 = tpu.memref_slice %arg13[%add3A_21, %dma_start3A_177] : memref<10240x128xf32, #tpu.memory_space<vmem_shared>> -> memref<128x128xf32, #tpu.memory_space<vmem_shared>>
      tpu.enqueue_dma source(%arg11 : memref<128x128xf32, #tpu.memory_space<vmem>>) target(%dma_start3A_178 : memref<128x128xf32, #tpu.memory_space<vmem_shared>>) target_semaphore(%run_scoped3A : memref<!tpu.dma_semaphore, #tpu.memory_space<semaphore_mem>>)
      %dma_wait3A_179 = arith.constant 0 : i32
      %dma_wait3A_180 = tpu.memref_slice %arg13[%add3A_21, %dma_wait3A_179] : memref<10240x128xf32, #tpu.memory_space<vmem_shared>> -> memref<128x128xf32, #tpu.memory_space<vmem_shared>>
      %dma_wait3A_181 = arith.constant 0 : i32
      %dma_wait3A_182 = tpu.memref_slice %arg13[%add3A_21, %dma_wait3A_181] : memref<10240x128xf32, #tpu.memory_space<vmem_shared>> -> memref<128x128xf32, #tpu.memory_space<vmem_shared>>
      tpu.wait_dma2 semaphore(%run_scoped3A : memref<!tpu.dma_semaphore, #tpu.memory_space<semaphore_mem>>) src(%arg11 : memref<128x128xf32, #tpu.memory_space<vmem>>) dst(%dma_wait3A_182 : memref<128x128xf32, #tpu.memory_space<vmem_shared>>)
      tpu.yield
    }) : () -> ()
    %mul3A_22 = arith.constant 640 : i32
    %mul3A_23 = arith.muli %arg1, %mul3A_22 : i32
    %add3A_24 = arith.constant 384 : i32
    %add3A_25 = arith.addi %mul3A_23, %add3A_24 : i32
    "tpu.region"() ({
      %run_scoped3A = tpu.sem_alloc : memref<!tpu.dma_semaphore, #tpu.memory_space<semaphore_mem>>
      %dma_start3A_175 = arith.constant 0 : i32
      %dma_start3A_176 = tpu.memref_slice %arg13[%add3A_25, %dma_start3A_175] : memref<10240x128xf32, #tpu.memory_space<vmem_shared>> -> memref<128x128xf32, #tpu.memory_space<vmem_shared>>
      %dma_start3A_177 = arith.constant 0 : i32
      %dma_start3A_178 = tpu.memref_slice %arg13[%add3A_25, %dma_start3A_177] : memref<10240x128xf32, #tpu.memory_space<vmem_shared>> -> memref<128x128xf32, #tpu.memory_space<vmem_shared>>
      tpu.enqueue_dma source(%arg11 : memref<128x128xf32, #tpu.memory_space<vmem>>) target(%dma_start3A_178 : memref<128x128xf32, #tpu.memory_space<vmem_shared>>) target_semaphore(%run_scoped3A : memref<!tpu.dma_semaphore, #tpu.memory_space<semaphore_mem>>)
      %dma_wait3A_179 = arith.constant 0 : i32
      %dma_wait3A_180 = tpu.memref_slice %arg13[%add3A_25, %dma_wait3A_179] : memref<10240x128xf32, #tpu.memory_space<vmem_shared>> -> memref<128x128xf32, #tpu.memory_space<vmem_shared>>
      %dma_wait3A_181 = arith.constant 0 : i32
      %dma_wait3A_182 = tpu.memref_slice %arg13[%add3A_25, %dma_wait3A_181] : memref<10240x128xf32, #tpu.memory_space<vmem_shared>> -> memref<128x128xf32, #tpu.memory_space<vmem_shared>>
      tpu.wait_dma2 semaphore(%run_scoped3A : memref<!tpu.dma_semaphore, #tpu.memory_space<semaphore_mem>>) src(%arg11 : memref<128x128xf32, #tpu.memory_space<vmem>>) dst(%dma_wait3A_182 : memref<128x128xf32, #tpu.memory_space<vmem_shared>>)
      tpu.yield
    }) : () -> ()
    %mul3A_26 = arith.constant 640 : i32
    %mul3A_27 = arith.muli %arg1, %mul3A_26 : i32
    %add3A_28 = arith.constant 512 : i32
    %add3A_29 = arith.addi %mul3A_27, %add3A_28 : i32
    "tpu.region"() ({
      %run_scoped3A = tpu.sem_alloc : memref<!tpu.dma_semaphore, #tpu.memory_space<semaphore_mem>>
      %dma_start3A_175 = arith.constant 0 : i32
      %dma_start3A_176 = tpu.memref_slice %arg13[%add3A_29, %dma_start3A_175] : memref<10240x128xf32, #tpu.memory_space<vmem_shared>> -> memref<128x128xf32, #tpu.memory_space<vmem_shared>>
      %dma_start3A_177 = arith.constant 0 : i32
      %dma_start3A_178 = tpu.memref_slice %arg13[%add3A_29, %dma_start3A_177] : memref<10240x128xf32, #tpu.memory_space<vmem_shared>> -> memref<128x128xf32, #tpu.memory_space<vmem_shared>>
      tpu.enqueue_dma source(%arg11 : memref<128x128xf32, #tpu.memory_space<vmem>>) target(%dma_start3A_178 : memref<128x128xf32, #tpu.memory_space<vmem_shared>>) target_semaphore(%run_scoped3A : memref<!tpu.dma_semaphore, #tpu.memory_space<semaphore_mem>>)
      %dma_wait3A_179 = arith.constant 0 : i32
      %dma_wait3A_180 = tpu.memref_slice %arg13[%add3A_29, %dma_wait3A_179] : memref<10240x128xf32, #tpu.memory_space<vmem_shared>> -> memref<128x128xf32, #tpu.memory_space<vmem_shared>>
      %dma_wait3A_181 = arith.constant 0 : i32
      %dma_wait3A_182 = tpu.memref_slice %arg13[%add3A_29, %dma_wait3A_181] : memref<10240x128xf32, #tpu.memory_space<vmem_shared>> -> memref<128x128xf32, #tpu.memory_space<vmem_shared>>
      tpu.wait_dma2 semaphore(%run_scoped3A : memref<!tpu.dma_semaphore, #tpu.memory_space<semaphore_mem>>) src(%arg11 : memref<128x128xf32, #tpu.memory_space<vmem>>) dst(%dma_wait3A_182 : memref<128x128xf32, #tpu.memory_space<vmem_shared>>)
      tpu.yield
    }) : () -> ()
    %barrier3A = arith.constant 0 : index
    tpu.barrier barrier_id(%barrier3A)
    %dma_start3A = arith.constant 0 : i32
    %dma_start3A_30 = arith.constant 0 : i32
    %dma_start3A_31 = arith.constant 0 : i32
    %dma_start3A_32 = tpu.memref_slice %arg7[%dma_start3A_30, %dma_start3A_31] : memref<2x128xi32, #tpu.memory_space<vmem>> -> memref<1x128xi32, #tpu.memory_space<vmem>>
    %dma_start3A_33 = tpu.memref_squeeze %dma_start3A_32 : memref<1x128xi32, #tpu.memory_space<vmem>> -> memref<128xi32, #tpu.memory_space<vmem>>
    %dma_start3A_34 = arith.constant 0 : i32
    %dma_start3A_35 = tpu.memref_slice %arg2[%add3A, %dma_start3A, %dma_start3A_34] : memref<32x82x128xi32, #tpu.memory_space<hbm>> -> memref<1x1x128xi32, #tpu.memory_space<hbm>>
    %dma_start3A_36 = tpu.memref_squeeze %dma_start3A_35 : memref<1x1x128xi32, #tpu.memory_space<hbm>> -> memref<128xi32, #tpu.memory_space<hbm>>
    %dma_start3A_37 = arith.constant 0 : i32
    %dma_start3A_38 = tpu.memref_slice %arg7[%dma_start3A_30, %dma_start3A_37] : memref<2x128xi32, #tpu.memory_space<vmem>> -> memref<1x128xi32, #tpu.memory_space<vmem>>
    %dma_start3A_39 = tpu.memref_squeeze %dma_start3A_38 : memref<1x128xi32, #tpu.memory_space<vmem>> -> memref<128xi32, #tpu.memory_space<vmem>>
    %dma_start3A_40 = arith.constant 0 : i32
    %dma_start3A_41 = tpu.memref_slice %arg2[%add3A, %dma_start3A, %dma_start3A_40] : memref<32x82x128xi32, #tpu.memory_space<hbm>> -> memref<1x1x128xi32, #tpu.memory_space<hbm>>
    %dma_start3A_42 = tpu.memref_squeeze %dma_start3A_41 : memref<1x1x128xi32, #tpu.memory_space<hbm>> -> memref<128xi32, #tpu.memory_space<hbm>>
    tpu.enqueue_dma source(%dma_start3A_42 : memref<128xi32, #tpu.memory_space<hbm>>) target(%dma_start3A_39 : memref<128xi32, #tpu.memory_space<vmem>>) target_semaphore(%arg14 : memref<!tpu.dma_semaphore, #tpu.memory_space<semaphore_mem>>)
    %dma_start3A_43 = arith.constant 0 : i32
    %dma_start3A_44 = arith.constant 0 : i32
    %dma_start3A_45 = arith.constant 0 : i32
    %dma_start3A_46 = tpu.memref_slice %arg8[%dma_start3A_44, %dma_start3A_45] : memref<2x128xi32, #tpu.memory_space<vmem>> -> memref<1x128xi32, #tpu.memory_space<vmem>>
    %dma_start3A_47 = tpu.memref_squeeze %dma_start3A_46 : memref<1x128xi32, #tpu.memory_space<vmem>> -> memref<128xi32, #tpu.memory_space<vmem>>
    %dma_start3A_48 = arith.constant 0 : i32
    %dma_start3A_49 = tpu.memref_slice %arg3[%add3A, %dma_start3A_43, %dma_start3A_48] : memref<32x82x128xi32, #tpu.memory_space<hbm>> -> memref<1x1x128xi32, #tpu.memory_space<hbm>>
    %dma_start3A_50 = tpu.memref_squeeze %dma_start3A_49 : memref<1x1x128xi32, #tpu.memory_space<hbm>> -> memref<128xi32, #tpu.memory_space<hbm>>
    %dma_start3A_51 = arith.constant 0 : i32
    %dma_start3A_52 = tpu.memref_slice %arg8[%dma_start3A_44, %dma_start3A_51] : memref<2x128xi32, #tpu.memory_space<vmem>> -> memref<1x128xi32, #tpu.memory_space<vmem>>
    %dma_start3A_53 = tpu.memref_squeeze %dma_start3A_52 : memref<1x128xi32, #tpu.memory_space<vmem>> -> memref<128xi32, #tpu.memory_space<vmem>>
    %dma_start3A_54 = arith.constant 0 : i32
    %dma_start3A_55 = tpu.memref_slice %arg3[%add3A, %dma_start3A_43, %dma_start3A_54] : memref<32x82x128xi32, #tpu.memory_space<hbm>> -> memref<1x1x128xi32, #tpu.memory_space<hbm>>
    %dma_start3A_56 = tpu.memref_squeeze %dma_start3A_55 : memref<1x1x128xi32, #tpu.memory_space<hbm>> -> memref<128xi32, #tpu.memory_space<hbm>>
    tpu.enqueue_dma source(%dma_start3A_56 : memref<128xi32, #tpu.memory_space<hbm>>) target(%dma_start3A_53 : memref<128xi32, #tpu.memory_space<vmem>>) target_semaphore(%arg14 : memref<!tpu.dma_semaphore, #tpu.memory_space<semaphore_mem>>)
    %dma_start3A_57 = arith.constant 0 : i32
    %dma_start3A_58 = arith.constant 0 : i32
    %dma_start3A_59 = arith.constant 0 : i32
    %dma_start3A_60 = tpu.memref_slice %arg10[%dma_start3A_58, %dma_start3A_59] : memref<2x128xf32, #tpu.memory_space<vmem>> -> memref<1x128xf32, #tpu.memory_space<vmem>>
    %dma_start3A_61 = tpu.memref_squeeze %dma_start3A_60 : memref<1x128xf32, #tpu.memory_space<vmem>> -> memref<128xf32, #tpu.memory_space<vmem>>
    %dma_start3A_62 = arith.constant 0 : i32
    %dma_start3A_63 = tpu.memref_slice %arg4[%add3A, %dma_start3A_57, %dma_start3A_62] : memref<32x82x128xf32, #tpu.memory_space<hbm>> -> memref<1x1x128xf32, #tpu.memory_space<hbm>>
    %dma_start3A_64 = tpu.memref_squeeze %dma_start3A_63 : memref<1x1x128xf32, #tpu.memory_space<hbm>> -> memref<128xf32, #tpu.memory_space<hbm>>
    %dma_start3A_65 = arith.constant 0 : i32
    %dma_start3A_66 = tpu.memref_slice %arg10[%dma_start3A_58, %dma_start3A_65] : memref<2x128xf32, #tpu.memory_space<vmem>> -> memref<1x128xf32, #tpu.memory_space<vmem>>
    %dma_start3A_67 = tpu.memref_squeeze %dma_start3A_66 : memref<1x128xf32, #tpu.memory_space<vmem>> -> memref<128xf32, #tpu.memory_space<vmem>>
    %dma_start3A_68 = arith.constant 0 : i32
    %dma_start3A_69 = tpu.memref_slice %arg4[%add3A, %dma_start3A_57, %dma_start3A_68] : memref<32x82x128xf32, #tpu.memory_space<hbm>> -> memref<1x1x128xf32, #tpu.memory_space<hbm>>
    %dma_start3A_70 = tpu.memref_squeeze %dma_start3A_69 : memref<1x1x128xf32, #tpu.memory_space<hbm>> -> memref<128xf32, #tpu.memory_space<hbm>>
    tpu.enqueue_dma source(%dma_start3A_70 : memref<128xf32, #tpu.memory_space<hbm>>) target(%dma_start3A_67 : memref<128xf32, #tpu.memory_space<vmem>>) target_semaphore(%arg14 : memref<!tpu.dma_semaphore, #tpu.memory_space<semaphore_mem>>)
    %dma_wait3A = arith.constant 0 : i32
    %dma_wait3A_71 = arith.constant 0 : i32
    %dma_wait3A_72 = arith.constant 0 : i32
    %dma_wait3A_73 = tpu.memref_slice %arg7[%dma_wait3A_71, %dma_wait3A_72] : memref<2x128xi32, #tpu.memory_space<vmem>> -> memref<1x128xi32, #tpu.memory_space<vmem>>
    %dma_wait3A_74 = tpu.memref_squeeze %dma_wait3A_73 : memref<1x128xi32, #tpu.memory_space<vmem>> -> memref<128xi32, #tpu.memory_space<vmem>>
    %dma_wait3A_75 = arith.constant 0 : i32
    %dma_wait3A_76 = tpu.memref_slice %arg2[%add3A, %dma_wait3A, %dma_wait3A_75] : memref<32x82x128xi32, #tpu.memory_space<hbm>> -> memref<1x1x128xi32, #tpu.memory_space<hbm>>
    %dma_wait3A_77 = tpu.memref_squeeze %dma_wait3A_76 : memref<1x1x128xi32, #tpu.memory_space<hbm>> -> memref<128xi32, #tpu.memory_space<hbm>>
    %dma_wait3A_78 = arith.constant 0 : i32
    %dma_wait3A_79 = tpu.memref_slice %arg7[%dma_wait3A_71, %dma_wait3A_78] : memref<2x128xi32, #tpu.memory_space<vmem>> -> memref<1x128xi32, #tpu.memory_space<vmem>>
    %dma_wait3A_80 = tpu.memref_squeeze %dma_wait3A_79 : memref<1x128xi32, #tpu.memory_space<vmem>> -> memref<128xi32, #tpu.memory_space<vmem>>
    %dma_wait3A_81 = arith.constant 0 : i32
    %dma_wait3A_82 = tpu.memref_slice %arg2[%add3A, %dma_wait3A, %dma_wait3A_81] : memref<32x82x128xi32, #tpu.memory_space<hbm>> -> memref<1x1x128xi32, #tpu.memory_space<hbm>>
    %dma_wait3A_83 = tpu.memref_squeeze %dma_wait3A_82 : memref<1x1x128xi32, #tpu.memory_space<hbm>> -> memref<128xi32, #tpu.memory_space<hbm>>
    tpu.wait_dma2 semaphore(%arg14 : memref<!tpu.dma_semaphore, #tpu.memory_space<semaphore_mem>>) src(%dma_wait3A_83 : memref<128xi32, #tpu.memory_space<hbm>>) dst(%dma_wait3A_80 : memref<128xi32, #tpu.memory_space<vmem>>)
    %dma_wait3A_84 = arith.constant 0 : i32
    %dma_wait3A_85 = arith.constant 0 : i32
    %dma_wait3A_86 = arith.constant 0 : i32
    %dma_wait3A_87 = tpu.memref_slice %arg8[%dma_wait3A_85, %dma_wait3A_86] : memref<2x128xi32, #tpu.memory_space<vmem>> -> memref<1x128xi32, #tpu.memory_space<vmem>>
    %dma_wait3A_88 = tpu.memref_squeeze %dma_wait3A_87 : memref<1x128xi32, #tpu.memory_space<vmem>> -> memref<128xi32, #tpu.memory_space<vmem>>
    %dma_wait3A_89 = arith.constant 0 : i32
    %dma_wait3A_90 = tpu.memref_slice %arg3[%add3A, %dma_wait3A_84, %dma_wait3A_89] : memref<32x82x128xi32, #tpu.memory_space<hbm>> -> memref<1x1x128xi32, #tpu.memory_space<hbm>>
    %dma_wait3A_91 = tpu.memref_squeeze %dma_wait3A_90 : memref<1x1x128xi32, #tpu.memory_space<hbm>> -> memref<128xi32, #tpu.memory_space<hbm>>
    %dma_wait3A_92 = arith.constant 0 : i32
    %dma_wait3A_93 = tpu.memref_slice %arg8[%dma_wait3A_85, %dma_wait3A_92] : memref<2x128xi32, #tpu.memory_space<vmem>> -> memref<1x128xi32, #tpu.memory_space<vmem>>
    %dma_wait3A_94 = tpu.memref_squeeze %dma_wait3A_93 : memref<1x128xi32, #tpu.memory_space<vmem>> -> memref<128xi32, #tpu.memory_space<vmem>>
    %dma_wait3A_95 = arith.constant 0 : i32
    %dma_wait3A_96 = tpu.memref_slice %arg3[%add3A, %dma_wait3A_84, %dma_wait3A_95] : memref<32x82x128xi32, #tpu.memory_space<hbm>> -> memref<1x1x128xi32, #tpu.memory_space<hbm>>
    %dma_wait3A_97 = tpu.memref_squeeze %dma_wait3A_96 : memref<1x1x128xi32, #tpu.memory_space<hbm>> -> memref<128xi32, #tpu.memory_space<hbm>>
    tpu.wait_dma2 semaphore(%arg14 : memref<!tpu.dma_semaphore, #tpu.memory_space<semaphore_mem>>) src(%dma_wait3A_97 : memref<128xi32, #tpu.memory_space<hbm>>) dst(%dma_wait3A_94 : memref<128xi32, #tpu.memory_space<vmem>>)
    %dma_wait3A_98 = arith.constant 0 : i32
    %dma_wait3A_99 = arith.constant 0 : i32
    %dma_wait3A_100 = arith.constant 0 : i32
    %dma_wait3A_101 = tpu.memref_slice %arg10[%dma_wait3A_99, %dma_wait3A_100] : memref<2x128xf32, #tpu.memory_space<vmem>> -> memref<1x128xf32, #tpu.memory_space<vmem>>
    %dma_wait3A_102 = tpu.memref_squeeze %dma_wait3A_101 : memref<1x128xf32, #tpu.memory_space<vmem>> -> memref<128xf32, #tpu.memory_space<vmem>>
    %dma_wait3A_103 = arith.constant 0 : i32
    %dma_wait3A_104 = tpu.memref_slice %arg4[%add3A, %dma_wait3A_98, %dma_wait3A_103] : memref<32x82x128xf32, #tpu.memory_space<hbm>> -> memref<1x1x128xf32, #tpu.memory_space<hbm>>
    %dma_wait3A_105 = tpu.memref_squeeze %dma_wait3A_104 : memref<1x1x128xf32, #tpu.memory_space<hbm>> -> memref<128xf32, #tpu.memory_space<hbm>>
    %dma_wait3A_106 = arith.constant 0 : i32
    %dma_wait3A_107 = tpu.memref_slice %arg10[%dma_wait3A_99, %dma_wait3A_106] : memref<2x128xf32, #tpu.memory_space<vmem>> -> memref<1x128xf32, #tpu.memory_space<vmem>>
    %dma_wait3A_108 = tpu.memref_squeeze %dma_wait3A_107 : memref<1x128xf32, #tpu.memory_space<vmem>> -> memref<128xf32, #tpu.memory_space<vmem>>
    %dma_wait3A_109 = arith.constant 0 : i32
    %dma_wait3A_110 = tpu.memref_slice %arg4[%add3A, %dma_wait3A_98, %dma_wait3A_109] : memref<32x82x128xf32, #tpu.memory_space<hbm>> -> memref<1x1x128xf32, #tpu.memory_space<hbm>>
    %dma_wait3A_111 = tpu.memref_squeeze %dma_wait3A_110 : memref<1x1x128xf32, #tpu.memory_space<hbm>> -> memref<128xf32, #tpu.memory_space<hbm>>
    tpu.wait_dma2 semaphore(%arg14 : memref<!tpu.dma_semaphore, #tpu.memory_space<semaphore_mem>>) src(%dma_wait3A_111 : memref<128xf32, #tpu.memory_space<hbm>>) dst(%dma_wait3A_108 : memref<128xf32, #tpu.memory_space<vmem>>)
    %dma_start3A_112 = arith.constant 0 : i32
    %dma_start3A_113 = arith.constant 0 : i32
    %dma_start3A_114 = tpu.memref_slice %arg7[%dma_start3A_112, %dma_start3A_113] : memref<2x128xi32, #tpu.memory_space<vmem>> -> memref<1x128xi32, #tpu.memory_space<vmem>>
    %dma_start3A_115 = tpu.memref_squeeze %dma_start3A_114 : memref<1x128xi32, #tpu.memory_space<vmem>> -> memref<128xi32, #tpu.memory_space<vmem>>
    %dma_start3A_116 = arith.constant 0 : i32
    %dma_start3A_117 = arith.constant 0 : i32
    %dma_start3A_118 = tpu.memref_slice %arg5[%dma_start3A_116, %dma_start3A_117] : memref<10240x128xf32, #tpu.memory_space<hbm>> -> memref<10240x128xf32, #tpu.memory_space<hbm>>
    tpu.enqueue_indirect_dma source(%dma_start3A_118 : memref<10240x128xf32, #tpu.memory_space<hbm>>) target(%arg11 : memref<128x128xf32, #tpu.memory_space<vmem>>) offsets(%dma_start3A_115 : memref<128xi32, #tpu.memory_space<vmem>>) semaphore(%arg15 : memref<!tpu.dma_semaphore, #tpu.memory_space<semaphore_mem>>)
    %dma_start3A_119 = arith.constant 1 : i32
    %dma_start3A_120 = arith.constant 1 : i32
    %dma_start3A_121 = arith.constant 0 : i32
    %dma_start3A_122 = tpu.memref_slice %arg7[%dma_start3A_120, %dma_start3A_121] : memref<2x128xi32, #tpu.memory_space<vmem>> -> memref<1x128xi32, #tpu.memory_space<vmem>>
    %dma_start3A_123 = tpu.memref_squeeze %dma_start3A_122 : memref<1x128xi32, #tpu.memory_space<vmem>> -> memref<128xi32, #tpu.memory_space<vmem>>
    %dma_start3A_124 = arith.constant 0 : i32
    %dma_start3A_125 = tpu.memref_slice %arg2[%add3A, %dma_start3A_119, %dma_start3A_124] : memref<32x82x128xi32, #tpu.memory_space<hbm>> -> memref<1x1x128xi32, #tpu.memory_space<hbm>>
    %dma_start3A_126 = tpu.memref_squeeze %dma_start3A_125 : memref<1x1x128xi32, #tpu.memory_space<hbm>> -> memref<128xi32, #tpu.memory_space<hbm>>
    %dma_start3A_127 = arith.constant 0 : i32
    %dma_start3A_128 = tpu.memref_slice %arg7[%dma_start3A_120, %dma_start3A_127] : memref<2x128xi32, #tpu.memory_space<vmem>> -> memref<1x128xi32, #tpu.memory_space<vmem>>
    %dma_start3A_129 = tpu.memref_squeeze %dma_start3A_128 : memref<1x128xi32, #tpu.memory_space<vmem>> -> memref<128xi32, #tpu.memory_space<vmem>>
    %dma_start3A_130 = arith.constant 0 : i32
    %dma_start3A_131 = tpu.memref_slice %arg2[%add3A, %dma_start3A_119, %dma_start3A_130] : memref<32x82x128xi32, #tpu.memory_space<hbm>> -> memref<1x1x128xi32, #tpu.memory_space<hbm>>
    %dma_start3A_132 = tpu.memref_squeeze %dma_start3A_131 : memref<1x1x128xi32, #tpu.memory_space<hbm>> -> memref<128xi32, #tpu.memory_space<hbm>>
    tpu.enqueue_dma source(%dma_start3A_132 : memref<128xi32, #tpu.memory_space<hbm>>) target(%dma_start3A_129 : memref<128xi32, #tpu.memory_space<vmem>>) target_semaphore(%arg14 : memref<!tpu.dma_semaphore, #tpu.memory_space<semaphore_mem>>)
    %dma_start3A_133 = arith.constant 1 : i32
    %dma_start3A_134 = arith.constant 1 : i32
    %dma_start3A_135 = arith.constant 0 : i32
    %dma_start3A_136 = tpu.memref_slice %arg8[%dma_start3A_134, %dma_start3A_135] : memref<2x128xi32, #tpu.memory_space<vmem>> -> memref<1x128xi32, #tpu.memory_space<vmem>>
    %dma_start3A_137 = tpu.memref_squeeze %dma_start3A_136 : memref<1x128xi32, #tpu.memory_space<vmem>> -> memref<128xi32, #tpu.memory_space<vmem>>
    %dma_start3A_138 = arith.constant 0 : i32
    %dma_start3A_139 = tpu.memref_slice %arg3[%add3A, %dma_start3A_133, %dma_start3A_138] : memref<32x82x128xi32, #tpu.memory_space<hbm>> -> memref<1x1x128xi32, #tpu.memory_space<hbm>>
    %dma_start3A_140 = tpu.memref_squeeze %dma_start3A_139 : memref<1x1x128xi32, #tpu.memory_space<hbm>> -> memref<128xi32, #tpu.memory_space<hbm>>
    %dma_start3A_141 = arith.constant 0 : i32
    %dma_start3A_142 = tpu.memref_slice %arg8[%dma_start3A_134, %dma_start3A_141] : memref<2x128xi32, #tpu.memory_space<vmem>> -> memref<1x128xi32, #tpu.memory_space<vmem>>
    %dma_start3A_143 = tpu.memref_squeeze %dma_start3A_142 : memref<1x128xi32, #tpu.memory_space<vmem>> -> memref<128xi32, #tpu.memory_space<vmem>>
    %dma_start3A_144 = arith.constant 0 : i32
    %dma_start3A_145 = tpu.memref_slice %arg3[%add3A, %dma_start3A_133, %dma_start3A_144] : memref<32x82x128xi32, #tpu.memory_space<hbm>> -> memref<1x1x128xi32, #tpu.memory_space<hbm>>
    %dma_start3A_146 = tpu.memref_squeeze %dma_start3A_145 : memref<1x1x128xi32, #tpu.memory_space<hbm>> -> memref<128xi32, #tpu.memory_space<hbm>>
    tpu.enqueue_dma source(%dma_start3A_146 : memref<128xi32, #tpu.memory_space<hbm>>) target(%dma_start3A_143 : memref<128xi32, #tpu.memory_space<vmem>>) target_semaphore(%arg14 : memref<!tpu.dma_semaphore, #tpu.memory_space<semaphore_mem>>)
    %dma_start3A_147 = arith.constant 1 : i32
    %dma_start3A_148 = arith.constant 1 : i32
    %dma_start3A_149 = arith.constant 0 : i32
    %dma_start3A_150 = tpu.memref_slice %arg10[%dma_start3A_148, %dma_start3A_149] : memref<2x128xf32, #tpu.memory_space<vmem>> -> memref<1x128xf32, #tpu.memory_space<vmem>>
    %dma_start3A_151 = tpu.memref_squeeze %dma_start3A_150 : memref<1x128xf32, #tpu.memory_space<vmem>> -> memref<128xf32, #tpu.memory_space<vmem>>
    %dma_start3A_152 = arith.constant 0 : i32
    %dma_start3A_153 = tpu.memref_slice %arg4[%add3A, %dma_start3A_147, %dma_start3A_152] : memref<32x82x128xf32, #tpu.memory_space<hbm>> -> memref<1x1x128xf32, #tpu.memory_space<hbm>>
    %dma_start3A_154 = tpu.memref_squeeze %dma_start3A_153 : memref<1x1x128xf32, #tpu.memory_space<hbm>> -> memref<128xf32, #tpu.memory_space<hbm>>
    %dma_start3A_155 = arith.constant 0 : i32
    %dma_start3A_156 = tpu.memref_slice %arg10[%dma_start3A_148, %dma_start3A_155] : memref<2x128xf32, #tpu.memory_space<vmem>> -> memref<1x128xf32, #tpu.memory_space<vmem>>
    %dma_start3A_157 = tpu.memref_squeeze %dma_start3A_156 : memref<1x128xf32, #tpu.memory_space<vmem>> -> memref<128xf32, #tpu.memory_space<vmem>>
    %dma_start3A_158 = arith.constant 0 : i32
    %dma_start3A_159 = tpu.memref_slice %arg4[%add3A, %dma_start3A_147, %dma_start3A_158] : memref<32x82x128xf32, #tpu.memory_space<hbm>> -> memref<1x1x128xf32, #tpu.memory_space<hbm>>
    %dma_start3A_160 = tpu.memref_squeeze %dma_start3A_159 : memref<1x1x128xf32, #tpu.memory_space<hbm>> -> memref<128xf32, #tpu.memory_space<hbm>>
    tpu.enqueue_dma source(%dma_start3A_160 : memref<128xf32, #tpu.memory_space<hbm>>) target(%dma_start3A_157 : memref<128xf32, #tpu.memory_space<vmem>>) target_semaphore(%arg14 : memref<!tpu.dma_semaphore, #tpu.memory_space<semaphore_mem>>)
    %scan3A_161 = arith.constant 0 : i32
    %scan3A_162 = arith.constant 0 : i32
    %scan3A_163 = arith.constant 41 : i32
    %scan3A_164 = arith.addi %scan3A_162, %scan3A_163 : i32
    %scan3A_165 = arith.constant 1 : i32
    %scan3A_166 = scf.for %scan3A_175 = %scan3A_162 to %scan3A_164 step %scan3A_165 iter_args(%scan3A_176 = %scan3A_161) -> (i32)  : i32 {
      %mul3A_177 = arith.constant 2 : i32
      %mul3A_178 = arith.muli %scan3A_175, %mul3A_177 : i32
      %add3A_179 = arith.constant 0 : i32
      %add3A_180 = arith.addi %mul3A_178, %add3A_179 : i32
      %dma_wait3A_181 = arith.constant 0 : i32
      %dma_wait3A_182 = arith.constant 0 : i32
      %dma_wait3A_183 = tpu.memref_slice %arg7[%dma_wait3A_181, %dma_wait3A_182] : memref<2x128xi32, #tpu.memory_space<vmem>> -> memref<1x128xi32, #tpu.memory_space<vmem>>
      %dma_wait3A_184 = tpu.memref_squeeze %dma_wait3A_183 : memref<1x128xi32, #tpu.memory_space<vmem>> -> memref<128xi32, #tpu.memory_space<vmem>>
      %dma_wait3A_185 = arith.constant 0 : i32
      %dma_wait3A_186 = arith.constant 0 : i32
      %dma_wait3A_187 = tpu.memref_slice %arg5[%dma_wait3A_185, %dma_wait3A_186] : memref<10240x128xf32, #tpu.memory_space<hbm>> -> memref<10240x128xf32, #tpu.memory_space<hbm>>
      tpu.wait_indirect_dma semaphore(%arg15 : memref<!tpu.dma_semaphore, #tpu.memory_space<semaphore_mem>>) src(%dma_wait3A_187 : memref<10240x128xf32, #tpu.memory_space<hbm>>) dst(%arg11 : memref<128x128xf32, #tpu.memory_space<vmem>>)
      %get3A = arith.constant 0 : i32
      %get3A_188 = arith.index_cast %get3A : i32 to index
      %get3A_189 = arith.constant 0 : index
      %get3A_190 = tpu.vector_load %arg8[%get3A_188, %get3A_189] {strides = array<i32>} : memref<2x128xi32, #tpu.memory_space<vmem>>, vector<16xi32>,
      %swap3A = arith.constant 0 : i32
      %swap3A_191 = arith.index_cast %swap3A : i32 to index
      %swap3A_192 = arith.constant 0 : index
      %swap3A_193 = tpu.vector_load %arg9[%swap3A_191, %swap3A_192] {strides = array<i32>} : memref<2x128xi32, #tpu.memory_space<vmem>>, vector<16xi32>,
      tpu.vector_store %arg9[%swap3A_191, %swap3A_192], %get3A_190 {strides = array<i32>} : memref<2x128xi32, #tpu.memory_space<vmem>>, vector<16xi32>,
      %get3A_194 = arith.constant 0 : i32
      %get3A_195 = arith.index_cast %get3A_194 : i32 to index
      %get3A_196 = arith.constant 16 : index
      %get3A_197 = tpu.vector_load %arg8[%get3A_195, %get3A_196] {strides = array<i32>} : memref<2x128xi32, #tpu.memory_space<vmem>>, vector<16xi32>,
      %swap3A_198 = arith.constant 0 : i32
      %swap3A_199 = arith.index_cast %swap3A_198 : i32 to index
      %swap3A_200 = arith.constant 16 : index
      %swap3A_201 = tpu.vector_load %arg9[%swap3A_199, %swap3A_200] {strides = array<i32>} : memref<2x128xi32, #tpu.memory_space<vmem>>, vector<16xi32>,
      tpu.vector_store %arg9[%swap3A_199, %swap3A_200], %get3A_197 {strides = array<i32>} : memref<2x128xi32, #tpu.memory_space<vmem>>, vector<16xi32>,
      %get3A_202 = arith.constant 0 : i32
      %get3A_203 = arith.index_cast %get3A_202 : i32 to index
      %get3A_204 = arith.constant 32 : index
      %get3A_205 = tpu.vector_load %arg8[%get3A_203, %get3A_204] {strides = array<i32>} : memref<2x128xi32, #tpu.memory_space<vmem>>, vector<16xi32>,
      %swap3A_206 = arith.constant 0 : i32
      %swap3A_207 = arith.index_cast %swap3A_206 : i32 to index
      %swap3A_208 = arith.constant 32 : index
      %swap3A_209 = tpu.vector_load %arg9[%swap3A_207, %swap3A_208] {strides = array<i32>} : memref<2x128xi32, #tpu.memory_space<vmem>>, vector<16xi32>,
      tpu.vector_store %arg9[%swap3A_207, %swap3A_208], %get3A_205 {strides = array<i32>} : memref<2x128xi32, #tpu.memory_space<vmem>>, vector<16xi32>,
      %get3A_210 = arith.constant 0 : i32
      %get3A_211 = arith.index_cast %get3A_210 : i32 to index
      %get3A_212 = arith.constant 48 : index
      %get3A_213 = tpu.vector_load %arg8[%get3A_211, %get3A_212] {strides = array<i32>} : memref<2x128xi32, #tpu.memory_space<vmem>>, vector<16xi32>,
      %swap3A_214 = arith.constant 0 : i32
      %swap3A_215 = arith.index_cast %swap3A_214 : i32 to index
      %swap3A_216 = arith.constant 48 : index
      %swap3A_217 = tpu.vector_load %arg9[%swap3A_215, %swap3A_216] {strides = array<i32>} : memref<2x128xi32, #tpu.memory_space<vmem>>, vector<16xi32>,
      tpu.vector_store %arg9[%swap3A_215, %swap3A_216], %get3A_213 {strides = array<i32>} : memref<2x128xi32, #tpu.memory_space<vmem>>, vector<16xi32>,
      %get3A_218 = arith.constant 0 : i32
      %get3A_219 = arith.index_cast %get3A_218 : i32 to index
      %get3A_220 = arith.constant 64 : index
      %get3A_221 = tpu.vector_load %arg8[%get3A_219, %get3A_220] {strides = array<i32>} : memref<2x128xi32, #tpu.memory_space<vmem>>, vector<16xi32>,
      %swap3A_222 = arith.constant 0 : i32
      %swap3A_223 = arith.index_cast %swap3A_222 : i32 to index
      %swap3A_224 = arith.constant 64 : index
      %swap3A_225 = tpu.vector_load %arg9[%swap3A_223, %swap3A_224] {strides = array<i32>} : memref<2x128xi32, #tpu.memory_space<vmem>>, vector<16xi32>,
      tpu.vector_store %arg9[%swap3A_223, %swap3A_224], %get3A_221 {strides = array<i32>} : memref<2x128xi32, #tpu.memory_space<vmem>>, vector<16xi32>,
      %get3A_226 = arith.constant 0 : i32
      %get3A_227 = arith.index_cast %get3A_226 : i32 to index
      %get3A_228 = arith.constant 80 : index
      %get3A_229 = tpu.vector_load %arg8[%get3A_227, %get3A_228] {strides = array<i32>} : memref<2x128xi32, #tpu.memory_space<vmem>>, vector<16xi32>,
      %swap3A_230 = arith.constant 0 : i32
      %swap3A_231 = arith.index_cast %swap3A_230 : i32 to index
      %swap3A_232 = arith.constant 80 : index
      %swap3A_233 = tpu.vector_load %arg9[%swap3A_231, %swap3A_232] {strides = array<i32>} : memref<2x128xi32, #tpu.memory_space<vmem>>, vector<16xi32>,
      tpu.vector_store %arg9[%swap3A_231, %swap3A_232], %get3A_229 {strides = array<i32>} : memref<2x128xi32, #tpu.memory_space<vmem>>, vector<16xi32>,
      %get3A_234 = arith.constant 0 : i32
      %get3A_235 = arith.index_cast %get3A_234 : i32 to index
      %get3A_236 = arith.constant 96 : index
      %get3A_237 = tpu.vector_load %arg8[%get3A_235, %get3A_236] {strides = array<i32>} : memref<2x128xi32, #tpu.memory_space<vmem>>, vector<16xi32>,
      %swap3A_238 = arith.constant 0 : i32
      %swap3A_239 = arith.index_cast %swap3A_238 : i32 to index
      %swap3A_240 = arith.constant 96 : index
      %swap3A_241 = tpu.vector_load %arg9[%swap3A_239, %swap3A_240] {strides = array<i32>} : memref<2x128xi32, #tpu.memory_space<vmem>>, vector<16xi32>,
      tpu.vector_store %arg9[%swap3A_239, %swap3A_240], %get3A_237 {strides = array<i32>} : memref<2x128xi32, #tpu.memory_space<vmem>>, vector<16xi32>,
      %get3A_242 = arith.constant 0 : i32
      %get3A_243 = arith.index_cast %get3A_242 : i32 to index
      %get3A_244 = arith.constant 112 : index
      %get3A_245 = tpu.vector_load %arg8[%get3A_243, %get3A_244] {strides = array<i32>} : memref<2x128xi32, #tpu.memory_space<vmem>>, vector<16xi32>,
      %swap3A_246 = arith.constant 0 : i32
      %swap3A_247 = arith.index_cast %swap3A_246 : i32 to index
      %swap3A_248 = arith.constant 112 : index
      %swap3A_249 = tpu.vector_load %arg9[%swap3A_247, %swap3A_248] {strides = array<i32>} : memref<2x128xi32, #tpu.memory_space<vmem>>, vector<16xi32>,
      tpu.vector_store %arg9[%swap3A_247, %swap3A_248], %get3A_245 {strides = array<i32>} : memref<2x128xi32, #tpu.memory_space<vmem>>, vector<16xi32>,
      %ge3A = arith.constant 1 : i32
      %ge3A_250 = arith.cmpi sge, %add3A_180, %ge3A : i32
      %convert_element_type3A = arith.extui %ge3A_250 : i1 to i32
      %cond3A = arith.constant 0 : i32
      %cond3A_251 = arith.cmpi ne, %convert_element_type3A, %cond3A : i32
      scf.if %cond3A_251 {
        %dma_wait3A_392 = arith.constant 0 : i32
        %dma_wait3A_393 = arith.constant 0 : i32
        %dma_wait3A_394 = tpu.memref_slice %arg5[%dma_wait3A_392, %dma_wait3A_393] : memref<10240x128xf32, #tpu.memory_space<hbm>> -> memref<128x128xf32, #tpu.memory_space<hbm>>
        %dma_wait3A_395 = arith.constant 0 : i32
        %dma_wait3A_396 = arith.constant 0 : i32
        %dma_wait3A_397 = tpu.memref_slice %arg5[%dma_wait3A_395, %dma_wait3A_396] : memref<10240x128xf32, #tpu.memory_space<hbm>> -> memref<128x128xf32, #tpu.memory_space<hbm>>
        tpu.wait_dma2 semaphore(%arg16 : memref<!tpu.dma_semaphore, #tpu.memory_space<semaphore_mem>>) src(%dma_wait3A_397 : memref<128x128xf32, #tpu.memory_space<hbm>>) dst(%arg12 : memref<128x128xf32, #tpu.memory_space<vmem>>)
      } else {
      }
      %add3A_252 = arith.constant 1 : i32
      %add3A_253 = arith.addi %add3A_180, %add3A_252 : i32
      %lt3A = arith.constant 82 : i32
      %lt3A_254 = arith.cmpi slt, %add3A_253, %lt3A : i32
      %convert_element_type3A_255 = arith.extui %lt3A_254 : i1 to i32
      %cond3A_256 = arith.constant 0 : i32
      %cond3A_257 = arith.cmpi ne, %convert_element_type3A_255, %cond3A_256 : i32
      scf.if %cond3A_257 {
        %dma_wait3A_392 = arith.constant 0 : i32
        %dma_wait3A_393 = arith.constant 1 : i32
        %dma_wait3A_394 = arith.constant 0 : i32
        %dma_wait3A_395 = tpu.memref_slice %arg7[%dma_wait3A_393, %dma_wait3A_394] : memref<2x128xi32, #tpu.memory_space<vmem>> -> memref<1x128xi32, #tpu.memory_space<vmem>>
        %dma_wait3A_396 = tpu.memref_squeeze %dma_wait3A_395 : memref<1x128xi32, #tpu.memory_space<vmem>> -> memref<128xi32, #tpu.memory_space<vmem>>
        %dma_wait3A_397 = arith.constant 0 : i32
        %dma_wait3A_398 = tpu.memref_slice %arg2[%add3A, %dma_wait3A_392, %dma_wait3A_397] : memref<32x82x128xi32, #tpu.memory_space<hbm>> -> memref<1x1x128xi32, #tpu.memory_space<hbm>>
        %dma_wait3A_399 = tpu.memref_squeeze %dma_wait3A_398 : memref<1x1x128xi32, #tpu.memory_space<hbm>> -> memref<128xi32, #tpu.memory_space<hbm>>
        %dma_wait3A_400 = arith.constant 0 : i32
        %dma_wait3A_401 = tpu.memref_slice %arg7[%dma_wait3A_393, %dma_wait3A_400] : memref<2x128xi32, #tpu.memory_space<vmem>> -> memref<1x128xi32, #tpu.memory_space<vmem>>
        %dma_wait3A_402 = tpu.memref_squeeze %dma_wait3A_401 : memref<1x128xi32, #tpu.memory_space<vmem>> -> memref<128xi32, #tpu.memory_space<vmem>>
        %dma_wait3A_403 = arith.constant 0 : i32
        %dma_wait3A_404 = tpu.memref_slice %arg2[%add3A, %dma_wait3A_392, %dma_wait3A_403] : memref<32x82x128xi32, #tpu.memory_space<hbm>> -> memref<1x1x128xi32, #tpu.memory_space<hbm>>
        %dma_wait3A_405 = tpu.memref_squeeze %dma_wait3A_404 : memref<1x1x128xi32, #tpu.memory_space<hbm>> -> memref<128xi32, #tpu.memory_space<hbm>>
        tpu.wait_dma2 semaphore(%arg14 : memref<!tpu.dma_semaphore, #tpu.memory_space<semaphore_mem>>) src(%dma_wait3A_405 : memref<128xi32, #tpu.memory_space<hbm>>) dst(%dma_wait3A_402 : memref<128xi32, #tpu.memory_space<vmem>>)
        %dma_wait3A_406 = arith.constant 0 : i32
        %dma_wait3A_407 = arith.constant 1 : i32
        %dma_wait3A_408 = arith.constant 0 : i32
        %dma_wait3A_409 = tpu.memref_slice %arg8[%dma_wait3A_407, %dma_wait3A_408] : memref<2x128xi32, #tpu.memory_space<vmem>> -> memref<1x128xi32, #tpu.memory_space<vmem>>
        %dma_wait3A_410 = tpu.memref_squeeze %dma_wait3A_409 : memref<1x128xi32, #tpu.memory_space<vmem>> -> memref<128xi32, #tpu.memory_space<vmem>>
        %dma_wait3A_411 = arith.constant 0 : i32
        %dma_wait3A_412 = tpu.memref_slice %arg3[%add3A, %dma_wait3A_406, %dma_wait3A_411] : memref<32x82x128xi32, #tpu.memory_space<hbm>> -> memref<1x1x128xi32, #tpu.memory_space<hbm>>
        %dma_wait3A_413 = tpu.memref_squeeze %dma_wait3A_412 : memref<1x1x128xi32, #tpu.memory_space<hbm>> -> memref<128xi32, #tpu.memory_space<hbm>>
        %dma_wait3A_414 = arith.constant 0 : i32
        %dma_wait3A_415 = tpu.memref_slice %arg8[%dma_wait3A_407, %dma_wait3A_414] : memref<2x128xi32, #tpu.memory_space<vmem>> -> memref<1x128xi32, #tpu.memory_space<vmem>>
        %dma_wait3A_416 = tpu.memref_squeeze %dma_wait3A_415 : memref<1x128xi32, #tpu.memory_space<vmem>> -> memref<128xi32, #tpu.memory_space<vmem>>
        %dma_wait3A_417 = arith.constant 0 : i32
        %dma_wait3A_418 = tpu.memref_slice %arg3[%add3A, %dma_wait3A_406, %dma_wait3A_417] : memref<32x82x128xi32, #tpu.memory_space<hbm>> -> memref<1x1x128xi32, #tpu.memory_space<hbm>>
        %dma_wait3A_419 = tpu.memref_squeeze %dma_wait3A_418 : memref<1x1x128xi32, #tpu.memory_space<hbm>> -> memref<128xi32, #tpu.memory_space<hbm>>
        tpu.wait_dma2 semaphore(%arg14 : memref<!tpu.dma_semaphore, #tpu.memory_space<semaphore_mem>>) src(%dma_wait3A_419 : memref<128xi32, #tpu.memory_space<hbm>>) dst(%dma_wait3A_416 : memref<128xi32, #tpu.memory_space<vmem>>)
        %dma_wait3A_420 = arith.constant 0 : i32
        %dma_wait3A_421 = arith.constant 1 : i32
        %dma_wait3A_422 = arith.constant 0 : i32
        %dma_wait3A_423 = tpu.memref_slice %arg10[%dma_wait3A_421, %dma_wait3A_422] : memref<2x128xf32, #tpu.memory_space<vmem>> -> memref<1x128xf32, #tpu.memory_space<vmem>>
        %dma_wait3A_424 = tpu.memref_squeeze %dma_wait3A_423 : memref<1x128xf32, #tpu.memory_space<vmem>> -> memref<128xf32, #tpu.memory_space<vmem>>
        %dma_wait3A_425 = arith.constant 0 : i32
        %dma_wait3A_426 = tpu.memref_slice %arg4[%add3A, %dma_wait3A_420, %dma_wait3A_425] : memref<32x82x128xf32, #tpu.memory_space<hbm>> -> memref<1x1x128xf32, #tpu.memory_space<hbm>>
        %dma_wait3A_427 = tpu.memref_squeeze %dma_wait3A_426 : memref<1x1x128xf32, #tpu.memory_space<hbm>> -> memref<128xf32, #tpu.memory_space<hbm>>
        %dma_wait3A_428 = arith.constant 0 : i32
        %dma_wait3A_429 = tpu.memref_slice %arg10[%dma_wait3A_421, %dma_wait3A_428] : memref<2x128xf32, #tpu.memory_space<vmem>> -> memref<1x128xf32, #tpu.memory_space<vmem>>
        %dma_wait3A_430 = tpu.memref_squeeze %dma_wait3A_429 : memref<1x128xf32, #tpu.memory_space<vmem>> -> memref<128xf32, #tpu.memory_space<vmem>>
        %dma_wait3A_431 = arith.constant 0 : i32
        %dma_wait3A_432 = tpu.memref_slice %arg4[%add3A, %dma_wait3A_420, %dma_wait3A_431] : memref<32x82x128xf32, #tpu.memory_space<hbm>> -> memref<1x1x128xf32, #tpu.memory_space<hbm>>
        %dma_wait3A_433 = tpu.memref_squeeze %dma_wait3A_432 : memref<1x1x128xf32, #tpu.memory_space<hbm>> -> memref<128xf32, #tpu.memory_space<hbm>>
        tpu.wait_dma2 semaphore(%arg14 : memref<!tpu.dma_semaphore, #tpu.memory_space<semaphore_mem>>) src(%dma_wait3A_433 : memref<128xf32, #tpu.memory_space<hbm>>) dst(%dma_wait3A_430 : memref<128xf32, #tpu.memory_space<vmem>>)
        %dma_start3A_434 = arith.constant 1 : i32
        %dma_start3A_435 = arith.constant 0 : i32
        %dma_start3A_436 = tpu.memref_slice %arg7[%dma_start3A_434, %dma_start3A_435] : memref<2x128xi32, #tpu.memory_space<vmem>> -> memref<1x128xi32, #tpu.memory_space<vmem>>
        %dma_start3A_437 = tpu.memref_squeeze %dma_start3A_436 : memref<1x128xi32, #tpu.memory_space<vmem>> -> memref<128xi32, #tpu.memory_space<vmem>>
        %dma_start3A_438 = arith.constant 0 : i32
        %dma_start3A_439 = arith.constant 0 : i32
        %dma_start3A_440 = tpu.memref_slice %arg5[%dma_start3A_438, %dma_start3A_439] : memref<10240x128xf32, #tpu.memory_space<hbm>> -> memref<10240x128xf32, #tpu.memory_space<hbm>>
        tpu.enqueue_indirect_dma source(%dma_start3A_440 : memref<10240x128xf32, #tpu.memory_space<hbm>>) target(%arg12 : memref<128x128xf32, #tpu.memory_space<vmem>>) offsets(%dma_start3A_437 : memref<128xi32, #tpu.memory_space<vmem>>) semaphore(%arg15 : memref<!tpu.dma_semaphore, #tpu.memory_space<semaphore_mem>>)
      } else {
      }
      %broadcast_in_dim3A_258 = arith.constant 0 : i32
      %broadcast_in_dim3A_259 = vector.broadcast %broadcast_in_dim3A_258 : i32 to vector<16xi32>
      %scan3A_260 = arith.constant 0 : i32
      %scan3A_261 = arith.constant 0 : i32
      %scan3A_262 = arith.constant 128 : i32
      %scan3A_263 = arith.addi %scan3A_261, %scan3A_262 : i32
      %scan3A_264 = arith.constant 1 : i32
      %scan3A_265 = scf.for %scan3A_392 = %scan3A_261 to %scan3A_263 step %scan3A_264 iter_args(%scan3A_393 = %scan3A_260) -> (i32)  : i32 {
        %broadcast_in_dim3A_394 = vector.broadcast %scan3A_392 : i32 to vector<16xi32>
        %gather3A = tpu.vector_load_idx %arg10[%broadcast_in_dim3A_259, %broadcast_in_dim3A_394] : memref<2x128xf32, #tpu.memory_space<vmem>>[vector<16xi32>, vector<16xi32>], vector<16xf32>,
        %get3A_395 = arith.index_cast %scan3A_392 : i32 to index
        %get3A_396 = arith.constant 0 : index
        %get3A_397 = tpu.vector_load %arg11[%get3A_395, %get3A_396] {strides = array<i32>} : memref<128x128xf32, #tpu.memory_space<vmem>>, vector<16xf32>,
        %mul3A_398 = arith.mulf %get3A_397, %gather3A : vector<16xf32>
        %swap3A_399 = arith.index_cast %scan3A_392 : i32 to index
        %swap3A_400 = arith.constant 0 : index
        %swap3A_401 = tpu.vector_load %arg11[%swap3A_399, %swap3A_400] {strides = array<i32>} : memref<128x128xf32, #tpu.memory_space<vmem>>, vector<16xf32>,
        tpu.vector_store %arg11[%swap3A_399, %swap3A_400], %mul3A_398 {strides = array<i32>} : memref<128x128xf32, #tpu.memory_space<vmem>>, vector<16xf32>,
        %get3A_402 = arith.index_cast %scan3A_392 : i32 to index
        %get3A_403 = arith.constant 16 : index
        %get3A_404 = tpu.vector_load %arg11[%get3A_402, %get3A_403] {strides = array<i32>} : memref<128x128xf32, #tpu.memory_space<vmem>>, vector<16xf32>,
        %mul3A_405 = arith.mulf %get3A_404, %gather3A : vector<16xf32>
        %swap3A_406 = arith.index_cast %scan3A_392 : i32 to index
        %swap3A_407 = arith.constant 16 : index
        %swap3A_408 = tpu.vector_load %arg11[%swap3A_406, %swap3A_407] {strides = array<i32>} : memref<128x128xf32, #tpu.memory_space<vmem>>, vector<16xf32>,
        tpu.vector_store %arg11[%swap3A_406, %swap3A_407], %mul3A_405 {strides = array<i32>} : memref<128x128xf32, #tpu.memory_space<vmem>>, vector<16xf32>,
        %get3A_409 = arith.index_cast %scan3A_392 : i32 to index
        %get3A_410 = arith.constant 32 : index
        %get3A_411 = tpu.vector_load %arg11[%get3A_409, %get3A_410] {strides = array<i32>} : memref<128x128xf32, #tpu.memory_space<vmem>>, vector<16xf32>,
        %mul3A_412 = arith.mulf %get3A_411, %gather3A : vector<16xf32>
        %swap3A_413 = arith.index_cast %scan3A_392 : i32 to index
        %swap3A_414 = arith.constant 32 : index
        %swap3A_415 = tpu.vector_load %arg11[%swap3A_413, %swap3A_414] {strides = array<i32>} : memref<128x128xf32, #tpu.memory_space<vmem>>, vector<16xf32>,
        tpu.vector_store %arg11[%swap3A_413, %swap3A_414], %mul3A_412 {strides = array<i32>} : memref<128x128xf32, #tpu.memory_space<vmem>>, vector<16xf32>,
        %get3A_416 = arith.index_cast %scan3A_392 : i32 to index
        %get3A_417 = arith.constant 48 : index
        %get3A_418 = tpu.vector_load %arg11[%get3A_416, %get3A_417] {strides = array<i32>} : memref<128x128xf32, #tpu.memory_space<vmem>>, vector<16xf32>,
        %mul3A_419 = arith.mulf %get3A_418, %gather3A : vector<16xf32>
        %swap3A_420 = arith.index_cast %scan3A_392 : i32 to index
        %swap3A_421 = arith.constant 48 : index
        %swap3A_422 = tpu.vector_load %arg11[%swap3A_420, %swap3A_421] {strides = array<i32>} : memref<128x128xf32, #tpu.memory_space<vmem>>, vector<16xf32>,
        tpu.vector_store %arg11[%swap3A_420, %swap3A_421], %mul3A_419 {strides = array<i32>} : memref<128x128xf32, #tpu.memory_space<vmem>>, vector<16xf32>,
        %get3A_423 = arith.index_cast %scan3A_392 : i32 to index
        %get3A_424 = arith.constant 64 : index
        %get3A_425 = tpu.vector_load %arg11[%get3A_423, %get3A_424] {strides = array<i32>} : memref<128x128xf32, #tpu.memory_space<vmem>>, vector<16xf32>,
        %mul3A_426 = arith.mulf %get3A_425, %gather3A : vector<16xf32>
        %swap3A_427 = arith.index_cast %scan3A_392 : i32 to index
        %swap3A_428 = arith.constant 64 : index
        %swap3A_429 = tpu.vector_load %arg11[%swap3A_427, %swap3A_428] {strides = array<i32>} : memref<128x128xf32, #tpu.memory_space<vmem>>, vector<16xf32>,
        tpu.vector_store %arg11[%swap3A_427, %swap3A_428], %mul3A_426 {strides = array<i32>} : memref<128x128xf32, #tpu.memory_space<vmem>>, vector<16xf32>,
        %get3A_430 = arith.index_cast %scan3A_392 : i32 to index
        %get3A_431 = arith.constant 80 : index
        %get3A_432 = tpu.vector_load %arg11[%get3A_430, %get3A_431] {strides = array<i32>} : memref<128x128xf32, #tpu.memory_space<vmem>>, vector<16xf32>,
        %mul3A_433 = arith.mulf %get3A_432, %gather3A : vector<16xf32>
        %swap3A_434 = arith.index_cast %scan3A_392 : i32 to index
        %swap3A_435 = arith.constant 80 : index
        %swap3A_436 = tpu.vector_load %arg11[%swap3A_434, %swap3A_435] {strides = array<i32>} : memref<128x128xf32, #tpu.memory_space<vmem>>, vector<16xf32>,
        tpu.vector_store %arg11[%swap3A_434, %swap3A_435], %mul3A_433 {strides = array<i32>} : memref<128x128xf32, #tpu.memory_space<vmem>>, vector<16xf32>,
        %get3A_437 = arith.index_cast %scan3A_392 : i32 to index
        %get3A_438 = arith.constant 96 : index
        %get3A_439 = tpu.vector_load %arg11[%get3A_437, %get3A_438] {strides = array<i32>} : memref<128x128xf32, #tpu.memory_space<vmem>>, vector<16xf32>,
        %mul3A_440 = arith.mulf %get3A_439, %gather3A : vector<16xf32>
        %swap3A_441 = arith.index_cast %scan3A_392 : i32 to index
        %swap3A_442 = arith.constant 96 : index
        %swap3A_443 = tpu.vector_load %arg11[%swap3A_441, %swap3A_442] {strides = array<i32>} : memref<128x128xf32, #tpu.memory_space<vmem>>, vector<16xf32>,
        tpu.vector_store %arg11[%swap3A_441, %swap3A_442], %mul3A_440 {strides = array<i32>} : memref<128x128xf32, #tpu.memory_space<vmem>>, vector<16xf32>,
        %get3A_444 = arith.index_cast %scan3A_392 : i32 to index
        %get3A_445 = arith.constant 112 : index
        %get3A_446 = tpu.vector_load %arg11[%get3A_444, %get3A_445] {strides = array<i32>} : memref<128x128xf32, #tpu.memory_space<vmem>>, vector<16xf32>,
        %mul3A_447 = arith.mulf %get3A_446, %gather3A : vector<16xf32>
        %swap3A_448 = arith.index_cast %scan3A_392 : i32 to index
        %swap3A_449 = arith.constant 112 : index
        %swap3A_450 = tpu.vector_load %arg11[%swap3A_448, %swap3A_449] {strides = array<i32>} : memref<128x128xf32, #tpu.memory_space<vmem>>, vector<16xf32>,
        tpu.vector_store %arg11[%swap3A_448, %swap3A_449], %mul3A_447 {strides = array<i32>} : memref<128x128xf32, #tpu.memory_space<vmem>>, vector<16xf32>,
        %scan3A_451 = arith.constant 0 : i32
        scf.yield %scan3A_451 : i32
      }
      %scan3A_266 = arith.constant 128 : i32
      %add3A_267 = arith.constant 2 : i32
      %add3A_268 = arith.addi %add3A_180, %add3A_267 : i32
      %lt3A_269 = arith.constant 82 : i32
      %lt3A_270 = arith.cmpi slt, %add3A_268, %lt3A_269 : i32
      %convert_element_type3A_271 = arith.extui %lt3A_270 : i1 to i32
      %cond3A_272 = arith.constant 0 : i32
      %cond3A_273 = arith.cmpi ne, %convert_element_type3A_271, %cond3A_272 : i32
      scf.if %cond3A_273 {
        %add3A_392 = arith.constant 2 : i32
        %add3A_393 = arith.addi %add3A_180, %add3A_392 : i32
        %dma_start3A_394 = arith.constant 0 : i32
        %dma_start3A_395 = arith.constant 0 : i32
        %dma_start3A_396 = tpu.memref_slice %arg7[%dma_start3A_394, %dma_start3A_395] : memref<2x128xi32, #tpu.memory_space<vmem>> -> memref<1x128xi32, #tpu.memory_space<vmem>>
        %dma_start3A_397 = tpu.memref_squeeze %dma_start3A_396 : memref<1x128xi32, #tpu.memory_space<vmem>> -> memref<128xi32, #tpu.memory_space<vmem>>
        %dma_start3A_398 = arith.constant 0 : i32
        %dma_start3A_399 = tpu.memref_slice %arg2[%add3A, %add3A_393, %dma_start3A_398] : memref<32x82x128xi32, #tpu.memory_space<hbm>> -> memref<1x1x128xi32, #tpu.memory_space<hbm>>
        %dma_start3A_400 = tpu.memref_squeeze %dma_start3A_399 : memref<1x1x128xi32, #tpu.memory_space<hbm>> -> memref<128xi32, #tpu.memory_space<hbm>>
        %dma_start3A_401 = arith.constant 0 : i32
        %dma_start3A_402 = tpu.memref_slice %arg7[%dma_start3A_394, %dma_start3A_401] : memref<2x128xi32, #tpu.memory_space<vmem>> -> memref<1x128xi32, #tpu.memory_space<vmem>>
        %dma_start3A_403 = tpu.memref_squeeze %dma_start3A_402 : memref<1x128xi32, #tpu.memory_space<vmem>> -> memref<128xi32, #tpu.memory_space<vmem>>
        %dma_start3A_404 = arith.constant 0 : i32
        %dma_start3A_405 = tpu.memref_slice %arg2[%add3A, %add3A_393, %dma_start3A_404] : memref<32x82x128xi32, #tpu.memory_space<hbm>> -> memref<1x1x128xi32, #tpu.memory_space<hbm>>
        %dma_start3A_406 = tpu.memref_squeeze %dma_start3A_405 : memref<1x1x128xi32, #tpu.memory_space<hbm>> -> memref<128xi32, #tpu.memory_space<hbm>>
        tpu.enqueue_dma source(%dma_start3A_406 : memref<128xi32, #tpu.memory_space<hbm>>) target(%dma_start3A_403 : memref<128xi32, #tpu.memory_space<vmem>>) target_semaphore(%arg14 : memref<!tpu.dma_semaphore, #tpu.memory_space<semaphore_mem>>)
        %dma_start3A_407 = arith.constant 0 : i32
        %dma_start3A_408 = arith.constant 0 : i32
        %dma_start3A_409 = tpu.memref_slice %arg8[%dma_start3A_407, %dma_start3A_408] : memref<2x128xi32, #tpu.memory_space<vmem>> -> memref<1x128xi32, #tpu.memory_space<vmem>>
        %dma_start3A_410 = tpu.memref_squeeze %dma_start3A_409 : memref<1x128xi32, #tpu.memory_space<vmem>> -> memref<128xi32, #tpu.memory_space<vmem>>
        %dma_start3A_411 = arith.constant 0 : i32
        %dma_start3A_412 = tpu.memref_slice %arg3[%add3A, %add3A_393, %dma_start3A_411] : memref<32x82x128xi32, #tpu.memory_space<hbm>> -> memref<1x1x128xi32, #tpu.memory_space<hbm>>
        %dma_start3A_413 = tpu.memref_squeeze %dma_start3A_412 : memref<1x1x128xi32, #tpu.memory_space<hbm>> -> memref<128xi32, #tpu.memory_space<hbm>>
        %dma_start3A_414 = arith.constant 0 : i32
        %dma_start3A_415 = tpu.memref_slice %arg8[%dma_start3A_407, %dma_start3A_414] : memref<2x128xi32, #tpu.memory_space<vmem>> -> memref<1x128xi32, #tpu.memory_space<vmem>>
        %dma_start3A_416 = tpu.memref_squeeze %dma_start3A_415 : memref<1x128xi32, #tpu.memory_space<vmem>> -> memref<128xi32, #tpu.memory_space<vmem>>
        %dma_start3A_417 = arith.constant 0 : i32
        %dma_start3A_418 = tpu.memref_slice %arg3[%add3A, %add3A_393, %dma_start3A_417] : memref<32x82x128xi32, #tpu.memory_space<hbm>> -> memref<1x1x128xi32, #tpu.memory_space<hbm>>
        %dma_start3A_419 = tpu.memref_squeeze %dma_start3A_418 : memref<1x1x128xi32, #tpu.memory_space<hbm>> -> memref<128xi32, #tpu.memory_space<hbm>>
        tpu.enqueue_dma source(%dma_start3A_419 : memref<128xi32, #tpu.memory_space<hbm>>) target(%dma_start3A_416 : memref<128xi32, #tpu.memory_space<vmem>>) target_semaphore(%arg14 : memref<!tpu.dma_semaphore, #tpu.memory_space<semaphore_mem>>)
        %dma_start3A_420 = arith.constant 0 : i32
        %dma_start3A_421 = arith.constant 0 : i32
        %dma_start3A_422 = tpu.memref_slice %arg10[%dma_start3A_420, %dma_start3A_421] : memref<2x128xf32, #tpu.memory_space<vmem>> -> memref<1x128xf32, #tpu.memory_space<vmem>>
        %dma_start3A_423 = tpu.memref_squeeze %dma_start3A_422 : memref<1x128xf32, #tpu.memory_space<vmem>> -> memref<128xf32, #tpu.memory_space<vmem>>
        %dma_start3A_424 = arith.constant 0 : i32
        %dma_start3A_425 = tpu.memref_slice %arg4[%add3A, %add3A_393, %dma_start3A_424] : memref<32x82x128xf32, #tpu.memory_space<hbm>> -> memref<1x1x128xf32, #tpu.memory_space<hbm>>
        %dma_start3A_426 = tpu.memref_squeeze %dma_start3A_425 : memref<1x1x128xf32, #tpu.memory_space<hbm>> -> memref<128xf32, #tpu.memory_space<hbm>>
        %dma_start3A_427 = arith.constant 0 : i32
        %dma_start3A_428 = tpu.memref_slice %arg10[%dma_start3A_420, %dma_start3A_427] : memref<2x128xf32, #tpu.memory_space<vmem>> -> memref<1x128xf32, #tpu.memory_space<vmem>>
        %dma_start3A_429 = tpu.memref_squeeze %dma_start3A_428 : memref<1x128xf32, #tpu.memory_space<vmem>> -> memref<128xf32, #tpu.memory_space<vmem>>
        %dma_start3A_430 = arith.constant 0 : i32
        %dma_start3A_431 = tpu.memref_slice %arg4[%add3A, %add3A_393, %dma_start3A_430] : memref<32x82x128xf32, #tpu.memory_space<hbm>> -> memref<1x1x128xf32, #tpu.memory_space<hbm>>
        %dma_start3A_432 = tpu.memref_squeeze %dma_start3A_431 : memref<1x1x128xf32, #tpu.memory_space<hbm>> -> memref<128xf32, #tpu.memory_space<hbm>>
        tpu.enqueue_dma source(%dma_start3A_432 : memref<128xf32, #tpu.memory_space<hbm>>) target(%dma_start3A_429 : memref<128xf32, #tpu.memory_space<vmem>>) target_semaphore(%arg14 : memref<!tpu.dma_semaphore, #tpu.memory_space<semaphore_mem>>)
      } else {
      }
      %dma_start3A_274 = arith.constant 0 : i32
      %dma_start3A_275 = arith.constant 0 : i32
      %dma_start3A_276 = tpu.memref_slice %arg9[%dma_start3A_274, %dma_start3A_275] : memref<2x128xi32, #tpu.memory_space<vmem>> -> memref<1x128xi32, #tpu.memory_space<vmem>>
      %dma_start3A_277 = tpu.memref_squeeze %dma_start3A_276 : memref<1x128xi32, #tpu.memory_space<vmem>> -> memref<128xi32, #tpu.memory_space<vmem>>
      %dma_start3A_278 = arith.constant 0 : i32
      %dma_start3A_279 = arith.constant 0 : i32
      %dma_start3A_280 = tpu.memref_slice %arg13[%dma_start3A_278, %dma_start3A_279] : memref<10240x128xf32, #tpu.memory_space<vmem_shared>> -> memref<10240x128xf32, #tpu.memory_space<vmem_shared>>
      tpu.enqueue_indirect_dma source(%arg11 : memref<128x128xf32, #tpu.memory_space<vmem>>) target(%dma_start3A_280 : memref<10240x128xf32, #tpu.memory_space<vmem_shared>>) offsets(%dma_start3A_277 : memref<128xi32, #tpu.memory_space<vmem>>) semaphore(%arg16 : memref<!tpu.dma_semaphore, #tpu.memory_space<semaphore_mem>>) {add = true}
      %mul3A_281 = arith.constant 2 : i32
      %mul3A_282 = arith.muli %scan3A_175, %mul3A_281 : i32
      %add3A_283 = arith.constant 1 : i32
      %add3A_284 = arith.addi %mul3A_282, %add3A_283 : i32
      %dma_wait3A_285 = arith.constant 1 : i32
      %dma_wait3A_286 = arith.constant 0 : i32
      %dma_wait3A_287 = tpu.memref_slice %arg7[%dma_wait3A_285, %dma_wait3A_286] : memref<2x128xi32, #tpu.memory_space<vmem>> -> memref<1x128xi32, #tpu.memory_space<vmem>>
      %dma_wait3A_288 = tpu.memref_squeeze %dma_wait3A_287 : memref<1x128xi32, #tpu.memory_space<vmem>> -> memref<128xi32, #tpu.memory_space<vmem>>
      %dma_wait3A_289 = arith.constant 0 : i32
      %dma_wait3A_290 = arith.constant 0 : i32
      %dma_wait3A_291 = tpu.memref_slice %arg5[%dma_wait3A_289, %dma_wait3A_290] : memref<10240x128xf32, #tpu.memory_space<hbm>> -> memref<10240x128xf32, #tpu.memory_space<hbm>>
      tpu.wait_indirect_dma semaphore(%arg15 : memref<!tpu.dma_semaphore, #tpu.memory_space<semaphore_mem>>) src(%dma_wait3A_291 : memref<10240x128xf32, #tpu.memory_space<hbm>>) dst(%arg12 : memref<128x128xf32, #tpu.memory_space<vmem>>)
      %get3A_292 = arith.constant 1 : i32
      %get3A_293 = arith.index_cast %get3A_292 : i32 to index
      %get3A_294 = arith.constant 0 : index
      %get3A_295 = tpu.vector_load %arg8[%get3A_293, %get3A_294] {strides = array<i32>} : memref<2x128xi32, #tpu.memory_space<vmem>>, vector<16xi32>,
      %swap3A_296 = arith.constant 1 : i32
      %swap3A_297 = arith.index_cast %swap3A_296 : i32 to index
      %swap3A_298 = arith.constant 0 : index
      %swap3A_299 = tpu.vector_load %arg9[%swap3A_297, %swap3A_298] {strides = array<i32>} : memref<2x128xi32, #tpu.memory_space<vmem>>, vector<16xi32>,
      tpu.vector_store %arg9[%swap3A_297, %swap3A_298], %get3A_295 {strides = array<i32>} : memref<2x128xi32, #tpu.memory_space<vmem>>, vector<16xi32>,
      %get3A_300 = arith.constant 1 : i32
      %get3A_301 = arith.index_cast %get3A_300 : i32 to index
      %get3A_302 = arith.constant 16 : index
      %get3A_303 = tpu.vector_load %arg8[%get3A_301, %get3A_302] {strides = array<i32>} : memref<2x128xi32, #tpu.memory_space<vmem>>, vector<16xi32>,
      %swap3A_304 = arith.constant 1 : i32
      %swap3A_305 = arith.index_cast %swap3A_304 : i32 to index
      %swap3A_306 = arith.constant 16 : index
      %swap3A_307 = tpu.vector_load %arg9[%swap3A_305, %swap3A_306] {strides = array<i32>} : memref<2x128xi32, #tpu.memory_space<vmem>>, vector<16xi32>,
      tpu.vector_store %arg9[%swap3A_305, %swap3A_306], %get3A_303 {strides = array<i32>} : memref<2x128xi32, #tpu.memory_space<vmem>>, vector<16xi32>,
      %get3A_308 = arith.constant 1 : i32
      %get3A_309 = arith.index_cast %get3A_308 : i32 to index
      %get3A_310 = arith.constant 32 : index
      %get3A_311 = tpu.vector_load %arg8[%get3A_309, %get3A_310] {strides = array<i32>} : memref<2x128xi32, #tpu.memory_space<vmem>>, vector<16xi32>,
      %swap3A_312 = arith.constant 1 : i32
      %swap3A_313 = arith.index_cast %swap3A_312 : i32 to index
      %swap3A_314 = arith.constant 32 : index
      %swap3A_315 = tpu.vector_load %arg9[%swap3A_313, %swap3A_314] {strides = array<i32>} : memref<2x128xi32, #tpu.memory_space<vmem>>, vector<16xi32>,
      tpu.vector_store %arg9[%swap3A_313, %swap3A_314], %get3A_311 {strides = array<i32>} : memref<2x128xi32, #tpu.memory_space<vmem>>, vector<16xi32>,
      %get3A_316 = arith.constant 1 : i32
      %get3A_317 = arith.index_cast %get3A_316 : i32 to index
      %get3A_318 = arith.constant 48 : index
      %get3A_319 = tpu.vector_load %arg8[%get3A_317, %get3A_318] {strides = array<i32>} : memref<2x128xi32, #tpu.memory_space<vmem>>, vector<16xi32>,
      %swap3A_320 = arith.constant 1 : i32
      %swap3A_321 = arith.index_cast %swap3A_320 : i32 to index
      %swap3A_322 = arith.constant 48 : index
      %swap3A_323 = tpu.vector_load %arg9[%swap3A_321, %swap3A_322] {strides = array<i32>} : memref<2x128xi32, #tpu.memory_space<vmem>>, vector<16xi32>,
      tpu.vector_store %arg9[%swap3A_321, %swap3A_322], %get3A_319 {strides = array<i32>} : memref<2x128xi32, #tpu.memory_space<vmem>>, vector<16xi32>,
      %get3A_324 = arith.constant 1 : i32
      %get3A_325 = arith.index_cast %get3A_324 : i32 to index
      %get3A_326 = arith.constant 64 : index
      %get3A_327 = tpu.vector_load %arg8[%get3A_325, %get3A_326] {strides = array<i32>} : memref<2x128xi32, #tpu.memory_space<vmem>>, vector<16xi32>,
      %swap3A_328 = arith.constant 1 : i32
      %swap3A_329 = arith.index_cast %swap3A_328 : i32 to index
      %swap3A_330 = arith.constant 64 : index
      %swap3A_331 = tpu.vector_load %arg9[%swap3A_329, %swap3A_330] {strides = array<i32>} : memref<2x128xi32, #tpu.memory_space<vmem>>, vector<16xi32>,
      tpu.vector_store %arg9[%swap3A_329, %swap3A_330], %get3A_327 {strides = array<i32>} : memref<2x128xi32, #tpu.memory_space<vmem>>, vector<16xi32>,
      %get3A_332 = arith.constant 1 : i32
      %get3A_333 = arith.index_cast %get3A_332 : i32 to index
      %get3A_334 = arith.constant 80 : index
      %get3A_335 = tpu.vector_load %arg8[%get3A_333, %get3A_334] {strides = array<i32>} : memref<2x128xi32, #tpu.memory_space<vmem>>, vector<16xi32>,
      %swap3A_336 = arith.constant 1 : i32
      %swap3A_337 = arith.index_cast %swap3A_336 : i32 to index
      %swap3A_338 = arith.constant 80 : index
      %swap3A_339 = tpu.vector_load %arg9[%swap3A_337, %swap3A_338] {strides = array<i32>} : memref<2x128xi32, #tpu.memory_space<vmem>>, vector<16xi32>,
      tpu.vector_store %arg9[%swap3A_337, %swap3A_338], %get3A_335 {strides = array<i32>} : memref<2x128xi32, #tpu.memory_space<vmem>>, vector<16xi32>,
      %get3A_340 = arith.constant 1 : i32
      %get3A_341 = arith.index_cast %get3A_340 : i32 to index
      %get3A_342 = arith.constant 96 : index
      %get3A_343 = tpu.vector_load %arg8[%get3A_341, %get3A_342] {strides = array<i32>} : memref<2x128xi32, #tpu.memory_space<vmem>>, vector<16xi32>,
      %swap3A_344 = arith.constant 1 : i32
      %swap3A_345 = arith.index_cast %swap3A_344 : i32 to index
      %swap3A_346 = arith.constant 96 : index
      %swap3A_347 = tpu.vector_load %arg9[%swap3A_345, %swap3A_346] {strides = array<i32>} : memref<2x128xi32, #tpu.memory_space<vmem>>, vector<16xi32>,
      tpu.vector_store %arg9[%swap3A_345, %swap3A_346], %get3A_343 {strides = array<i32>} : memref<2x128xi32, #tpu.memory_space<vmem>>, vector<16xi32>,
      %get3A_348 = arith.constant 1 : i32
      %get3A_349 = arith.index_cast %get3A_348 : i32 to index
      %get3A_350 = arith.constant 112 : index
      %get3A_351 = tpu.vector_load %arg8[%get3A_349, %get3A_350] {strides = array<i32>} : memref<2x128xi32, #tpu.memory_space<vmem>>, vector<16xi32>,
      %swap3A_352 = arith.constant 1 : i32
      %swap3A_353 = arith.index_cast %swap3A_352 : i32 to index
      %swap3A_354 = arith.constant 112 : index
      %swap3A_355 = tpu.vector_load %arg9[%swap3A_353, %swap3A_354] {strides = array<i32>} : memref<2x128xi32, #tpu.memory_space<vmem>>, vector<16xi32>,
      tpu.vector_store %arg9[%swap3A_353, %swap3A_354], %get3A_351 {strides = array<i32>} : memref<2x128xi32, #tpu.memory_space<vmem>>, vector<16xi32>,
      %ge3A_356 = arith.constant 1 : i32
      %ge3A_357 = arith.cmpi sge, %add3A_284, %ge3A_356 : i32
      %convert_element_type3A_358 = arith.extui %ge3A_357 : i1 to i32
      %cond3A_359 = arith.constant 0 : i32
      %cond3A_360 = arith.cmpi ne, %convert_element_type3A_358, %cond3A_359 : i32
      scf.if %cond3A_360 {
        %dma_wait3A_392 = arith.constant 0 : i32
        %dma_wait3A_393 = arith.constant 0 : i32
        %dma_wait3A_394 = tpu.memref_slice %arg5[%dma_wait3A_392, %dma_wait3A_393] : memref<10240x128xf32, #tpu.memory_space<hbm>> -> memref<128x128xf32, #tpu.memory_space<hbm>>
        %dma_wait3A_395 = arith.constant 0 : i32
        %dma_wait3A_396 = arith.constant 0 : i32
        %dma_wait3A_397 = tpu.memref_slice %arg5[%dma_wait3A_395, %dma_wait3A_396] : memref<10240x128xf32, #tpu.memory_space<hbm>> -> memref<128x128xf32, #tpu.memory_space<hbm>>
        tpu.wait_dma2 semaphore(%arg16 : memref<!tpu.dma_semaphore, #tpu.memory_space<semaphore_mem>>) src(%dma_wait3A_397 : memref<128x128xf32, #tpu.memory_space<hbm>>) dst(%arg11 : memref<128x128xf32, #tpu.memory_space<vmem>>)
      } else {
      }
      %add3A_361 = arith.constant 1 : i32
      %add3A_362 = arith.addi %add3A_284, %add3A_361 : i32
      %lt3A_363 = arith.constant 82 : i32
      %lt3A_364 = arith.cmpi slt, %add3A_362, %lt3A_363 : i32
      %convert_element_type3A_365 = arith.extui %lt3A_364 : i1 to i32
      %cond3A_366 = arith.constant 0 : i32
      %cond3A_367 = arith.cmpi ne, %convert_element_type3A_365, %cond3A_366 : i32
      scf.if %cond3A_367 {
        %dma_wait3A_392 = arith.constant 0 : i32
        %dma_wait3A_393 = arith.constant 0 : i32
        %dma_wait3A_394 = arith.constant 0 : i32
        %dma_wait3A_395 = tpu.memref_slice %arg7[%dma_wait3A_393, %dma_wait3A_394] : memref<2x128xi32, #tpu.memory_space<vmem>> -> memref<1x128xi32, #tpu.memory_space<vmem>>
        %dma_wait3A_396 = tpu.memref_squeeze %dma_wait3A_395 : memref<1x128xi32, #tpu.memory_space<vmem>> -> memref<128xi32, #tpu.memory_space<vmem>>
        %dma_wait3A_397 = arith.constant 0 : i32
        %dma_wait3A_398 = tpu.memref_slice %arg2[%add3A, %dma_wait3A_392, %dma_wait3A_397] : memref<32x82x128xi32, #tpu.memory_space<hbm>> -> memref<1x1x128xi32, #tpu.memory_space<hbm>>
        %dma_wait3A_399 = tpu.memref_squeeze %dma_wait3A_398 : memref<1x1x128xi32, #tpu.memory_space<hbm>> -> memref<128xi32, #tpu.memory_space<hbm>>
        %dma_wait3A_400 = arith.constant 0 : i32
        %dma_wait3A_401 = tpu.memref_slice %arg7[%dma_wait3A_393, %dma_wait3A_400] : memref<2x128xi32, #tpu.memory_space<vmem>> -> memref<1x128xi32, #tpu.memory_space<vmem>>
        %dma_wait3A_402 = tpu.memref_squeeze %dma_wait3A_401 : memref<1x128xi32, #tpu.memory_space<vmem>> -> memref<128xi32, #tpu.memory_space<vmem>>
        %dma_wait3A_403 = arith.constant 0 : i32
        %dma_wait3A_404 = tpu.memref_slice %arg2[%add3A, %dma_wait3A_392, %dma_wait3A_403] : memref<32x82x128xi32, #tpu.memory_space<hbm>> -> memref<1x1x128xi32, #tpu.memory_space<hbm>>
        %dma_wait3A_405 = tpu.memref_squeeze %dma_wait3A_404 : memref<1x1x128xi32, #tpu.memory_space<hbm>> -> memref<128xi32, #tpu.memory_space<hbm>>
        tpu.wait_dma2 semaphore(%arg14 : memref<!tpu.dma_semaphore, #tpu.memory_space<semaphore_mem>>) src(%dma_wait3A_405 : memref<128xi32, #tpu.memory_space<hbm>>) dst(%dma_wait3A_402 : memref<128xi32, #tpu.memory_space<vmem>>)
        %dma_wait3A_406 = arith.constant 0 : i32
        %dma_wait3A_407 = arith.constant 0 : i32
        %dma_wait3A_408 = arith.constant 0 : i32
        %dma_wait3A_409 = tpu.memref_slice %arg8[%dma_wait3A_407, %dma_wait3A_408] : memref<2x128xi32, #tpu.memory_space<vmem>> -> memref<1x128xi32, #tpu.memory_space<vmem>>
        %dma_wait3A_410 = tpu.memref_squeeze %dma_wait3A_409 : memref<1x128xi32, #tpu.memory_space<vmem>> -> memref<128xi32, #tpu.memory_space<vmem>>
        %dma_wait3A_411 = arith.constant 0 : i32
        %dma_wait3A_412 = tpu.memref_slice %arg3[%add3A, %dma_wait3A_406, %dma_wait3A_411] : memref<32x82x128xi32, #tpu.memory_space<hbm>> -> memref<1x1x128xi32, #tpu.memory_space<hbm>>
        %dma_wait3A_413 = tpu.memref_squeeze %dma_wait3A_412 : memref<1x1x128xi32, #tpu.memory_space<hbm>> -> memref<128xi32, #tpu.memory_space<hbm>>
        %dma_wait3A_414 = arith.constant 0 : i32
        %dma_wait3A_415 = tpu.memref_slice %arg8[%dma_wait3A_407, %dma_wait3A_414] : memref<2x128xi32, #tpu.memory_space<vmem>> -> memref<1x128xi32, #tpu.memory_space<vmem>>
        %dma_wait3A_416 = tpu.memref_squeeze %dma_wait3A_415 : memref<1x128xi32, #tpu.memory_space<vmem>> -> memref<128xi32, #tpu.memory_space<vmem>>
        %dma_wait3A_417 = arith.constant 0 : i32
        %dma_wait3A_418 = tpu.memref_slice %arg3[%add3A, %dma_wait3A_406, %dma_wait3A_417] : memref<32x82x128xi32, #tpu.memory_space<hbm>> -> memref<1x1x128xi32, #tpu.memory_space<hbm>>
        %dma_wait3A_419 = tpu.memref_squeeze %dma_wait3A_418 : memref<1x1x128xi32, #tpu.memory_space<hbm>> -> memref<128xi32, #tpu.memory_space<hbm>>
        tpu.wait_dma2 semaphore(%arg14 : memref<!tpu.dma_semaphore, #tpu.memory_space<semaphore_mem>>) src(%dma_wait3A_419 : memref<128xi32, #tpu.memory_space<hbm>>) dst(%dma_wait3A_416 : memref<128xi32, #tpu.memory_space<vmem>>)
        %dma_wait3A_420 = arith.constant 0 : i32
        %dma_wait3A_421 = arith.constant 0 : i32
        %dma_wait3A_422 = arith.constant 0 : i32
        %dma_wait3A_423 = tpu.memref_slice %arg10[%dma_wait3A_421, %dma_wait3A_422] : memref<2x128xf32, #tpu.memory_space<vmem>> -> memref<1x128xf32, #tpu.memory_space<vmem>>
        %dma_wait3A_424 = tpu.memref_squeeze %dma_wait3A_423 : memref<1x128xf32, #tpu.memory_space<vmem>> -> memref<128xf32, #tpu.memory_space<vmem>>
        %dma_wait3A_425 = arith.constant 0 : i32
        %dma_wait3A_426 = tpu.memref_slice %arg4[%add3A, %dma_wait3A_420, %dma_wait3A_425] : memref<32x82x128xf32, #tpu.memory_space<hbm>> -> memref<1x1x128xf32, #tpu.memory_space<hbm>>
        %dma_wait3A_427 = tpu.memref_squeeze %dma_wait3A_426 : memref<1x1x128xf32, #tpu.memory_space<hbm>> -> memref<128xf32, #tpu.memory_space<hbm>>
        %dma_wait3A_428 = arith.constant 0 : i32
        %dma_wait3A_429 = tpu.memref_slice %arg10[%dma_wait3A_421, %dma_wait3A_428] : memref<2x128xf32, #tpu.memory_space<vmem>> -> memref<1x128xf32, #tpu.memory_space<vmem>>
        %dma_wait3A_430 = tpu.memref_squeeze %dma_wait3A_429 : memref<1x128xf32, #tpu.memory_space<vmem>> -> memref<128xf32, #tpu.memory_space<vmem>>
        %dma_wait3A_431 = arith.constant 0 : i32
        %dma_wait3A_432 = tpu.memref_slice %arg4[%add3A, %dma_wait3A_420, %dma_wait3A_431] : memref<32x82x128xf32, #tpu.memory_space<hbm>> -> memref<1x1x128xf32, #tpu.memory_space<hbm>>
        %dma_wait3A_433 = tpu.memref_squeeze %dma_wait3A_432 : memref<1x1x128xf32, #tpu.memory_space<hbm>> -> memref<128xf32, #tpu.memory_space<hbm>>
        tpu.wait_dma2 semaphore(%arg14 : memref<!tpu.dma_semaphore, #tpu.memory_space<semaphore_mem>>) src(%dma_wait3A_433 : memref<128xf32, #tpu.memory_space<hbm>>) dst(%dma_wait3A_430 : memref<128xf32, #tpu.memory_space<vmem>>)
        %dma_start3A_434 = arith.constant 0 : i32
        %dma_start3A_435 = arith.constant 0 : i32
        %dma_start3A_436 = tpu.memref_slice %arg7[%dma_start3A_434, %dma_start3A_435] : memref<2x128xi32, #tpu.memory_space<vmem>> -> memref<1x128xi32, #tpu.memory_space<vmem>>
        %dma_start3A_437 = tpu.memref_squeeze %dma_start3A_436 : memref<1x128xi32, #tpu.memory_space<vmem>> -> memref<128xi32, #tpu.memory_space<vmem>>
        %dma_start3A_438 = arith.constant 0 : i32
        %dma_start3A_439 = arith.constant 0 : i32
        %dma_start3A_440 = tpu.memref_slice %arg5[%dma_start3A_438, %dma_start3A_439] : memref<10240x128xf32, #tpu.memory_space<hbm>> -> memref<10240x128xf32, #tpu.memory_space<hbm>>
        tpu.enqueue_indirect_dma source(%dma_start3A_440 : memref<10240x128xf32, #tpu.memory_space<hbm>>) target(%arg11 : memref<128x128xf32, #tpu.memory_space<vmem>>) offsets(%dma_start3A_437 : memref<128xi32, #tpu.memory_space<vmem>>) semaphore(%arg15 : memref<!tpu.dma_semaphore, #tpu.memory_space<semaphore_mem>>)
      } else {
      }
      %broadcast_in_dim3A_368 = arith.constant 1 : i32
      %broadcast_in_dim3A_369 = vector.broadcast %broadcast_in_dim3A_368 : i32 to vector<16xi32>
      %scan3A_370 = arith.constant 0 : i32
      %scan3A_371 = arith.constant 0 : i32
      %scan3A_372 = arith.constant 128 : i32
      %scan3A_373 = arith.addi %scan3A_371, %scan3A_372 : i32
      %scan3A_374 = arith.constant 1 : i32
      %scan3A_375 = scf.for %scan3A_392 = %scan3A_371 to %scan3A_373 step %scan3A_374 iter_args(%scan3A_393 = %scan3A_370) -> (i32)  : i32 {
        %broadcast_in_dim3A_394 = vector.broadcast %scan3A_392 : i32 to vector<16xi32>
        %gather3A = tpu.vector_load_idx %arg10[%broadcast_in_dim3A_369, %broadcast_in_dim3A_394] : memref<2x128xf32, #tpu.memory_space<vmem>>[vector<16xi32>, vector<16xi32>], vector<16xf32>,
        %get3A_395 = arith.index_cast %scan3A_392 : i32 to index
        %get3A_396 = arith.constant 0 : index
        %get3A_397 = tpu.vector_load %arg12[%get3A_395, %get3A_396] {strides = array<i32>} : memref<128x128xf32, #tpu.memory_space<vmem>>, vector<16xf32>,
        %mul3A_398 = arith.mulf %get3A_397, %gather3A : vector<16xf32>
        %swap3A_399 = arith.index_cast %scan3A_392 : i32 to index
        %swap3A_400 = arith.constant 0 : index
        %swap3A_401 = tpu.vector_load %arg12[%swap3A_399, %swap3A_400] {strides = array<i32>} : memref<128x128xf32, #tpu.memory_space<vmem>>, vector<16xf32>,
        tpu.vector_store %arg12[%swap3A_399, %swap3A_400], %mul3A_398 {strides = array<i32>} : memref<128x128xf32, #tpu.memory_space<vmem>>, vector<16xf32>,
        %get3A_402 = arith.index_cast %scan3A_392 : i32 to index
        %get3A_403 = arith.constant 16 : index
        %get3A_404 = tpu.vector_load %arg12[%get3A_402, %get3A_403] {strides = array<i32>} : memref<128x128xf32, #tpu.memory_space<vmem>>, vector<16xf32>,
        %mul3A_405 = arith.mulf %get3A_404, %gather3A : vector<16xf32>
        %swap3A_406 = arith.index_cast %scan3A_392 : i32 to index
        %swap3A_407 = arith.constant 16 : index
        %swap3A_408 = tpu.vector_load %arg12[%swap3A_406, %swap3A_407] {strides = array<i32>} : memref<128x128xf32, #tpu.memory_space<vmem>>, vector<16xf32>,
        tpu.vector_store %arg12[%swap3A_406, %swap3A_407], %mul3A_405 {strides = array<i32>} : memref<128x128xf32, #tpu.memory_space<vmem>>, vector<16xf32>,
        %get3A_409 = arith.index_cast %scan3A_392 : i32 to index
        %get3A_410 = arith.constant 32 : index
        %get3A_411 = tpu.vector_load %arg12[%get3A_409, %get3A_410] {strides = array<i32>} : memref<128x128xf32, #tpu.memory_space<vmem>>, vector<16xf32>,
        %mul3A_412 = arith.mulf %get3A_411, %gather3A : vector<16xf32>
        %swap3A_413 = arith.index_cast %scan3A_392 : i32 to index
        %swap3A_414 = arith.constant 32 : index
        %swap3A_415 = tpu.vector_load %arg12[%swap3A_413, %swap3A_414] {strides = array<i32>} : memref<128x128xf32, #tpu.memory_space<vmem>>, vector<16xf32>,
        tpu.vector_store %arg12[%swap3A_413, %swap3A_414], %mul3A_412 {strides = array<i32>} : memref<128x128xf32, #tpu.memory_space<vmem>>, vector<16xf32>,
        %get3A_416 = arith.index_cast %scan3A_392 : i32 to index
        %get3A_417 = arith.constant 48 : index
        %get3A_418 = tpu.vector_load %arg12[%get3A_416, %get3A_417] {strides = array<i32>} : memref<128x128xf32, #tpu.memory_space<vmem>>, vector<16xf32>,
        %mul3A_419 = arith.mulf %get3A_418, %gather3A : vector<16xf32>
        %swap3A_420 = arith.index_cast %scan3A_392 : i32 to index
        %swap3A_421 = arith.constant 48 : index
        %swap3A_422 = tpu.vector_load %arg12[%swap3A_420, %swap3A_421] {strides = array<i32>} : memref<128x128xf32, #tpu.memory_space<vmem>>, vector<16xf32>,
        tpu.vector_store %arg12[%swap3A_420, %swap3A_421], %mul3A_419 {strides = array<i32>} : memref<128x128xf32, #tpu.memory_space<vmem>>, vector<16xf32>,
        %get3A_423 = arith.index_cast %scan3A_392 : i32 to index
        %get3A_424 = arith.constant 64 : index
        %get3A_425 = tpu.vector_load %arg12[%get3A_423, %get3A_424] {strides = array<i32>} : memref<128x128xf32, #tpu.memory_space<vmem>>, vector<16xf32>,
        %mul3A_426 = arith.mulf %get3A_425, %gather3A : vector<16xf32>
        %swap3A_427 = arith.index_cast %scan3A_392 : i32 to index
        %swap3A_428 = arith.constant 64 : index
        %swap3A_429 = tpu.vector_load %arg12[%swap3A_427, %swap3A_428] {strides = array<i32>} : memref<128x128xf32, #tpu.memory_space<vmem>>, vector<16xf32>,
        tpu.vector_store %arg12[%swap3A_427, %swap3A_428], %mul3A_426 {strides = array<i32>} : memref<128x128xf32, #tpu.memory_space<vmem>>, vector<16xf32>,
        %get3A_430 = arith.index_cast %scan3A_392 : i32 to index
        %get3A_431 = arith.constant 80 : index
        %get3A_432 = tpu.vector_load %arg12[%get3A_430, %get3A_431] {strides = array<i32>} : memref<128x128xf32, #tpu.memory_space<vmem>>, vector<16xf32>,
        %mul3A_433 = arith.mulf %get3A_432, %gather3A : vector<16xf32>
        %swap3A_434 = arith.index_cast %scan3A_392 : i32 to index
        %swap3A_435 = arith.constant 80 : index
        %swap3A_436 = tpu.vector_load %arg12[%swap3A_434, %swap3A_435] {strides = array<i32>} : memref<128x128xf32, #tpu.memory_space<vmem>>, vector<16xf32>,
        tpu.vector_store %arg12[%swap3A_434, %swap3A_435], %mul3A_433 {strides = array<i32>} : memref<128x128xf32, #tpu.memory_space<vmem>>, vector<16xf32>,
        %get3A_437 = arith.index_cast %scan3A_392 : i32 to index
        %get3A_438 = arith.constant 96 : index
        %get3A_439 = tpu.vector_load %arg12[%get3A_437, %get3A_438] {strides = array<i32>} : memref<128x128xf32, #tpu.memory_space<vmem>>, vector<16xf32>,
        %mul3A_440 = arith.mulf %get3A_439, %gather3A : vector<16xf32>
        %swap3A_441 = arith.index_cast %scan3A_392 : i32 to index
        %swap3A_442 = arith.constant 96 : index
        %swap3A_443 = tpu.vector_load %arg12[%swap3A_441, %swap3A_442] {strides = array<i32>} : memref<128x128xf32, #tpu.memory_space<vmem>>, vector<16xf32>,
        tpu.vector_store %arg12[%swap3A_441, %swap3A_442], %mul3A_440 {strides = array<i32>} : memref<128x128xf32, #tpu.memory_space<vmem>>, vector<16xf32>,
        %get3A_444 = arith.index_cast %scan3A_392 : i32 to index
        %get3A_445 = arith.constant 112 : index
        %get3A_446 = tpu.vector_load %arg12[%get3A_444, %get3A_445] {strides = array<i32>} : memref<128x128xf32, #tpu.memory_space<vmem>>, vector<16xf32>,
        %mul3A_447 = arith.mulf %get3A_446, %gather3A : vector<16xf32>
        %swap3A_448 = arith.index_cast %scan3A_392 : i32 to index
        %swap3A_449 = arith.constant 112 : index
        %swap3A_450 = tpu.vector_load %arg12[%swap3A_448, %swap3A_449] {strides = array<i32>} : memref<128x128xf32, #tpu.memory_space<vmem>>, vector<16xf32>,
        tpu.vector_store %arg12[%swap3A_448, %swap3A_449], %mul3A_447 {strides = array<i32>} : memref<128x128xf32, #tpu.memory_space<vmem>>, vector<16xf32>,
        %scan3A_451 = arith.constant 0 : i32
        scf.yield %scan3A_451 : i32
      }
      %scan3A_376 = arith.constant 128 : i32
      %add3A_377 = arith.constant 2 : i32
      %add3A_378 = arith.addi %add3A_284, %add3A_377 : i32
      %lt3A_379 = arith.constant 82 : i32
      %lt3A_380 = arith.cmpi slt, %add3A_378, %lt3A_379 : i32
      %convert_element_type3A_381 = arith.extui %lt3A_380 : i1 to i32
      %cond3A_382 = arith.constant 0 : i32
      %cond3A_383 = arith.cmpi ne, %convert_element_type3A_381, %cond3A_382 : i32
      scf.if %cond3A_383 {
        %add3A_392 = arith.constant 2 : i32
        %add3A_393 = arith.addi %add3A_284, %add3A_392 : i32
        %dma_start3A_394 = arith.constant 1 : i32
        %dma_start3A_395 = arith.constant 0 : i32
        %dma_start3A_396 = tpu.memref_slice %arg7[%dma_start3A_394, %dma_start3A_395] : memref<2x128xi32, #tpu.memory_space<vmem>> -> memref<1x128xi32, #tpu.memory_space<vmem>>
        %dma_start3A_397 = tpu.memref_squeeze %dma_start3A_396 : memref<1x128xi32, #tpu.memory_space<vmem>> -> memref<128xi32, #tpu.memory_space<vmem>>
        %dma_start3A_398 = arith.constant 0 : i32
        %dma_start3A_399 = tpu.memref_slice %arg2[%add3A, %add3A_393, %dma_start3A_398] : memref<32x82x128xi32, #tpu.memory_space<hbm>> -> memref<1x1x128xi32, #tpu.memory_space<hbm>>
        %dma_start3A_400 = tpu.memref_squeeze %dma_start3A_399 : memref<1x1x128xi32, #tpu.memory_space<hbm>> -> memref<128xi32, #tpu.memory_space<hbm>>
        %dma_start3A_401 = arith.constant 0 : i32
        %dma_start3A_402 = tpu.memref_slice %arg7[%dma_start3A_394, %dma_start3A_401] : memref<2x128xi32, #tpu.memory_space<vmem>> -> memref<1x128xi32, #tpu.memory_space<vmem>>
        %dma_start3A_403 = tpu.memref_squeeze %dma_start3A_402 : memref<1x128xi32, #tpu.memory_space<vmem>> -> memref<128xi32, #tpu.memory_space<vmem>>
        %dma_start3A_404 = arith.constant 0 : i32
        %dma_start3A_405 = tpu.memref_slice %arg2[%add3A, %add3A_393, %dma_start3A_404] : memref<32x82x128xi32, #tpu.memory_space<hbm>> -> memref<1x1x128xi32, #tpu.memory_space<hbm>>
        %dma_start3A_406 = tpu.memref_squeeze %dma_start3A_405 : memref<1x1x128xi32, #tpu.memory_space<hbm>> -> memref<128xi32, #tpu.memory_space<hbm>>
        tpu.enqueue_dma source(%dma_start3A_406 : memref<128xi32, #tpu.memory_space<hbm>>) target(%dma_start3A_403 : memref<128xi32, #tpu.memory_space<vmem>>) target_semaphore(%arg14 : memref<!tpu.dma_semaphore, #tpu.memory_space<semaphore_mem>>)
        %dma_start3A_407 = arith.constant 1 : i32
        %dma_start3A_408 = arith.constant 0 : i32
        %dma_start3A_409 = tpu.memref_slice %arg8[%dma_start3A_407, %dma_start3A_408] : memref<2x128xi32, #tpu.memory_space<vmem>> -> memref<1x128xi32, #tpu.memory_space<vmem>>
        %dma_start3A_410 = tpu.memref_squeeze %dma_start3A_409 : memref<1x128xi32, #tpu.memory_space<vmem>> -> memref<128xi32, #tpu.memory_space<vmem>>
        %dma_start3A_411 = arith.constant 0 : i32
        %dma_start3A_412 = tpu.memref_slice %arg3[%add3A, %add3A_393, %dma_start3A_411] : memref<32x82x128xi32, #tpu.memory_space<hbm>> -> memref<1x1x128xi32, #tpu.memory_space<hbm>>
        %dma_start3A_413 = tpu.memref_squeeze %dma_start3A_412 : memref<1x1x128xi32, #tpu.memory_space<hbm>> -> memref<128xi32, #tpu.memory_space<hbm>>
        %dma_start3A_414 = arith.constant 0 : i32
        %dma_start3A_415 = tpu.memref_slice %arg8[%dma_start3A_407, %dma_start3A_414] : memref<2x128xi32, #tpu.memory_space<vmem>> -> memref<1x128xi32, #tpu.memory_space<vmem>>
        %dma_start3A_416 = tpu.memref_squeeze %dma_start3A_415 : memref<1x128xi32, #tpu.memory_space<vmem>> -> memref<128xi32, #tpu.memory_space<vmem>>
        %dma_start3A_417 = arith.constant 0 : i32
        %dma_start3A_418 = tpu.memref_slice %arg3[%add3A, %add3A_393, %dma_start3A_417] : memref<32x82x128xi32, #tpu.memory_space<hbm>> -> memref<1x1x128xi32, #tpu.memory_space<hbm>>
        %dma_start3A_419 = tpu.memref_squeeze %dma_start3A_418 : memref<1x1x128xi32, #tpu.memory_space<hbm>> -> memref<128xi32, #tpu.memory_space<hbm>>
        tpu.enqueue_dma source(%dma_start3A_419 : memref<128xi32, #tpu.memory_space<hbm>>) target(%dma_start3A_416 : memref<128xi32, #tpu.memory_space<vmem>>) target_semaphore(%arg14 : memref<!tpu.dma_semaphore, #tpu.memory_space<semaphore_mem>>)
        %dma_start3A_420 = arith.constant 1 : i32
        %dma_start3A_421 = arith.constant 0 : i32
        %dma_start3A_422 = tpu.memref_slice %arg10[%dma_start3A_420, %dma_start3A_421] : memref<2x128xf32, #tpu.memory_space<vmem>> -> memref<1x128xf32, #tpu.memory_space<vmem>>
        %dma_start3A_423 = tpu.memref_squeeze %dma_start3A_422 : memref<1x128xf32, #tpu.memory_space<vmem>> -> memref<128xf32, #tpu.memory_space<vmem>>
        %dma_start3A_424 = arith.constant 0 : i32
        %dma_start3A_425 = tpu.memref_slice %arg4[%add3A, %add3A_393, %dma_start3A_424] : memref<32x82x128xf32, #tpu.memory_space<hbm>> -> memref<1x1x128xf32, #tpu.memory_space<hbm>>
        %dma_start3A_426 = tpu.memref_squeeze %dma_start3A_425 : memref<1x1x128xf32, #tpu.memory_space<hbm>> -> memref<128xf32, #tpu.memory_space<hbm>>
        %dma_start3A_427 = arith.constant 0 : i32
        %dma_start3A_428 = tpu.memref_slice %arg10[%dma_start3A_420, %dma_start3A_427] : memref<2x128xf32, #tpu.memory_space<vmem>> -> memref<1x128xf32, #tpu.memory_space<vmem>>
        %dma_start3A_429 = tpu.memref_squeeze %dma_start3A_428 : memref<1x128xf32, #tpu.memory_space<vmem>> -> memref<128xf32, #tpu.memory_space<vmem>>
        %dma_start3A_430 = arith.constant 0 : i32
        %dma_start3A_431 = tpu.memref_slice %arg4[%add3A, %add3A_393, %dma_start3A_430] : memref<32x82x128xf32, #tpu.memory_space<hbm>> -> memref<1x1x128xf32, #tpu.memory_space<hbm>>
        %dma_start3A_432 = tpu.memref_squeeze %dma_start3A_431 : memref<1x1x128xf32, #tpu.memory_space<hbm>> -> memref<128xf32, #tpu.memory_space<hbm>>
        tpu.enqueue_dma source(%dma_start3A_432 : memref<128xf32, #tpu.memory_space<hbm>>) target(%dma_start3A_429 : memref<128xf32, #tpu.memory_space<vmem>>) target_semaphore(%arg14 : memref<!tpu.dma_semaphore, #tpu.memory_space<semaphore_mem>>)
      } else {
      }
      %dma_start3A_384 = arith.constant 1 : i32
      %dma_start3A_385 = arith.constant 0 : i32
      %dma_start3A_386 = tpu.memref_slice %arg9[%dma_start3A_384, %dma_start3A_385] : memref<2x128xi32, #tpu.memory_space<vmem>> -> memref<1x128xi32, #tpu.memory_space<vmem>>
      %dma_start3A_387 = tpu.memref_squeeze %dma_start3A_386 : memref<1x128xi32, #tpu.memory_space<vmem>> -> memref<128xi32, #tpu.memory_space<vmem>>
      %dma_start3A_388 = arith.constant 0 : i32
      %dma_start3A_389 = arith.constant 0 : i32
      %dma_start3A_390 = tpu.memref_slice %arg13[%dma_start3A_388, %dma_start3A_389] : memref<10240x128xf32, #tpu.memory_space<vmem_shared>> -> memref<10240x128xf32, #tpu.memory_space<vmem_shared>>
      tpu.enqueue_indirect_dma source(%arg12 : memref<128x128xf32, #tpu.memory_space<vmem>>) target(%dma_start3A_390 : memref<10240x128xf32, #tpu.memory_space<vmem_shared>>) offsets(%dma_start3A_387 : memref<128xi32, #tpu.memory_space<vmem>>) semaphore(%arg16 : memref<!tpu.dma_semaphore, #tpu.memory_space<semaphore_mem>>) {add = true}
      %scan3A_391 = arith.constant 0 : i32
      scf.yield %scan3A_391 : i32
    }
    %scan3A_167 = arith.constant 41 : i32
    %dma_wait3A_168 = arith.constant 0 : i32
    %dma_wait3A_169 = arith.constant 0 : i32
    %dma_wait3A_170 = tpu.memref_slice %arg5[%dma_wait3A_168, %dma_wait3A_169] : memref<10240x128xf32, #tpu.memory_space<hbm>> -> memref<128x128xf32, #tpu.memory_space<hbm>>
    %dma_wait3A_171 = arith.constant 0 : i32
    %dma_wait3A_172 = arith.constant 0 : i32
    %dma_wait3A_173 = tpu.memref_slice %arg5[%dma_wait3A_171, %dma_wait3A_172] : memref<10240x128xf32, #tpu.memory_space<hbm>> -> memref<128x128xf32, #tpu.memory_space<hbm>>
    tpu.wait_dma2 semaphore(%arg16 : memref<!tpu.dma_semaphore, #tpu.memory_space<semaphore_mem>>) src(%dma_wait3A_173 : memref<128x128xf32, #tpu.memory_space<hbm>>) dst(%arg12 : memref<128x128xf32, #tpu.memory_space<vmem>>)
    %barrier3A_174 = arith.constant 0 : index
    tpu.barrier barrier_id(%barrier3A_174)
    "tpu.region"() ({
      %run_scoped3A = tpu.sem_alloc : memref<!tpu.dma_semaphore, #tpu.memory_space<semaphore_mem>>
      %dma_start3A_175 = arith.constant 0 : i32
      %dma_start3A_176 = tpu.memref_slice %arg6[%arg0, %mul3A_2, %dma_start3A_175] : memref<2x10240x128xf32, #tpu.memory_space<hbm>> -> memref<1x640x128xf32, #tpu.memory_space<hbm>>
      %dma_start3A_177 = tpu.memref_squeeze %dma_start3A_176 : memref<1x640x128xf32, #tpu.memory_space<hbm>> -> memref<640x128xf32, #tpu.memory_space<hbm>>
      %dma_start3A_178 = arith.constant 0 : i32
      %dma_start3A_179 = tpu.memref_slice %arg13[%mul3A_2, %dma_start3A_178] : memref<10240x128xf32, #tpu.memory_space<vmem_shared>> -> memref<640x128xf32, #tpu.memory_space<vmem_shared>>
      tpu.enqueue_dma source(%dma_start3A_179 : memref<640x128xf32, #tpu.memory_space<vmem_shared>>) target(%dma_start3A_177 : memref<640x128xf32, #tpu.memory_space<hbm>>) target_semaphore(%run_scoped3A : memref<!tpu.dma_semaphore, #tpu.memory_space<semaphore_mem>>)
      %dma_wait3A_180 = arith.constant 0 : i32
      %dma_wait3A_181 = tpu.memref_slice %arg6[%arg0, %mul3A_2, %dma_wait3A_180] : memref<2x10240x128xf32, #tpu.memory_space<hbm>> -> memref<1x640x128xf32, #tpu.memory_space<hbm>>
      %dma_wait3A_182 = tpu.memref_squeeze %dma_wait3A_181 : memref<1x640x128xf32, #tpu.memory_space<hbm>> -> memref<640x128xf32, #tpu.memory_space<hbm>>
      %dma_wait3A_183 = arith.constant 0 : i32
      %dma_wait3A_184 = tpu.memref_slice %arg13[%mul3A_2, %dma_wait3A_183] : memref<10240x128xf32, #tpu.memory_space<vmem_shared>> -> memref<640x128xf32, #tpu.memory_space<vmem_shared>>
      tpu.wait_dma2 semaphore(%run_scoped3A : memref<!tpu.dma_semaphore, #tpu.memory_space<semaphore_mem>>) src(%dma_wait3A_184 : memref<640x128xf32, #tpu.memory_space<vmem_shared>>) dst(%dma_wait3A_182 : memref<640x128xf32, #tpu.memory_space<hbm>>)
      tpu.yield
    }) : () -> ()
    return
  }
}

#map = affine_map<(d0, d1) -> (0, 0, 0)>
#map1 = affine_map<(d0, d1) -> (0)>
#map2 = affine_map<(d0, d1) -> (0, 0)>
module attributes {stable_mosaic.version = 14 : i64} {
  func.func @fused(%arg0: i32, %arg1: i32, %arg2: memref<32x82x128xi32, #tpu.memory_space<hbm>>, %arg3: memref<32x82x128xi32, #tpu.memory_space<hbm>>, %arg4: memref<10240xf32, #tpu.memory_space<hbm>>, %arg5: memref<10240xf32, #tpu.memory_space<hbm>>, %arg6: memref<2x128xf32, #tpu.memory_space<hbm>>, %arg7: memref<10240x64xf32, #tpu.memory_space<hbm>>, %arg8: memref<2x10240xf32, #tpu.memory_space<hbm>>, %arg9: memref<2x10240x64xf32, #tpu.memory_space<hbm>>, %arg10: memref<82x128xi32, #tpu.memory_space<vmem>>, %arg11: memref<82x128xi32, #tpu.memory_space<vmem>>, %arg12: memref<10240xf32, #tpu.memory_space<vmem>>, %arg13: memref<10240xf32, #tpu.memory_space<vmem>>, %arg14: memref<128xf32, #tpu.memory_space<vmem>>, %arg15: memref<640xf32, #tpu.memory_space<vmem>>, %arg16: memref<2x128xf32, #tpu.memory_space<vmem>>, %arg17: memref<128x64xf32, #tpu.memory_space<vmem>>, %arg18: memref<128x64xf32, #tpu.memory_space<vmem>>, %arg19: memref<10240xf32, #tpu.memory_space<vmem_shared>>, %arg20: memref<10240x64xf32, #tpu.memory_space<vmem_shared>>, %arg21: memref<!tpu.dma_semaphore, #tpu.memory_space<semaphore_mem>>, %arg22: memref<!tpu.dma_semaphore, #tpu.memory_space<semaphore_mem>>) attributes {dimension_semantics = [#tpu.dimension_semantics<core_parallel>, #tpu.dimension_semantics<subcore_parallel>], iteration_bounds = array<i64: 2, 16>, scalar_prefetch = 0 : i64, scratch_operands = 13 : i64, tpu.core_type = #tpu.core_type<sc_vector_subcore>, window_params = [{transform_indices = #map}, {transform_indices = #map}, {transform_indices = #map1}, {transform_indices = #map1}, {transform_indices = #map2}, {transform_indices = #map2}, {transform_indices = #map2}, {transform_indices = #map}]} {
    %mul3A = arith.constant 2 : i32
    %mul3A_0 = arith.muli %arg1, %mul3A : i32
    %add3A = arith.addi %mul3A_0, %arg0 : i32
    %mul3A_1 = arith.constant 640 : i32
    %mul3A_2 = arith.muli %arg1, %mul3A_1 : i32
    "tpu.region"() ({
      %run_scoped3A = tpu.sem_alloc : memref<!tpu.dma_semaphore, #tpu.memory_space<semaphore_mem>>
      %dma_start3A_67 = arith.constant 0 : i32
      %dma_start3A_68 = arith.constant 0 : i32
      %dma_start3A_69 = tpu.memref_slice %arg2[%add3A, %dma_start3A_67, %dma_start3A_68] : memref<32x82x128xi32, #tpu.memory_space<hbm>> -> memref<1x82x128xi32, #tpu.memory_space<hbm>>
      %dma_start3A_70 = tpu.memref_squeeze %dma_start3A_69 : memref<1x82x128xi32, #tpu.memory_space<hbm>> -> memref<82x128xi32, #tpu.memory_space<hbm>>
      %dma_start3A_71 = arith.constant 0 : i32
      %dma_start3A_72 = arith.constant 0 : i32
      %dma_start3A_73 = tpu.memref_slice %arg2[%add3A, %dma_start3A_71, %dma_start3A_72] : memref<32x82x128xi32, #tpu.memory_space<hbm>> -> memref<1x82x128xi32, #tpu.memory_space<hbm>>
      %dma_start3A_74 = tpu.memref_squeeze %dma_start3A_73 : memref<1x82x128xi32, #tpu.memory_space<hbm>> -> memref<82x128xi32, #tpu.memory_space<hbm>>
      tpu.enqueue_dma source(%dma_start3A_74 : memref<82x128xi32, #tpu.memory_space<hbm>>) target(%arg10 : memref<82x128xi32, #tpu.memory_space<vmem>>) target_semaphore(%run_scoped3A : memref<!tpu.dma_semaphore, #tpu.memory_space<semaphore_mem>>)
      %dma_wait3A_75 = arith.constant 0 : i32
      %dma_wait3A_76 = arith.constant 0 : i32
      %dma_wait3A_77 = tpu.memref_slice %arg2[%add3A, %dma_wait3A_75, %dma_wait3A_76] : memref<32x82x128xi32, #tpu.memory_space<hbm>> -> memref<1x82x128xi32, #tpu.memory_space<hbm>>
      %dma_wait3A_78 = tpu.memref_squeeze %dma_wait3A_77 : memref<1x82x128xi32, #tpu.memory_space<hbm>> -> memref<82x128xi32, #tpu.memory_space<hbm>>
      %dma_wait3A_79 = arith.constant 0 : i32
      %dma_wait3A_80 = arith.constant 0 : i32
      %dma_wait3A_81 = tpu.memref_slice %arg2[%add3A, %dma_wait3A_79, %dma_wait3A_80] : memref<32x82x128xi32, #tpu.memory_space<hbm>> -> memref<1x82x128xi32, #tpu.memory_space<hbm>>
      %dma_wait3A_82 = tpu.memref_squeeze %dma_wait3A_81 : memref<1x82x128xi32, #tpu.memory_space<hbm>> -> memref<82x128xi32, #tpu.memory_space<hbm>>
      tpu.wait_dma2 semaphore(%run_scoped3A : memref<!tpu.dma_semaphore, #tpu.memory_space<semaphore_mem>>) src(%dma_wait3A_82 : memref<82x128xi32, #tpu.memory_space<hbm>>) dst(%arg10 : memref<82x128xi32, #tpu.memory_space<vmem>>)
      tpu.yield
    }) : () -> ()
    "tpu.region"() ({
      %run_scoped3A = tpu.sem_alloc : memref<!tpu.dma_semaphore, #tpu.memory_space<semaphore_mem>>
      %dma_start3A_67 = arith.constant 0 : i32
      %dma_start3A_68 = arith.constant 0 : i32
      %dma_start3A_69 = tpu.memref_slice %arg3[%add3A, %dma_start3A_67, %dma_start3A_68] : memref<32x82x128xi32, #tpu.memory_space<hbm>> -> memref<1x82x128xi32, #tpu.memory_space<hbm>>
      %dma_start3A_70 = tpu.memref_squeeze %dma_start3A_69 : memref<1x82x128xi32, #tpu.memory_space<hbm>> -> memref<82x128xi32, #tpu.memory_space<hbm>>
      %dma_start3A_71 = arith.constant 0 : i32
      %dma_start3A_72 = arith.constant 0 : i32
      %dma_start3A_73 = tpu.memref_slice %arg3[%add3A, %dma_start3A_71, %dma_start3A_72] : memref<32x82x128xi32, #tpu.memory_space<hbm>> -> memref<1x82x128xi32, #tpu.memory_space<hbm>>
      %dma_start3A_74 = tpu.memref_squeeze %dma_start3A_73 : memref<1x82x128xi32, #tpu.memory_space<hbm>> -> memref<82x128xi32, #tpu.memory_space<hbm>>
      tpu.enqueue_dma source(%dma_start3A_74 : memref<82x128xi32, #tpu.memory_space<hbm>>) target(%arg11 : memref<82x128xi32, #tpu.memory_space<vmem>>) target_semaphore(%run_scoped3A : memref<!tpu.dma_semaphore, #tpu.memory_space<semaphore_mem>>)
      %dma_wait3A_75 = arith.constant 0 : i32
      %dma_wait3A_76 = arith.constant 0 : i32
      %dma_wait3A_77 = tpu.memref_slice %arg3[%add3A, %dma_wait3A_75, %dma_wait3A_76] : memref<32x82x128xi32, #tpu.memory_space<hbm>> -> memref<1x82x128xi32, #tpu.memory_space<hbm>>
      %dma_wait3A_78 = tpu.memref_squeeze %dma_wait3A_77 : memref<1x82x128xi32, #tpu.memory_space<hbm>> -> memref<82x128xi32, #tpu.memory_space<hbm>>
      %dma_wait3A_79 = arith.constant 0 : i32
      %dma_wait3A_80 = arith.constant 0 : i32
      %dma_wait3A_81 = tpu.memref_slice %arg3[%add3A, %dma_wait3A_79, %dma_wait3A_80] : memref<32x82x128xi32, #tpu.memory_space<hbm>> -> memref<1x82x128xi32, #tpu.memory_space<hbm>>
      %dma_wait3A_82 = tpu.memref_squeeze %dma_wait3A_81 : memref<1x82x128xi32, #tpu.memory_space<hbm>> -> memref<82x128xi32, #tpu.memory_space<hbm>>
      tpu.wait_dma2 semaphore(%run_scoped3A : memref<!tpu.dma_semaphore, #tpu.memory_space<semaphore_mem>>) src(%dma_wait3A_82 : memref<82x128xi32, #tpu.memory_space<hbm>>) dst(%arg11 : memref<82x128xi32, #tpu.memory_space<vmem>>)
      tpu.yield
    }) : () -> ()
    "tpu.region"() ({
      %run_scoped3A = tpu.sem_alloc : memref<!tpu.dma_semaphore, #tpu.memory_space<semaphore_mem>>
      tpu.enqueue_dma source(%arg4 : memref<10240xf32, #tpu.memory_space<hbm>>) target(%arg12 : memref<10240xf32, #tpu.memory_space<vmem>>) target_semaphore(%run_scoped3A : memref<!tpu.dma_semaphore, #tpu.memory_space<semaphore_mem>>)
      tpu.wait_dma2 semaphore(%run_scoped3A : memref<!tpu.dma_semaphore, #tpu.memory_space<semaphore_mem>>) src(%arg4 : memref<10240xf32, #tpu.memory_space<hbm>>) dst(%arg12 : memref<10240xf32, #tpu.memory_space<vmem>>)
      tpu.yield
    }) : () -> ()
    "tpu.region"() ({
      %run_scoped3A = tpu.sem_alloc : memref<!tpu.dma_semaphore, #tpu.memory_space<semaphore_mem>>
      tpu.enqueue_dma source(%arg5 : memref<10240xf32, #tpu.memory_space<hbm>>) target(%arg13 : memref<10240xf32, #tpu.memory_space<vmem>>) target_semaphore(%run_scoped3A : memref<!tpu.dma_semaphore, #tpu.memory_space<semaphore_mem>>)
      tpu.wait_dma2 semaphore(%run_scoped3A : memref<!tpu.dma_semaphore, #tpu.memory_space<semaphore_mem>>) src(%arg5 : memref<10240xf32, #tpu.memory_space<hbm>>) dst(%arg13 : memref<10240xf32, #tpu.memory_space<vmem>>)
      tpu.yield
    }) : () -> ()
    "tpu.region"() ({
      %run_scoped3A = tpu.sem_alloc : memref<!tpu.dma_semaphore, #tpu.memory_space<semaphore_mem>>
      tpu.enqueue_dma source(%arg6 : memref<2x128xf32, #tpu.memory_space<hbm>>) target(%arg16 : memref<2x128xf32, #tpu.memory_space<vmem>>) target_semaphore(%run_scoped3A : memref<!tpu.dma_semaphore, #tpu.memory_space<semaphore_mem>>)
      tpu.wait_dma2 semaphore(%run_scoped3A : memref<!tpu.dma_semaphore, #tpu.memory_space<semaphore_mem>>) src(%arg6 : memref<2x128xf32, #tpu.memory_space<hbm>>) dst(%arg16 : memref<2x128xf32, #tpu.memory_space<vmem>>)
      tpu.yield
    }) : () -> ()
    %broadcast_in_dim3A = arith.constant 0.000000e+00 : f32
    %broadcast_in_dim3A_3 = vector.broadcast %broadcast_in_dim3A : f32 to vector<16xf32>
    %scan3A = arith.constant 0 : i32
    %scan3A_4 = arith.constant 0 : i32
    %scan3A_5 = arith.constant 40 : i32
    %scan3A_6 = arith.addi %scan3A_4, %scan3A_5 : i32
    %scan3A_7 = arith.constant 1 : i32
    %scan3A_8 = scf.for %scan3A_67 = %scan3A_4 to %scan3A_6 step %scan3A_7 iter_args(%scan3A_68 = %scan3A) -> (i32)  : i32 {
      %mul3A_69 = arith.constant 16 : i32
      %mul3A_70 = arith.muli %scan3A_67, %mul3A_69 : i32
      %swap3A = arith.index_cast %mul3A_70 : i32 to index
      %swap3A_71 = tpu.vector_load %arg15[%swap3A] {strides = array<i32>} : memref<640xf32, #tpu.memory_space<vmem>>, vector<16xf32>,
      tpu.vector_store %arg15[%swap3A], %broadcast_in_dim3A_3 {strides = array<i32>} : memref<640xf32, #tpu.memory_space<vmem>>, vector<16xf32>,
      %scan3A_72 = arith.constant 0 : i32
      scf.yield %scan3A_72 : i32
    }
    %scan3A_9 = arith.constant 40 : i32
    "tpu.region"() ({
      %run_scoped3A = tpu.sem_alloc : memref<!tpu.dma_semaphore, #tpu.memory_space<semaphore_mem>>
      %dma_start3A_67 = tpu.memref_slice %arg19[%mul3A_2] : memref<10240xf32, #tpu.memory_space<vmem_shared>> -> memref<640xf32, #tpu.memory_space<vmem_shared>>
      %dma_start3A_68 = tpu.memref_slice %arg19[%mul3A_2] : memref<10240xf32, #tpu.memory_space<vmem_shared>> -> memref<640xf32, #tpu.memory_space<vmem_shared>>
      tpu.enqueue_dma source(%arg15 : memref<640xf32, #tpu.memory_space<vmem>>) target(%dma_start3A_68 : memref<640xf32, #tpu.memory_space<vmem_shared>>) target_semaphore(%run_scoped3A : memref<!tpu.dma_semaphore, #tpu.memory_space<semaphore_mem>>)
      %dma_wait3A_69 = tpu.memref_slice %arg19[%mul3A_2] : memref<10240xf32, #tpu.memory_space<vmem_shared>> -> memref<640xf32, #tpu.memory_space<vmem_shared>>
      %dma_wait3A_70 = tpu.memref_slice %arg19[%mul3A_2] : memref<10240xf32, #tpu.memory_space<vmem_shared>> -> memref<640xf32, #tpu.memory_space<vmem_shared>>
      tpu.wait_dma2 semaphore(%run_scoped3A : memref<!tpu.dma_semaphore, #tpu.memory_space<semaphore_mem>>) src(%arg15 : memref<640xf32, #tpu.memory_space<vmem>>) dst(%dma_wait3A_70 : memref<640xf32, #tpu.memory_space<vmem_shared>>)
      tpu.yield
    }) : () -> ()
    %scan3A_10 = arith.constant 0 : i32
    %scan3A_11 = arith.constant 0 : i32
    %scan3A_12 = arith.constant 128 : i32
    %scan3A_13 = arith.addi %scan3A_11, %scan3A_12 : i32
    %scan3A_14 = arith.constant 1 : i32
    %scan3A_15 = scf.for %scan3A_67 = %scan3A_11 to %scan3A_13 step %scan3A_14 iter_args(%scan3A_68 = %scan3A_10) -> (i32)  : i32 {
      %swap3A = arith.index_cast %scan3A_67 : i32 to index
      %swap3A_69 = arith.constant 0 : index
      %swap3A_70 = tpu.vector_load %arg17[%swap3A, %swap3A_69] {strides = array<i32>} : memref<128x64xf32, #tpu.memory_space<vmem>>, vector<16xf32>,
      tpu.vector_store %arg17[%swap3A, %swap3A_69], %broadcast_in_dim3A_3 {strides = array<i32>} : memref<128x64xf32, #tpu.memory_space<vmem>>, vector<16xf32>,
      %swap3A_71 = arith.index_cast %scan3A_67 : i32 to index
      %swap3A_72 = arith.constant 16 : index
      %swap3A_73 = tpu.vector_load %arg17[%swap3A_71, %swap3A_72] {strides = array<i32>} : memref<128x64xf32, #tpu.memory_space<vmem>>, vector<16xf32>,
      tpu.vector_store %arg17[%swap3A_71, %swap3A_72], %broadcast_in_dim3A_3 {strides = array<i32>} : memref<128x64xf32, #tpu.memory_space<vmem>>, vector<16xf32>,
      %swap3A_74 = arith.index_cast %scan3A_67 : i32 to index
      %swap3A_75 = arith.constant 32 : index
      %swap3A_76 = tpu.vector_load %arg17[%swap3A_74, %swap3A_75] {strides = array<i32>} : memref<128x64xf32, #tpu.memory_space<vmem>>, vector<16xf32>,
      tpu.vector_store %arg17[%swap3A_74, %swap3A_75], %broadcast_in_dim3A_3 {strides = array<i32>} : memref<128x64xf32, #tpu.memory_space<vmem>>, vector<16xf32>,
      %swap3A_77 = arith.index_cast %scan3A_67 : i32 to index
      %swap3A_78 = arith.constant 48 : index
      %swap3A_79 = tpu.vector_load %arg17[%swap3A_77, %swap3A_78] {strides = array<i32>} : memref<128x64xf32, #tpu.memory_space<vmem>>, vector<16xf32>,
      tpu.vector_store %arg17[%swap3A_77, %swap3A_78], %broadcast_in_dim3A_3 {strides = array<i32>} : memref<128x64xf32, #tpu.memory_space<vmem>>, vector<16xf32>,
      %scan3A_80 = arith.constant 0 : i32
      scf.yield %scan3A_80 : i32
    }
    %scan3A_16 = arith.constant 128 : i32
    %mul3A_17 = arith.constant 640 : i32
    %mul3A_18 = arith.muli %arg1, %mul3A_17 : i32
    %add3A_19 = arith.constant 0 : i32
    %add3A_20 = arith.addi %mul3A_18, %add3A_19 : i32
    "tpu.region"() ({
      %run_scoped3A = tpu.sem_alloc : memref<!tpu.dma_semaphore, #tpu.memory_space<semaphore_mem>>
      %dma_start3A_67 = arith.constant 0 : i32
      %dma_start3A_68 = tpu.memref_slice %arg20[%add3A_20, %dma_start3A_67] : memref<10240x64xf32, #tpu.memory_space<vmem_shared>> -> memref<128x64xf32, #tpu.memory_space<vmem_shared>>
      %dma_start3A_69 = arith.constant 0 : i32
      %dma_start3A_70 = tpu.memref_slice %arg20[%add3A_20, %dma_start3A_69] : memref<10240x64xf32, #tpu.memory_space<vmem_shared>> -> memref<128x64xf32, #tpu.memory_space<vmem_shared>>
      tpu.enqueue_dma source(%arg17 : memref<128x64xf32, #tpu.memory_space<vmem>>) target(%dma_start3A_70 : memref<128x64xf32, #tpu.memory_space<vmem_shared>>) target_semaphore(%run_scoped3A : memref<!tpu.dma_semaphore, #tpu.memory_space<semaphore_mem>>)
      %dma_wait3A_71 = arith.constant 0 : i32
      %dma_wait3A_72 = tpu.memref_slice %arg20[%add3A_20, %dma_wait3A_71] : memref<10240x64xf32, #tpu.memory_space<vmem_shared>> -> memref<128x64xf32, #tpu.memory_space<vmem_shared>>
      %dma_wait3A_73 = arith.constant 0 : i32
      %dma_wait3A_74 = tpu.memref_slice %arg20[%add3A_20, %dma_wait3A_73] : memref<10240x64xf32, #tpu.memory_space<vmem_shared>> -> memref<128x64xf32, #tpu.memory_space<vmem_shared>>
      tpu.wait_dma2 semaphore(%run_scoped3A : memref<!tpu.dma_semaphore, #tpu.memory_space<semaphore_mem>>) src(%arg17 : memref<128x64xf32, #tpu.memory_space<vmem>>) dst(%dma_wait3A_74 : memref<128x64xf32, #tpu.memory_space<vmem_shared>>)
      tpu.yield
    }) : () -> ()
    %mul3A_21 = arith.constant 640 : i32
    %mul3A_22 = arith.muli %arg1, %mul3A_21 : i32
    %add3A_23 = arith.constant 128 : i32
    %add3A_24 = arith.addi %mul3A_22, %add3A_23 : i32
    "tpu.region"() ({
      %run_scoped3A = tpu.sem_alloc : memref<!tpu.dma_semaphore, #tpu.memory_space<semaphore_mem>>
      %dma_start3A_67 = arith.constant 0 : i32
      %dma_start3A_68 = tpu.memref_slice %arg20[%add3A_24, %dma_start3A_67] : memref<10240x64xf32, #tpu.memory_space<vmem_shared>> -> memref<128x64xf32, #tpu.memory_space<vmem_shared>>
      %dma_start3A_69 = arith.constant 0 : i32
      %dma_start3A_70 = tpu.memref_slice %arg20[%add3A_24, %dma_start3A_69] : memref<10240x64xf32, #tpu.memory_space<vmem_shared>> -> memref<128x64xf32, #tpu.memory_space<vmem_shared>>
      tpu.enqueue_dma source(%arg17 : memref<128x64xf32, #tpu.memory_space<vmem>>) target(%dma_start3A_70 : memref<128x64xf32, #tpu.memory_space<vmem_shared>>) target_semaphore(%run_scoped3A : memref<!tpu.dma_semaphore, #tpu.memory_space<semaphore_mem>>)
      %dma_wait3A_71 = arith.constant 0 : i32
      %dma_wait3A_72 = tpu.memref_slice %arg20[%add3A_24, %dma_wait3A_71] : memref<10240x64xf32, #tpu.memory_space<vmem_shared>> -> memref<128x64xf32, #tpu.memory_space<vmem_shared>>
      %dma_wait3A_73 = arith.constant 0 : i32
      %dma_wait3A_74 = tpu.memref_slice %arg20[%add3A_24, %dma_wait3A_73] : memref<10240x64xf32, #tpu.memory_space<vmem_shared>> -> memref<128x64xf32, #tpu.memory_space<vmem_shared>>
      tpu.wait_dma2 semaphore(%run_scoped3A : memref<!tpu.dma_semaphore, #tpu.memory_space<semaphore_mem>>) src(%arg17 : memref<128x64xf32, #tpu.memory_space<vmem>>) dst(%dma_wait3A_74 : memref<128x64xf32, #tpu.memory_space<vmem_shared>>)
      tpu.yield
    }) : () -> ()
    %mul3A_25 = arith.constant 640 : i32
    %mul3A_26 = arith.muli %arg1, %mul3A_25 : i32
    %add3A_27 = arith.constant 256 : i32
    %add3A_28 = arith.addi %mul3A_26, %add3A_27 : i32
    "tpu.region"() ({
      %run_scoped3A = tpu.sem_alloc : memref<!tpu.dma_semaphore, #tpu.memory_space<semaphore_mem>>
      %dma_start3A_67 = arith.constant 0 : i32
      %dma_start3A_68 = tpu.memref_slice %arg20[%add3A_28, %dma_start3A_67] : memref<10240x64xf32, #tpu.memory_space<vmem_shared>> -> memref<128x64xf32, #tpu.memory_space<vmem_shared>>
      %dma_start3A_69 = arith.constant 0 : i32
      %dma_start3A_70 = tpu.memref_slice %arg20[%add3A_28, %dma_start3A_69] : memref<10240x64xf32, #tpu.memory_space<vmem_shared>> -> memref<128x64xf32, #tpu.memory_space<vmem_shared>>
      tpu.enqueue_dma source(%arg17 : memref<128x64xf32, #tpu.memory_space<vmem>>) target(%dma_start3A_70 : memref<128x64xf32, #tpu.memory_space<vmem_shared>>) target_semaphore(%run_scoped3A : memref<!tpu.dma_semaphore, #tpu.memory_space<semaphore_mem>>)
      %dma_wait3A_71 = arith.constant 0 : i32
      %dma_wait3A_72 = tpu.memref_slice %arg20[%add3A_28, %dma_wait3A_71] : memref<10240x64xf32, #tpu.memory_space<vmem_shared>> -> memref<128x64xf32, #tpu.memory_space<vmem_shared>>
      %dma_wait3A_73 = arith.constant 0 : i32
      %dma_wait3A_74 = tpu.memref_slice %arg20[%add3A_28, %dma_wait3A_73] : memref<10240x64xf32, #tpu.memory_space<vmem_shared>> -> memref<128x64xf32, #tpu.memory_space<vmem_shared>>
      tpu.wait_dma2 semaphore(%run_scoped3A : memref<!tpu.dma_semaphore, #tpu.memory_space<semaphore_mem>>) src(%arg17 : memref<128x64xf32, #tpu.memory_space<vmem>>) dst(%dma_wait3A_74 : memref<128x64xf32, #tpu.memory_space<vmem_shared>>)
      tpu.yield
    }) : () -> ()
    %mul3A_29 = arith.constant 640 : i32
    %mul3A_30 = arith.muli %arg1, %mul3A_29 : i32
    %add3A_31 = arith.constant 384 : i32
    %add3A_32 = arith.addi %mul3A_30, %add3A_31 : i32
    "tpu.region"() ({
      %run_scoped3A = tpu.sem_alloc : memref<!tpu.dma_semaphore, #tpu.memory_space<semaphore_mem>>
      %dma_start3A_67 = arith.constant 0 : i32
      %dma_start3A_68 = tpu.memref_slice %arg20[%add3A_32, %dma_start3A_67] : memref<10240x64xf32, #tpu.memory_space<vmem_shared>> -> memref<128x64xf32, #tpu.memory_space<vmem_shared>>
      %dma_start3A_69 = arith.constant 0 : i32
      %dma_start3A_70 = tpu.memref_slice %arg20[%add3A_32, %dma_start3A_69] : memref<10240x64xf32, #tpu.memory_space<vmem_shared>> -> memref<128x64xf32, #tpu.memory_space<vmem_shared>>
      tpu.enqueue_dma source(%arg17 : memref<128x64xf32, #tpu.memory_space<vmem>>) target(%dma_start3A_70 : memref<128x64xf32, #tpu.memory_space<vmem_shared>>) target_semaphore(%run_scoped3A : memref<!tpu.dma_semaphore, #tpu.memory_space<semaphore_mem>>)
      %dma_wait3A_71 = arith.constant 0 : i32
      %dma_wait3A_72 = tpu.memref_slice %arg20[%add3A_32, %dma_wait3A_71] : memref<10240x64xf32, #tpu.memory_space<vmem_shared>> -> memref<128x64xf32, #tpu.memory_space<vmem_shared>>
      %dma_wait3A_73 = arith.constant 0 : i32
      %dma_wait3A_74 = tpu.memref_slice %arg20[%add3A_32, %dma_wait3A_73] : memref<10240x64xf32, #tpu.memory_space<vmem_shared>> -> memref<128x64xf32, #tpu.memory_space<vmem_shared>>
      tpu.wait_dma2 semaphore(%run_scoped3A : memref<!tpu.dma_semaphore, #tpu.memory_space<semaphore_mem>>) src(%arg17 : memref<128x64xf32, #tpu.memory_space<vmem>>) dst(%dma_wait3A_74 : memref<128x64xf32, #tpu.memory_space<vmem_shared>>)
      tpu.yield
    }) : () -> ()
    %mul3A_33 = arith.constant 640 : i32
    %mul3A_34 = arith.muli %arg1, %mul3A_33 : i32
    %add3A_35 = arith.constant 512 : i32
    %add3A_36 = arith.addi %mul3A_34, %add3A_35 : i32
    "tpu.region"() ({
      %run_scoped3A = tpu.sem_alloc : memref<!tpu.dma_semaphore, #tpu.memory_space<semaphore_mem>>
      %dma_start3A_67 = arith.constant 0 : i32
      %dma_start3A_68 = tpu.memref_slice %arg20[%add3A_36, %dma_start3A_67] : memref<10240x64xf32, #tpu.memory_space<vmem_shared>> -> memref<128x64xf32, #tpu.memory_space<vmem_shared>>
      %dma_start3A_69 = arith.constant 0 : i32
      %dma_start3A_70 = tpu.memref_slice %arg20[%add3A_36, %dma_start3A_69] : memref<10240x64xf32, #tpu.memory_space<vmem_shared>> -> memref<128x64xf32, #tpu.memory_space<vmem_shared>>
      tpu.enqueue_dma source(%arg17 : memref<128x64xf32, #tpu.memory_space<vmem>>) target(%dma_start3A_70 : memref<128x64xf32, #tpu.memory_space<vmem_shared>>) target_semaphore(%run_scoped3A : memref<!tpu.dma_semaphore, #tpu.memory_space<semaphore_mem>>)
      %dma_wait3A_71 = arith.constant 0 : i32
      %dma_wait3A_72 = tpu.memref_slice %arg20[%add3A_36, %dma_wait3A_71] : memref<10240x64xf32, #tpu.memory_space<vmem_shared>> -> memref<128x64xf32, #tpu.memory_space<vmem_shared>>
      %dma_wait3A_73 = arith.constant 0 : i32
      %dma_wait3A_74 = tpu.memref_slice %arg20[%add3A_36, %dma_wait3A_73] : memref<10240x64xf32, #tpu.memory_space<vmem_shared>> -> memref<128x64xf32, #tpu.memory_space<vmem_shared>>
      tpu.wait_dma2 semaphore(%run_scoped3A : memref<!tpu.dma_semaphore, #tpu.memory_space<semaphore_mem>>) src(%arg17 : memref<128x64xf32, #tpu.memory_space<vmem>>) dst(%dma_wait3A_74 : memref<128x64xf32, #tpu.memory_space<vmem_shared>>)
      tpu.yield
    }) : () -> ()
    %get3A = arith.constant 0 : i32
    %get3A_37 = arith.index_cast %get3A : i32 to index
    %get3A_38 = arith.constant 0 : index
    %get3A_39 = tpu.vector_load %arg16[%get3A_37, %get3A_38] {strides = array<i32>} : memref<2x128xf32, #tpu.memory_space<vmem>>, vector<16xf32>,
    %get3A_40 = arith.constant 1 : i32
    %get3A_41 = arith.index_cast %get3A_40 : i32 to index
    %get3A_42 = arith.constant 0 : index
    %get3A_43 = tpu.vector_load %arg16[%get3A_41, %get3A_42] {strides = array<i32>} : memref<2x128xf32, #tpu.memory_space<vmem>>, vector<16xf32>,
    %add3A_44 = arith.addf %get3A_39, %get3A_43 : vector<16xf32>
    %mul3A_45 = arith.constant 2.000000e-01 : f32
    %mul3A_46 = vector.broadcast %mul3A_45 : f32 to vector<16xf32>
    %mul3A_47 = arith.mulf %mul3A_46, %add3A_44 : vector<16xf32>
    %max3A = arith.maximumf %add3A_44, %mul3A_47 : vector<16xf32>
    %barrier3A = arith.constant 0 : index
    tpu.barrier barrier_id(%barrier3A)
    %dma_start3A = arith.constant 0 : i32
    %dma_start3A_48 = arith.constant 0 : i32
    %dma_start3A_49 = tpu.memref_slice %arg10[%dma_start3A, %dma_start3A_48] : memref<82x128xi32, #tpu.memory_space<vmem>> -> memref<1x128xi32, #tpu.memory_space<vmem>>
    %dma_start3A_50 = tpu.memref_squeeze %dma_start3A_49 : memref<1x128xi32, #tpu.memory_space<vmem>> -> memref<128xi32, #tpu.memory_space<vmem>>
    %dma_start3A_51 = arith.constant 0 : i32
    %dma_start3A_52 = arith.constant 0 : i32
    %dma_start3A_53 = tpu.memref_slice %arg7[%dma_start3A_51, %dma_start3A_52] : memref<10240x64xf32, #tpu.memory_space<hbm>> -> memref<10240x64xf32, #tpu.memory_space<hbm>>
    tpu.enqueue_indirect_dma source(%dma_start3A_53 : memref<10240x64xf32, #tpu.memory_space<hbm>>) target(%arg17 : memref<128x64xf32, #tpu.memory_space<vmem>>) offsets(%dma_start3A_50 : memref<128xi32, #tpu.memory_space<vmem>>) semaphore(%arg21 : memref<!tpu.dma_semaphore, #tpu.memory_space<semaphore_mem>>)
    %scan3A_54 = arith.constant 0 : i32
    %scan3A_55 = arith.constant 0 : i32
    %scan3A_56 = arith.constant 41 : i32
    %scan3A_57 = arith.addi %scan3A_55, %scan3A_56 : i32
    %scan3A_58 = arith.constant 1 : i32
    %scan3A_59 = scf.for %scan3A_67 = %scan3A_55 to %scan3A_57 step %scan3A_58 iter_args(%scan3A_68 = %scan3A_54) -> (i32)  : i32 {
      %mul3A_69 = arith.constant 2 : i32
      %mul3A_70 = arith.muli %scan3A_67, %mul3A_69 : i32
      %add3A_71 = arith.constant 0 : i32
      %add3A_72 = arith.addi %mul3A_70, %add3A_71 : i32
      %dma_wait3A_73 = arith.constant 0 : i32
      %dma_wait3A_74 = tpu.memref_slice %arg10[%add3A_72, %dma_wait3A_73] : memref<82x128xi32, #tpu.memory_space<vmem>> -> memref<1x128xi32, #tpu.memory_space<vmem>>
      %dma_wait3A_75 = tpu.memref_squeeze %dma_wait3A_74 : memref<1x128xi32, #tpu.memory_space<vmem>> -> memref<128xi32, #tpu.memory_space<vmem>>
      %dma_wait3A_76 = arith.constant 0 : i32
      %dma_wait3A_77 = arith.constant 0 : i32
      %dma_wait3A_78 = tpu.memref_slice %arg7[%dma_wait3A_76, %dma_wait3A_77] : memref<10240x64xf32, #tpu.memory_space<hbm>> -> memref<10240x64xf32, #tpu.memory_space<hbm>>
      tpu.wait_indirect_dma semaphore(%arg21 : memref<!tpu.dma_semaphore, #tpu.memory_space<semaphore_mem>>) src(%dma_wait3A_78 : memref<10240x64xf32, #tpu.memory_space<hbm>>) dst(%arg17 : memref<128x64xf32, #tpu.memory_space<vmem>>)
      %get3A_79 = arith.index_cast %add3A_72 : i32 to index
      %get3A_80 = arith.constant 0 : index
      %get3A_81 = tpu.vector_load %arg10[%get3A_79, %get3A_80] {strides = array<i32>} : memref<82x128xi32, #tpu.memory_space<vmem>>, vector<16xi32>,
      %gather3A = tpu.vector_load_idx %arg12[%get3A_81] : memref<10240xf32, #tpu.memory_space<vmem>>[vector<16xi32>], vector<16xf32>,
      %get3A_82 = arith.index_cast %add3A_72 : i32 to index
      %get3A_83 = arith.constant 0 : index
      %get3A_84 = tpu.vector_load %arg11[%get3A_82, %get3A_83] {strides = array<i32>} : memref<82x128xi32, #tpu.memory_space<vmem>>, vector<16xi32>,
      %gather3A_85 = tpu.vector_load_idx %arg13[%get3A_84] : memref<10240xf32, #tpu.memory_space<vmem>>[vector<16xi32>], vector<16xf32>,
      %add3A_86 = arith.addf %gather3A, %gather3A_85 : vector<16xf32>
      %mul3A_87 = arith.constant 2.000000e-01 : f32
      %mul3A_88 = vector.broadcast %mul3A_87 : f32 to vector<16xf32>
      %mul3A_89 = arith.mulf %mul3A_88, %add3A_86 : vector<16xf32>
      %max3A_90 = arith.maximumf %add3A_86, %mul3A_89 : vector<16xf32>
      %sub3A = arith.subf %max3A_90, %max3A : vector<16xf32>
      %exp3A = math.exp %sub3A : vector<16xf32>
      %swap3A = arith.constant 0 : index
      %swap3A_91 = tpu.vector_load %arg14[%swap3A] {strides = array<i32>} : memref<128xf32, #tpu.memory_space<vmem>>, vector<16xf32>,
      tpu.vector_store %arg14[%swap3A], %exp3A {strides = array<i32>} : memref<128xf32, #tpu.memory_space<vmem>>, vector<16xf32>,
      %get3A_92 = arith.index_cast %add3A_72 : i32 to index
      %get3A_93 = arith.constant 16 : index
      %get3A_94 = tpu.vector_load %arg10[%get3A_92, %get3A_93] {strides = array<i32>} : memref<82x128xi32, #tpu.memory_space<vmem>>, vector<16xi32>,
      %gather3A_95 = tpu.vector_load_idx %arg12[%get3A_94] : memref<10240xf32, #tpu.memory_space<vmem>>[vector<16xi32>], vector<16xf32>,
      %get3A_96 = arith.index_cast %add3A_72 : i32 to index
      %get3A_97 = arith.constant 16 : index
      %get3A_98 = tpu.vector_load %arg11[%get3A_96, %get3A_97] {strides = array<i32>} : memref<82x128xi32, #tpu.memory_space<vmem>>, vector<16xi32>,
      %gather3A_99 = tpu.vector_load_idx %arg13[%get3A_98] : memref<10240xf32, #tpu.memory_space<vmem>>[vector<16xi32>], vector<16xf32>,
      %add3A_100 = arith.addf %gather3A_95, %gather3A_99 : vector<16xf32>
      %mul3A_101 = arith.constant 2.000000e-01 : f32
      %mul3A_102 = vector.broadcast %mul3A_101 : f32 to vector<16xf32>
      %mul3A_103 = arith.mulf %mul3A_102, %add3A_100 : vector<16xf32>
      %max3A_104 = arith.maximumf %add3A_100, %mul3A_103 : vector<16xf32>
      %sub3A_105 = arith.subf %max3A_104, %max3A : vector<16xf32>
      %exp3A_106 = math.exp %sub3A_105 : vector<16xf32>
      %swap3A_107 = arith.constant 16 : index
      %swap3A_108 = tpu.vector_load %arg14[%swap3A_107] {strides = array<i32>} : memref<128xf32, #tpu.memory_space<vmem>>, vector<16xf32>,
      tpu.vector_store %arg14[%swap3A_107], %exp3A_106 {strides = array<i32>} : memref<128xf32, #tpu.memory_space<vmem>>, vector<16xf32>,
      %get3A_109 = arith.index_cast %add3A_72 : i32 to index
      %get3A_110 = arith.constant 32 : index
      %get3A_111 = tpu.vector_load %arg10[%get3A_109, %get3A_110] {strides = array<i32>} : memref<82x128xi32, #tpu.memory_space<vmem>>, vector<16xi32>,
      %gather3A_112 = tpu.vector_load_idx %arg12[%get3A_111] : memref<10240xf32, #tpu.memory_space<vmem>>[vector<16xi32>], vector<16xf32>,
      %get3A_113 = arith.index_cast %add3A_72 : i32 to index
      %get3A_114 = arith.constant 32 : index
      %get3A_115 = tpu.vector_load %arg11[%get3A_113, %get3A_114] {strides = array<i32>} : memref<82x128xi32, #tpu.memory_space<vmem>>, vector<16xi32>,
      %gather3A_116 = tpu.vector_load_idx %arg13[%get3A_115] : memref<10240xf32, #tpu.memory_space<vmem>>[vector<16xi32>], vector<16xf32>,
      %add3A_117 = arith.addf %gather3A_112, %gather3A_116 : vector<16xf32>
      %mul3A_118 = arith.constant 2.000000e-01 : f32
      %mul3A_119 = vector.broadcast %mul3A_118 : f32 to vector<16xf32>
      %mul3A_120 = arith.mulf %mul3A_119, %add3A_117 : vector<16xf32>
      %max3A_121 = arith.maximumf %add3A_117, %mul3A_120 : vector<16xf32>
      %sub3A_122 = arith.subf %max3A_121, %max3A : vector<16xf32>
      %exp3A_123 = math.exp %sub3A_122 : vector<16xf32>
      %swap3A_124 = arith.constant 32 : index
      %swap3A_125 = tpu.vector_load %arg14[%swap3A_124] {strides = array<i32>} : memref<128xf32, #tpu.memory_space<vmem>>, vector<16xf32>,
      tpu.vector_store %arg14[%swap3A_124], %exp3A_123 {strides = array<i32>} : memref<128xf32, #tpu.memory_space<vmem>>, vector<16xf32>,
      %get3A_126 = arith.index_cast %add3A_72 : i32 to index
      %get3A_127 = arith.constant 48 : index
      %get3A_128 = tpu.vector_load %arg10[%get3A_126, %get3A_127] {strides = array<i32>} : memref<82x128xi32, #tpu.memory_space<vmem>>, vector<16xi32>,
      %gather3A_129 = tpu.vector_load_idx %arg12[%get3A_128] : memref<10240xf32, #tpu.memory_space<vmem>>[vector<16xi32>], vector<16xf32>,
      %get3A_130 = arith.index_cast %add3A_72 : i32 to index
      %get3A_131 = arith.constant 48 : index
      %get3A_132 = tpu.vector_load %arg11[%get3A_130, %get3A_131] {strides = array<i32>} : memref<82x128xi32, #tpu.memory_space<vmem>>, vector<16xi32>,
      %gather3A_133 = tpu.vector_load_idx %arg13[%get3A_132] : memref<10240xf32, #tpu.memory_space<vmem>>[vector<16xi32>], vector<16xf32>,
      %add3A_134 = arith.addf %gather3A_129, %gather3A_133 : vector<16xf32>
      %mul3A_135 = arith.constant 2.000000e-01 : f32
      %mul3A_136 = vector.broadcast %mul3A_135 : f32 to vector<16xf32>
      %mul3A_137 = arith.mulf %mul3A_136, %add3A_134 : vector<16xf32>
      %max3A_138 = arith.maximumf %add3A_134, %mul3A_137 : vector<16xf32>
      %sub3A_139 = arith.subf %max3A_138, %max3A : vector<16xf32>
      %exp3A_140 = math.exp %sub3A_139 : vector<16xf32>
      %swap3A_141 = arith.constant 48 : index
      %swap3A_142 = tpu.vector_load %arg14[%swap3A_141] {strides = array<i32>} : memref<128xf32, #tpu.memory_space<vmem>>, vector<16xf32>,
      tpu.vector_store %arg14[%swap3A_141], %exp3A_140 {strides = array<i32>} : memref<128xf32, #tpu.memory_space<vmem>>, vector<16xf32>,
      %get3A_143 = arith.index_cast %add3A_72 : i32 to index
      %get3A_144 = arith.constant 64 : index
      %get3A_145 = tpu.vector_load %arg10[%get3A_143, %get3A_144] {strides = array<i32>} : memref<82x128xi32, #tpu.memory_space<vmem>>, vector<16xi32>,
      %gather3A_146 = tpu.vector_load_idx %arg12[%get3A_145] : memref<10240xf32, #tpu.memory_space<vmem>>[vector<16xi32>], vector<16xf32>,
      %get3A_147 = arith.index_cast %add3A_72 : i32 to index
      %get3A_148 = arith.constant 64 : index
      %get3A_149 = tpu.vector_load %arg11[%get3A_147, %get3A_148] {strides = array<i32>} : memref<82x128xi32, #tpu.memory_space<vmem>>, vector<16xi32>,
      %gather3A_150 = tpu.vector_load_idx %arg13[%get3A_149] : memref<10240xf32, #tpu.memory_space<vmem>>[vector<16xi32>], vector<16xf32>,
      %add3A_151 = arith.addf %gather3A_146, %gather3A_150 : vector<16xf32>
      %mul3A_152 = arith.constant 2.000000e-01 : f32
      %mul3A_153 = vector.broadcast %mul3A_152 : f32 to vector<16xf32>
      %mul3A_154 = arith.mulf %mul3A_153, %add3A_151 : vector<16xf32>
      %max3A_155 = arith.maximumf %add3A_151, %mul3A_154 : vector<16xf32>
      %sub3A_156 = arith.subf %max3A_155, %max3A : vector<16xf32>
      %exp3A_157 = math.exp %sub3A_156 : vector<16xf32>
      %swap3A_158 = arith.constant 64 : index
      %swap3A_159 = tpu.vector_load %arg14[%swap3A_158] {strides = array<i32>} : memref<128xf32, #tpu.memory_space<vmem>>, vector<16xf32>,
      tpu.vector_store %arg14[%swap3A_158], %exp3A_157 {strides = array<i32>} : memref<128xf32, #tpu.memory_space<vmem>>, vector<16xf32>,
      %get3A_160 = arith.index_cast %add3A_72 : i32 to index
      %get3A_161 = arith.constant 80 : index
      %get3A_162 = tpu.vector_load %arg10[%get3A_160, %get3A_161] {strides = array<i32>} : memref<82x128xi32, #tpu.memory_space<vmem>>, vector<16xi32>,
      %gather3A_163 = tpu.vector_load_idx %arg12[%get3A_162] : memref<10240xf32, #tpu.memory_space<vmem>>[vector<16xi32>], vector<16xf32>,
      %get3A_164 = arith.index_cast %add3A_72 : i32 to index
      %get3A_165 = arith.constant 80 : index
      %get3A_166 = tpu.vector_load %arg11[%get3A_164, %get3A_165] {strides = array<i32>} : memref<82x128xi32, #tpu.memory_space<vmem>>, vector<16xi32>,
      %gather3A_167 = tpu.vector_load_idx %arg13[%get3A_166] : memref<10240xf32, #tpu.memory_space<vmem>>[vector<16xi32>], vector<16xf32>,
      %add3A_168 = arith.addf %gather3A_163, %gather3A_167 : vector<16xf32>
      %mul3A_169 = arith.constant 2.000000e-01 : f32
      %mul3A_170 = vector.broadcast %mul3A_169 : f32 to vector<16xf32>
      %mul3A_171 = arith.mulf %mul3A_170, %add3A_168 : vector<16xf32>
      %max3A_172 = arith.maximumf %add3A_168, %mul3A_171 : vector<16xf32>
      %sub3A_173 = arith.subf %max3A_172, %max3A : vector<16xf32>
      %exp3A_174 = math.exp %sub3A_173 : vector<16xf32>
      %swap3A_175 = arith.constant 80 : index
      %swap3A_176 = tpu.vector_load %arg14[%swap3A_175] {strides = array<i32>} : memref<128xf32, #tpu.memory_space<vmem>>, vector<16xf32>,
      tpu.vector_store %arg14[%swap3A_175], %exp3A_174 {strides = array<i32>} : memref<128xf32, #tpu.memory_space<vmem>>, vector<16xf32>,
      %get3A_177 = arith.index_cast %add3A_72 : i32 to index
      %get3A_178 = arith.constant 96 : index
      %get3A_179 = tpu.vector_load %arg10[%get3A_177, %get3A_178] {strides = array<i32>} : memref<82x128xi32, #tpu.memory_space<vmem>>, vector<16xi32>,
      %gather3A_180 = tpu.vector_load_idx %arg12[%get3A_179] : memref<10240xf32, #tpu.memory_space<vmem>>[vector<16xi32>], vector<16xf32>,
      %get3A_181 = arith.index_cast %add3A_72 : i32 to index
      %get3A_182 = arith.constant 96 : index
      %get3A_183 = tpu.vector_load %arg11[%get3A_181, %get3A_182] {strides = array<i32>} : memref<82x128xi32, #tpu.memory_space<vmem>>, vector<16xi32>,
      %gather3A_184 = tpu.vector_load_idx %arg13[%get3A_183] : memref<10240xf32, #tpu.memory_space<vmem>>[vector<16xi32>], vector<16xf32>,
      %add3A_185 = arith.addf %gather3A_180, %gather3A_184 : vector<16xf32>
      %mul3A_186 = arith.constant 2.000000e-01 : f32
      %mul3A_187 = vector.broadcast %mul3A_186 : f32 to vector<16xf32>
      %mul3A_188 = arith.mulf %mul3A_187, %add3A_185 : vector<16xf32>
      %max3A_189 = arith.maximumf %add3A_185, %mul3A_188 : vector<16xf32>
      %sub3A_190 = arith.subf %max3A_189, %max3A : vector<16xf32>
      %exp3A_191 = math.exp %sub3A_190 : vector<16xf32>
      %swap3A_192 = arith.constant 96 : index
      %swap3A_193 = tpu.vector_load %arg14[%swap3A_192] {strides = array<i32>} : memref<128xf32, #tpu.memory_space<vmem>>, vector<16xf32>,
      tpu.vector_store %arg14[%swap3A_192], %exp3A_191 {strides = array<i32>} : memref<128xf32, #tpu.memory_space<vmem>>, vector<16xf32>,
      %get3A_194 = arith.index_cast %add3A_72 : i32 to index
      %get3A_195 = arith.constant 112 : index
      %get3A_196 = tpu.vector_load %arg10[%get3A_194, %get3A_195] {strides = array<i32>} : memref<82x128xi32, #tpu.memory_space<vmem>>, vector<16xi32>,
      %gather3A_197 = tpu.vector_load_idx %arg12[%get3A_196] : memref<10240xf32, #tpu.memory_space<vmem>>[vector<16xi32>], vector<16xf32>,
      %get3A_198 = arith.index_cast %add3A_72 : i32 to index
      %get3A_199 = arith.constant 112 : index
      %get3A_200 = tpu.vector_load %arg11[%get3A_198, %get3A_199] {strides = array<i32>} : memref<82x128xi32, #tpu.memory_space<vmem>>, vector<16xi32>,
      %gather3A_201 = tpu.vector_load_idx %arg13[%get3A_200] : memref<10240xf32, #tpu.memory_space<vmem>>[vector<16xi32>], vector<16xf32>,
      %add3A_202 = arith.addf %gather3A_197, %gather3A_201 : vector<16xf32>
      %mul3A_203 = arith.constant 2.000000e-01 : f32
      %mul3A_204 = vector.broadcast %mul3A_203 : f32 to vector<16xf32>
      %mul3A_205 = arith.mulf %mul3A_204, %add3A_202 : vector<16xf32>
      %max3A_206 = arith.maximumf %add3A_202, %mul3A_205 : vector<16xf32>
      %sub3A_207 = arith.subf %max3A_206, %max3A : vector<16xf32>
      %exp3A_208 = math.exp %sub3A_207 : vector<16xf32>
      %swap3A_209 = arith.constant 112 : index
      %swap3A_210 = tpu.vector_load %arg14[%swap3A_209] {strides = array<i32>} : memref<128xf32, #tpu.memory_space<vmem>>, vector<16xf32>,
      tpu.vector_store %arg14[%swap3A_209], %exp3A_208 {strides = array<i32>} : memref<128xf32, #tpu.memory_space<vmem>>, vector<16xf32>,
      "tpu.region"() ({
        %run_scoped3A = tpu.sem_alloc : memref<!tpu.dma_semaphore, #tpu.memory_space<semaphore_mem>>
        %dma_start3A_404 = arith.constant 0 : i32
        %dma_start3A_405 = tpu.memref_slice %arg11[%add3A_72, %dma_start3A_404] : memref<82x128xi32, #tpu.memory_space<vmem>> -> memref<1x128xi32, #tpu.memory_space<vmem>>
        %dma_start3A_406 = tpu.memref_squeeze %dma_start3A_405 : memref<1x128xi32, #tpu.memory_space<vmem>> -> memref<128xi32, #tpu.memory_space<vmem>>
        %dma_start3A_407 = arith.constant 0 : i32
        %dma_start3A_408 = tpu.memref_slice %arg19[%dma_start3A_407] : memref<10240xf32, #tpu.memory_space<vmem_shared>> -> memref<10240xf32, #tpu.memory_space<vmem_shared>>
        tpu.enqueue_indirect_dma source(%arg14 : memref<128xf32, #tpu.memory_space<vmem>>) target(%dma_start3A_408 : memref<10240xf32, #tpu.memory_space<vmem_shared>>) offsets(%dma_start3A_406 : memref<128xi32, #tpu.memory_space<vmem>>) semaphore(%run_scoped3A : memref<!tpu.dma_semaphore, #tpu.memory_space<semaphore_mem>>) {add = true}
        %dma_wait3A_409 = arith.constant 0 : i32
        %dma_wait3A_410 = tpu.memref_slice %arg11[%add3A_72, %dma_wait3A_409] : memref<82x128xi32, #tpu.memory_space<vmem>> -> memref<1x128xi32, #tpu.memory_space<vmem>>
        %dma_wait3A_411 = tpu.memref_squeeze %dma_wait3A_410 : memref<1x128xi32, #tpu.memory_space<vmem>> -> memref<128xi32, #tpu.memory_space<vmem>>
        %dma_wait3A_412 = arith.constant 0 : i32
        %dma_wait3A_413 = tpu.memref_slice %arg19[%dma_wait3A_412] : memref<10240xf32, #tpu.memory_space<vmem_shared>> -> memref<10240xf32, #tpu.memory_space<vmem_shared>>
        tpu.wait_indirect_dma semaphore(%run_scoped3A : memref<!tpu.dma_semaphore, #tpu.memory_space<semaphore_mem>>) src(%arg14 : memref<128xf32, #tpu.memory_space<vmem>>) dst(%dma_wait3A_413 : memref<10240xf32, #tpu.memory_space<vmem_shared>>)
        tpu.yield
      }) : () -> ()
      %ge3A = arith.constant 1 : i32
      %ge3A_211 = arith.cmpi sge, %add3A_72, %ge3A : i32
      %convert_element_type3A = arith.extui %ge3A_211 : i1 to i32
      %cond3A = arith.constant 0 : i32
      %cond3A_212 = arith.cmpi ne, %convert_element_type3A, %cond3A : i32
      scf.if %cond3A_212 {
        %dma_wait3A_404 = arith.constant 0 : i32
        %dma_wait3A_405 = arith.constant 0 : i32
        %dma_wait3A_406 = tpu.memref_slice %arg7[%dma_wait3A_404, %dma_wait3A_405] : memref<10240x64xf32, #tpu.memory_space<hbm>> -> memref<128x64xf32, #tpu.memory_space<hbm>>
        %dma_wait3A_407 = arith.constant 0 : i32
        %dma_wait3A_408 = arith.constant 0 : i32
        %dma_wait3A_409 = tpu.memref_slice %arg7[%dma_wait3A_407, %dma_wait3A_408] : memref<10240x64xf32, #tpu.memory_space<hbm>> -> memref<128x64xf32, #tpu.memory_space<hbm>>
        tpu.wait_dma2 semaphore(%arg22 : memref<!tpu.dma_semaphore, #tpu.memory_space<semaphore_mem>>) src(%dma_wait3A_409 : memref<128x64xf32, #tpu.memory_space<hbm>>) dst(%arg18 : memref<128x64xf32, #tpu.memory_space<vmem>>)
      } else {
      }
      %add3A_213 = arith.constant 1 : i32
      %add3A_214 = arith.addi %add3A_72, %add3A_213 : i32
      %lt3A = arith.constant 82 : i32
      %lt3A_215 = arith.cmpi slt, %add3A_214, %lt3A : i32
      %convert_element_type3A_216 = arith.extui %lt3A_215 : i1 to i32
      %cond3A_217 = arith.constant 0 : i32
      %cond3A_218 = arith.cmpi ne, %convert_element_type3A_216, %cond3A_217 : i32
      scf.if %cond3A_218 {
        %add3A_404 = arith.constant 1 : i32
        %add3A_405 = arith.addi %add3A_72, %add3A_404 : i32
        %dma_start3A_406 = arith.constant 0 : i32
        %dma_start3A_407 = tpu.memref_slice %arg10[%add3A_405, %dma_start3A_406] : memref<82x128xi32, #tpu.memory_space<vmem>> -> memref<1x128xi32, #tpu.memory_space<vmem>>
        %dma_start3A_408 = tpu.memref_squeeze %dma_start3A_407 : memref<1x128xi32, #tpu.memory_space<vmem>> -> memref<128xi32, #tpu.memory_space<vmem>>
        %dma_start3A_409 = arith.constant 0 : i32
        %dma_start3A_410 = arith.constant 0 : i32
        %dma_start3A_411 = tpu.memref_slice %arg7[%dma_start3A_409, %dma_start3A_410] : memref<10240x64xf32, #tpu.memory_space<hbm>> -> memref<10240x64xf32, #tpu.memory_space<hbm>>
        tpu.enqueue_indirect_dma source(%dma_start3A_411 : memref<10240x64xf32, #tpu.memory_space<hbm>>) target(%arg18 : memref<128x64xf32, #tpu.memory_space<vmem>>) offsets(%dma_start3A_408 : memref<128xi32, #tpu.memory_space<vmem>>) semaphore(%arg21 : memref<!tpu.dma_semaphore, #tpu.memory_space<semaphore_mem>>)
      } else {
      }
      %scan3A_219 = arith.constant 0 : i32
      %scan3A_220 = arith.constant 0 : i32
      %scan3A_221 = arith.constant 128 : i32
      %scan3A_222 = arith.addi %scan3A_220, %scan3A_221 : i32
      %scan3A_223 = arith.constant 1 : i32
      %scan3A_224 = scf.for %scan3A_404 = %scan3A_220 to %scan3A_222 step %scan3A_223 iter_args(%scan3A_405 = %scan3A_219) -> (i32)  : i32 {
        %broadcast_in_dim3A_406 = vector.broadcast %scan3A_404 : i32 to vector<16xi32>
        %gather3A_407 = tpu.vector_load_idx %arg14[%broadcast_in_dim3A_406] : memref<128xf32, #tpu.memory_space<vmem>>[vector<16xi32>], vector<16xf32>,
        %get3A_408 = arith.index_cast %scan3A_404 : i32 to index
        %get3A_409 = arith.constant 0 : index
        %get3A_410 = tpu.vector_load %arg17[%get3A_408, %get3A_409] {strides = array<i32>} : memref<128x64xf32, #tpu.memory_space<vmem>>, vector<16xf32>,
        %mul3A_411 = arith.mulf %get3A_410, %gather3A_407 : vector<16xf32>
        %swap3A_412 = arith.index_cast %scan3A_404 : i32 to index
        %swap3A_413 = arith.constant 0 : index
        %swap3A_414 = tpu.vector_load %arg17[%swap3A_412, %swap3A_413] {strides = array<i32>} : memref<128x64xf32, #tpu.memory_space<vmem>>, vector<16xf32>,
        tpu.vector_store %arg17[%swap3A_412, %swap3A_413], %mul3A_411 {strides = array<i32>} : memref<128x64xf32, #tpu.memory_space<vmem>>, vector<16xf32>,
        %get3A_415 = arith.index_cast %scan3A_404 : i32 to index
        %get3A_416 = arith.constant 16 : index
        %get3A_417 = tpu.vector_load %arg17[%get3A_415, %get3A_416] {strides = array<i32>} : memref<128x64xf32, #tpu.memory_space<vmem>>, vector<16xf32>,
        %mul3A_418 = arith.mulf %get3A_417, %gather3A_407 : vector<16xf32>
        %swap3A_419 = arith.index_cast %scan3A_404 : i32 to index
        %swap3A_420 = arith.constant 16 : index
        %swap3A_421 = tpu.vector_load %arg17[%swap3A_419, %swap3A_420] {strides = array<i32>} : memref<128x64xf32, #tpu.memory_space<vmem>>, vector<16xf32>,
        tpu.vector_store %arg17[%swap3A_419, %swap3A_420], %mul3A_418 {strides = array<i32>} : memref<128x64xf32, #tpu.memory_space<vmem>>, vector<16xf32>,
        %get3A_422 = arith.index_cast %scan3A_404 : i32 to index
        %get3A_423 = arith.constant 32 : index
        %get3A_424 = tpu.vector_load %arg17[%get3A_422, %get3A_423] {strides = array<i32>} : memref<128x64xf32, #tpu.memory_space<vmem>>, vector<16xf32>,
        %mul3A_425 = arith.mulf %get3A_424, %gather3A_407 : vector<16xf32>
        %swap3A_426 = arith.index_cast %scan3A_404 : i32 to index
        %swap3A_427 = arith.constant 32 : index
        %swap3A_428 = tpu.vector_load %arg17[%swap3A_426, %swap3A_427] {strides = array<i32>} : memref<128x64xf32, #tpu.memory_space<vmem>>, vector<16xf32>,
        tpu.vector_store %arg17[%swap3A_426, %swap3A_427], %mul3A_425 {strides = array<i32>} : memref<128x64xf32, #tpu.memory_space<vmem>>, vector<16xf32>,
        %get3A_429 = arith.index_cast %scan3A_404 : i32 to index
        %get3A_430 = arith.constant 48 : index
        %get3A_431 = tpu.vector_load %arg17[%get3A_429, %get3A_430] {strides = array<i32>} : memref<128x64xf32, #tpu.memory_space<vmem>>, vector<16xf32>,
        %mul3A_432 = arith.mulf %get3A_431, %gather3A_407 : vector<16xf32>
        %swap3A_433 = arith.index_cast %scan3A_404 : i32 to index
        %swap3A_434 = arith.constant 48 : index
        %swap3A_435 = tpu.vector_load %arg17[%swap3A_433, %swap3A_434] {strides = array<i32>} : memref<128x64xf32, #tpu.memory_space<vmem>>, vector<16xf32>,
        tpu.vector_store %arg17[%swap3A_433, %swap3A_434], %mul3A_432 {strides = array<i32>} : memref<128x64xf32, #tpu.memory_space<vmem>>, vector<16xf32>,
        %scan3A_436 = arith.constant 0 : i32
        scf.yield %scan3A_436 : i32
      }
      %scan3A_225 = arith.constant 128 : i32
      %dma_start3A_226 = arith.constant 0 : i32
      %dma_start3A_227 = tpu.memref_slice %arg11[%add3A_72, %dma_start3A_226] : memref<82x128xi32, #tpu.memory_space<vmem>> -> memref<1x128xi32, #tpu.memory_space<vmem>>
      %dma_start3A_228 = tpu.memref_squeeze %dma_start3A_227 : memref<1x128xi32, #tpu.memory_space<vmem>> -> memref<128xi32, #tpu.memory_space<vmem>>
      %dma_start3A_229 = arith.constant 0 : i32
      %dma_start3A_230 = arith.constant 0 : i32
      %dma_start3A_231 = tpu.memref_slice %arg20[%dma_start3A_229, %dma_start3A_230] : memref<10240x64xf32, #tpu.memory_space<vmem_shared>> -> memref<10240x64xf32, #tpu.memory_space<vmem_shared>>
      tpu.enqueue_indirect_dma source(%arg17 : memref<128x64xf32, #tpu.memory_space<vmem>>) target(%dma_start3A_231 : memref<10240x64xf32, #tpu.memory_space<vmem_shared>>) offsets(%dma_start3A_228 : memref<128xi32, #tpu.memory_space<vmem>>) semaphore(%arg22 : memref<!tpu.dma_semaphore, #tpu.memory_space<semaphore_mem>>) {add = true}
      %mul3A_232 = arith.constant 2 : i32
      %mul3A_233 = arith.muli %scan3A_67, %mul3A_232 : i32
      %add3A_234 = arith.constant 1 : i32
      %add3A_235 = arith.addi %mul3A_233, %add3A_234 : i32
      %dma_wait3A_236 = arith.constant 0 : i32
      %dma_wait3A_237 = tpu.memref_slice %arg10[%add3A_235, %dma_wait3A_236] : memref<82x128xi32, #tpu.memory_space<vmem>> -> memref<1x128xi32, #tpu.memory_space<vmem>>
      %dma_wait3A_238 = tpu.memref_squeeze %dma_wait3A_237 : memref<1x128xi32, #tpu.memory_space<vmem>> -> memref<128xi32, #tpu.memory_space<vmem>>
      %dma_wait3A_239 = arith.constant 0 : i32
      %dma_wait3A_240 = arith.constant 0 : i32
      %dma_wait3A_241 = tpu.memref_slice %arg7[%dma_wait3A_239, %dma_wait3A_240] : memref<10240x64xf32, #tpu.memory_space<hbm>> -> memref<10240x64xf32, #tpu.memory_space<hbm>>
      tpu.wait_indirect_dma semaphore(%arg21 : memref<!tpu.dma_semaphore, #tpu.memory_space<semaphore_mem>>) src(%dma_wait3A_241 : memref<10240x64xf32, #tpu.memory_space<hbm>>) dst(%arg18 : memref<128x64xf32, #tpu.memory_space<vmem>>)
      %get3A_242 = arith.index_cast %add3A_235 : i32 to index
      %get3A_243 = arith.constant 0 : index
      %get3A_244 = tpu.vector_load %arg10[%get3A_242, %get3A_243] {strides = array<i32>} : memref<82x128xi32, #tpu.memory_space<vmem>>, vector<16xi32>,
      %gather3A_245 = tpu.vector_load_idx %arg12[%get3A_244] : memref<10240xf32, #tpu.memory_space<vmem>>[vector<16xi32>], vector<16xf32>,
      %get3A_246 = arith.index_cast %add3A_235 : i32 to index
      %get3A_247 = arith.constant 0 : index
      %get3A_248 = tpu.vector_load %arg11[%get3A_246, %get3A_247] {strides = array<i32>} : memref<82x128xi32, #tpu.memory_space<vmem>>, vector<16xi32>,
      %gather3A_249 = tpu.vector_load_idx %arg13[%get3A_248] : memref<10240xf32, #tpu.memory_space<vmem>>[vector<16xi32>], vector<16xf32>,
      %add3A_250 = arith.addf %gather3A_245, %gather3A_249 : vector<16xf32>
      %mul3A_251 = arith.constant 2.000000e-01 : f32
      %mul3A_252 = vector.broadcast %mul3A_251 : f32 to vector<16xf32>
      %mul3A_253 = arith.mulf %mul3A_252, %add3A_250 : vector<16xf32>
      %max3A_254 = arith.maximumf %add3A_250, %mul3A_253 : vector<16xf32>
      %sub3A_255 = arith.subf %max3A_254, %max3A : vector<16xf32>
      %exp3A_256 = math.exp %sub3A_255 : vector<16xf32>
      %swap3A_257 = arith.constant 0 : index
      %swap3A_258 = tpu.vector_load %arg14[%swap3A_257] {strides = array<i32>} : memref<128xf32, #tpu.memory_space<vmem>>, vector<16xf32>,
      tpu.vector_store %arg14[%swap3A_257], %exp3A_256 {strides = array<i32>} : memref<128xf32, #tpu.memory_space<vmem>>, vector<16xf32>,
      %get3A_259 = arith.index_cast %add3A_235 : i32 to index
      %get3A_260 = arith.constant 16 : index
      %get3A_261 = tpu.vector_load %arg10[%get3A_259, %get3A_260] {strides = array<i32>} : memref<82x128xi32, #tpu.memory_space<vmem>>, vector<16xi32>,
      %gather3A_262 = tpu.vector_load_idx %arg12[%get3A_261] : memref<10240xf32, #tpu.memory_space<vmem>>[vector<16xi32>], vector<16xf32>,
      %get3A_263 = arith.index_cast %add3A_235 : i32 to index
      %get3A_264 = arith.constant 16 : index
      %get3A_265 = tpu.vector_load %arg11[%get3A_263, %get3A_264] {strides = array<i32>} : memref<82x128xi32, #tpu.memory_space<vmem>>, vector<16xi32>,
      %gather3A_266 = tpu.vector_load_idx %arg13[%get3A_265] : memref<10240xf32, #tpu.memory_space<vmem>>[vector<16xi32>], vector<16xf32>,
      %add3A_267 = arith.addf %gather3A_262, %gather3A_266 : vector<16xf32>
      %mul3A_268 = arith.constant 2.000000e-01 : f32
      %mul3A_269 = vector.broadcast %mul3A_268 : f32 to vector<16xf32>
      %mul3A_270 = arith.mulf %mul3A_269, %add3A_267 : vector<16xf32>
      %max3A_271 = arith.maximumf %add3A_267, %mul3A_270 : vector<16xf32>
      %sub3A_272 = arith.subf %max3A_271, %max3A : vector<16xf32>
      %exp3A_273 = math.exp %sub3A_272 : vector<16xf32>
      %swap3A_274 = arith.constant 16 : index
      %swap3A_275 = tpu.vector_load %arg14[%swap3A_274] {strides = array<i32>} : memref<128xf32, #tpu.memory_space<vmem>>, vector<16xf32>,
      tpu.vector_store %arg14[%swap3A_274], %exp3A_273 {strides = array<i32>} : memref<128xf32, #tpu.memory_space<vmem>>, vector<16xf32>,
      %get3A_276 = arith.index_cast %add3A_235 : i32 to index
      %get3A_277 = arith.constant 32 : index
      %get3A_278 = tpu.vector_load %arg10[%get3A_276, %get3A_277] {strides = array<i32>} : memref<82x128xi32, #tpu.memory_space<vmem>>, vector<16xi32>,
      %gather3A_279 = tpu.vector_load_idx %arg12[%get3A_278] : memref<10240xf32, #tpu.memory_space<vmem>>[vector<16xi32>], vector<16xf32>,
      %get3A_280 = arith.index_cast %add3A_235 : i32 to index
      %get3A_281 = arith.constant 32 : index
      %get3A_282 = tpu.vector_load %arg11[%get3A_280, %get3A_281] {strides = array<i32>} : memref<82x128xi32, #tpu.memory_space<vmem>>, vector<16xi32>,
      %gather3A_283 = tpu.vector_load_idx %arg13[%get3A_282] : memref<10240xf32, #tpu.memory_space<vmem>>[vector<16xi32>], vector<16xf32>,
      %add3A_284 = arith.addf %gather3A_279, %gather3A_283 : vector<16xf32>
      %mul3A_285 = arith.constant 2.000000e-01 : f32
      %mul3A_286 = vector.broadcast %mul3A_285 : f32 to vector<16xf32>
      %mul3A_287 = arith.mulf %mul3A_286, %add3A_284 : vector<16xf32>
      %max3A_288 = arith.maximumf %add3A_284, %mul3A_287 : vector<16xf32>
      %sub3A_289 = arith.subf %max3A_288, %max3A : vector<16xf32>
      %exp3A_290 = math.exp %sub3A_289 : vector<16xf32>
      %swap3A_291 = arith.constant 32 : index
      %swap3A_292 = tpu.vector_load %arg14[%swap3A_291] {strides = array<i32>} : memref<128xf32, #tpu.memory_space<vmem>>, vector<16xf32>,
      tpu.vector_store %arg14[%swap3A_291], %exp3A_290 {strides = array<i32>} : memref<128xf32, #tpu.memory_space<vmem>>, vector<16xf32>,
      %get3A_293 = arith.index_cast %add3A_235 : i32 to index
      %get3A_294 = arith.constant 48 : index
      %get3A_295 = tpu.vector_load %arg10[%get3A_293, %get3A_294] {strides = array<i32>} : memref<82x128xi32, #tpu.memory_space<vmem>>, vector<16xi32>,
      %gather3A_296 = tpu.vector_load_idx %arg12[%get3A_295] : memref<10240xf32, #tpu.memory_space<vmem>>[vector<16xi32>], vector<16xf32>,
      %get3A_297 = arith.index_cast %add3A_235 : i32 to index
      %get3A_298 = arith.constant 48 : index
      %get3A_299 = tpu.vector_load %arg11[%get3A_297, %get3A_298] {strides = array<i32>} : memref<82x128xi32, #tpu.memory_space<vmem>>, vector<16xi32>,
      %gather3A_300 = tpu.vector_load_idx %arg13[%get3A_299] : memref<10240xf32, #tpu.memory_space<vmem>>[vector<16xi32>], vector<16xf32>,
      %add3A_301 = arith.addf %gather3A_296, %gather3A_300 : vector<16xf32>
      %mul3A_302 = arith.constant 2.000000e-01 : f32
      %mul3A_303 = vector.broadcast %mul3A_302 : f32 to vector<16xf32>
      %mul3A_304 = arith.mulf %mul3A_303, %add3A_301 : vector<16xf32>
      %max3A_305 = arith.maximumf %add3A_301, %mul3A_304 : vector<16xf32>
      %sub3A_306 = arith.subf %max3A_305, %max3A : vector<16xf32>
      %exp3A_307 = math.exp %sub3A_306 : vector<16xf32>
      %swap3A_308 = arith.constant 48 : index
      %swap3A_309 = tpu.vector_load %arg14[%swap3A_308] {strides = array<i32>} : memref<128xf32, #tpu.memory_space<vmem>>, vector<16xf32>,
      tpu.vector_store %arg14[%swap3A_308], %exp3A_307 {strides = array<i32>} : memref<128xf32, #tpu.memory_space<vmem>>, vector<16xf32>,
      %get3A_310 = arith.index_cast %add3A_235 : i32 to index
      %get3A_311 = arith.constant 64 : index
      %get3A_312 = tpu.vector_load %arg10[%get3A_310, %get3A_311] {strides = array<i32>} : memref<82x128xi32, #tpu.memory_space<vmem>>, vector<16xi32>,
      %gather3A_313 = tpu.vector_load_idx %arg12[%get3A_312] : memref<10240xf32, #tpu.memory_space<vmem>>[vector<16xi32>], vector<16xf32>,
      %get3A_314 = arith.index_cast %add3A_235 : i32 to index
      %get3A_315 = arith.constant 64 : index
      %get3A_316 = tpu.vector_load %arg11[%get3A_314, %get3A_315] {strides = array<i32>} : memref<82x128xi32, #tpu.memory_space<vmem>>, vector<16xi32>,
      %gather3A_317 = tpu.vector_load_idx %arg13[%get3A_316] : memref<10240xf32, #tpu.memory_space<vmem>>[vector<16xi32>], vector<16xf32>,
      %add3A_318 = arith.addf %gather3A_313, %gather3A_317 : vector<16xf32>
      %mul3A_319 = arith.constant 2.000000e-01 : f32
      %mul3A_320 = vector.broadcast %mul3A_319 : f32 to vector<16xf32>
      %mul3A_321 = arith.mulf %mul3A_320, %add3A_318 : vector<16xf32>
      %max3A_322 = arith.maximumf %add3A_318, %mul3A_321 : vector<16xf32>
      %sub3A_323 = arith.subf %max3A_322, %max3A : vector<16xf32>
      %exp3A_324 = math.exp %sub3A_323 : vector<16xf32>
      %swap3A_325 = arith.constant 64 : index
      %swap3A_326 = tpu.vector_load %arg14[%swap3A_325] {strides = array<i32>} : memref<128xf32, #tpu.memory_space<vmem>>, vector<16xf32>,
      tpu.vector_store %arg14[%swap3A_325], %exp3A_324 {strides = array<i32>} : memref<128xf32, #tpu.memory_space<vmem>>, vector<16xf32>,
      %get3A_327 = arith.index_cast %add3A_235 : i32 to index
      %get3A_328 = arith.constant 80 : index
      %get3A_329 = tpu.vector_load %arg10[%get3A_327, %get3A_328] {strides = array<i32>} : memref<82x128xi32, #tpu.memory_space<vmem>>, vector<16xi32>,
      %gather3A_330 = tpu.vector_load_idx %arg12[%get3A_329] : memref<10240xf32, #tpu.memory_space<vmem>>[vector<16xi32>], vector<16xf32>,
      %get3A_331 = arith.index_cast %add3A_235 : i32 to index
      %get3A_332 = arith.constant 80 : index
      %get3A_333 = tpu.vector_load %arg11[%get3A_331, %get3A_332] {strides = array<i32>} : memref<82x128xi32, #tpu.memory_space<vmem>>, vector<16xi32>,
      %gather3A_334 = tpu.vector_load_idx %arg13[%get3A_333] : memref<10240xf32, #tpu.memory_space<vmem>>[vector<16xi32>], vector<16xf32>,
      %add3A_335 = arith.addf %gather3A_330, %gather3A_334 : vector<16xf32>
      %mul3A_336 = arith.constant 2.000000e-01 : f32
      %mul3A_337 = vector.broadcast %mul3A_336 : f32 to vector<16xf32>
      %mul3A_338 = arith.mulf %mul3A_337, %add3A_335 : vector<16xf32>
      %max3A_339 = arith.maximumf %add3A_335, %mul3A_338 : vector<16xf32>
      %sub3A_340 = arith.subf %max3A_339, %max3A : vector<16xf32>
      %exp3A_341 = math.exp %sub3A_340 : vector<16xf32>
      %swap3A_342 = arith.constant 80 : index
      %swap3A_343 = tpu.vector_load %arg14[%swap3A_342] {strides = array<i32>} : memref<128xf32, #tpu.memory_space<vmem>>, vector<16xf32>,
      tpu.vector_store %arg14[%swap3A_342], %exp3A_341 {strides = array<i32>} : memref<128xf32, #tpu.memory_space<vmem>>, vector<16xf32>,
      %get3A_344 = arith.index_cast %add3A_235 : i32 to index
      %get3A_345 = arith.constant 96 : index
      %get3A_346 = tpu.vector_load %arg10[%get3A_344, %get3A_345] {strides = array<i32>} : memref<82x128xi32, #tpu.memory_space<vmem>>, vector<16xi32>,
      %gather3A_347 = tpu.vector_load_idx %arg12[%get3A_346] : memref<10240xf32, #tpu.memory_space<vmem>>[vector<16xi32>], vector<16xf32>,
      %get3A_348 = arith.index_cast %add3A_235 : i32 to index
      %get3A_349 = arith.constant 96 : index
      %get3A_350 = tpu.vector_load %arg11[%get3A_348, %get3A_349] {strides = array<i32>} : memref<82x128xi32, #tpu.memory_space<vmem>>, vector<16xi32>,
      %gather3A_351 = tpu.vector_load_idx %arg13[%get3A_350] : memref<10240xf32, #tpu.memory_space<vmem>>[vector<16xi32>], vector<16xf32>,
      %add3A_352 = arith.addf %gather3A_347, %gather3A_351 : vector<16xf32>
      %mul3A_353 = arith.constant 2.000000e-01 : f32
      %mul3A_354 = vector.broadcast %mul3A_353 : f32 to vector<16xf32>
      %mul3A_355 = arith.mulf %mul3A_354, %add3A_352 : vector<16xf32>
      %max3A_356 = arith.maximumf %add3A_352, %mul3A_355 : vector<16xf32>
      %sub3A_357 = arith.subf %max3A_356, %max3A : vector<16xf32>
      %exp3A_358 = math.exp %sub3A_357 : vector<16xf32>
      %swap3A_359 = arith.constant 96 : index
      %swap3A_360 = tpu.vector_load %arg14[%swap3A_359] {strides = array<i32>} : memref<128xf32, #tpu.memory_space<vmem>>, vector<16xf32>,
      tpu.vector_store %arg14[%swap3A_359], %exp3A_358 {strides = array<i32>} : memref<128xf32, #tpu.memory_space<vmem>>, vector<16xf32>,
      %get3A_361 = arith.index_cast %add3A_235 : i32 to index
      %get3A_362 = arith.constant 112 : index
      %get3A_363 = tpu.vector_load %arg10[%get3A_361, %get3A_362] {strides = array<i32>} : memref<82x128xi32, #tpu.memory_space<vmem>>, vector<16xi32>,
      %gather3A_364 = tpu.vector_load_idx %arg12[%get3A_363] : memref<10240xf32, #tpu.memory_space<vmem>>[vector<16xi32>], vector<16xf32>,
      %get3A_365 = arith.index_cast %add3A_235 : i32 to index
      %get3A_366 = arith.constant 112 : index
      %get3A_367 = tpu.vector_load %arg11[%get3A_365, %get3A_366] {strides = array<i32>} : memref<82x128xi32, #tpu.memory_space<vmem>>, vector<16xi32>,
      %gather3A_368 = tpu.vector_load_idx %arg13[%get3A_367] : memref<10240xf32, #tpu.memory_space<vmem>>[vector<16xi32>], vector<16xf32>,
      %add3A_369 = arith.addf %gather3A_364, %gather3A_368 : vector<16xf32>
      %mul3A_370 = arith.constant 2.000000e-01 : f32
      %mul3A_371 = vector.broadcast %mul3A_370 : f32 to vector<16xf32>
      %mul3A_372 = arith.mulf %mul3A_371, %add3A_369 : vector<16xf32>
      %max3A_373 = arith.maximumf %add3A_369, %mul3A_372 : vector<16xf32>
      %sub3A_374 = arith.subf %max3A_373, %max3A : vector<16xf32>
      %exp3A_375 = math.exp %sub3A_374 : vector<16xf32>
      %swap3A_376 = arith.constant 112 : index
      %swap3A_377 = tpu.vector_load %arg14[%swap3A_376] {strides = array<i32>} : memref<128xf32, #tpu.memory_space<vmem>>, vector<16xf32>,
      tpu.vector_store %arg14[%swap3A_376], %exp3A_375 {strides = array<i32>} : memref<128xf32, #tpu.memory_space<vmem>>, vector<16xf32>,
      "tpu.region"() ({
        %run_scoped3A = tpu.sem_alloc : memref<!tpu.dma_semaphore, #tpu.memory_space<semaphore_mem>>
        %dma_start3A_404 = arith.constant 0 : i32
        %dma_start3A_405 = tpu.memref_slice %arg11[%add3A_235, %dma_start3A_404] : memref<82x128xi32, #tpu.memory_space<vmem>> -> memref<1x128xi32, #tpu.memory_space<vmem>>
        %dma_start3A_406 = tpu.memref_squeeze %dma_start3A_405 : memref<1x128xi32, #tpu.memory_space<vmem>> -> memref<128xi32, #tpu.memory_space<vmem>>
        %dma_start3A_407 = arith.constant 0 : i32
        %dma_start3A_408 = tpu.memref_slice %arg19[%dma_start3A_407] : memref<10240xf32, #tpu.memory_space<vmem_shared>> -> memref<10240xf32, #tpu.memory_space<vmem_shared>>
        tpu.enqueue_indirect_dma source(%arg14 : memref<128xf32, #tpu.memory_space<vmem>>) target(%dma_start3A_408 : memref<10240xf32, #tpu.memory_space<vmem_shared>>) offsets(%dma_start3A_406 : memref<128xi32, #tpu.memory_space<vmem>>) semaphore(%run_scoped3A : memref<!tpu.dma_semaphore, #tpu.memory_space<semaphore_mem>>) {add = true}
        %dma_wait3A_409 = arith.constant 0 : i32
        %dma_wait3A_410 = tpu.memref_slice %arg11[%add3A_235, %dma_wait3A_409] : memref<82x128xi32, #tpu.memory_space<vmem>> -> memref<1x128xi32, #tpu.memory_space<vmem>>
        %dma_wait3A_411 = tpu.memref_squeeze %dma_wait3A_410 : memref<1x128xi32, #tpu.memory_space<vmem>> -> memref<128xi32, #tpu.memory_space<vmem>>
        %dma_wait3A_412 = arith.constant 0 : i32
        %dma_wait3A_413 = tpu.memref_slice %arg19[%dma_wait3A_412] : memref<10240xf32, #tpu.memory_space<vmem_shared>> -> memref<10240xf32, #tpu.memory_space<vmem_shared>>
        tpu.wait_indirect_dma semaphore(%run_scoped3A : memref<!tpu.dma_semaphore, #tpu.memory_space<semaphore_mem>>) src(%arg14 : memref<128xf32, #tpu.memory_space<vmem>>) dst(%dma_wait3A_413 : memref<10240xf32, #tpu.memory_space<vmem_shared>>)
        tpu.yield
      }) : () -> ()
      %ge3A_378 = arith.constant 1 : i32
      %ge3A_379 = arith.cmpi sge, %add3A_235, %ge3A_378 : i32
      %convert_element_type3A_380 = arith.extui %ge3A_379 : i1 to i32
      %cond3A_381 = arith.constant 0 : i32
      %cond3A_382 = arith.cmpi ne, %convert_element_type3A_380, %cond3A_381 : i32
      scf.if %cond3A_382 {
        %dma_wait3A_404 = arith.constant 0 : i32
        %dma_wait3A_405 = arith.constant 0 : i32
        %dma_wait3A_406 = tpu.memref_slice %arg7[%dma_wait3A_404, %dma_wait3A_405] : memref<10240x64xf32, #tpu.memory_space<hbm>> -> memref<128x64xf32, #tpu.memory_space<hbm>>
        %dma_wait3A_407 = arith.constant 0 : i32
        %dma_wait3A_408 = arith.constant 0 : i32
        %dma_wait3A_409 = tpu.memref_slice %arg7[%dma_wait3A_407, %dma_wait3A_408] : memref<10240x64xf32, #tpu.memory_space<hbm>> -> memref<128x64xf32, #tpu.memory_space<hbm>>
        tpu.wait_dma2 semaphore(%arg22 : memref<!tpu.dma_semaphore, #tpu.memory_space<semaphore_mem>>) src(%dma_wait3A_409 : memref<128x64xf32, #tpu.memory_space<hbm>>) dst(%arg17 : memref<128x64xf32, #tpu.memory_space<vmem>>)
      } else {
      }
      %add3A_383 = arith.constant 1 : i32
      %add3A_384 = arith.addi %add3A_235, %add3A_383 : i32
      %lt3A_385 = arith.constant 82 : i32
      %lt3A_386 = arith.cmpi slt, %add3A_384, %lt3A_385 : i32
      %convert_element_type3A_387 = arith.extui %lt3A_386 : i1 to i32
      %cond3A_388 = arith.constant 0 : i32
      %cond3A_389 = arith.cmpi ne, %convert_element_type3A_387, %cond3A_388 : i32
      scf.if %cond3A_389 {
        %add3A_404 = arith.constant 1 : i32
        %add3A_405 = arith.addi %add3A_235, %add3A_404 : i32
        %dma_start3A_406 = arith.constant 0 : i32
        %dma_start3A_407 = tpu.memref_slice %arg10[%add3A_405, %dma_start3A_406] : memref<82x128xi32, #tpu.memory_space<vmem>> -> memref<1x128xi32, #tpu.memory_space<vmem>>
        %dma_start3A_408 = tpu.memref_squeeze %dma_start3A_407 : memref<1x128xi32, #tpu.memory_space<vmem>> -> memref<128xi32, #tpu.memory_space<vmem>>
        %dma_start3A_409 = arith.constant 0 : i32
        %dma_start3A_410 = arith.constant 0 : i32
        %dma_start3A_411 = tpu.memref_slice %arg7[%dma_start3A_409, %dma_start3A_410] : memref<10240x64xf32, #tpu.memory_space<hbm>> -> memref<10240x64xf32, #tpu.memory_space<hbm>>
        tpu.enqueue_indirect_dma source(%dma_start3A_411 : memref<10240x64xf32, #tpu.memory_space<hbm>>) target(%arg17 : memref<128x64xf32, #tpu.memory_space<vmem>>) offsets(%dma_start3A_408 : memref<128xi32, #tpu.memory_space<vmem>>) semaphore(%arg21 : memref<!tpu.dma_semaphore, #tpu.memory_space<semaphore_mem>>)
      } else {
      }
      %scan3A_390 = arith.constant 0 : i32
      %scan3A_391 = arith.constant 0 : i32
      %scan3A_392 = arith.constant 128 : i32
      %scan3A_393 = arith.addi %scan3A_391, %scan3A_392 : i32
      %scan3A_394 = arith.constant 1 : i32
      %scan3A_395 = scf.for %scan3A_404 = %scan3A_391 to %scan3A_393 step %scan3A_394 iter_args(%scan3A_405 = %scan3A_390) -> (i32)  : i32 {
        %broadcast_in_dim3A_406 = vector.broadcast %scan3A_404 : i32 to vector<16xi32>
        %gather3A_407 = tpu.vector_load_idx %arg14[%broadcast_in_dim3A_406] : memref<128xf32, #tpu.memory_space<vmem>>[vector<16xi32>], vector<16xf32>,
        %get3A_408 = arith.index_cast %scan3A_404 : i32 to index
        %get3A_409 = arith.constant 0 : index
        %get3A_410 = tpu.vector_load %arg18[%get3A_408, %get3A_409] {strides = array<i32>} : memref<128x64xf32, #tpu.memory_space<vmem>>, vector<16xf32>,
        %mul3A_411 = arith.mulf %get3A_410, %gather3A_407 : vector<16xf32>
        %swap3A_412 = arith.index_cast %scan3A_404 : i32 to index
        %swap3A_413 = arith.constant 0 : index
        %swap3A_414 = tpu.vector_load %arg18[%swap3A_412, %swap3A_413] {strides = array<i32>} : memref<128x64xf32, #tpu.memory_space<vmem>>, vector<16xf32>,
        tpu.vector_store %arg18[%swap3A_412, %swap3A_413], %mul3A_411 {strides = array<i32>} : memref<128x64xf32, #tpu.memory_space<vmem>>, vector<16xf32>,
        %get3A_415 = arith.index_cast %scan3A_404 : i32 to index
        %get3A_416 = arith.constant 16 : index
        %get3A_417 = tpu.vector_load %arg18[%get3A_415, %get3A_416] {strides = array<i32>} : memref<128x64xf32, #tpu.memory_space<vmem>>, vector<16xf32>,
        %mul3A_418 = arith.mulf %get3A_417, %gather3A_407 : vector<16xf32>
        %swap3A_419 = arith.index_cast %scan3A_404 : i32 to index
        %swap3A_420 = arith.constant 16 : index
        %swap3A_421 = tpu.vector_load %arg18[%swap3A_419, %swap3A_420] {strides = array<i32>} : memref<128x64xf32, #tpu.memory_space<vmem>>, vector<16xf32>,
        tpu.vector_store %arg18[%swap3A_419, %swap3A_420], %mul3A_418 {strides = array<i32>} : memref<128x64xf32, #tpu.memory_space<vmem>>, vector<16xf32>,
        %get3A_422 = arith.index_cast %scan3A_404 : i32 to index
        %get3A_423 = arith.constant 32 : index
        %get3A_424 = tpu.vector_load %arg18[%get3A_422, %get3A_423] {strides = array<i32>} : memref<128x64xf32, #tpu.memory_space<vmem>>, vector<16xf32>,
        %mul3A_425 = arith.mulf %get3A_424, %gather3A_407 : vector<16xf32>
        %swap3A_426 = arith.index_cast %scan3A_404 : i32 to index
        %swap3A_427 = arith.constant 32 : index
        %swap3A_428 = tpu.vector_load %arg18[%swap3A_426, %swap3A_427] {strides = array<i32>} : memref<128x64xf32, #tpu.memory_space<vmem>>, vector<16xf32>,
        tpu.vector_store %arg18[%swap3A_426, %swap3A_427], %mul3A_425 {strides = array<i32>} : memref<128x64xf32, #tpu.memory_space<vmem>>, vector<16xf32>,
        %get3A_429 = arith.index_cast %scan3A_404 : i32 to index
        %get3A_430 = arith.constant 48 : index
        %get3A_431 = tpu.vector_load %arg18[%get3A_429, %get3A_430] {strides = array<i32>} : memref<128x64xf32, #tpu.memory_space<vmem>>, vector<16xf32>,
        %mul3A_432 = arith.mulf %get3A_431, %gather3A_407 : vector<16xf32>
        %swap3A_433 = arith.index_cast %scan3A_404 : i32 to index
        %swap3A_434 = arith.constant 48 : index
        %swap3A_435 = tpu.vector_load %arg18[%swap3A_433, %swap3A_434] {strides = array<i32>} : memref<128x64xf32, #tpu.memory_space<vmem>>, vector<16xf32>,
        tpu.vector_store %arg18[%swap3A_433, %swap3A_434], %mul3A_432 {strides = array<i32>} : memref<128x64xf32, #tpu.memory_space<vmem>>, vector<16xf32>,
        %scan3A_436 = arith.constant 0 : i32
        scf.yield %scan3A_436 : i32
      }
      %scan3A_396 = arith.constant 128 : i32
      %dma_start3A_397 = arith.constant 0 : i32
      %dma_start3A_398 = tpu.memref_slice %arg11[%add3A_235, %dma_start3A_397] : memref<82x128xi32, #tpu.memory_space<vmem>> -> memref<1x128xi32, #tpu.memory_space<vmem>>
      %dma_start3A_399 = tpu.memref_squeeze %dma_start3A_398 : memref<1x128xi32, #tpu.memory_space<vmem>> -> memref<128xi32, #tpu.memory_space<vmem>>
      %dma_start3A_400 = arith.constant 0 : i32
      %dma_start3A_401 = arith.constant 0 : i32
      %dma_start3A_402 = tpu.memref_slice %arg20[%dma_start3A_400, %dma_start3A_401] : memref<10240x64xf32, #tpu.memory_space<vmem_shared>> -> memref<10240x64xf32, #tpu.memory_space<vmem_shared>>
      tpu.enqueue_indirect_dma source(%arg18 : memref<128x64xf32, #tpu.memory_space<vmem>>) target(%dma_start3A_402 : memref<10240x64xf32, #tpu.memory_space<vmem_shared>>) offsets(%dma_start3A_399 : memref<128xi32, #tpu.memory_space<vmem>>) semaphore(%arg22 : memref<!tpu.dma_semaphore, #tpu.memory_space<semaphore_mem>>) {add = true}
      %scan3A_403 = arith.constant 0 : i32
      scf.yield %scan3A_403 : i32
    }
    %scan3A_60 = arith.constant 41 : i32
    %dma_wait3A = arith.constant 0 : i32
    %dma_wait3A_61 = arith.constant 0 : i32
    %dma_wait3A_62 = tpu.memref_slice %arg7[%dma_wait3A, %dma_wait3A_61] : memref<10240x64xf32, #tpu.memory_space<hbm>> -> memref<128x64xf32, #tpu.memory_space<hbm>>
    %dma_wait3A_63 = arith.constant 0 : i32
    %dma_wait3A_64 = arith.constant 0 : i32
    %dma_wait3A_65 = tpu.memref_slice %arg7[%dma_wait3A_63, %dma_wait3A_64] : memref<10240x64xf32, #tpu.memory_space<hbm>> -> memref<128x64xf32, #tpu.memory_space<hbm>>
    tpu.wait_dma2 semaphore(%arg22 : memref<!tpu.dma_semaphore, #tpu.memory_space<semaphore_mem>>) src(%dma_wait3A_65 : memref<128x64xf32, #tpu.memory_space<hbm>>) dst(%arg18 : memref<128x64xf32, #tpu.memory_space<vmem>>)
    %barrier3A_66 = arith.constant 0 : index
    tpu.barrier barrier_id(%barrier3A_66)
    "tpu.region"() ({
      %run_scoped3A = tpu.sem_alloc : memref<!tpu.dma_semaphore, #tpu.memory_space<semaphore_mem>>
      %dma_start3A_67 = tpu.memref_slice %arg8[%arg0, %mul3A_2] : memref<2x10240xf32, #tpu.memory_space<hbm>> -> memref<1x640xf32, #tpu.memory_space<hbm>>
      %dma_start3A_68 = tpu.memref_squeeze %dma_start3A_67 : memref<1x640xf32, #tpu.memory_space<hbm>> -> memref<640xf32, #tpu.memory_space<hbm>>
      %dma_start3A_69 = tpu.memref_slice %arg19[%mul3A_2] : memref<10240xf32, #tpu.memory_space<vmem_shared>> -> memref<640xf32, #tpu.memory_space<vmem_shared>>
      tpu.enqueue_dma source(%dma_start3A_69 : memref<640xf32, #tpu.memory_space<vmem_shared>>) target(%dma_start3A_68 : memref<640xf32, #tpu.memory_space<hbm>>) target_semaphore(%run_scoped3A : memref<!tpu.dma_semaphore, #tpu.memory_space<semaphore_mem>>)
      %dma_wait3A_70 = tpu.memref_slice %arg8[%arg0, %mul3A_2] : memref<2x10240xf32, #tpu.memory_space<hbm>> -> memref<1x640xf32, #tpu.memory_space<hbm>>
      %dma_wait3A_71 = tpu.memref_squeeze %dma_wait3A_70 : memref<1x640xf32, #tpu.memory_space<hbm>> -> memref<640xf32, #tpu.memory_space<hbm>>
      %dma_wait3A_72 = tpu.memref_slice %arg19[%mul3A_2] : memref<10240xf32, #tpu.memory_space<vmem_shared>> -> memref<640xf32, #tpu.memory_space<vmem_shared>>
      tpu.wait_dma2 semaphore(%run_scoped3A : memref<!tpu.dma_semaphore, #tpu.memory_space<semaphore_mem>>) src(%dma_wait3A_72 : memref<640xf32, #tpu.memory_space<vmem_shared>>) dst(%dma_wait3A_71 : memref<640xf32, #tpu.memory_space<hbm>>)
      tpu.yield
    }) : () -> ()
    "tpu.region"() ({
      %run_scoped3A = tpu.sem_alloc : memref<!tpu.dma_semaphore, #tpu.memory_space<semaphore_mem>>
      %dma_start3A_67 = arith.constant 0 : i32
      %dma_start3A_68 = tpu.memref_slice %arg9[%arg0, %mul3A_2, %dma_start3A_67] : memref<2x10240x64xf32, #tpu.memory_space<hbm>> -> memref<1x640x64xf32, #tpu.memory_space<hbm>>
      %dma_start3A_69 = tpu.memref_squeeze %dma_start3A_68 : memref<1x640x64xf32, #tpu.memory_space<hbm>> -> memref<640x64xf32, #tpu.memory_space<hbm>>
      %dma_start3A_70 = arith.constant 0 : i32
      %dma_start3A_71 = tpu.memref_slice %arg20[%mul3A_2, %dma_start3A_70] : memref<10240x64xf32, #tpu.memory_space<vmem_shared>> -> memref<640x64xf32, #tpu.memory_space<vmem_shared>>
      tpu.enqueue_dma source(%dma_start3A_71 : memref<640x64xf32, #tpu.memory_space<vmem_shared>>) target(%dma_start3A_69 : memref<640x64xf32, #tpu.memory_space<hbm>>) target_semaphore(%run_scoped3A : memref<!tpu.dma_semaphore, #tpu.memory_space<semaphore_mem>>)
      %dma_wait3A_72 = arith.constant 0 : i32
      %dma_wait3A_73 = tpu.memref_slice %arg9[%arg0, %mul3A_2, %dma_wait3A_72] : memref<2x10240x64xf32, #tpu.memory_space<hbm>> -> memref<1x640x64xf32, #tpu.memory_space<hbm>>
      %dma_wait3A_74 = tpu.memref_squeeze %dma_wait3A_73 : memref<1x640x64xf32, #tpu.memory_space<hbm>> -> memref<640x64xf32, #tpu.memory_space<hbm>>
      %dma_wait3A_75 = arith.constant 0 : i32
      %dma_wait3A_76 = tpu.memref_slice %arg20[%mul3A_2, %dma_wait3A_75] : memref<10240x64xf32, #tpu.memory_space<vmem_shared>> -> memref<640x64xf32, #tpu.memory_space<vmem_shared>>
      tpu.wait_dma2 semaphore(%run_scoped3A : memref<!tpu.dma_semaphore, #tpu.memory_space<semaphore_mem>>) src(%dma_wait3A_76 : memref<640x64xf32, #tpu.memory_space<vmem_shared>>) dst(%dma_wait3A_74 : memref<640x64xf32, #tpu.memory_space<hbm>>)
      tpu.yield
    }) : () -> ()
    return
  }
}

#map = affine_map<(d0, d1) -> (0, 0, 0)>
#map1 = affine_map<(d0, d1) -> (0)>
#map2 = affine_map<(d0, d1) -> (0, 0)>
module attributes {stable_mosaic.version = 14 : i64} {
  func.func @pass1(%arg0: i32, %arg1: i32, %arg2: memref<32x82x128xi32, #tpu.memory_space<hbm>>, %arg3: memref<32x82x128xi32, #tpu.memory_space<hbm>>, %arg4: memref<10240xf32, #tpu.memory_space<hbm>>, %arg5: memref<10240xf32, #tpu.memory_space<hbm>>, %arg6: memref<2x128xf32, #tpu.memory_space<hbm>>, %arg7: memref<2x10240xf32, #tpu.memory_space<hbm>>, %arg8: memref<32x82x128xf32, #tpu.memory_space<hbm>>, %arg9: memref<82x128xi32, #tpu.memory_space<vmem>>, %arg10: memref<82x128xi32, #tpu.memory_space<vmem>>, %arg11: memref<10240xf32, #tpu.memory_space<vmem>>, %arg12: memref<10240xf32, #tpu.memory_space<vmem>>, %arg13: memref<82x128xf32, #tpu.memory_space<vmem>>, %arg14: memref<640xf32, #tpu.memory_space<vmem>>, %arg15: memref<2x128xf32, #tpu.memory_space<vmem>>, %arg16: memref<10240xf32, #tpu.memory_space<vmem_shared>>) attributes {dimension_semantics = [#tpu.dimension_semantics<core_parallel>, #tpu.dimension_semantics<subcore_parallel>], iteration_bounds = array<i64: 2, 16>, scalar_prefetch = 0 : i64, scratch_operands = 8 : i64, tpu.core_type = #tpu.core_type<sc_vector_subcore>, window_params = [{transform_indices = #map}, {transform_indices = #map}, {transform_indices = #map1}, {transform_indices = #map1}, {transform_indices = #map2}, {transform_indices = #map2}, {transform_indices = #map}]} {
    %mul3A = arith.constant 2 : i32
    %mul3A_0 = arith.muli %arg1, %mul3A : i32
    %add3A = arith.addi %mul3A_0, %arg0 : i32
    "tpu.region"() ({
      %run_scoped3A = tpu.sem_alloc : memref<!tpu.dma_semaphore, #tpu.memory_space<semaphore_mem>>
      %dma_start3A = arith.constant 0 : i32
      %dma_start3A_33 = arith.constant 0 : i32
      %dma_start3A_34 = tpu.memref_slice %arg2[%add3A, %dma_start3A, %dma_start3A_33] : memref<32x82x128xi32, #tpu.memory_space<hbm>> -> memref<1x82x128xi32, #tpu.memory_space<hbm>>
      %dma_start3A_35 = tpu.memref_squeeze %dma_start3A_34 : memref<1x82x128xi32, #tpu.memory_space<hbm>> -> memref<82x128xi32, #tpu.memory_space<hbm>>
      %dma_start3A_36 = arith.constant 0 : i32
      %dma_start3A_37 = arith.constant 0 : i32
      %dma_start3A_38 = tpu.memref_slice %arg2[%add3A, %dma_start3A_36, %dma_start3A_37] : memref<32x82x128xi32, #tpu.memory_space<hbm>> -> memref<1x82x128xi32, #tpu.memory_space<hbm>>
      %dma_start3A_39 = tpu.memref_squeeze %dma_start3A_38 : memref<1x82x128xi32, #tpu.memory_space<hbm>> -> memref<82x128xi32, #tpu.memory_space<hbm>>
      tpu.enqueue_dma source(%dma_start3A_39 : memref<82x128xi32, #tpu.memory_space<hbm>>) target(%arg9 : memref<82x128xi32, #tpu.memory_space<vmem>>) target_semaphore(%run_scoped3A : memref<!tpu.dma_semaphore, #tpu.memory_space<semaphore_mem>>)
      %dma_wait3A = arith.constant 0 : i32
      %dma_wait3A_40 = arith.constant 0 : i32
      %dma_wait3A_41 = tpu.memref_slice %arg2[%add3A, %dma_wait3A, %dma_wait3A_40] : memref<32x82x128xi32, #tpu.memory_space<hbm>> -> memref<1x82x128xi32, #tpu.memory_space<hbm>>
      %dma_wait3A_42 = tpu.memref_squeeze %dma_wait3A_41 : memref<1x82x128xi32, #tpu.memory_space<hbm>> -> memref<82x128xi32, #tpu.memory_space<hbm>>
      %dma_wait3A_43 = arith.constant 0 : i32
      %dma_wait3A_44 = arith.constant 0 : i32
      %dma_wait3A_45 = tpu.memref_slice %arg2[%add3A, %dma_wait3A_43, %dma_wait3A_44] : memref<32x82x128xi32, #tpu.memory_space<hbm>> -> memref<1x82x128xi32, #tpu.memory_space<hbm>>
      %dma_wait3A_46 = tpu.memref_squeeze %dma_wait3A_45 : memref<1x82x128xi32, #tpu.memory_space<hbm>> -> memref<82x128xi32, #tpu.memory_space<hbm>>
      tpu.wait_dma2 semaphore(%run_scoped3A : memref<!tpu.dma_semaphore, #tpu.memory_space<semaphore_mem>>) src(%dma_wait3A_46 : memref<82x128xi32, #tpu.memory_space<hbm>>) dst(%arg9 : memref<82x128xi32, #tpu.memory_space<vmem>>)
      tpu.yield
    }) : () -> ()
    "tpu.region"() ({
      %run_scoped3A = tpu.sem_alloc : memref<!tpu.dma_semaphore, #tpu.memory_space<semaphore_mem>>
      %dma_start3A = arith.constant 0 : i32
      %dma_start3A_33 = arith.constant 0 : i32
      %dma_start3A_34 = tpu.memref_slice %arg3[%add3A, %dma_start3A, %dma_start3A_33] : memref<32x82x128xi32, #tpu.memory_space<hbm>> -> memref<1x82x128xi32, #tpu.memory_space<hbm>>
      %dma_start3A_35 = tpu.memref_squeeze %dma_start3A_34 : memref<1x82x128xi32, #tpu.memory_space<hbm>> -> memref<82x128xi32, #tpu.memory_space<hbm>>
      %dma_start3A_36 = arith.constant 0 : i32
      %dma_start3A_37 = arith.constant 0 : i32
      %dma_start3A_38 = tpu.memref_slice %arg3[%add3A, %dma_start3A_36, %dma_start3A_37] : memref<32x82x128xi32, #tpu.memory_space<hbm>> -> memref<1x82x128xi32, #tpu.memory_space<hbm>>
      %dma_start3A_39 = tpu.memref_squeeze %dma_start3A_38 : memref<1x82x128xi32, #tpu.memory_space<hbm>> -> memref<82x128xi32, #tpu.memory_space<hbm>>
      tpu.enqueue_dma source(%dma_start3A_39 : memref<82x128xi32, #tpu.memory_space<hbm>>) target(%arg10 : memref<82x128xi32, #tpu.memory_space<vmem>>) target_semaphore(%run_scoped3A : memref<!tpu.dma_semaphore, #tpu.memory_space<semaphore_mem>>)
      %dma_wait3A = arith.constant 0 : i32
      %dma_wait3A_40 = arith.constant 0 : i32
      %dma_wait3A_41 = tpu.memref_slice %arg3[%add3A, %dma_wait3A, %dma_wait3A_40] : memref<32x82x128xi32, #tpu.memory_space<hbm>> -> memref<1x82x128xi32, #tpu.memory_space<hbm>>
      %dma_wait3A_42 = tpu.memref_squeeze %dma_wait3A_41 : memref<1x82x128xi32, #tpu.memory_space<hbm>> -> memref<82x128xi32, #tpu.memory_space<hbm>>
      %dma_wait3A_43 = arith.constant 0 : i32
      %dma_wait3A_44 = arith.constant 0 : i32
      %dma_wait3A_45 = tpu.memref_slice %arg3[%add3A, %dma_wait3A_43, %dma_wait3A_44] : memref<32x82x128xi32, #tpu.memory_space<hbm>> -> memref<1x82x128xi32, #tpu.memory_space<hbm>>
      %dma_wait3A_46 = tpu.memref_squeeze %dma_wait3A_45 : memref<1x82x128xi32, #tpu.memory_space<hbm>> -> memref<82x128xi32, #tpu.memory_space<hbm>>
      tpu.wait_dma2 semaphore(%run_scoped3A : memref<!tpu.dma_semaphore, #tpu.memory_space<semaphore_mem>>) src(%dma_wait3A_46 : memref<82x128xi32, #tpu.memory_space<hbm>>) dst(%arg10 : memref<82x128xi32, #tpu.memory_space<vmem>>)
      tpu.yield
    }) : () -> ()
    "tpu.region"() ({
      %run_scoped3A = tpu.sem_alloc : memref<!tpu.dma_semaphore, #tpu.memory_space<semaphore_mem>>
      tpu.enqueue_dma source(%arg4 : memref<10240xf32, #tpu.memory_space<hbm>>) target(%arg11 : memref<10240xf32, #tpu.memory_space<vmem>>) target_semaphore(%run_scoped3A : memref<!tpu.dma_semaphore, #tpu.memory_space<semaphore_mem>>)
      tpu.wait_dma2 semaphore(%run_scoped3A : memref<!tpu.dma_semaphore, #tpu.memory_space<semaphore_mem>>) src(%arg4 : memref<10240xf32, #tpu.memory_space<hbm>>) dst(%arg11 : memref<10240xf32, #tpu.memory_space<vmem>>)
      tpu.yield
    }) : () -> ()
    "tpu.region"() ({
      %run_scoped3A = tpu.sem_alloc : memref<!tpu.dma_semaphore, #tpu.memory_space<semaphore_mem>>
      tpu.enqueue_dma source(%arg5 : memref<10240xf32, #tpu.memory_space<hbm>>) target(%arg12 : memref<10240xf32, #tpu.memory_space<vmem>>) target_semaphore(%run_scoped3A : memref<!tpu.dma_semaphore, #tpu.memory_space<semaphore_mem>>)
      tpu.wait_dma2 semaphore(%run_scoped3A : memref<!tpu.dma_semaphore, #tpu.memory_space<semaphore_mem>>) src(%arg5 : memref<10240xf32, #tpu.memory_space<hbm>>) dst(%arg12 : memref<10240xf32, #tpu.memory_space<vmem>>)
      tpu.yield
    }) : () -> ()
    "tpu.region"() ({
      %run_scoped3A = tpu.sem_alloc : memref<!tpu.dma_semaphore, #tpu.memory_space<semaphore_mem>>
      tpu.enqueue_dma source(%arg6 : memref<2x128xf32, #tpu.memory_space<hbm>>) target(%arg15 : memref<2x128xf32, #tpu.memory_space<vmem>>) target_semaphore(%run_scoped3A : memref<!tpu.dma_semaphore, #tpu.memory_space<semaphore_mem>>)
      tpu.wait_dma2 semaphore(%run_scoped3A : memref<!tpu.dma_semaphore, #tpu.memory_space<semaphore_mem>>) src(%arg6 : memref<2x128xf32, #tpu.memory_space<hbm>>) dst(%arg15 : memref<2x128xf32, #tpu.memory_space<vmem>>)
      tpu.yield
    }) : () -> ()
    %broadcast_in_dim3A = arith.constant 0.000000e+00 : f32
    %broadcast_in_dim3A_1 = vector.broadcast %broadcast_in_dim3A : f32 to vector<16xf32>
    %scan3A = arith.constant 0 : i32
    %scan3A_2 = arith.constant 0 : i32
    %scan3A_3 = arith.constant 40 : i32
    %scan3A_4 = arith.addi %scan3A_2, %scan3A_3 : i32
    %scan3A_5 = arith.constant 1 : i32
    %scan3A_6 = scf.for %scan3A_33 = %scan3A_2 to %scan3A_4 step %scan3A_5 iter_args(%scan3A_34 = %scan3A) -> (i32)  : i32 {
      %mul3A_35 = arith.constant 16 : i32
      %mul3A_36 = arith.muli %scan3A_33, %mul3A_35 : i32
      %swap3A = arith.index_cast %mul3A_36 : i32 to index
      %swap3A_37 = tpu.vector_load %arg14[%swap3A] {strides = array<i32>} : memref<640xf32, #tpu.memory_space<vmem>>, vector<16xf32>,
      tpu.vector_store %arg14[%swap3A], %broadcast_in_dim3A_1 {strides = array<i32>} : memref<640xf32, #tpu.memory_space<vmem>>, vector<16xf32>,
      %scan3A_38 = arith.constant 0 : i32
      scf.yield %scan3A_38 : i32
    }
    %scan3A_7 = arith.constant 40 : i32
    %mul3A_8 = arith.constant 640 : i32
    %mul3A_9 = arith.muli %arg1, %mul3A_8 : i32
    "tpu.region"() ({
      %run_scoped3A = tpu.sem_alloc : memref<!tpu.dma_semaphore, #tpu.memory_space<semaphore_mem>>
      %dma_start3A = tpu.memref_slice %arg16[%mul3A_9] : memref<10240xf32, #tpu.memory_space<vmem_shared>> -> memref<640xf32, #tpu.memory_space<vmem_shared>>
      %dma_start3A_33 = tpu.memref_slice %arg16[%mul3A_9] : memref<10240xf32, #tpu.memory_space<vmem_shared>> -> memref<640xf32, #tpu.memory_space<vmem_shared>>
      tpu.enqueue_dma source(%arg14 : memref<640xf32, #tpu.memory_space<vmem>>) target(%dma_start3A_33 : memref<640xf32, #tpu.memory_space<vmem_shared>>) target_semaphore(%run_scoped3A : memref<!tpu.dma_semaphore, #tpu.memory_space<semaphore_mem>>)
      %dma_wait3A = tpu.memref_slice %arg16[%mul3A_9] : memref<10240xf32, #tpu.memory_space<vmem_shared>> -> memref<640xf32, #tpu.memory_space<vmem_shared>>
      %dma_wait3A_34 = tpu.memref_slice %arg16[%mul3A_9] : memref<10240xf32, #tpu.memory_space<vmem_shared>> -> memref<640xf32, #tpu.memory_space<vmem_shared>>
      tpu.wait_dma2 semaphore(%run_scoped3A : memref<!tpu.dma_semaphore, #tpu.memory_space<semaphore_mem>>) src(%arg14 : memref<640xf32, #tpu.memory_space<vmem>>) dst(%dma_wait3A_34 : memref<640xf32, #tpu.memory_space<vmem_shared>>)
      tpu.yield
    }) : () -> ()
    %get3A = arith.constant 0 : i32
    %get3A_10 = arith.index_cast %get3A : i32 to index
    %get3A_11 = arith.constant 0 : index
    %get3A_12 = tpu.vector_load %arg15[%get3A_10, %get3A_11] {strides = array<i32>} : memref<2x128xf32, #tpu.memory_space<vmem>>, vector<16xf32>,
    %get3A_13 = arith.constant 1 : i32
    %get3A_14 = arith.index_cast %get3A_13 : i32 to index
    %get3A_15 = arith.constant 0 : index
    %get3A_16 = tpu.vector_load %arg15[%get3A_14, %get3A_15] {strides = array<i32>} : memref<2x128xf32, #tpu.memory_space<vmem>>, vector<16xf32>,
    %add3A_17 = arith.addf %get3A_12, %get3A_16 : vector<16xf32>
    %mul3A_18 = arith.constant 2.000000e-01 : f32
    %mul3A_19 = vector.broadcast %mul3A_18 : f32 to vector<16xf32>
    %mul3A_20 = arith.mulf %mul3A_19, %add3A_17 : vector<16xf32>
    %max3A = arith.maximumf %add3A_17, %mul3A_20 : vector<16xf32>
    %barrier3A = arith.constant 0 : index
    tpu.barrier barrier_id(%barrier3A)
    %scan3A_21 = arith.constant 0 : i32
    %scan3A_22 = arith.constant 0 : i32
    %scan3A_23 = arith.constant 82 : i32
    %scan3A_24 = arith.addi %scan3A_22, %scan3A_23 : i32
    %scan3A_25 = arith.constant 1 : i32
    %scan3A_26 = scf.for %scan3A_33 = %scan3A_22 to %scan3A_24 step %scan3A_25 iter_args(%scan3A_34 = %scan3A_21) -> (i32)  : i32 {
      %get3A_35 = arith.index_cast %scan3A_33 : i32 to index
      %get3A_36 = arith.constant 0 : index
      %get3A_37 = tpu.vector_load %arg9[%get3A_35, %get3A_36] {strides = array<i32>} : memref<82x128xi32, #tpu.memory_space<vmem>>, vector<16xi32>,
      %get3A_38 = arith.index_cast %scan3A_33 : i32 to index
      %get3A_39 = arith.constant 0 : index
      %get3A_40 = tpu.vector_load %arg10[%get3A_38, %get3A_39] {strides = array<i32>} : memref<82x128xi32, #tpu.memory_space<vmem>>, vector<16xi32>,
      %gather3A = tpu.vector_load_idx %arg11[%get3A_37] : memref<10240xf32, #tpu.memory_space<vmem>>[vector<16xi32>], vector<16xf32>,
      %gather3A_41 = tpu.vector_load_idx %arg12[%get3A_40] : memref<10240xf32, #tpu.memory_space<vmem>>[vector<16xi32>], vector<16xf32>,
      %add3A_42 = arith.addf %gather3A, %gather3A_41 : vector<16xf32>
      %mul3A_43 = arith.constant 2.000000e-01 : f32
      %mul3A_44 = vector.broadcast %mul3A_43 : f32 to vector<16xf32>
      %mul3A_45 = arith.mulf %mul3A_44, %add3A_42 : vector<16xf32>
      %max3A_46 = arith.maximumf %add3A_42, %mul3A_45 : vector<16xf32>
      %sub3A = arith.subf %max3A_46, %max3A : vector<16xf32>
      %exp3A = math.exp %sub3A : vector<16xf32>
      %swap3A = arith.index_cast %scan3A_33 : i32 to index
      %swap3A_47 = arith.constant 0 : index
      %swap3A_48 = tpu.vector_load %arg13[%swap3A, %swap3A_47] {strides = array<i32>} : memref<82x128xf32, #tpu.memory_space<vmem>>, vector<16xf32>,
      tpu.vector_store %arg13[%swap3A, %swap3A_47], %exp3A {strides = array<i32>} : memref<82x128xf32, #tpu.memory_space<vmem>>, vector<16xf32>,
      %get3A_49 = arith.index_cast %scan3A_33 : i32 to index
      %get3A_50 = arith.constant 16 : index
      %get3A_51 = tpu.vector_load %arg9[%get3A_49, %get3A_50] {strides = array<i32>} : memref<82x128xi32, #tpu.memory_space<vmem>>, vector<16xi32>,
      %get3A_52 = arith.index_cast %scan3A_33 : i32 to index
      %get3A_53 = arith.constant 16 : index
      %get3A_54 = tpu.vector_load %arg10[%get3A_52, %get3A_53] {strides = array<i32>} : memref<82x128xi32, #tpu.memory_space<vmem>>, vector<16xi32>,
      %gather3A_55 = tpu.vector_load_idx %arg11[%get3A_51] : memref<10240xf32, #tpu.memory_space<vmem>>[vector<16xi32>], vector<16xf32>,
      %gather3A_56 = tpu.vector_load_idx %arg12[%get3A_54] : memref<10240xf32, #tpu.memory_space<vmem>>[vector<16xi32>], vector<16xf32>,
      %add3A_57 = arith.addf %gather3A_55, %gather3A_56 : vector<16xf32>
      %mul3A_58 = arith.constant 2.000000e-01 : f32
      %mul3A_59 = vector.broadcast %mul3A_58 : f32 to vector<16xf32>
      %mul3A_60 = arith.mulf %mul3A_59, %add3A_57 : vector<16xf32>
      %max3A_61 = arith.maximumf %add3A_57, %mul3A_60 : vector<16xf32>
      %sub3A_62 = arith.subf %max3A_61, %max3A : vector<16xf32>
      %exp3A_63 = math.exp %sub3A_62 : vector<16xf32>
      %swap3A_64 = arith.index_cast %scan3A_33 : i32 to index
      %swap3A_65 = arith.constant 16 : index
      %swap3A_66 = tpu.vector_load %arg13[%swap3A_64, %swap3A_65] {strides = array<i32>} : memref<82x128xf32, #tpu.memory_space<vmem>>, vector<16xf32>,
      tpu.vector_store %arg13[%swap3A_64, %swap3A_65], %exp3A_63 {strides = array<i32>} : memref<82x128xf32, #tpu.memory_space<vmem>>, vector<16xf32>,
      %get3A_67 = arith.index_cast %scan3A_33 : i32 to index
      %get3A_68 = arith.constant 32 : index
      %get3A_69 = tpu.vector_load %arg9[%get3A_67, %get3A_68] {strides = array<i32>} : memref<82x128xi32, #tpu.memory_space<vmem>>, vector<16xi32>,
      %get3A_70 = arith.index_cast %scan3A_33 : i32 to index
      %get3A_71 = arith.constant 32 : index
      %get3A_72 = tpu.vector_load %arg10[%get3A_70, %get3A_71] {strides = array<i32>} : memref<82x128xi32, #tpu.memory_space<vmem>>, vector<16xi32>,
      %gather3A_73 = tpu.vector_load_idx %arg11[%get3A_69] : memref<10240xf32, #tpu.memory_space<vmem>>[vector<16xi32>], vector<16xf32>,
      %gather3A_74 = tpu.vector_load_idx %arg12[%get3A_72] : memref<10240xf32, #tpu.memory_space<vmem>>[vector<16xi32>], vector<16xf32>,
      %add3A_75 = arith.addf %gather3A_73, %gather3A_74 : vector<16xf32>
      %mul3A_76 = arith.constant 2.000000e-01 : f32
      %mul3A_77 = vector.broadcast %mul3A_76 : f32 to vector<16xf32>
      %mul3A_78 = arith.mulf %mul3A_77, %add3A_75 : vector<16xf32>
      %max3A_79 = arith.maximumf %add3A_75, %mul3A_78 : vector<16xf32>
      %sub3A_80 = arith.subf %max3A_79, %max3A : vector<16xf32>
      %exp3A_81 = math.exp %sub3A_80 : vector<16xf32>
      %swap3A_82 = arith.index_cast %scan3A_33 : i32 to index
      %swap3A_83 = arith.constant 32 : index
      %swap3A_84 = tpu.vector_load %arg13[%swap3A_82, %swap3A_83] {strides = array<i32>} : memref<82x128xf32, #tpu.memory_space<vmem>>, vector<16xf32>,
      tpu.vector_store %arg13[%swap3A_82, %swap3A_83], %exp3A_81 {strides = array<i32>} : memref<82x128xf32, #tpu.memory_space<vmem>>, vector<16xf32>,
      %get3A_85 = arith.index_cast %scan3A_33 : i32 to index
      %get3A_86 = arith.constant 48 : index
      %get3A_87 = tpu.vector_load %arg9[%get3A_85, %get3A_86] {strides = array<i32>} : memref<82x128xi32, #tpu.memory_space<vmem>>, vector<16xi32>,
      %get3A_88 = arith.index_cast %scan3A_33 : i32 to index
      %get3A_89 = arith.constant 48 : index
      %get3A_90 = tpu.vector_load %arg10[%get3A_88, %get3A_89] {strides = array<i32>} : memref<82x128xi32, #tpu.memory_space<vmem>>, vector<16xi32>,
      %gather3A_91 = tpu.vector_load_idx %arg11[%get3A_87] : memref<10240xf32, #tpu.memory_space<vmem>>[vector<16xi32>], vector<16xf32>,
      %gather3A_92 = tpu.vector_load_idx %arg12[%get3A_90] : memref<10240xf32, #tpu.memory_space<vmem>>[vector<16xi32>], vector<16xf32>,
      %add3A_93 = arith.addf %gather3A_91, %gather3A_92 : vector<16xf32>
      %mul3A_94 = arith.constant 2.000000e-01 : f32
      %mul3A_95 = vector.broadcast %mul3A_94 : f32 to vector<16xf32>
      %mul3A_96 = arith.mulf %mul3A_95, %add3A_93 : vector<16xf32>
      %max3A_97 = arith.maximumf %add3A_93, %mul3A_96 : vector<16xf32>
      %sub3A_98 = arith.subf %max3A_97, %max3A : vector<16xf32>
      %exp3A_99 = math.exp %sub3A_98 : vector<16xf32>
      %swap3A_100 = arith.index_cast %scan3A_33 : i32 to index
      %swap3A_101 = arith.constant 48 : index
      %swap3A_102 = tpu.vector_load %arg13[%swap3A_100, %swap3A_101] {strides = array<i32>} : memref<82x128xf32, #tpu.memory_space<vmem>>, vector<16xf32>,
      tpu.vector_store %arg13[%swap3A_100, %swap3A_101], %exp3A_99 {strides = array<i32>} : memref<82x128xf32, #tpu.memory_space<vmem>>, vector<16xf32>,
      %get3A_103 = arith.index_cast %scan3A_33 : i32 to index
      %get3A_104 = arith.constant 64 : index
      %get3A_105 = tpu.vector_load %arg9[%get3A_103, %get3A_104] {strides = array<i32>} : memref<82x128xi32, #tpu.memory_space<vmem>>, vector<16xi32>,
      %get3A_106 = arith.index_cast %scan3A_33 : i32 to index
      %get3A_107 = arith.constant 64 : index
      %get3A_108 = tpu.vector_load %arg10[%get3A_106, %get3A_107] {strides = array<i32>} : memref<82x128xi32, #tpu.memory_space<vmem>>, vector<16xi32>,
      %gather3A_109 = tpu.vector_load_idx %arg11[%get3A_105] : memref<10240xf32, #tpu.memory_space<vmem>>[vector<16xi32>], vector<16xf32>,
      %gather3A_110 = tpu.vector_load_idx %arg12[%get3A_108] : memref<10240xf32, #tpu.memory_space<vmem>>[vector<16xi32>], vector<16xf32>,
      %add3A_111 = arith.addf %gather3A_109, %gather3A_110 : vector<16xf32>
      %mul3A_112 = arith.constant 2.000000e-01 : f32
      %mul3A_113 = vector.broadcast %mul3A_112 : f32 to vector<16xf32>
      %mul3A_114 = arith.mulf %mul3A_113, %add3A_111 : vector<16xf32>
      %max3A_115 = arith.maximumf %add3A_111, %mul3A_114 : vector<16xf32>
      %sub3A_116 = arith.subf %max3A_115, %max3A : vector<16xf32>
      %exp3A_117 = math.exp %sub3A_116 : vector<16xf32>
      %swap3A_118 = arith.index_cast %scan3A_33 : i32 to index
      %swap3A_119 = arith.constant 64 : index
      %swap3A_120 = tpu.vector_load %arg13[%swap3A_118, %swap3A_119] {strides = array<i32>} : memref<82x128xf32, #tpu.memory_space<vmem>>, vector<16xf32>,
      tpu.vector_store %arg13[%swap3A_118, %swap3A_119], %exp3A_117 {strides = array<i32>} : memref<82x128xf32, #tpu.memory_space<vmem>>, vector<16xf32>,
      %get3A_121 = arith.index_cast %scan3A_33 : i32 to index
      %get3A_122 = arith.constant 80 : index
      %get3A_123 = tpu.vector_load %arg9[%get3A_121, %get3A_122] {strides = array<i32>} : memref<82x128xi32, #tpu.memory_space<vmem>>, vector<16xi32>,
      %get3A_124 = arith.index_cast %scan3A_33 : i32 to index
      %get3A_125 = arith.constant 80 : index
      %get3A_126 = tpu.vector_load %arg10[%get3A_124, %get3A_125] {strides = array<i32>} : memref<82x128xi32, #tpu.memory_space<vmem>>, vector<16xi32>,
      %gather3A_127 = tpu.vector_load_idx %arg11[%get3A_123] : memref<10240xf32, #tpu.memory_space<vmem>>[vector<16xi32>], vector<16xf32>,
      %gather3A_128 = tpu.vector_load_idx %arg12[%get3A_126] : memref<10240xf32, #tpu.memory_space<vmem>>[vector<16xi32>], vector<16xf32>,
      %add3A_129 = arith.addf %gather3A_127, %gather3A_128 : vector<16xf32>
      %mul3A_130 = arith.constant 2.000000e-01 : f32
      %mul3A_131 = vector.broadcast %mul3A_130 : f32 to vector<16xf32>
      %mul3A_132 = arith.mulf %mul3A_131, %add3A_129 : vector<16xf32>
      %max3A_133 = arith.maximumf %add3A_129, %mul3A_132 : vector<16xf32>
      %sub3A_134 = arith.subf %max3A_133, %max3A : vector<16xf32>
      %exp3A_135 = math.exp %sub3A_134 : vector<16xf32>
      %swap3A_136 = arith.index_cast %scan3A_33 : i32 to index
      %swap3A_137 = arith.constant 80 : index
      %swap3A_138 = tpu.vector_load %arg13[%swap3A_136, %swap3A_137] {strides = array<i32>} : memref<82x128xf32, #tpu.memory_space<vmem>>, vector<16xf32>,
      tpu.vector_store %arg13[%swap3A_136, %swap3A_137], %exp3A_135 {strides = array<i32>} : memref<82x128xf32, #tpu.memory_space<vmem>>, vector<16xf32>,
      %get3A_139 = arith.index_cast %scan3A_33 : i32 to index
      %get3A_140 = arith.constant 96 : index
      %get3A_141 = tpu.vector_load %arg9[%get3A_139, %get3A_140] {strides = array<i32>} : memref<82x128xi32, #tpu.memory_space<vmem>>, vector<16xi32>,
      %get3A_142 = arith.index_cast %scan3A_33 : i32 to index
      %get3A_143 = arith.constant 96 : index
      %get3A_144 = tpu.vector_load %arg10[%get3A_142, %get3A_143] {strides = array<i32>} : memref<82x128xi32, #tpu.memory_space<vmem>>, vector<16xi32>,
      %gather3A_145 = tpu.vector_load_idx %arg11[%get3A_141] : memref<10240xf32, #tpu.memory_space<vmem>>[vector<16xi32>], vector<16xf32>,
      %gather3A_146 = tpu.vector_load_idx %arg12[%get3A_144] : memref<10240xf32, #tpu.memory_space<vmem>>[vector<16xi32>], vector<16xf32>,
      %add3A_147 = arith.addf %gather3A_145, %gather3A_146 : vector<16xf32>
      %mul3A_148 = arith.constant 2.000000e-01 : f32
      %mul3A_149 = vector.broadcast %mul3A_148 : f32 to vector<16xf32>
      %mul3A_150 = arith.mulf %mul3A_149, %add3A_147 : vector<16xf32>
      %max3A_151 = arith.maximumf %add3A_147, %mul3A_150 : vector<16xf32>
      %sub3A_152 = arith.subf %max3A_151, %max3A : vector<16xf32>
      %exp3A_153 = math.exp %sub3A_152 : vector<16xf32>
      %swap3A_154 = arith.index_cast %scan3A_33 : i32 to index
      %swap3A_155 = arith.constant 96 : index
      %swap3A_156 = tpu.vector_load %arg13[%swap3A_154, %swap3A_155] {strides = array<i32>} : memref<82x128xf32, #tpu.memory_space<vmem>>, vector<16xf32>,
      tpu.vector_store %arg13[%swap3A_154, %swap3A_155], %exp3A_153 {strides = array<i32>} : memref<82x128xf32, #tpu.memory_space<vmem>>, vector<16xf32>,
      %get3A_157 = arith.index_cast %scan3A_33 : i32 to index
      %get3A_158 = arith.constant 112 : index
      %get3A_159 = tpu.vector_load %arg9[%get3A_157, %get3A_158] {strides = array<i32>} : memref<82x128xi32, #tpu.memory_space<vmem>>, vector<16xi32>,
      %get3A_160 = arith.index_cast %scan3A_33 : i32 to index
      %get3A_161 = arith.constant 112 : index
      %get3A_162 = tpu.vector_load %arg10[%get3A_160, %get3A_161] {strides = array<i32>} : memref<82x128xi32, #tpu.memory_space<vmem>>, vector<16xi32>,
      %gather3A_163 = tpu.vector_load_idx %arg11[%get3A_159] : memref<10240xf32, #tpu.memory_space<vmem>>[vector<16xi32>], vector<16xf32>,
      %gather3A_164 = tpu.vector_load_idx %arg12[%get3A_162] : memref<10240xf32, #tpu.memory_space<vmem>>[vector<16xi32>], vector<16xf32>,
      %add3A_165 = arith.addf %gather3A_163, %gather3A_164 : vector<16xf32>
      %mul3A_166 = arith.constant 2.000000e-01 : f32
      %mul3A_167 = vector.broadcast %mul3A_166 : f32 to vector<16xf32>
      %mul3A_168 = arith.mulf %mul3A_167, %add3A_165 : vector<16xf32>
      %max3A_169 = arith.maximumf %add3A_165, %mul3A_168 : vector<16xf32>
      %sub3A_170 = arith.subf %max3A_169, %max3A : vector<16xf32>
      %exp3A_171 = math.exp %sub3A_170 : vector<16xf32>
      %swap3A_172 = arith.index_cast %scan3A_33 : i32 to index
      %swap3A_173 = arith.constant 112 : index
      %swap3A_174 = tpu.vector_load %arg13[%swap3A_172, %swap3A_173] {strides = array<i32>} : memref<82x128xf32, #tpu.memory_space<vmem>>, vector<16xf32>,
      tpu.vector_store %arg13[%swap3A_172, %swap3A_173], %exp3A_171 {strides = array<i32>} : memref<82x128xf32, #tpu.memory_space<vmem>>, vector<16xf32>,
      "tpu.region"() ({
        %run_scoped3A = tpu.sem_alloc : memref<!tpu.dma_semaphore, #tpu.memory_space<semaphore_mem>>
        %dma_start3A = arith.constant 0 : i32
        %dma_start3A_176 = tpu.memref_slice %arg13[%scan3A_33, %dma_start3A] : memref<82x128xf32, #tpu.memory_space<vmem>> -> memref<1x128xf32, #tpu.memory_space<vmem>>
        %dma_start3A_177 = tpu.memref_squeeze %dma_start3A_176 : memref<1x128xf32, #tpu.memory_space<vmem>> -> memref<128xf32, #tpu.memory_space<vmem>>
        %dma_start3A_178 = arith.constant 0 : i32
        %dma_start3A_179 = tpu.memref_slice %arg10[%scan3A_33, %dma_start3A_178] : memref<82x128xi32, #tpu.memory_space<vmem>> -> memref<1x128xi32, #tpu.memory_space<vmem>>
        %dma_start3A_180 = tpu.memref_squeeze %dma_start3A_179 : memref<1x128xi32, #tpu.memory_space<vmem>> -> memref<128xi32, #tpu.memory_space<vmem>>
        %dma_start3A_181 = arith.constant 0 : i32
        %dma_start3A_182 = tpu.memref_slice %arg16[%dma_start3A_181] : memref<10240xf32, #tpu.memory_space<vmem_shared>> -> memref<10240xf32, #tpu.memory_space<vmem_shared>>
        tpu.enqueue_indirect_dma source(%dma_start3A_177 : memref<128xf32, #tpu.memory_space<vmem>>) target(%dma_start3A_182 : memref<10240xf32, #tpu.memory_space<vmem_shared>>) offsets(%dma_start3A_180 : memref<128xi32, #tpu.memory_space<vmem>>) semaphore(%run_scoped3A : memref<!tpu.dma_semaphore, #tpu.memory_space<semaphore_mem>>) {add = true}
        %dma_wait3A = arith.constant 0 : i32
        %dma_wait3A_183 = tpu.memref_slice %arg13[%scan3A_33, %dma_wait3A] : memref<82x128xf32, #tpu.memory_space<vmem>> -> memref<1x128xf32, #tpu.memory_space<vmem>>
        %dma_wait3A_184 = tpu.memref_squeeze %dma_wait3A_183 : memref<1x128xf32, #tpu.memory_space<vmem>> -> memref<128xf32, #tpu.memory_space<vmem>>
        %dma_wait3A_185 = arith.constant 0 : i32
        %dma_wait3A_186 = tpu.memref_slice %arg10[%scan3A_33, %dma_wait3A_185] : memref<82x128xi32, #tpu.memory_space<vmem>> -> memref<1x128xi32, #tpu.memory_space<vmem>>
        %dma_wait3A_187 = tpu.memref_squeeze %dma_wait3A_186 : memref<1x128xi32, #tpu.memory_space<vmem>> -> memref<128xi32, #tpu.memory_space<vmem>>
        %dma_wait3A_188 = arith.constant 0 : i32
        %dma_wait3A_189 = tpu.memref_slice %arg16[%dma_wait3A_188] : memref<10240xf32, #tpu.memory_space<vmem_shared>> -> memref<10240xf32, #tpu.memory_space<vmem_shared>>
        tpu.wait_indirect_dma semaphore(%run_scoped3A : memref<!tpu.dma_semaphore, #tpu.memory_space<semaphore_mem>>) src(%dma_wait3A_184 : memref<128xf32, #tpu.memory_space<vmem>>) dst(%dma_wait3A_189 : memref<10240xf32, #tpu.memory_space<vmem_shared>>)
        tpu.yield
      }) : () -> ()
      %scan3A_175 = arith.constant 0 : i32
      scf.yield %scan3A_175 : i32
    }
    %scan3A_27 = arith.constant 82 : i32
    "tpu.region"() ({
      %run_scoped3A = tpu.sem_alloc : memref<!tpu.dma_semaphore, #tpu.memory_space<semaphore_mem>>
      %dma_start3A = arith.constant 0 : i32
      %dma_start3A_33 = arith.constant 0 : i32
      %dma_start3A_34 = tpu.memref_slice %arg8[%add3A, %dma_start3A, %dma_start3A_33] : memref<32x82x128xf32, #tpu.memory_space<hbm>> -> memref<1x82x128xf32, #tpu.memory_space<hbm>>
      %dma_start3A_35 = tpu.memref_squeeze %dma_start3A_34 : memref<1x82x128xf32, #tpu.memory_space<hbm>> -> memref<82x128xf32, #tpu.memory_space<hbm>>
      %dma_start3A_36 = arith.constant 0 : i32
      %dma_start3A_37 = arith.constant 0 : i32
      %dma_start3A_38 = tpu.memref_slice %arg8[%add3A, %dma_start3A_36, %dma_start3A_37] : memref<32x82x128xf32, #tpu.memory_space<hbm>> -> memref<1x82x128xf32, #tpu.memory_space<hbm>>
      %dma_start3A_39 = tpu.memref_squeeze %dma_start3A_38 : memref<1x82x128xf32, #tpu.memory_space<hbm>> -> memref<82x128xf32, #tpu.memory_space<hbm>>
      tpu.enqueue_dma source(%arg13 : memref<82x128xf32, #tpu.memory_space<vmem>>) target(%dma_start3A_39 : memref<82x128xf32, #tpu.memory_space<hbm>>) target_semaphore(%run_scoped3A : memref<!tpu.dma_semaphore, #tpu.memory_space<semaphore_mem>>)
      %dma_wait3A = arith.constant 0 : i32
      %dma_wait3A_40 = arith.constant 0 : i32
      %dma_wait3A_41 = tpu.memref_slice %arg8[%add3A, %dma_wait3A, %dma_wait3A_40] : memref<32x82x128xf32, #tpu.memory_space<hbm>> -> memref<1x82x128xf32, #tpu.memory_space<hbm>>
      %dma_wait3A_42 = tpu.memref_squeeze %dma_wait3A_41 : memref<1x82x128xf32, #tpu.memory_space<hbm>> -> memref<82x128xf32, #tpu.memory_space<hbm>>
      %dma_wait3A_43 = arith.constant 0 : i32
      %dma_wait3A_44 = arith.constant 0 : i32
      %dma_wait3A_45 = tpu.memref_slice %arg8[%add3A, %dma_wait3A_43, %dma_wait3A_44] : memref<32x82x128xf32, #tpu.memory_space<hbm>> -> memref<1x82x128xf32, #tpu.memory_space<hbm>>
      %dma_wait3A_46 = tpu.memref_squeeze %dma_wait3A_45 : memref<1x82x128xf32, #tpu.memory_space<hbm>> -> memref<82x128xf32, #tpu.memory_space<hbm>>
      tpu.wait_dma2 semaphore(%run_scoped3A : memref<!tpu.dma_semaphore, #tpu.memory_space<semaphore_mem>>) src(%arg13 : memref<82x128xf32, #tpu.memory_space<vmem>>) dst(%dma_wait3A_46 : memref<82x128xf32, #tpu.memory_space<hbm>>)
      tpu.yield
    }) : () -> ()
    %barrier3A_28 = arith.constant 0 : index
    tpu.barrier barrier_id(%barrier3A_28)
    %mul3A_29 = arith.constant 640 : i32
    %mul3A_30 = arith.muli %arg1, %mul3A_29 : i32
    %mul3A_31 = arith.constant 640 : i32
    %mul3A_32 = arith.muli %arg1, %mul3A_31 : i32
    "tpu.region"() ({
      %run_scoped3A = tpu.sem_alloc : memref<!tpu.dma_semaphore, #tpu.memory_space<semaphore_mem>>
      %dma_start3A = tpu.memref_slice %arg7[%arg0, %mul3A_32] : memref<2x10240xf32, #tpu.memory_space<hbm>> -> memref<1x640xf32, #tpu.memory_space<hbm>>
      %dma_start3A_33 = tpu.memref_squeeze %dma_start3A : memref<1x640xf32, #tpu.memory_space<hbm>> -> memref<640xf32, #tpu.memory_space<hbm>>
      %dma_start3A_34 = tpu.memref_slice %arg16[%mul3A_30] : memref<10240xf32, #tpu.memory_space<vmem_shared>> -> memref<640xf32, #tpu.memory_space<vmem_shared>>
      tpu.enqueue_dma source(%dma_start3A_34 : memref<640xf32, #tpu.memory_space<vmem_shared>>) target(%dma_start3A_33 : memref<640xf32, #tpu.memory_space<hbm>>) target_semaphore(%run_scoped3A : memref<!tpu.dma_semaphore, #tpu.memory_space<semaphore_mem>>)
      %dma_wait3A = tpu.memref_slice %arg7[%arg0, %mul3A_32] : memref<2x10240xf32, #tpu.memory_space<hbm>> -> memref<1x640xf32, #tpu.memory_space<hbm>>
      %dma_wait3A_35 = tpu.memref_squeeze %dma_wait3A : memref<1x640xf32, #tpu.memory_space<hbm>> -> memref<640xf32, #tpu.memory_space<hbm>>
      %dma_wait3A_36 = tpu.memref_slice %arg16[%mul3A_30] : memref<10240xf32, #tpu.memory_space<vmem_shared>> -> memref<640xf32, #tpu.memory_space<vmem_shared>>
      tpu.wait_dma2 semaphore(%run_scoped3A : memref<!tpu.dma_semaphore, #tpu.memory_space<semaphore_mem>>) src(%dma_wait3A_36 : memref<640xf32, #tpu.memory_space<vmem_shared>>) dst(%dma_wait3A_35 : memref<640xf32, #tpu.memory_space<hbm>>)
      tpu.yield
    }) : () -> ()
    return
  }
}

module attributes {stable_mosaic.version = 14 : i64} {
  func.func @_mm1_body(%arg0: memref<10240x128xf32, #tpu.memory_space<vmem>>, %arg1: memref<128x64xf32, #tpu.memory_space<vmem>>, %arg2: memref<1x64xf32, #tpu.memory_space<vmem>>, %arg3: memref<1x64xf32, #tpu.memory_space<vmem>>, %arg4: memref<10240x64xf32, #tpu.memory_space<vmem>>, %arg5: memref<2x10240xf32, #tpu.memory_space<vmem>>, %arg6: memref<2x128xf32, #tpu.memory_space<vmem>>) attributes {dimension_semantics = [], scalar_prefetch = 0 : i64, scratch_operands = 0 : i64, tpu.core_type = #tpu.core_type<tc>} {
    %get3A = arith.constant 0 : index
    %get3A_0 = arith.constant 0 : index
    %get3A_1 = vector.load %arg0[%get3A, %get3A_0] : memref<10240x128xf32, #tpu.memory_space<vmem>>, vector<10240x128xf32>
    %get3A_2 = arith.constant 0 : index
    %get3A_3 = arith.constant 0 : index
    %get3A_4 = vector.load %arg1[%get3A_2, %get3A_3] : memref<128x64xf32, #tpu.memory_space<vmem>>, vector<128x64xf32>
    %dot_general3A = arith.constant dense<0.000000e+00> : vector<10240x64xf32>
    %dot_general3A_5 = tpu.matmul %get3A_1, %get3A_4, %dot_general3A {dimension_numbers = #tpu.dot_dimension_numbers<[1], [0], [0], [1], [0, 0, 1, 1], [], []>, transpose_lhs_hint = false} : vector<10240x128xf32>, vector<128x64xf32>, vector<10240x64xf32> -> vector<10240x64xf32>
    %swap3A = arith.constant 0 : index
    %swap3A_6 = arith.constant 0 : index
    %swap3A_7 = vector.load %arg4[%swap3A, %swap3A_6] : memref<10240x64xf32, #tpu.memory_space<vmem>>, vector<10240x64xf32>
    tpu.vector_store %arg4[%swap3A, %swap3A_6], %dot_general3A_5 {strides = array<i32>} : memref<10240x64xf32, #tpu.memory_space<vmem>>, vector<10240x64xf32>,
    %get3A_8 = arith.constant 0 : index
    %get3A_9 = arith.constant 0 : index
    %get3A_10 = vector.load %arg2[%get3A_8, %get3A_9] : memref<1x64xf32, #tpu.memory_space<vmem>>, vector<1x64xf32>
    %get3A_11 = vector.shape_cast %get3A_10 : vector<1x64xf32> to vector<64xf32>
    %get3A_12 = arith.constant 0 : index
    %get3A_13 = arith.constant 0 : index
    %get3A_14 = vector.load %arg3[%get3A_12, %get3A_13] : memref<1x64xf32, #tpu.memory_space<vmem>>, vector<1x64xf32>
    %get3A_15 = vector.shape_cast %get3A_14 : vector<1x64xf32> to vector<64xf32>
    %dot_general3A_16 = arith.constant dense<0.000000e+00> : vector<10240xf32>
    %dot_general3A_17 = tpu.matmul %dot_general3A_5, %get3A_11, %dot_general3A_16 {dimension_numbers = #tpu.dot_dimension_numbers<[1], [0], [0], [], [0, 0], [], []>, transpose_lhs_hint = false} : vector<10240x64xf32>, vector<64xf32>, vector<10240xf32> -> vector<10240xf32>
    %dot_general3A_18 = arith.constant dense<0.000000e+00> : vector<10240xf32>
    %dot_general3A_19 = tpu.matmul %dot_general3A_5, %get3A_15, %dot_general3A_18 {dimension_numbers = #tpu.dot_dimension_numbers<[1], [0], [0], [], [0, 0], [], []>, transpose_lhs_hint = false} : vector<10240x64xf32>, vector<64xf32>, vector<10240xf32> -> vector<10240xf32>
    %broadcast_in_dim3A = vector.shape_cast %dot_general3A_17 : vector<10240xf32> to vector<1x10240xf32>
    %broadcast_in_dim3A_20 = vector.shape_cast %dot_general3A_19 : vector<10240xf32> to vector<1x10240xf32>
    %concatenate3A = tpu.concatenate %broadcast_in_dim3A, %broadcast_in_dim3A_20 in 0 : vector<1x10240xf32>, vector<1x10240xf32> -> vector<2x10240xf32>
    %reduce_max3A = vector.shape_cast %dot_general3A_17 : vector<10240xf32> to vector<1x10240xf32>
    %reduce_max3A_21 = arith.constant dense<0xFF800000> : vector<1xf32>
    %reduce_max3A_22 = vector.multi_reduction <maximumf>, %reduce_max3A, %reduce_max3A_21 [1] : vector<1x10240xf32> to vector<1xf32>
    %reduce_max3A_23 = vector.shape_cast %reduce_max3A_22 : vector<1xf32> to vector<1x1xf32>
    %reduce_max3A_24 = vector.extract %reduce_max3A_23[0, 0] : f32 from vector<1x1xf32>
    %broadcast_in_dim3A_25 = vector.broadcast %reduce_max3A_24 : f32 to vector<1x128xf32>
    %reduce_max3A_26 = vector.shape_cast %dot_general3A_19 : vector<10240xf32> to vector<1x10240xf32>
    %reduce_max3A_27 = arith.constant dense<0xFF800000> : vector<1xf32>
    %reduce_max3A_28 = vector.multi_reduction <maximumf>, %reduce_max3A_26, %reduce_max3A_27 [1] : vector<1x10240xf32> to vector<1xf32>
    %reduce_max3A_29 = vector.shape_cast %reduce_max3A_28 : vector<1xf32> to vector<1x1xf32>
    %reduce_max3A_30 = vector.extract %reduce_max3A_29[0, 0] : f32 from vector<1x1xf32>
    %broadcast_in_dim3A_31 = vector.broadcast %reduce_max3A_30 : f32 to vector<1x128xf32>
    %concatenate3A_32 = tpu.concatenate %broadcast_in_dim3A_25, %broadcast_in_dim3A_31 in 0 : vector<1x128xf32>, vector<1x128xf32> -> vector<2x128xf32>
    %swap3A_33 = arith.constant 0 : index
    %swap3A_34 = arith.constant 0 : index
    %swap3A_35 = vector.load %arg5[%swap3A_33, %swap3A_34] : memref<2x10240xf32, #tpu.memory_space<vmem>>, vector<2x10240xf32>
    tpu.vector_store %arg5[%swap3A_33, %swap3A_34], %concatenate3A {strides = array<i32>} : memref<2x10240xf32, #tpu.memory_space<vmem>>, vector<2x10240xf32>,
    %swap3A_36 = arith.constant 0 : index
    %swap3A_37 = arith.constant 0 : index
    %swap3A_38 = vector.load %arg6[%swap3A_36, %swap3A_37] : memref<2x128xf32, #tpu.memory_space<vmem>>, vector<2x128xf32>
    tpu.vector_store %arg6[%swap3A_36, %swap3A_37], %concatenate3A_32 {strides = array<i32>} : memref<2x128xf32, #tpu.memory_space<vmem>>, vector<2x128xf32>,
    return
  }
}

module attributes {stable_mosaic.version = 14 : i64} {
  func.func @_mm2_body(%arg0: memref<2x10240x64xf32, #tpu.memory_space<vmem>>, %arg1: memref<2x10240xf32, #tpu.memory_space<vmem>>, %arg2: memref<1x64xf32, #tpu.memory_space<vmem>>, %arg3: memref<64x128xf32, #tpu.memory_space<vmem>>, %arg4: memref<1x128xf32, #tpu.memory_space<vmem>>, %arg5: memref<1x128xf32, #tpu.memory_space<vmem>>, %arg6: memref<10240x64xf32, #tpu.memory_space<vmem>>, %arg7: memref<10240x128xf32, #tpu.memory_space<vmem>>, %arg8: memref<2x10240xf32, #tpu.memory_space<vmem>>, %arg9: memref<2x128xf32, #tpu.memory_space<vmem>>) attributes {dimension_semantics = [], scalar_prefetch = 0 : i64, scratch_operands = 0 : i64, tpu.core_type = #tpu.core_type<tc>} {
    %get3A = arith.constant 0 : index
    %get3A_0 = arith.constant 0 : index
    %get3A_1 = vector.load %arg1[%get3A, %get3A_0] : memref<2x10240xf32, #tpu.memory_space<vmem>>, vector<1x10240xf32>
    %get3A_2 = vector.shape_cast %get3A_1 : vector<1x10240xf32> to vector<10240xf32>
    %get3A_3 = arith.constant 1 : index
    %get3A_4 = arith.constant 0 : index
    %get3A_5 = vector.load %arg1[%get3A_3, %get3A_4] : memref<2x10240xf32, #tpu.memory_space<vmem>>, vector<1x10240xf32>
    %get3A_6 = vector.shape_cast %get3A_5 : vector<1x10240xf32> to vector<10240xf32>
    %add3A = arith.addf %get3A_2, %get3A_6 : vector<10240xf32>
    %add3A_7 = arith.constant 1.000000e-16 : f32
    %add3A_8 = vector.broadcast %add3A_7 : f32 to vector<10240xf32>
    %add3A_9 = arith.addf %add3A, %add3A_8 : vector<10240xf32>
    %get3A_10 = arith.constant 0 : index
    %get3A_11 = arith.constant 0 : index
    %get3A_12 = arith.constant 0 : index
    %get3A_13 = vector.load %arg0[%get3A_10, %get3A_11, %get3A_12] : memref<2x10240x64xf32, #tpu.memory_space<vmem>>, vector<1x10240x64xf32>
    %get3A_14 = vector.shape_cast %get3A_13 : vector<1x10240x64xf32> to vector<10240x64xf32>
    %get3A_15 = arith.constant 1 : index
    %get3A_16 = arith.constant 0 : index
    %get3A_17 = arith.constant 0 : index
    %get3A_18 = vector.load %arg0[%get3A_15, %get3A_16, %get3A_17] : memref<2x10240x64xf32, #tpu.memory_space<vmem>>, vector<1x10240x64xf32>
    %get3A_19 = vector.shape_cast %get3A_18 : vector<1x10240x64xf32> to vector<10240x64xf32>
    %add3A_20 = arith.addf %get3A_14, %get3A_19 : vector<10240x64xf32>
    %broadcast_in_dim3A = vector.shape_cast %add3A_9 : vector<10240xf32> to vector<10240x1xf32>
    %div3A = vector.broadcast %broadcast_in_dim3A : vector<10240x1xf32> to vector<10240x64xf32>
    %div3A_21 = arith.divf %add3A_20, %div3A : vector<10240x64xf32>
    %get3A_22 = arith.constant 0 : index
    %get3A_23 = arith.constant 0 : index
    %get3A_24 = vector.load %arg2[%get3A_22, %get3A_23] : memref<1x64xf32, #tpu.memory_space<vmem>>, vector<1x64xf32>
    %get3A_25 = vector.shape_cast %get3A_24 : vector<1x64xf32> to vector<64xf32>
    %broadcast_in_dim3A_26 = vector.shape_cast %get3A_25 : vector<64xf32> to vector<1x64xf32>
    %add3A_27 = vector.broadcast %broadcast_in_dim3A_26 : vector<1x64xf32> to vector<10240x64xf32>
    %add3A_28 = arith.addf %div3A_21, %add3A_27 : vector<10240x64xf32>
    %mul3A = arith.constant 0.00999999977 : f32
    %mul3A_29 = vector.broadcast %mul3A : f32 to vector<10240x64xf32>
    %mul3A_30 = arith.mulf %mul3A_29, %add3A_28 : vector<10240x64xf32>
    %max3A = arith.maximumf %add3A_28, %mul3A_30 : vector<10240x64xf32>
    %iota3A = tpu.iota {dimensions = array<i32: 0>} : vector<10240x64xi32>
    %lt3A = arith.constant 10000 : i32
    %lt3A_31 = vector.broadcast %lt3A : i32 to vector<10240x64xi32>
    %lt3A_32 = arith.cmpi slt, %iota3A, %lt3A_31 : vector<10240x64xi32>
    %jit3A = arith.constant 0.000000e+00 : f32
    %broadcast_in_dim3A_33 = vector.broadcast %jit3A : f32 to vector<10240x64xf32>
    %select_n3A = arith.select %lt3A_32, %max3A, %broadcast_in_dim3A_33 : vector<10240x64xi1>, vector<10240x64xf32>
    %swap3A = arith.constant 0 : index
    %swap3A_34 = arith.constant 0 : index
    %swap3A_35 = vector.load %arg6[%swap3A, %swap3A_34] : memref<10240x64xf32, #tpu.memory_space<vmem>>, vector<10240x64xf32>
    tpu.vector_store %arg6[%swap3A, %swap3A_34], %select_n3A {strides = array<i32>} : memref<10240x64xf32, #tpu.memory_space<vmem>>, vector<10240x64xf32>,
    %get3A_36 = arith.constant 0 : index
    %get3A_37 = arith.constant 0 : index
    %get3A_38 = vector.load %arg3[%get3A_36, %get3A_37] : memref<64x128xf32, #tpu.memory_space<vmem>>, vector<64x128xf32>
    %dot_general3A = arith.constant dense<0.000000e+00> : vector<10240x128xf32>
    %dot_general3A_39 = tpu.matmul %select_n3A, %get3A_38, %dot_general3A {dimension_numbers = #tpu.dot_dimension_numbers<[1], [0], [0], [1], [0, 0, 1, 1], [], []>, transpose_lhs_hint = false} : vector<10240x64xf32>, vector<64x128xf32>, vector<10240x128xf32> -> vector<10240x128xf32>
    %swap3A_40 = arith.constant 0 : index
    %swap3A_41 = arith.constant 0 : index
    %swap3A_42 = vector.load %arg7[%swap3A_40, %swap3A_41] : memref<10240x128xf32, #tpu.memory_space<vmem>>, vector<10240x128xf32>
    tpu.vector_store %arg7[%swap3A_40, %swap3A_41], %dot_general3A_39 {strides = array<i32>} : memref<10240x128xf32, #tpu.memory_space<vmem>>, vector<10240x128xf32>,
    %get3A_43 = arith.constant 0 : index
    %get3A_44 = arith.constant 0 : index
    %get3A_45 = vector.load %arg4[%get3A_43, %get3A_44] : memref<1x128xf32, #tpu.memory_space<vmem>>, vector<1x128xf32>
    %get3A_46 = vector.shape_cast %get3A_45 : vector<1x128xf32> to vector<128xf32>
    %get3A_47 = arith.constant 0 : index
    %get3A_48 = arith.constant 0 : index
    %get3A_49 = vector.load %arg5[%get3A_47, %get3A_48] : memref<1x128xf32, #tpu.memory_space<vmem>>, vector<1x128xf32>
    %get3A_50 = vector.shape_cast %get3A_49 : vector<1x128xf32> to vector<128xf32>
    %dot_general3A_51 = arith.constant dense<0.000000e+00> : vector<10240xf32>
    %dot_general3A_52 = tpu.matmul %dot_general3A_39, %get3A_46, %dot_general3A_51 {dimension_numbers = #tpu.dot_dimension_numbers<[1], [0], [0], [], [0, 0], [], []>, transpose_lhs_hint = false} : vector<10240x128xf32>, vector<128xf32>, vector<10240xf32> -> vector<10240xf32>
    %dot_general3A_53 = arith.constant dense<0.000000e+00> : vector<10240xf32>
    %dot_general3A_54 = tpu.matmul %dot_general3A_39, %get3A_50, %dot_general3A_53 {dimension_numbers = #tpu.dot_dimension_numbers<[1], [0], [0], [], [0, 0], [], []>, transpose_lhs_hint = false} : vector<10240x128xf32>, vector<128xf32>, vector<10240xf32> -> vector<10240xf32>
    %broadcast_in_dim3A_55 = vector.shape_cast %dot_general3A_52 : vector<10240xf32> to vector<1x10240xf32>
    %broadcast_in_dim3A_56 = vector.shape_cast %dot_general3A_54 : vector<10240xf32> to vector<1x10240xf32>
    %concatenate3A = tpu.concatenate %broadcast_in_dim3A_55, %broadcast_in_dim3A_56 in 0 : vector<1x10240xf32>, vector<1x10240xf32> -> vector<2x10240xf32>
    %reduce_max3A = vector.shape_cast %dot_general3A_52 : vector<10240xf32> to vector<1x10240xf32>
    %reduce_max3A_57 = arith.constant dense<0xFF800000> : vector<1xf32>
    %reduce_max3A_58 = vector.multi_reduction <maximumf>, %reduce_max3A, %reduce_max3A_57 [1] : vector<1x10240xf32> to vector<1xf32>
    %reduce_max3A_59 = vector.shape_cast %reduce_max3A_58 : vector<1xf32> to vector<1x1xf32>
    %reduce_max3A_60 = vector.extract %reduce_max3A_59[0, 0] : f32 from vector<1x1xf32>
    %broadcast_in_dim3A_61 = vector.broadcast %reduce_max3A_60 : f32 to vector<1x128xf32>
    %reduce_max3A_62 = vector.shape_cast %dot_general3A_54 : vector<10240xf32> to vector<1x10240xf32>
    %reduce_max3A_63 = arith.constant dense<0xFF800000> : vector<1xf32>
    %reduce_max3A_64 = vector.multi_reduction <maximumf>, %reduce_max3A_62, %reduce_max3A_63 [1] : vector<1x10240xf32> to vector<1xf32>
    %reduce_max3A_65 = vector.shape_cast %reduce_max3A_64 : vector<1xf32> to vector<1x1xf32>
    %reduce_max3A_66 = vector.extract %reduce_max3A_65[0, 0] : f32 from vector<1x1xf32>
    %broadcast_in_dim3A_67 = vector.broadcast %reduce_max3A_66 : f32 to vector<1x128xf32>
    %concatenate3A_68 = tpu.concatenate %broadcast_in_dim3A_61, %broadcast_in_dim3A_67 in 0 : vector<1x128xf32>, vector<1x128xf32> -> vector<2x128xf32>
    %swap3A_69 = arith.constant 0 : index
    %swap3A_70 = arith.constant 0 : index
    %swap3A_71 = vector.load %arg8[%swap3A_69, %swap3A_70] : memref<2x10240xf32, #tpu.memory_space<vmem>>, vector<2x10240xf32>
    tpu.vector_store %arg8[%swap3A_69, %swap3A_70], %concatenate3A {strides = array<i32>} : memref<2x10240xf32, #tpu.memory_space<vmem>>, vector<2x10240xf32>,
    %swap3A_72 = arith.constant 0 : index
    %swap3A_73 = arith.constant 0 : index
    %swap3A_74 = vector.load %arg9[%swap3A_72, %swap3A_73] : memref<2x128xf32, #tpu.memory_space<vmem>>, vector<2x128xf32>
    tpu.vector_store %arg9[%swap3A_72, %swap3A_73], %concatenate3A_68 {strides = array<i32>} : memref<2x128xf32, #tpu.memory_space<vmem>>, vector<2x128xf32>,
    return
  }
}

module attributes {stable_mosaic.version = 14 : i64} {
  func.func @_fin_body(%arg0: memref<2x10240x128xf32, #tpu.memory_space<vmem>>, %arg1: memref<2x10240xf32, #tpu.memory_space<vmem>>, %arg2: memref<1x128xf32, #tpu.memory_space<vmem>>, %arg3: memref<10240x128xf32, #tpu.memory_space<vmem>>) attributes {dimension_semantics = [], scalar_prefetch = 0 : i64, scratch_operands = 0 : i64, tpu.core_type = #tpu.core_type<tc>} {
    %get3A = arith.constant 0 : index
    %get3A_0 = arith.constant 0 : index
    %get3A_1 = vector.load %arg1[%get3A, %get3A_0] : memref<2x10240xf32, #tpu.memory_space<vmem>>, vector<1x10240xf32>
    %get3A_2 = vector.shape_cast %get3A_1 : vector<1x10240xf32> to vector<10240xf32>
    %get3A_3 = arith.constant 1 : index
    %get3A_4 = arith.constant 0 : index
    %get3A_5 = vector.load %arg1[%get3A_3, %get3A_4] : memref<2x10240xf32, #tpu.memory_space<vmem>>, vector<1x10240xf32>
    %get3A_6 = vector.shape_cast %get3A_5 : vector<1x10240xf32> to vector<10240xf32>
    %add3A = arith.addf %get3A_2, %get3A_6 : vector<10240xf32>
    %add3A_7 = arith.constant 1.000000e-16 : f32
    %add3A_8 = vector.broadcast %add3A_7 : f32 to vector<10240xf32>
    %add3A_9 = arith.addf %add3A, %add3A_8 : vector<10240xf32>
    %get3A_10 = arith.constant 0 : index
    %get3A_11 = arith.constant 0 : index
    %get3A_12 = arith.constant 0 : index
    %get3A_13 = vector.load %arg0[%get3A_10, %get3A_11, %get3A_12] : memref<2x10240x128xf32, #tpu.memory_space<vmem>>, vector<1x10240x128xf32>
    %get3A_14 = vector.shape_cast %get3A_13 : vector<1x10240x128xf32> to vector<10240x128xf32>
    %get3A_15 = arith.constant 1 : index
    %get3A_16 = arith.constant 0 : index
    %get3A_17 = arith.constant 0 : index
    %get3A_18 = vector.load %arg0[%get3A_15, %get3A_16, %get3A_17] : memref<2x10240x128xf32, #tpu.memory_space<vmem>>, vector<1x10240x128xf32>
    %get3A_19 = vector.shape_cast %get3A_18 : vector<1x10240x128xf32> to vector<10240x128xf32>
    %add3A_20 = arith.addf %get3A_14, %get3A_19 : vector<10240x128xf32>
    %broadcast_in_dim3A = vector.shape_cast %add3A_9 : vector<10240xf32> to vector<10240x1xf32>
    %div3A = vector.broadcast %broadcast_in_dim3A : vector<10240x1xf32> to vector<10240x128xf32>
    %div3A_21 = arith.divf %add3A_20, %div3A : vector<10240x128xf32>
    %get3A_22 = arith.constant 0 : index
    %get3A_23 = arith.constant 0 : index
    %get3A_24 = vector.load %arg2[%get3A_22, %get3A_23] : memref<1x128xf32, #tpu.memory_space<vmem>>, vector<1x128xf32>
    %get3A_25 = vector.shape_cast %get3A_24 : vector<1x128xf32> to vector<128xf32>
    %broadcast_in_dim3A_26 = vector.shape_cast %get3A_25 : vector<128xf32> to vector<1x128xf32>
    %add3A_27 = vector.broadcast %broadcast_in_dim3A_26 : vector<1x128xf32> to vector<10240x128xf32>
    %add3A_28 = arith.addf %div3A_21, %add3A_27 : vector<10240x128xf32>
    %mul3A = arith.constant 0.00999999977 : f32
    %mul3A_29 = vector.broadcast %mul3A : f32 to vector<10240x128xf32>
    %mul3A_30 = arith.mulf %mul3A_29, %add3A_28 : vector<10240x128xf32>
    %max3A = arith.maximumf %add3A_28, %mul3A_30 : vector<10240x128xf32>
    %swap3A = arith.constant 0 : index
    %swap3A_31 = arith.constant 0 : index
    %swap3A_32 = vector.load %arg3[%swap3A, %swap3A_31] : memref<10240x128xf32, #tpu.memory_space<vmem>>, vector<10240x128xf32>
    tpu.vector_store %arg3[%swap3A, %swap3A_31], %max3A {strides = array<i32>} : memref<10240x128xf32, #tpu.memory_space<vmem>>, vector<10240x128xf32>,
    return
  }
}

</mosaic_0001>

<sc_bundles>
// kernel: kernel.11.cloned.1.call-start
scs
__scs_entry_jumppad:
0x0: {  	(pc) =	sbr.rel $0x88, $3  }
0x1: {  	(tag) =	ssettag $0x0;
	lr =	simm.s32 $0x1  }
0x2: {  	[smem:$0x3F97] =	sst lr;
	_ =	strace $0xD0000000  }
0x3: {  	_ = 	snop  }
0x4: {  	_ = 	snop  }
0x5: {  	_ = 	snop  }
0x6: {  	_ = 	snop  }
0x7: {  	_ = 	snop  }
__scs_overlays_trampoline_lowered:
0x8: {  	[smem:$0x3FA6] =	sst s0  }
0x9: {  	[smem:$0x3FA7] =	sst s1  }
0xa: {  	[smem:$0x3FA8] =	sst s2  }
0xb: {  	[smem:$0x3FA9] =	sst s3  }
0xc: {  	[smem:$0x3FAA] =	sst s4  }
0xd: {  	[smem:$0x3FAB] =	sst s5  }
0xe: {  	[smem:$0x3FAC] =	sst s6  }
0xf: {  	[smem:$0x3FAD] =	sst s7  }
0x10: {  	[smem:$0x3FAE] =	sst s8  }
0x11: {  	[smem:$0x3FAF] =	sst s9;
	s0 =	simm.s32 @!p0 $0x0  }
0x12: {  	s1 =	sld [smem:$0x3F95];
	s0 =	simm.s32 @p0 $0x1  }
0x13: {  	[smem:$0x3FB0] =	sst s0;
	s0 =	simm.s32 @!p1 $0x0  }
0x14: {  	s2 =	sld [smem:$0x3F94];
	s0 =	simm.s32 @p1 $0x1  }
0x15: {  	[smem:$0x3FB1] =	sst s0;
	s0 =	simm.s32 @!p2 $0x0  }
0x16: {  	s3 =	sld [smem:$0x3FDB];
	s0 =	simm.s32 @p2 $0x1  }
0x17: {  	s4 =	simm.s32 $0x1BF5;
	[smem:$0x3FB3] =	sst s0  }
0x18: {  	s0 =	sld [smem:$0x3F96];
	_ =	swait.ge [sflag:s4], $0x0  }
0x19: {  	s7 =	sld [smem:$0x3F97]  }
0x1a: {  	s8 =	sadd.s32 $0xFFFFE003, lr  }
0x1b: {  	s9 =	sadd.s32 $0xFFFFFEF7, lr;
	s5 =	simm.s32 $0xFFFFFFFF;
	p2 =	slt.u32 s8, $0xFFFFF086  }
0x1c: {  	p1 =	slt.u32 s9, $0xF7A;
	s5 =	simm.s32 @!p2 $0x0  }
0x1d: {  	s5 =	simm.s32 @p1 $0x1;
	p0 =	seq.s32 s7, s2  }
0x1e: {  	s7 =	smul.u32 @!p0 $0xF7A, s2;
	p2 =	seq.s32 @!p0 s5, $0x0  }
0x1f: {  	s9 =	smul.u32 $0xF7A, s1;
	s8 =	simm.s32 @!p0 $0x1BF5;
	p2 =	por !p2, p0  }
0x20: {  	[sflag:s8] =	ssyncset.s32 @!p0 $0xFFFFF086;
	s6 =	sadd.s32 @!p0 s3, s7;
	s7 =	simm.s32 @!p0 $0x108  }
0x21: {  	s3 =	sadd.s32 s3, s9;
	s6 =	sadd.s32 @!p0 $0x88, s6;
	s7 =	simm.s32 @p2 $0x1082  }
0x22: {  	[simem:s7], [sflag:s8] =	dma.local @!p0 [hbm:s6], $0xF7A  }
0x23: {  	s9 =	sor.u32 $0xD0000000, s2;
	s6 =	simm.s32 $0x108;
	_ =	swait.ge @!p0 [sflag:s8], $0x0  }
0x24: {  	s3 =	sadd.s32 $0x88, s3;
	s6 =	simm.s32 @!p1 $0x1082;
	[sflag:s4] =	ssyncset.s32 $0xFFFFF086  }
0x25: {  	[simem:s6], [sflag:s4] =	dma.local [hbm:s3], $0xF7A  }
0x26: {  	[smem:$0x3F97] =	sst s1;
	(tag) =	ssettag s2;
	_ =	strace s9  }
0x27: {  	s1 =	sld [smem:$0x3FA7]  }
0x28: {  	s2 =	sld [smem:$0x3FA8]  }
0x29: {  	s4 =	sld [smem:$0x3FAA]  }
0x2a: {  	p0 =	seq.s32 s5, $0x0;
	s5 =	sld [smem:$0x3FAB]  }
0x2b: {  	s6 =	sld [smem:$0x3FAC]  }
0x2c: {  	s7 =	sld [smem:$0x3FAD]  }
0x2d: {  	s3 =	simm.s32 $0x108;
	s8 =	sld [smem:$0x3FAE]  }
0x2e: {  	s3 =	simm.s32 @!p0 $0x1082;
	s9 =	sld [smem:$0x3FAF]  }
0x2f: {  	lr =	sadd.s32 s0, s3;
	s0 =	sld [smem:$0x3FA6]  }
0x30: {  	s3 =	sld [smem:$0x3FA9]  }
0x31: {  	[smem:$0x3FB2] =	sst s10  }
0x32: {  	s10 =	sld [smem:$0x3FB0];
	_ =	sdelay $0x3  }
0x33: {  	p0 =	seq.s32 s10, $0x1;
	s10 =	sld [smem:$0x3FB2];
	_ =	sdelay $0x3  }
0x34: {  	[smem:$0x3FB2] =	sst s10  }
0x35: {  	s10 =	sld [smem:$0x3FB1];
	_ =	sdelay $0x3  }
0x36: {  	p1 =	seq.s32 s10, $0x1;
	s10 =	sld [smem:$0x3FB2];
	_ =	sdelay $0x3  }
0x37: {  	[smem:$0x3FB2] =	sst s10  }
0x38: {  	s10 =	sld [smem:$0x3FB3]  }
0x39: {  	_ = 	snop;
	(pc) =	sbr.ind lr, $3  }
0x3a: {  	_ = 	snop  }
0x3b: {  	_ = 	snop  }
0x3c: {  	p2 =	seq.s32 s10, $0x1;
	s10 =	sld [smem:$0x3FB2]  }
0x3d: {  	_ =	shalt  }
0x3e: {  	_ =	shalt  }
0x3f: {  	_ =	shalt  }
0x40: {  	_ =	shalt  }
0x41: {  	_ =	shalt  }
0x42: {  	_ =	shalt  }
0x43: {  	_ =	shalt  }
0x44: {  	_ =	shalt  }
0x45: {  	_ =	shalt  }
0x46: {  	_ =	shalt  }
0x47: {  	_ =	shalt  }
0x48: {  	_ =	shalt  }
0x49: {  	_ =	shalt  }
0x4a: {  	_ =	shalt  }
0x4b: {  	_ =	shalt  }
0x4c: {  	_ =	shalt  }
0x4d: {  	_ =	shalt  }
0x4e: {  	_ =	shalt  }
0x4f: {  	_ =	shalt  }
0x50: {  	_ =	shalt  }
0x51: {  	_ =	shalt  }
0x52: {  	_ =	shalt  }
0x53: {  	_ =	shalt  }
0x54: {  	_ =	shalt  }
0x55: {  	_ =	shalt  }
0x56: {  	_ =	shalt  }
0x57: {  	_ =	shalt  }
0x58: {  	_ =	shalt  }
0x59: {  	_ =	shalt  }
0x5a: {  	_ =	shalt  }
0x5b: {  	_ =	shalt  }
0x5c: {  	_ =	shalt  }
0x5d: {  	_ =	shalt  }
0x5e: {  	_ =	shalt  }
0x5f: {  	_ =	shalt  }
0x60: {  	_ =	shalt  }
0x61: {  	_ =	shalt  }
0x62: {  	_ =	shalt  }
0x63: {  	_ =	shalt  }
0x64: {  	_ =	shalt  }
0x65: {  	_ =	shalt  }
0x66: {  	_ =	shalt  }
0x67: {  	_ =	shalt  }
0x68: {  	_ =	shalt  }
0x69: {  	_ =	shalt  }
0x6a: {  	_ =	shalt  }
0x6b: {  	_ =	shalt  }
0x6c: {  	_ =	shalt  }
0x6d: {  	_ =	shalt  }
0x6e: {  	_ =	shalt  }
0x6f: {  	_ =	shalt  }
0x70: {  	_ =	shalt  }
0x71: {  	_ =	shalt  }
0x72: {  	_ =	shalt  }
0x73: {  	_ =	shalt  }
0x74: {  	_ =	shalt  }
0x75: {  	_ =	shalt  }
0x76: {  	_ =	shalt  }
0x77: {  	_ =	shalt  }
0x78: {  	_ =	shalt  }
0x79: {  	_ =	shalt  }
0x7a: {  	_ =	shalt  }
0x7b: {  	_ =	shalt  }
0x7c: {  	_ =	shalt  }
0x7d: {  	_ =	shalt  }
0x7e: {  	_ =	shalt  }
0x7f: {  	_ =	shalt  }
0x80: {  	_ =	shalt  }
0x81: {  	_ =	shalt  }
0x82: {  	_ =	shalt  }
0x83: {  	_ =	shalt  }
0x84: {  	_ =	shalt  }
0x85: {  	_ =	shalt  }
0x86: {  	_ =	shalt  }
0x87: {  	_ =	shalt  }
.Lfunc_end0:
.L_simem_size_0:
called_computation.1_lowered:
.L_overlay_start_0:
0x88: {  	s2 =	sld [smem:$0x3FD9]  }
0x89: {  	s3 =	sld [smem:$0x3FFE];
	_ =	sdelay $0x1  }
0x8a: {  	s1 =	srdreg.scid  }
0x8b: {  	s0 =	sand.u32 $0x1, s1  }
0x8c: {  	s14 =	sshll.u32 s0, $0xA;
	s2 =	sadd.s32 s3, s2  }
0x8d: {  	s2 =	sadd.s32 s2, s14  }
0x8e: {  	[smem:$0x3FBE] =	sst s2  }
0x8f: {  	_ = 	snop  }
0x90: {  	s2 =	sld [smem:$0x3FD0];
	_ =	sdelay $0x2  }
0x91: {  	s15 =	simm.s32 $0xA;
	s4 =	simm.s32 $0x10  }
0x92: {  	[smem:s4], [sflag:s15] =	dma.local [hbm:s2], $0x1  }
0x93: {  	_ =	swait.eq [sflag:s15], $0x1  }
0x94: {  	[sflag:s15] =	ssyncset.done $0x0  }
0x95: {  	s16 =	sld [smem:$0x10];
	[sflag:s15] =	ssyncadd.s32 $0xFFFFFFFF  }
0x96: {  	s17 =	sld [smem:$0x11];
	(tm) =	ssettm $0x1  }
0x97: {  	s18 =	sld [smem:$0x3FFB];
	_ =	sdelay $0x3  }
0x98: {  	_ =	strace s18  }
0x99: {  	s4 =	sld [smem:$0x3FFC];
	_ =	sdelay $0x3  }
0x9a: {  	_ =	strace s4  }
0x9b: {  	s4 =	sld [smem:$0x3FFD];
	_ =	sdelay $0x3  }
0x9c: {  	_ =	strace s4  }
0x9d: {  	_ =	strace $0x8FFFFFFF  }
0x9e: {  	s19 =	sld [smem:$0x3FDB];
	_ =	sdelay $0x1  }
0x9f: {  	s5 =	simm.s32 $_scs_section_size  }
0xa0: {  	s6 =	simm.s32 $_size__tile_overlayer_lowered;
	s7 =	simm.s32 $_tile_overlayer_lowered  }
0xa1: {  	s22 =	simm.s32 $0x1BFF;
	s21 =	sshll.u32 s7, $0x1;
	s4 =	sadd.s32 s5, s19  }
0xa2: {  	s8 =	simm.s32 $0x0;
	s20 =	sshll.u32 s6, $0x1;
	s6 =	sadd.s32 s21, s4  }
0xa3: {  	[timem:s8], [sflag:s22] =	dma.local [hbm:s6], s20  }
0xa4: {  	_ =	swait.ge [sflag:s22], s20  }
0xa5: {  	s5 =	ssub.s32 $0x0, s20;
	[sflag:s22] =	ssyncset.done $0x0  }
0xa6: {  	[sflag:s22] =	ssyncadd.s32 s5;
	_ =	sdelay $0x1  }
0xa7: {  	s23 =	simm.s32 $0x1B8B  }
0xa8: {  	_ =	swait.ge [sflag:s23], $0x1  }
0xa9: {  	[sflag:s23] =	ssyncset.done $0x0  }
0xaa: {  	s25 =	simm.s32 $0x1B8E;
	s24 =	sld [smem:$0x3FFE];
	[sflag:s23] =	ssyncadd.s32 $0xFFFFFFFF  }
0xab: {  	s26 =	simm.s32 $execute0_lowered;
	[smem:$0x3FD2] =	sst s25  }
0xac: {  	s6 =	sshll.u32 s26, $0x1;
	_ =	strace $0x80000049;
	[dreg:$0x1] =	wrdreg $0xFFFFFFFF  }
0xad: {  	s28 =	simm.s32 $_size_execute0_lowered;
	s4 =	sadd.s32 s4, s6;
	[dreg:$0x0] =	wrdreg $0x0  }
0xae: {  	s6 =	sshll.u32 s28, $0x1;
	[dreg:$0x2] =	wrdreg s4  }
0xaf: {  	[dreg:$0x3] =	wrdreg s6  }
0xb0: {  	[dreg:$0x4] =	wrdreg $0xC0  }
0xb1: {  	_ =	task [dreg:s8], $0x5FFFF  }
0xb2: {  	[dreg:$0x1] =	wrdreg $0xFFFFFFFF  }
0xb3: {  	[dreg:$0x0] =	wrdreg $0x60  }
0xb4: {  	[dreg:$0x2] =	wrdreg s24  }
0xb5: {  	[dreg:$0x3] =	wrdreg s16  }
0xb6: {  	[dreg:$0x4] =	wrdreg s17  }
0xb7: {  	[dreg:$0x5] =	wrdreg $0xCE800  }
0xb8: {  	[dreg:$0x6] =	wrdreg $0x9  }
0xb9: {  	_ =	task.clear_ibuf [dreg:s8], $0x7FFFF;
	_ =	strace $0x90000049  }
0xba: {  	s29 =	simm.s32 $0x9;
	_ =	strace $0x8000004B  }
0xbb: {  	_ =	swait.ge [sflag:s29], $0x1  }
0xbc: {  	[sflag:s29] =	ssyncadd.s32 $0xFFFFFFFF  }
0xbd: {  	_ =	strace $0x9000004B  }
0xbe: {  	_ =	sfence  }
0xbf: {  	s30 =	sld [smem:$0x0];
	_ =	sdelay $0x2  }
0xc0: {  	s31 =	sshll.u32 s1, $0xD;
	s1 =	sshrl.u32 s1, $0x2  }
0xc1: {  	s3 =	sand.u32 $0x4000, s31;
	s1 =	sadd.s32 s1, s30  }
0xc2: {  	s0 =	sor.u32 s3, s0;
	s1 =	sshll.u32 s1, $0x11  }
0xc3: {  	s0 =	sor.u32 s1, s0  }
0xc4: {  	s0 =	sadd.s32 $0x8F2B, s0  }
0xc5: {  	[sflag:s0] =	ssyncadd.remote.s32 $0x1  }
0xc6: {  	_ =	sfence.sel $0xFFFF  }
0xc7: {  	[dreg:$0x0] =	wrdreg $0xFFFFFFFF;
	(pc) =	sbr.abs _section_cstart, $3  }
0xc8: {  	[dreg:$0x1] =	wrdreg $0xFFFFFFFF  }
0xc9: {  	_ =	task.clear_ibuf [dreg:s8], $0x2FFFF;
	_ =	strace $0x9FFFFFFF  }
0xca: {  	(tm) =	ssettm $0x7FFFFFFF  }
0xcb: {  	_ =	shalt  }
tec
execute0_lowered:
.L_overlay_start_1:
0x0: {  	(tag) =	ssettag $0x1  }
0x1: {  	s7 =	rddreg [dreg:$0x0]  }
0x2: {  	s1 =	rddreg [dreg:$0x1]  }
0x3: {  	s2 =	srdreg.scid;
	s10 =	rddreg [dreg:$0x2]  }
0x4: {  	s0 =	stileid.u32;
	s3 =	rddreg [dreg:$0x3];
	s4 =	simm.s32 $0x0  }
0x5: {  	s15 =	simm.s32 $0x5200;
	s16 =	simm.s32 $0x7A00;
	s17 =	simm.s32 $0xCD80  }
0x6: {  	s18 =	simm.s32 $0xCB00;
	s19 =	simm.s32 $0x80;
	s20 =	simm.s32 $0xA200  }
0x7: {  	s23 =	simm.s32 $0x0;
	s5 =	sand.u32 $0x1, s2;
	s31 =	sshll.u32 s0, $0x1  }
0x8: {  	s9 =	smul.u32 $0x280, s0;
	[smem:$0x7FF] =	sst s4;
	s21 =	sshll.u32 s0, $0x6  }
0x9: {  	s2 =	sor.u32 s5, s31;
	s6 =	smul.u32 $0x2800, s5;
	s12 =	ssub.s32 $0x2, s5  }
0xa: {  	s5 =	sadd.s32 $0x3000, s7;
	s21 =	sor.u32 $0x1C01, s21;
	s11 =	smul.u32 $0x520, s2  }
0xb: {  	s2 =	rddreg [dreg:$0x4];
	_ =	strace $0x8000004A;
	s14 =	sshrl.u32 s12, $0x1  }
0xc: {  	s6 =	sadd.s32 s9, s6;
	s12 =	ssub.s32 s12, s14;
	s9 =	sadd.s32 s9, s3  }
0xd: {  	s14 =	simm.s32 $0x2900;
	s8 =	sadd.s32 s11, s7;
	s13 =	sshrl.u32 s6, $0x3  }
0xe: {  	s6 =	sadd.s32 $0x2E00, s7;
	s10 =	sadd.s32 s10, s11;
	s12 =	smax.u32 s12, $0x1  }
0xf: {  	s22 =	sshrl.u32 s9, $0x3;
	s13 =	sadd.s32 s13, s7;
	s7 =	sadd.s32 $0xE000, s8  }
0x10: {  	v0 =	vimm.f32 $0.0e+00;
	s8 =	sadd.s32 $0x3C00, s8;
	s11 =	sadd.s32 $0x40400, s13;
	s13 =	simm.s32 $0x1  }
.LBB2_1:
0x11: {  	[tilespmem:s4], [sflag:$0x1] =	stream.linear.gather [hbm4b:s7+s4], $0x2900, $0x38;
	[tilespmem:$0xD100] =	vst v63  }
0x12: {  	_ =	swait.ge [sflag:s13], $0x2900  }
0x13: {  	[sflag:s13] =	ssyncset.done $0x0  }
0x14: {  	[sflag:s13] =	ssyncadd.s32 $0xFFFFD700  }
0x15: {  	[tilespmem:s14], [sflag:$0x1] =	stream.linear.gather [hbm4b:s8+s4], $0x2900, $0x38;
	[tilespmem:$0xD100] =	vst v63  }
0x16: {  	_ =	swait.ge [sflag:s13], $0x2900  }
0x17: {  	[sflag:s13] =	ssyncset.done $0x0  }
0x18: {  	[sflag:s13] =	ssyncadd.s32 $0xFFFFD700  }
0x19: {  	[tilespmem:s15], [sflag:$0x1] =	stream.linear.gather [hbm4b:s5+s4], $0x2800, $0x38;
	[tilespmem:$0xD100] =	vst v63  }
0x1a: {  	_ =	swait.ge [sflag:s13], $0x2800  }
0x1b: {  	[sflag:s13] =	ssyncset.done $0x0  }
0x1c: {  	[sflag:s13] =	ssyncadd.s32 $0xFFFFD800  }
0x1d: {  	[tilespmem:s16], [sflag:$0x1] =	stream.linear.gather [hbm4b:s1+s4], $0x2800, $0x38;
	[tilespmem:$0xD100] =	vst v63  }
0x1e: {  	_ =	swait.ge [sflag:s13], $0x2800  }
0x1f: {  	[sflag:s13] =	ssyncset.done $0x0  }
0x20: {  	[sflag:s13] =	ssyncadd.s32 $0xFFFFD800  }
0x21: {  	[tilespmem:s17], [sflag:$0x1] =	stream.linear.gather [hbm4b:s6+s4], $0x100, $0x38;
	[tilespmem:$0xD100] =	vst v63  }
0x22: {  	_ =	swait.ge [sflag:s13], $0x100  }
0x23: {  	[sflag:s13] =	ssyncset.done $0x0  }
0x24: {  	[sflag:s13] =	ssyncadd.s32 $0xFFFFFF00  }
0x25: {  	[tilespmem:$0xCB00] =	vst v0  }
0x26: {  	[tilespmem:$0xCB10] =	vst v0  }
0x27: {  	[tilespmem:$0xCB20] =	vst v0  }
0x28: {  	[tilespmem:$0xCB30] =	vst v0  }
0x29: {  	[tilespmem:$0xCB40] =	vst v0  }
0x2a: {  	[tilespmem:$0xCB50] =	vst v0  }
0x2b: {  	[tilespmem:$0xCB60] =	vst v0  }
0x2c: {  	[tilespmem:$0xCB70] =	vst v0  }
0x2d: {  	[tilespmem:$0xCB80] =	vst v0  }
0x2e: {  	[tilespmem:$0xCB90] =	vst v0  }
0x2f: {  	[tilespmem:$0xCBA0] =	vst v0  }
0x30: {  	[tilespmem:$0xCBB0] =	vst v0  }
0x31: {  	[tilespmem:$0xCBC0] =	vst v0  }
0x32: {  	[tilespmem:$0xCBD0] =	vst v0  }
0x33: {  	[tilespmem:$0xCBE0] =	vst v0  }
0x34: {  	[tilespmem:$0xCBF0] =	vst v0  }
0x35: {  	[tilespmem:$0xCC00] =	vst v0  }
0x36: {  	[tilespmem:$0xCC10] =	vst v0  }
0x37: {  	[tilespmem:$0xCC20] =	vst v0  }
0x38: {  	[tilespmem:$0xCC30] =	vst v0  }
0x39: {  	[tilespmem:$0xCC40] =	vst v0  }
0x3a: {  	[tilespmem:$0xCC50] =	vst v0  }
0x3b: {  	[tilespmem:$0xCC60] =	vst v0  }
0x3c: {  	[tilespmem:$0xCC70] =	vst v0  }
0x3d: {  	[tilespmem:$0xCC80] =	vst v0  }
0x3e: {  	[tilespmem:$0xCC90] =	vst v0  }
0x3f: {  	[tilespmem:$0xCCA0] =	vst v0  }
0x40: {  	[tilespmem:$0xCCB0] =	vst v0  }
0x41: {  	[tilespmem:$0xCCC0] =	vst v0  }
0x42: {  	[tilespmem:$0xCCD0] =	vst v0  }
0x43: {  	[tilespmem:$0xCCE0] =	vst v0  }
0x44: {  	[tilespmem:$0xCCF0] =	vst v0  }
0x45: {  	[tilespmem:$0xCD00] =	vst v0  }
0x46: {  	[tilespmem:$0xCD10] =	vst v0  }
0x47: {  	[tilespmem:$0xCD20] =	vst v0  }
0x48: {  	[tilespmem:$0xCD30] =	vst v0  }
0x49: {  	[tilespmem:$0xCD40] =	vst v0  }
0x4a: {  	[tilespmem:$0xCD50] =	vst v0  }
0x4b: {  	[tilespmem:$0xCD60] =	vst v0  }
0x4c: {  	[tilespmem:$0xCD70] =	vst v0  }
0x4d: {  	[spmem:s9] =	stream.linear.scatter [tilespmem:s18], [sflag:$0x1], $0x280, $0x38;
	[tilespmem:$0xD100] =	vst v63  }
0x4e: {  	_ =	swait.ge [sflag:s13], $0x280  }
0x4f: {  	[sflag:s13] =	ssyncset.done $0x0  }
0x50: {  	[sflag:s13] =	ssyncadd.s32 $0xFFFFFD80  }
0x51: {  	v1 =	vld [tilespmem:$0xCD80]  }
0x52: {  	s24 =	simm.s32 $0x0;
	v2 =	vld [tilespmem:$0xCE00];
	[bflag:$0x0] =	sbarrier.arrive $0xFFFF  }
0x53: {  	v3 =	vld [tilespmem:s24+$0x0]  }
0x54: {  	v4 =	vld [tilespmem:s24+$0x2900];
	_ =	sdelay $0x6  }
0x55: {  	v3 =	vld.idx.msk [tilespmem:v3+s15+$0x0], $0xffff  }
0x56: {  	v4 =	vld.idx.msk [tilespmem:v4+s16+$0x0], $0xffff;
	_ =	sdelay $0x4  }
0x57: {  	v1 =	vadd.f32 v2, v1;
	v2 =	vadd.f32 v4, v3;
	_ =	sdelay $0x1  }
0x58: {  	v3 =	vmul.f32 $2.000000030e-01, v1;
	v4 =	vmul.f32 $2.000000030e-01, v2;
	_ =	sdelay $0x1  }
0x59: {  	v1 =	vmax.f32 v1, v3;
	v2 =	vmax.f32 v2, v4  }
0x5a: {  	v2 =	vsub.f32 v2, v1;
	_ =	sdelay $0x1  }
0x5b: {  	v2 =	vmul.f32 $1.442695020e+00, v2;
	_ =	sdelay $0x1  }
0x5c: {  	(erf) = vpow2.f32 v2;
	_ =	sdelay $0x2  }
0x5d: {  	v2 =	vld [tilespmem:s24+$0x10]  }
0x5e: {  	v3 =	vld [tilespmem:s24+$0x2910];
	_ =	sdelay $0x4  }
0x5f: {  	v57 =	vpop (erf)  }
0x60: {  	[tilespmem:s24+$0xA200] =	vst v57  }
0x61: {  	v2 =	vld.idx.msk [tilespmem:v2+s15+$0x0], $0xffff  }
0x62: {  	v3 =	vld.idx.msk [tilespmem:v3+s16+$0x0], $0xffff;
	_ =	sdelay $0x4  }
0x63: {  	v2 =	vadd.f32 v3, v2;
	_ =	sdelay $0x1  }
0x64: {  	v3 =	vmul.f32 $2.000000030e-01, v2;
	_ =	sdelay $0x1  }
0x65: {  	v2 =	vmax.f32 v2, v3  }
0x66: {  	v2 =	vsub.f32 v2, v1;
	_ =	sdelay $0x1  }
0x67: {  	v2 =	vmul.f32 $1.442695020e+00, v2;
	_ =	sdelay $0x1  }
0x68: {  	(erf) = vpow2.f32 v2;
	_ =	sdelay $0x2  }
0x69: {  	v2 =	vld [tilespmem:s24+$0x20]  }
0x6a: {  	v3 =	vld [tilespmem:s24+$0x2920];
	_ =	sdelay $0x4  }
0x6b: {  	v58 =	vpop (erf)  }
0x6c: {  	[tilespmem:s24+$0xA210] =	vst v58  }
0x6d: {  	v2 =	vld.idx.msk [tilespmem:v2+s15+$0x0], $0xffff  }
0x6e: {  	v3 =	vld.idx.msk [tilespmem:v3+s16+$0x0], $0xffff;
	_ =	sdelay $0x4  }
0x6f: {  	v2 =	vadd.f32 v3, v2;
	_ =	sdelay $0x1  }
0x70: {  	v3 =	vmul.f32 $2.000000030e-01, v2;
	_ =	sdelay $0x1  }
0x71: {  	v2 =	vmax.f32 v2, v3  }
0x72: {  	v2 =	vsub.f32 v2, v1;
	_ =	sdelay $0x1  }
0x73: {  	v2 =	vmul.f32 $1.442695020e+00, v2;
	_ =	sdelay $0x1  }
0x74: {  	(erf) = vpow2.f32 v2;
	_ =	sdelay $0x2  }
0x75: {  	v2 =	vld [tilespmem:s24+$0x30]  }
0x76: {  	v3 =	vld [tilespmem:s24+$0x2930];
	_ =	sdelay $0x4  }
0x77: {  	v59 =	vpop (erf)  }
0x78: {  	[tilespmem:s24+$0xA220] =	vst v59  }
0x79: {  	v2 =	vld.idx.msk [tilespmem:v2+s15+$0x0], $0xffff  }
0x7a: {  	v3 =	vld.idx.msk [tilespmem:v3+s16+$0x0], $0xffff;
	_ =	sdelay $0x4  }
0x7b: {  	v2 =	vadd.f32 v3, v2;
	_ =	sdelay $0x1  }
0x7c: {  	v3 =	vmul.f32 $2.000000030e-01, v2;
	_ =	sdelay $0x1  }
0x7d: {  	v2 =	vmax.f32 v2, v3  }
0x7e: {  	v2 =	vsub.f32 v2, v1;
	_ =	sdelay $0x1  }
0x7f: {  	v2 =	vmul.f32 $1.442695020e+00, v2;
	_ =	sdelay $0x1  }
0x80: {  	(erf) = vpow2.f32 v2;
	_ =	sdelay $0x2  }
0x81: {  	v2 =	vld [tilespmem:s24+$0x40]  }
0x82: {  	v3 =	vld [tilespmem:s24+$0x2940];
	_ =	sdelay $0x4  }
0x83: {  	v60 =	vpop (erf)  }
0x84: {  	[tilespmem:s24+$0xA230] =	vst v60  }
0x85: {  	v2 =	vld.idx.msk [tilespmem:v2+s15+$0x0], $0xffff  }
0x86: {  	v3 =	vld.idx.msk [tilespmem:v3+s16+$0x0], $0xffff;
	_ =	sdelay $0x4  }
0x87: {  	v2 =	vadd.f32 v3, v2;
	_ =	sdelay $0x1  }
0x88: {  	v3 =	vmul.f32 $2.000000030e-01, v2;
	_ =	sdelay $0x1  }
0x89: {  	v2 =	vmax.f32 v2, v3  }
0x8a: {  	v2 =	vsub.f32 v2, v1;
	_ =	sdelay $0x1  }
0x8b: {  	v2 =	vmul.f32 $1.442695020e+00, v2;
	_ =	sdelay $0x1  }
0x8c: {  	(erf) = vpow2.f32 v2;
	_ =	sdelay $0x2  }
0x8d: {  	v2 =	vld [tilespmem:s24+$0x50]  }
0x8e: {  	v3 =	vld [tilespmem:s24+$0x2950];
	_ =	sdelay $0x4  }
0x8f: {  	v61 =	vpop (erf)  }
0x90: {  	[tilespmem:s24+$0xA240] =	vst v61  }
0x91: {  	v2 =	vld.idx.msk [tilespmem:v2+s15+$0x0], $0xffff  }
0x92: {  	v3 =	vld.idx.msk [tilespmem:v3+s16+$0x0], $0xffff;
	_ =	sdelay $0x4  }
0x93: {  	v2 =	vadd.f32 v3, v2;
	_ =	sdelay $0x1  }
0x94: {  	v3 =	vmul.f32 $2.000000030e-01, v2;
	_ =	sdelay $0x1  }
0x95: {  	v2 =	vmax.f32 v2, v3  }
0x96: {  	v2 =	vsub.f32 v2, v1;
	_ =	sdelay $0x1  }
0x97: {  	v2 =	vmul.f32 $1.442695020e+00, v2;
	_ =	sdelay $0x1  }
0x98: {  	(erf) = vpow2.f32 v2;
	_ =	sdelay $0x2  }
0x99: {  	v2 =	vld [tilespmem:s24+$0x60]  }
0x9a: {  	v3 =	vld [tilespmem:s24+$0x2960];
	_ =	sdelay $0x4  }
0x9b: {  	v62 =	vpop (erf)  }
0x9c: {  	[tilespmem:s24+$0xA250] =	vst v62  }
0x9d: {  	v2 =	vld.idx.msk [tilespmem:v2+s15+$0x0], $0xffff  }
0x9e: {  	v3 =	vld.idx.msk [tilespmem:v3+s16+$0x0], $0xffff;
	_ =	sdelay $0x4  }
0x9f: {  	v2 =	vadd.f32 v3, v2;
	_ =	sdelay $0x1  }
0xa0: {  	v3 =	vmul.f32 $2.000000030e-01, v2;
	_ =	sdelay $0x1  }
0xa1: {  	v2 =	vmax.f32 v2, v3  }
0xa2: {  	v2 =	vsub.f32 v2, v1;
	_ =	sdelay $0x1  }
0xa3: {  	v2 =	vmul.f32 $1.442695020e+00, v2;
	_ =	sdelay $0x1  }
0xa4: {  	(erf) = vpow2.f32 v2;
	_ =	sdelay $0x2  }
0xa5: {  	v2 =	vld [tilespmem:s24+$0x70]  }
0xa6: {  	v3 =	vld [tilespmem:s24+$0x2970];
	_ =	sdelay $0x4  }
0xa7: {  	v63 =	vpop (erf)  }
0xa8: {  	[tilespmem:s24+$0xA260] =	vst v63  }
0xa9: {  	v2 =	vld.idx.msk [tilespmem:v2+s15+$0x0], $0xffff  }
0xaa: {  	v3 =	vld.idx.msk [tilespmem:v3+s16+$0x0], $0xffff;
	_ =	sdelay $0x4  }
0xab: {  	v2 =	vadd.f32 v3, v2;
	_ =	sdelay $0x1  }
0xac: {  	v3 =	vmul.f32 $2.000000030e-01, v2;
	_ =	sdelay $0x1  }
0xad: {  	v2 =	vmax.f32 v2, v3  }
0xae: {  	v2 =	vsub.f32 v2, v1;
	_ =	sdelay $0x1  }
0xaf: {  	v2 =	vmul.f32 $1.442695020e+00, v2;
	_ =	sdelay $0x1  }
0xb0: {  	(erf) = vpow2.f32 v2;
	_ =	sdelay $0x1  }
0xb1: {  	s25 =	simm.s32 $0x200;
	s26 =	simm.s32 $0x2900;
	s28 =	simm.s32 $0xA200  }
.LBB2_2:
0xb2: {  	_ =	sdelay $0x2  }
0xb3: {  	p0 =	sne.s32 s25, $0xA200;
	s29 =	smov.u32 s25;
	s25 =	sadd.s32 $0x200, s25  }
0xb4: {  	_ =	sdelay $0x1  }
0xb5: {  	v2 =	vpop (erf)  }
0xb6: {  	[tilespmem:s24+$0xA270] =	vst v2  }
0xb7: {  	[spmem:s3] =	stream.indirect.scatter.add.f32 [tilespmem:s28], [sflag:$0x1], $0x1, s26, s19, $0xb8;
	[tilespmem:$0xD100] =	vst v63  }
0xb8: {  	_ =	swait.ge [sflag:s13], $0x80  }
0xb9: {  	[sflag:s13] =	ssyncset.done $0x0  }
0xba: {  	s24 =	sshra.s32 s29, $0x2;
	[sflag:s13] =	ssyncadd.s32 $0xFFFFFF80  }
0xbb: {  	v2 =	vld [tilespmem:s24+$0x0]  }
0xbc: {  	v3 =	vld [tilespmem:s24+$0x2900];
	_ =	sdelay $0x6  }
0xbd: {  	v2 =	vld.idx.msk [tilespmem:v2+s15+$0x0], $0xffff  }
0xbe: {  	v3 =	vld.idx.msk [tilespmem:v3+s16+$0x0], $0xffff;
	_ =	sdelay $0x5  }
0xbf: {  	v2 =	vadd.f32 v3, v2;
	_ =	sdelay $0x1  }
0xc0: {  	v3 =	vmul.f32 $2.000000030e-01, v2;
	_ =	sdelay $0x1  }
0xc1: {  	v2 =	vmax.f32 v2, v3  }
0xc2: {  	v2 =	vsub.f32 v2, v1;
	_ =	sdelay $0x1  }
0xc3: {  	v2 =	vmul.f32 $1.442695020e+00, v2;
	_ =	sdelay $0x1  }
0xc4: {  	(erf) = vpow2.f32 v2;
	_ =	sdelay $0x1  }
0xc5: {  	v2 =	vld [tilespmem:s24+$0x2910]  }
0xc6: {  	v3 =	vld [tilespmem:s24+$0x10];
	_ =	sdelay $0x5  }
0xc7: {  	v4 =	vpop (erf)  }
0xc8: {  	[tilespmem:s24+$0xA200] =	vst v4  }
0xc9: {  	v3 =	vld.idx.msk [tilespmem:v3+s15+$0x0], $0xffff  }
0xca: {  	v2 =	vld.idx.msk [tilespmem:v2+s16+$0x0], $0xffff;
	_ =	sdelay $0x5  }
0xcb: {  	v2 =	vadd.f32 v2, v3;
	_ =	sdelay $0x1  }
0xcc: {  	v3 =	vmul.f32 $2.000000030e-01, v2;
	_ =	sdelay $0x1  }
0xcd: {  	v2 =	vmax.f32 v2, v3  }
0xce: {  	v2 =	vsub.f32 v2, v1;
	_ =	sdelay $0x1  }
0xcf: {  	v2 =	vmul.f32 $1.442695020e+00, v2;
	_ =	sdelay $0x1  }
0xd0: {  	(erf) = vpow2.f32 v2;
	_ =	sdelay $0x1  }
0xd1: {  	v2 =	vld [tilespmem:s24+$0x2920]  }
0xd2: {  	v3 =	vld [tilespmem:s24+$0x20];
	_ =	sdelay $0x5  }
0xd3: {  	v4 =	vpop (erf)  }
0xd4: {  	[tilespmem:s24+$0xA210] =	vst v4  }
0xd5: {  	v3 =	vld.idx.msk [tilespmem:v3+s15+$0x0], $0xffff  }
0xd6: {  	v2 =	vld.idx.msk [tilespmem:v2+s16+$0x0], $0xffff;
	_ =	sdelay $0x5  }
0xd7: {  	v2 =	vadd.f32 v2, v3;
	_ =	sdelay $0x1  }
0xd8: {  	v3 =	vmul.f32 $2.000000030e-01, v2;
	_ =	sdelay $0x1  }
0xd9: {  	v2 =	vmax.f32 v2, v3  }
0xda: {  	v2 =	vsub.f32 v2, v1;
	_ =	sdelay $0x1  }
0xdb: {  	v2 =	vmul.f32 $1.442695020e+00, v2;
	_ =	sdelay $0x1  }
0xdc: {  	(erf) = vpow2.f32 v2;
	_ =	sdelay $0x1  }
0xdd: {  	v2 =	vld [tilespmem:s24+$0x2930]  }
0xde: {  	v3 =	vld [tilespmem:s24+$0x30];
	_ =	sdelay $0x5  }
0xdf: {  	v4 =	vpop (erf)  }
0xe0: {  	[tilespmem:s24+$0xA220] =	vst v4  }
0xe1: {  	v3 =	vld.idx.msk [tilespmem:v3+s15+$0x0], $0xffff  }
0xe2: {  	v2 =	vld.idx.msk [tilespmem:v2+s16+$0x0], $0xffff;
	_ =	sdelay $0x5  }
0xe3: {  	v2 =	vadd.f32 v2, v3;
	_ =	sdelay $0x1  }
0xe4: {  	v3 =	vmul.f32 $2.000000030e-01, v2;
	_ =	sdelay $0x1  }
0xe5: {  	v2 =	vmax.f32 v2, v3  }
0xe6: {  	v2 =	vsub.f32 v2, v1;
	_ =	sdelay $0x1  }
0xe7: {  	v2 =	vmul.f32 $1.442695020e+00, v2;
	_ =	sdelay $0x1  }
0xe8: {  	(erf) = vpow2.f32 v2;
	_ =	sdelay $0x1  }
0xe9: {  	v2 =	vld [tilespmem:s24+$0x2940]  }
0xea: {  	v3 =	vld [tilespmem:s24+$0x40];
	_ =	sdelay $0x5  }
0xeb: {  	v4 =	vpop (erf)  }
0xec: {  	[tilespmem:s24+$0xA230] =	vst v4  }
0xed: {  	v3 =	vld.idx.msk [tilespmem:v3+s15+$0x0], $0xffff  }
0xee: {  	v2 =	vld.idx.msk [tilespmem:v2+s16+$0x0], $0xffff;
	_ =	sdelay $0x5  }
0xef: {  	v2 =	vadd.f32 v2, v3;
	_ =	sdelay $0x1  }
0xf0: {  	v3 =	vmul.f32 $2.000000030e-01, v2;
	_ =	sdelay $0x1  }
0xf1: {  	v2 =	vmax.f32 v2, v3  }
0xf2: {  	v2 =	vsub.f32 v2, v1;
	_ =	sdelay $0x1  }
0xf3: {  	v2 =	vmul.f32 $1.442695020e+00, v2;
	_ =	sdelay $0x1  }
0xf4: {  	(erf) = vpow2.f32 v2;
	_ =	sdelay $0x1  }
0xf5: {  	v2 =	vld [tilespmem:s24+$0x2950]  }
0xf6: {  	v3 =	vld [tilespmem:s24+$0x50];
	_ =	sdelay $0x5  }
0xf7: {  	v4 =	vpop (erf)  }
0xf8: {  	[tilespmem:s24+$0xA240] =	vst v4  }
0xf9: {  	v3 =	vld.idx.msk [tilespmem:v3+s15+$0x0], $0xffff  }
0xfa: {  	v2 =	vld.idx.msk [tilespmem:v2+s16+$0x0], $0xffff;
	_ =	sdelay $0x5  }
0xfb: {  	v2 =	vadd.f32 v2, v3;
	_ =	sdelay $0x1  }
0xfc: {  	v3 =	vmul.f32 $2.000000030e-01, v2;
	_ =	sdelay $0x1  }
0xfd: {  	v2 =	vmax.f32 v2, v3  }
0xfe: {  	v2 =	vsub.f32 v2, v1;
	_ =	sdelay $0x1  }
0xff: {  	v2 =	vmul.f32 $1.442695020e+00, v2;
	_ =	sdelay $0x1  }
0x100: {  	(erf) = vpow2.f32 v2;
	_ =	sdelay $0x1  }
0x101: {  	v2 =	vld [tilespmem:s24+$0x2960]  }
0x102: {  	v3 =	vld [tilespmem:s24+$0x60];
	_ =	sdelay $0x5  }
0x103: {  	v4 =	vpop (erf)  }
0x104: {  	[tilespmem:s24+$0xA250] =	vst v4  }
0x105: {  	v3 =	vld.idx.msk [tilespmem:v3+s15+$0x0], $0xffff  }
0x106: {  	v2 =	vld.idx.msk [tilespmem:v2+s16+$0x0], $0xffff;
	_ =	sdelay $0x5  }
0x107: {  	v2 =	vadd.f32 v2, v3;
	_ =	sdelay $0x1  }
0x108: {  	v3 =	vmul.f32 $2.000000030e-01, v2;
	_ =	sdelay $0x1  }
0x109: {  	v2 =	vmax.f32 v2, v3  }
0x10a: {  	v2 =	vsub.f32 v2, v1;
	_ =	sdelay $0x1  }
0x10b: {  	v2 =	vmul.f32 $1.442695020e+00, v2;
	_ =	sdelay $0x1  }
0x10c: {  	(erf) = vpow2.f32 v2;
	_ =	sdelay $0x1  }
0x10d: {  	v2 =	vld [tilespmem:s24+$0x2970]  }
0x10e: {  	v3 =	vld [tilespmem:s24+$0x70];
	_ =	sdelay $0x5  }
0x10f: {  	v4 =	vpop (erf)  }
0x110: {  	[tilespmem:s24+$0xA260] =	vst v4  }
0x111: {  	v3 =	vld.idx.msk [tilespmem:v3+s15+$0x0], $0xffff  }
0x112: {  	v2 =	vld.idx.msk [tilespmem:v2+s16+$0x0], $0xffff;
	_ =	sdelay $0x5  }
0x113: {  	v2 =	vadd.f32 v2, v3;
	_ =	sdelay $0x1  }
0x114: {  	v3 =	vmul.f32 $2.000000030e-01, v2;
	_ =	sdelay $0x1  }
0x115: {  	v2 =	vmax.f32 v2, v3  }
0x116: {  	v2 =	vsub.f32 v2, v1;
	_ =	sdelay $0x1  }
.Ltmp0:
0x117: {  	v2 =	vmul.f32 $1.442695020e+00, v2;
	(pc) =	sbr.rel @p0 .LBB2_2-.Ltmp0, $3  }
0x118: {  	_ = 	snop  }
0x119: {  	(erf) = vpow2.f32 v2;
	_ =	sdelay $0x1  }
0x11a: {  	s26 =	sadd.s32 $0x2900, s24;
	s28 =	sadd.s32 $0xA200, s24  }
0x11b: {  	_ =	sdelay $0x5  }
0x11c: {  	v1 =	vpop (erf)  }
0x11d: {  	[tilespmem:s24+$0xA270] =	vst v1  }
0x11e: {  	[spmem:s3] =	stream.indirect.scatter.add.f32 [tilespmem:s28], [sflag:$0x1], $0x1, s26, s19, $0xb8;
	[tilespmem:$0xD100] =	vst v63  }
0x11f: {  	_ =	swait.ge [sflag:s13], $0x80  }
0x120: {  	[sflag:s13] =	ssyncset.done $0x0  }
0x121: {  	[sflag:s13] =	ssyncadd.s32 $0xFFFFFF80  }
0x122: {  	[hbm4b:s10+s4] =	stream.linear.scatter [tilespmem:s20], [sflag:$0x1], $0x2900, $0x38;
	[tilespmem:$0xD100] =	vst v63  }
0x123: {  	_ =	swait.ge [sflag:s13], $0x2900  }
0x124: {  	s23 =	sadd.s32 $0x1, s23;
	[sflag:s13] =	ssyncset.done $0x0  }
0x125: {  	p0 =	sne.s32 s23, s12;
	[sflag:s13] =	ssyncadd.s32 $0xFFFFD700  }
.Ltmp1:
0x126: {  	[bflag:$0x0] =	sbarrier.arrive $0xFFFF;
	(pc) =	sbr.rel @p0 .LBB2_1-.Ltmp1, $4  }
0x127: {  	[hbm:s11], [sflag:s21] =	dma.local [spmem:s22], $0x50  }
0x128: {  	_ =	swait.ge [sflag:s13], $0x50  }
0x129: {  	[sflag:s13] =	ssyncset.done $0x0  }
0x12a: {  	[sflag:s13] =	ssyncadd.s32 $0xFFFFFFB0  }
0x12b: {  	_ =	sfence.sel $0x180000  }
0x12c: {  	[bflag:$0x0] =	sbarrier.arrive $0xFFFF  }
0x12d: {  	p0 =	sne.s32 s0, $0x0;
	_ =	strace $0x9000004A  }
0x12e: {  	s0 =	sadd.s32 @!p0 $0x100000, s2;
	[bflag:$0x2] =	sbarrier.arrive $0xFFFF  }
0x12f: {  	[sflag:s0] =	ssyncadd.tile.s32 @!p0 $0x1;
	_ =	shalt  }
.Lfunc_end2:
_tile_overlayer_lowered:
.L_overlay_start_2:
0x130: {  	(tag) =	ssettag $0x2  }
0x131: {  	s0 =	rddreg [dreg:$0x0];
	s2 =	stileid.u32  }
0x132: {  	s1 =	rddreg [dreg:$0x1];
	p0 =	sne.s32 s2, $0x0  }
0x133: {  	s3 =	rddreg [dreg:$0x2];
	[bflag:$0x3] =	sbarrier.arrive $0xFFFF;
	s2 =	simm.s32 @!p0 $0x1C01  }
0x134: {  	[timem:s3], [sflag:s2] =	dma.local @!p0 [hbm:s0], s1  }
0x135: {  	s0 =	simm.s32 @!p0 $0x1  }
0x136: {  	_ =	swait.ge @!p0 [sflag:s0], s1  }
0x137: {  	s1 =	ssub.s32 @!p0 $0x0, s1;
	[sflag:s0] =	ssyncset.done @!p0 $0x0  }
0x138: {  	[sflag:s0] =	ssyncadd.s32 @!p0 s1  }
0x139: {  	[bflag:$0x3] =	sbarrier.arrive $0xFFFF  }
0x13a: {  	_ =	shalt  }

// kernel: kernel.14.cloned.1.call-start
scs
__scs_entry_jumppad:
0x0: {  	(pc) =	sbr.rel $0x88, $3  }
0x1: {  	(tag) =	ssettag $0x0;
	lr =	simm.s32 $0x1  }
0x2: {  	[smem:$0x3F97] =	sst lr;
	_ =	strace $0xD0000000  }
0x3: {  	_ = 	snop  }
0x4: {  	_ = 	snop  }
0x5: {  	_ = 	snop  }
0x6: {  	_ = 	snop  }
0x7: {  	_ = 	snop  }
__scs_overlays_trampoline_lowered:
0x8: {  	[smem:$0x3FA6] =	sst s0  }
0x9: {  	[smem:$0x3FA7] =	sst s1  }
0xa: {  	[smem:$0x3FA8] =	sst s2  }
0xb: {  	[smem:$0x3FA9] =	sst s3  }
0xc: {  	[smem:$0x3FAA] =	sst s4  }
0xd: {  	[smem:$0x3FAB] =	sst s5  }
0xe: {  	[smem:$0x3FAC] =	sst s6  }
0xf: {  	[smem:$0x3FAD] =	sst s7  }
0x10: {  	[smem:$0x3FAE] =	sst s8  }
0x11: {  	[smem:$0x3FAF] =	sst s9;
	s0 =	simm.s32 @!p0 $0x0  }
0x12: {  	s1 =	sld [smem:$0x3F95];
	s0 =	simm.s32 @p0 $0x1  }
0x13: {  	[smem:$0x3FB0] =	sst s0;
	s0 =	simm.s32 @!p1 $0x0  }
0x14: {  	s2 =	sld [smem:$0x3F94];
	s0 =	simm.s32 @p1 $0x1  }
0x15: {  	[smem:$0x3FB1] =	sst s0;
	s0 =	simm.s32 @!p2 $0x0  }
0x16: {  	s3 =	sld [smem:$0x3FDB];
	s0 =	simm.s32 @p2 $0x1  }
0x17: {  	s4 =	simm.s32 $0x1BF5;
	[smem:$0x3FB3] =	sst s0  }
0x18: {  	s0 =	sld [smem:$0x3F96];
	_ =	swait.ge [sflag:s4], $0x0  }
0x19: {  	s7 =	sld [smem:$0x3F97]  }
0x1a: {  	s8 =	sadd.s32 $0xFFFFE003, lr  }
0x1b: {  	s9 =	sadd.s32 $0xFFFFFEF7, lr;
	s5 =	simm.s32 $0xFFFFFFFF;
	p2 =	slt.u32 s8, $0xFFFFF086  }
0x1c: {  	p1 =	slt.u32 s9, $0xF7A;
	s5 =	simm.s32 @!p2 $0x0  }
0x1d: {  	s5 =	simm.s32 @p1 $0x1;
	p0 =	seq.s32 s7, s2  }
0x1e: {  	s7 =	smul.u32 @!p0 $0xF7A, s2;
	p2 =	seq.s32 @!p0 s5, $0x0  }
0x1f: {  	s9 =	smul.u32 $0xF7A, s1;
	s8 =	simm.s32 @!p0 $0x1BF5;
	p2 =	por !p2, p0  }
0x20: {  	[sflag:s8] =	ssyncset.s32 @!p0 $0xFFFFF086;
	s6 =	sadd.s32 @!p0 s3, s7;
	s7 =	simm.s32 @!p0 $0x108  }
0x21: {  	s3 =	sadd.s32 s3, s9;
	s6 =	sadd.s32 @!p0 $0x88, s6;
	s7 =	simm.s32 @p2 $0x1082  }
0x22: {  	[simem:s7], [sflag:s8] =	dma.local @!p0 [hbm:s6], $0xF7A  }
0x23: {  	s9 =	sor.u32 $0xD0000000, s2;
	s6 =	simm.s32 $0x108;
	_ =	swait.ge @!p0 [sflag:s8], $0x0  }
0x24: {  	s3 =	sadd.s32 $0x88, s3;
	s6 =	simm.s32 @!p1 $0x1082;
	[sflag:s4] =	ssyncset.s32 $0xFFFFF086  }
0x25: {  	[simem:s6], [sflag:s4] =	dma.local [hbm:s3], $0xF7A  }
0x26: {  	[smem:$0x3F97] =	sst s1;
	(tag) =	ssettag s2;
	_ =	strace s9  }
0x27: {  	s1 =	sld [smem:$0x3FA7]  }
0x28: {  	s2 =	sld [smem:$0x3FA8]  }
0x29: {  	s4 =	sld [smem:$0x3FAA]  }
0x2a: {  	p0 =	seq.s32 s5, $0x0;
	s5 =	sld [smem:$0x3FAB]  }
0x2b: {  	s6 =	sld [smem:$0x3FAC]  }
0x2c: {  	s7 =	sld [smem:$0x3FAD]  }
0x2d: {  	s3 =	simm.s32 $0x108;
	s8 =	sld [smem:$0x3FAE]  }
0x2e: {  	s3 =	simm.s32 @!p0 $0x1082;
	s9 =	sld [smem:$0x3FAF]  }
0x2f: {  	lr =	sadd.s32 s0, s3;
	s0 =	sld [smem:$0x3FA6]  }
0x30: {  	s3 =	sld [smem:$0x3FA9]  }
0x31: {  	[smem:$0x3FB2] =	sst s10  }
0x32: {  	s10 =	sld [smem:$0x3FB0];
	_ =	sdelay $0x3  }
0x33: {  	p0 =	seq.s32 s10, $0x1;
	s10 =	sld [smem:$0x3FB2];
	_ =	sdelay $0x3  }
0x34: {  	[smem:$0x3FB2] =	sst s10  }
0x35: {  	s10 =	sld [smem:$0x3FB1];
	_ =	sdelay $0x3  }
0x36: {  	p1 =	seq.s32 s10, $0x1;
	s10 =	sld [smem:$0x3FB2];
	_ =	sdelay $0x3  }
0x37: {  	[smem:$0x3FB2] =	sst s10  }
0x38: {  	s10 =	sld [smem:$0x3FB3]  }
0x39: {  	_ = 	snop;
	(pc) =	sbr.ind lr, $3  }
0x3a: {  	_ = 	snop  }
0x3b: {  	_ = 	snop  }
0x3c: {  	p2 =	seq.s32 s10, $0x1;
	s10 =	sld [smem:$0x3FB2]  }
0x3d: {  	_ =	shalt  }
0x3e: {  	_ =	shalt  }
0x3f: {  	_ =	shalt  }
0x40: {  	_ =	shalt  }
0x41: {  	_ =	shalt  }
0x42: {  	_ =	shalt  }
0x43: {  	_ =	shalt  }
0x44: {  	_ =	shalt  }
0x45: {  	_ =	shalt  }
0x46: {  	_ =	shalt  }
0x47: {  	_ =	shalt  }
0x48: {  	_ =	shalt  }
0x49: {  	_ =	shalt  }
0x4a: {  	_ =	shalt  }
0x4b: {  	_ =	shalt  }
0x4c: {  	_ =	shalt  }
0x4d: {  	_ =	shalt  }
0x4e: {  	_ =	shalt  }
0x4f: {  	_ =	shalt  }
0x50: {  	_ =	shalt  }
0x51: {  	_ =	shalt  }
0x52: {  	_ =	shalt  }
0x53: {  	_ =	shalt  }
0x54: {  	_ =	shalt  }
0x55: {  	_ =	shalt  }
0x56: {  	_ =	shalt  }
0x57: {  	_ =	shalt  }
0x58: {  	_ =	shalt  }
0x59: {  	_ =	shalt  }
0x5a: {  	_ =	shalt  }
0x5b: {  	_ =	shalt  }
0x5c: {  	_ =	shalt  }
0x5d: {  	_ =	shalt  }
0x5e: {  	_ =	shalt  }
0x5f: {  	_ =	shalt  }
0x60: {  	_ =	shalt  }
0x61: {  	_ =	shalt  }
0x62: {  	_ =	shalt  }
0x63: {  	_ =	shalt  }
0x64: {  	_ =	shalt  }
0x65: {  	_ =	shalt  }
0x66: {  	_ =	shalt  }
0x67: {  	_ =	shalt  }
0x68: {  	_ =	shalt  }
0x69: {  	_ =	shalt  }
0x6a: {  	_ =	shalt  }
0x6b: {  	_ =	shalt  }
0x6c: {  	_ =	shalt  }
0x6d: {  	_ =	shalt  }
0x6e: {  	_ =	shalt  }
0x6f: {  	_ =	shalt  }
0x70: {  	_ =	shalt  }
0x71: {  	_ =	shalt  }
0x72: {  	_ =	shalt  }
0x73: {  	_ =	shalt  }
0x74: {  	_ =	shalt  }
0x75: {  	_ =	shalt  }
0x76: {  	_ =	shalt  }
0x77: {  	_ =	shalt  }
0x78: {  	_ =	shalt  }
0x79: {  	_ =	shalt  }
0x7a: {  	_ =	shalt  }
0x7b: {  	_ =	shalt  }
0x7c: {  	_ =	shalt  }
0x7d: {  	_ =	shalt  }
0x7e: {  	_ =	shalt  }
0x7f: {  	_ =	shalt  }
0x80: {  	_ =	shalt  }
0x81: {  	_ =	shalt  }
0x82: {  	_ =	shalt  }
0x83: {  	_ =	shalt  }
0x84: {  	_ =	shalt  }
0x85: {  	_ =	shalt  }
0x86: {  	_ =	shalt  }
0x87: {  	_ =	shalt  }
.Lfunc_end0:
.L_simem_size_0:
called_computation.2_lowered:
.L_overlay_start_0:
0x88: {  	s2 =	sld [smem:$0x3FD9]  }
0x89: {  	s3 =	sld [smem:$0x3FFE];
	_ =	sdelay $0x1  }
0x8a: {  	s1 =	srdreg.scid  }
0x8b: {  	s0 =	sand.u32 $0x1, s1  }
0x8c: {  	s14 =	sshll.u32 s0, $0xA;
	s2 =	sadd.s32 s3, s2  }
0x8d: {  	s2 =	sadd.s32 s2, s14  }
0x8e: {  	[smem:$0x3FBE] =	sst s2  }
0x8f: {  	_ = 	snop  }
0x90: {  	s2 =	sld [smem:$0x3FD0];
	_ =	sdelay $0x2  }
0x91: {  	s15 =	simm.s32 $0xA;
	s4 =	simm.s32 $0x10  }
0x92: {  	[smem:s4], [sflag:s15] =	dma.local [hbm:s2], $0x1  }
0x93: {  	_ =	swait.eq [sflag:s15], $0x1  }
0x94: {  	[sflag:s15] =	ssyncset.done $0x0  }
0x95: {  	[sflag:s15] =	ssyncadd.s32 $0xFFFFFFFF  }
0x96: {  	s16 =	sld [smem:$0x11];
	(tm) =	ssettm $0x1  }
0x97: {  	s17 =	sld [smem:$0x3FFB];
	_ =	sdelay $0x3  }
0x98: {  	_ =	strace s17  }
0x99: {  	s3 =	sld [smem:$0x3FFC];
	_ =	sdelay $0x3  }
0x9a: {  	_ =	strace s3  }
0x9b: {  	s3 =	sld [smem:$0x3FFD];
	_ =	sdelay $0x3  }
0x9c: {  	_ =	strace s3  }
0x9d: {  	_ =	strace $0x8FFFFFFF  }
0x9e: {  	s18 =	sld [smem:$0x3FDB];
	_ =	sdelay $0x1  }
0x9f: {  	s19 =	simm.s32 $_scs_section_size  }
0xa0: {  	s5 =	simm.s32 $_size__tile_overlayer_lowered;
	s6 =	simm.s32 $_tile_overlayer_lowered  }
0xa1: {  	s22 =	simm.s32 $0x1BFF;
	s21 =	sshll.u32 s6, $0x1;
	s3 =	sadd.s32 s19, s18  }
0xa2: {  	s7 =	simm.s32 $0x0;
	s20 =	sshll.u32 s5, $0x1;
	s5 =	sadd.s32 s21, s3  }
0xa3: {  	[timem:s7], [sflag:s22] =	dma.local [hbm:s5], s20  }
0xa4: {  	_ =	swait.ge [sflag:s22], s20  }
0xa5: {  	s4 =	ssub.s32 $0x0, s20;
	[sflag:s22] =	ssyncset.done $0x0  }
0xa6: {  	[sflag:s22] =	ssyncadd.s32 s4;
	_ =	sdelay $0x1  }
0xa7: {  	s23 =	simm.s32 $0x1B8B  }
0xa8: {  	_ =	swait.ge [sflag:s23], $0x1  }
0xa9: {  	[sflag:s23] =	ssyncset.done $0x0  }
0xaa: {  	s25 =	simm.s32 $0x1B8E;
	s24 =	sld [smem:$0x3FFE];
	[sflag:s23] =	ssyncadd.s32 $0xFFFFFFFF  }
0xab: {  	s26 =	simm.s32 $execute0_lowered;
	[smem:$0x3FD2] =	sst s25  }
0xac: {  	s5 =	sshll.u32 s26, $0x1;
	_ =	strace $0x8000004C;
	[dreg:$0x1] =	wrdreg $0xFFFFFFFF  }
0xad: {  	s28 =	simm.s32 $_size_execute0_lowered;
	s3 =	sadd.s32 s3, s5;
	[dreg:$0x0] =	wrdreg $0x0  }
0xae: {  	s5 =	sshll.u32 s28, $0x1;
	[dreg:$0x2] =	wrdreg s3  }
0xaf: {  	[dreg:$0x3] =	wrdreg s5  }
0xb0: {  	[dreg:$0x4] =	wrdreg $0xC0  }
0xb1: {  	_ =	task [dreg:s7], $0x5FFFF  }
0xb2: {  	[dreg:$0x1] =	wrdreg $0xFFFFFFFF  }
0xb3: {  	[dreg:$0x0] =	wrdreg $0x60  }
0xb4: {  	[dreg:$0x2] =	wrdreg s24  }
0xb5: {  	[dreg:$0x3] =	wrdreg s16  }
0xb6: {  	[dreg:$0x4] =	wrdreg $0x84000  }
0xb7: {  	[dreg:$0x5] =	wrdreg $0x9  }
0xb8: {  	_ =	task.clear_ibuf [dreg:s7], $0x6FFFF;
	_ =	strace $0x9000004C  }
0xb9: {  	s29 =	simm.s32 $0x9;
	_ =	strace $0x8000004E  }
0xba: {  	_ =	swait.ge [sflag:s29], $0x1  }
0xbb: {  	[sflag:s29] =	ssyncadd.s32 $0xFFFFFFFF  }
0xbc: {  	_ =	strace $0x9000004E  }
0xbd: {  	_ =	sfence  }
0xbe: {  	s30 =	sld [smem:$0x0];
	_ =	sdelay $0x2  }
0xbf: {  	s31 =	sshll.u32 s1, $0xD;
	s1 =	sshrl.u32 s1, $0x2  }
0xc0: {  	s3 =	sand.u32 $0x4000, s31;
	s1 =	sadd.s32 s1, s30  }
0xc1: {  	s0 =	sor.u32 s3, s0;
	s1 =	sshll.u32 s1, $0x11  }
0xc2: {  	s0 =	sor.u32 s1, s0  }
0xc3: {  	s0 =	sadd.s32 $0x8F2B, s0  }
0xc4: {  	[sflag:s0] =	ssyncadd.remote.s32 $0x1  }
0xc5: {  	_ =	sfence.sel $0xFFFF  }
0xc6: {  	[dreg:$0x0] =	wrdreg $0xFFFFFFFF;
	(pc) =	sbr.abs _section_cstart, $3  }
0xc7: {  	[dreg:$0x1] =	wrdreg $0xFFFFFFFF  }
0xc8: {  	_ =	task.clear_ibuf [dreg:s7], $0x2FFFF;
	_ =	strace $0x9FFFFFFF  }
0xc9: {  	(tm) =	ssettm $0x7FFFFFFF  }
tec
execute0_lowered:
.L_overlay_start_1:
0x0: {  	(tag) =	ssettag $0x1  }
0x1: {  	s0 =	rddreg [dreg:$0x0]  }
0x2: {  	s2 =	rddreg [dreg:$0x1]  }
0x3: {  	s3 =	rddreg [dreg:$0x2];
	s1 =	srdreg.scid  }
0x4: {  	s11 =	stileid.u32;
	s4 =	simm.s32 $0x0;
	s28 =	simm.s32 $0x1  }
0x5: {  	s29 =	simm.s32 $0x80;
	s30 =	simm.s32 $0x180;
	s31 =	simm.s32 $0x380  }
0x6: {  	s1 =	sand.u32 $0x1, s1;
	s8 =	smul.u32 $0x14000, s11;
	[smem:$0x7FF] =	sst s4  }
0x7: {  	s5 =	sadd.s32 $0xE000, s0;
	s10 =	sshll.u32 s11, $0x1;
	s11 =	smul.u32 $0x50000, s11  }
0x8: {  	s6 =	sadd.s32 $0x3C00, s0;
	s7 =	sadd.s32 $0x18400, s0;
	s9 =	smul.u32 $0x140000, s1  }
0x9: {  	_ =	strace $0x8000004D;
	s17 =	ssub.s32 $0x2, s1;
	s1 =	sor.u32 s1, s10  }
0xa: {  	s18 =	sshrl.u32 s17, $0x1;
	s11 =	sshrl.u32 s11, $0x2;
	s1 =	smul.u32 $0x2900, s1  }
0xb: {  	s9 =	sadd.s32 s8, s9;
	s8 =	sadd.s32 s8, s3;
	s19 =	sadd.s32 s11, s3  }
0xc: {  	s9 =	sshrl.u32 s9, $0x3;
	s11 =	sadd.s32 $0x4000, s19;
	s20 =	sadd.s32 $0x8000, s19  }
0xd: {  	s21 =	sshrl.u32 s1, $0x3;
	s12 =	sadd.s32 $0xC000, s19;
	[dreg:$0x4] =	wrdreg s11  }
0xe: {  	s10 =	sadd.s32 $0x10000, s19;
	s19 =	sadd.s32 $0x100, s1;
	[dreg:$0x5] =	wrdreg s20  }
0xf: {  	s0 =	sadd.s32 s9, s0;
	s9 =	ssub.s32 s17, s18;
	[dreg:$0x6] =	wrdreg s12  }
0x10: {  	[dreg:$0x7] =	wrdreg s10;
	s22 =	sadd.s32 s5, s21;
	s23 =	sadd.s32 s6, s21  }
0x11: {  	s24 =	sadd.s32 s2, s21;
	s25 =	sor.u32 $0x10, s21;
	[dreg:$0x8] =	wrdreg s22  }
0x12: {  	s20 =	sadd.s32 $0x180, s1;
	s1 =	simm.s32 $0x200;
	[dreg:$0x9] =	wrdreg s23  }
0x13: {  	[dreg:$0xa] =	wrdreg s24;
	s11 =	sadd.s32 s5, s25;
	s26 =	sadd.s32 s6, s25  }
.Ltmp0:
0x14: {  	s10 =	sadd.s32 s2, s25;
	s21 =	sadd.s32 $0x40E00, s0;
	(pc) =	sbr.rel .LBB2_1-.Ltmp0, $4  }
0x15: {  	s22 =	smax.u32 s9, $0x1;
	s23 =	simm.s32 $0x400;
	[dreg:$0xb] =	wrdreg s11  }
0x16: {  	s24 =	simm.s32 $0x4;
	s0 =	simm.s32 $0x2;
	[dreg:$0xc] =	wrdreg s26  }
0x17: {  	s25 =	simm.s32 $0x4400;
	s9 =	simm.s32 $0x3;
	[dreg:$0xd] =	wrdreg s10  }
0x18: {  	v0 =	vimm.f32 $0.0e+00;
	s26 =	simm.s32 $0x300;
	s10 =	simm.s32 $0x280;
	s11 =	simm.s32 $0x0  }
.LBB2_10:
0x19: {  	[spmem:s3] =	stream.indirect.scatter.add.f32 [tilespmem:s25], [sflag:$0x3], $0x80, s10, s29, $0xb8;
	[tilespmem:$0x1C400] =	vst v63  }
0x1a: {  	s12 =	stileid.u32;
	_ =	swait.ge [sflag:s9], $0x4000  }
0x1b: {  	s13 =	sshrl.u32 s8, $0x3;
	s11 =	sadd.s32 $0x1, s11;
	[sflag:s9] =	ssyncset.done $0x0  }
0x1c: {  	s12 =	sshll.u32 s12, $0x6;
	p0 =	sne.s32 s11, s22;
	[sflag:s9] =	ssyncadd.s32 $0xFFFFC000  }
.Ltmp1:
0x1d: {  	s12 =	sor.u32 $0x1C04, s12;
	[bflag:$0x0] =	sbarrier.arrive $0xFFFF;
	(pc) =	sbr.rel @!p0 .LBB2_11-.Ltmp1, $4  }
0x1e: {  	[hbm:s21], [sflag:s12] =	dma.local [spmem:s13], $0x2800  }
0x1f: {  	_ =	swait.ge [sflag:s24], $0x2800  }
0x20: {  	[sflag:s24] =	ssyncset.done $0x0  }
0x21: {  	[sflag:s24] =	ssyncadd.s32 $0xFFFFD800  }
.LBB2_1:
0x22: {  	s12 =	simm.s32 $0x0;
	s13 =	simm.s32 $0x200  }
.LBB2_2:
0x23: {  	p0 =	sne.s32 s13, $0xFE00;
	[tilespmem:s12+$0x470] =	vst v0  }
0x24: {  	[tilespmem:s12+$0x400] =	vst v0  }
0x25: {  	[tilespmem:s12+$0x410] =	vst v0  }
.Ltmp2:
0x26: {  	[tilespmem:s12+$0x420] =	vst v0;
	(pc) =	sbr.rel @p0 .LBB2_2-.Ltmp2, $4  }
0x27: {  	[tilespmem:s12+$0x430] =	vst v0  }
0x28: {  	[tilespmem:s12+$0x440] =	vst v0  }
0x29: {  	[tilespmem:s12+$0x450] =	vst v0  }
0x2a: {  	[tilespmem:s12+$0x460] =	vst v0;
	s12 =	sshra.s32 s13, $0x2;
	s13 =	sadd.s32 $0x200, s13  }
0x2b: {  	[tilespmem:s12+$0x470] =	vst v0  }
0x2c: {  	[tilespmem:s12+$0x400] =	vst v0  }
0x2d: {  	[tilespmem:s12+$0x410] =	vst v0  }
0x2e: {  	[tilespmem:s12+$0x420] =	vst v0  }
0x2f: {  	[tilespmem:s12+$0x430] =	vst v0  }
0x30: {  	[tilespmem:s12+$0x440] =	vst v0  }
0x31: {  	[tilespmem:s12+$0x450] =	vst v0  }
0x32: {  	[tilespmem:s12+$0x460] =	vst v0  }
0x33: {  	[spmem:s8] =	stream.linear.scatter [tilespmem:s23], [sflag:$0x4], $0x4000, $0x38;
	[tilespmem:$0x1C400] =	vst v63  }
0x34: {  	_ =	swait.ge [sflag:s24], $0x4000  }
0x35: {  	[sflag:s24] =	ssyncset.done $0x0  }
0x36: {  	s14 =	rddreg [dreg:$0x4];
	[sflag:s24] =	ssyncadd.s32 $0xFFFFC000  }
0x37: {  	[spmem:s14] =	stream.linear.scatter [tilespmem:s23], [sflag:$0x4], $0x4000, $0x38;
	[tilespmem:$0x1C400] =	vst v63  }
0x38: {  	_ =	swait.ge [sflag:s24], $0x4000  }
0x39: {  	[sflag:s24] =	ssyncset.done $0x0  }
0x3a: {  	s15 =	rddreg [dreg:$0x5];
	[sflag:s24] =	ssyncadd.s32 $0xFFFFC000  }
0x3b: {  	[spmem:s15] =	stream.linear.scatter [tilespmem:s23], [sflag:$0x4], $0x4000, $0x38;
	[tilespmem:$0x1C400] =	vst v63  }
0x3c: {  	_ =	swait.ge [sflag:s24], $0x4000  }
0x3d: {  	[sflag:s24] =	ssyncset.done $0x0  }
0x3e: {  	s16 =	rddreg [dreg:$0x6];
	[sflag:s24] =	ssyncadd.s32 $0xFFFFC000  }
0x3f: {  	[spmem:s16] =	stream.linear.scatter [tilespmem:s23], [sflag:$0x4], $0x4000, $0x38;
	[tilespmem:$0x1C400] =	vst v63  }
0x40: {  	_ =	swait.ge [sflag:s24], $0x4000  }
0x41: {  	[sflag:s24] =	ssyncset.done $0x0  }
0x42: {  	s17 =	rddreg [dreg:$0x7];
	[sflag:s24] =	ssyncadd.s32 $0xFFFFC000  }
0x43: {  	[spmem:s17] =	stream.linear.scatter [tilespmem:s23], [sflag:$0x4], $0x4000, $0x38;
	[tilespmem:$0x1C400] =	vst v63  }
0x44: {  	_ =	swait.ge [sflag:s24], $0x4000  }
0x45: {  	[sflag:s24] =	ssyncset.done $0x0  }
0x46: {  	[sflag:s24] =	ssyncadd.s32 $0xFFFFC000  }
0x47: {  	[bflag:$0x0] =	sbarrier.arrive $0xFFFF  }
0x48: {  	s12 =	simm.s32 $0x0;
	s13 =	rddreg [dreg:$0x8]  }
0x49: {  	[tilespmem:s12], [sflag:$0x1] =	stream.linear.gather [hbm4b:s13+s12], $0x80, $0x38;
	[tilespmem:$0x1C400] =	vst v63  }
0x4a: {  	s14 =	simm.s32 $0x100;
	s18 =	rddreg [dreg:$0x9]  }
0x4b: {  	[tilespmem:s14], [sflag:$0x1] =	stream.linear.gather [hbm4b:s18+s12], $0x80, $0x38;
	[tilespmem:$0x1C400] =	vst v63  }
0x4c: {  	s15 =	rddreg [dreg:$0xa]  }
0x4d: {  	[tilespmem:s26], [sflag:$0x1] =	stream.linear.gather [hbm4b:s15+s12], $0x80, $0x38;
	[tilespmem:$0x1C400] =	vst v63  }
0x4e: {  	_ =	swait.ge [sflag:s28], $0x80  }
0x4f: {  	[sflag:s28] =	ssyncset.done $0x0  }
0x50: {  	[sflag:s28] =	ssyncadd.s32 $0xFFFFFF80  }
0x51: {  	_ =	swait.ge [sflag:s28], $0x80  }
0x52: {  	[sflag:s28] =	ssyncset.done $0x0  }
0x53: {  	[sflag:s28] =	ssyncadd.s32 $0xFFFFFF80  }
0x54: {  	_ =	swait.ge [sflag:s28], $0x80  }
0x55: {  	[sflag:s28] =	ssyncset.done $0x0  }
0x56: {  	[sflag:s28] =	ssyncadd.s32 $0xFFFFFF80  }
0x57: {  	[tilespmem:s23], [sflag:$0x2] =	stream.indirect.gather [hbm4b:s7+s29], $0x80, s12, s29, $0xb8;
	[tilespmem:$0x1C400] =	vst v63  }
0x58: {  	s16 =	rddreg [dreg:$0xb]  }
0x59: {  	[tilespmem:s29], [sflag:$0x1] =	stream.linear.gather [hbm4b:s16+s12], $0x80, $0x38;
	[tilespmem:$0x1C400] =	vst v63  }
0x5a: {  	s17 =	rddreg [dreg:$0xc]  }
0x5b: {  	[tilespmem:s30], [sflag:$0x1] =	stream.linear.gather [hbm4b:s17+s12], $0x80, $0x38;
	[tilespmem:$0x1C400] =	vst v63  }
0x5c: {  	s13 =	simm.s32 $0x0;
	s18 =	rddreg [dreg:$0xd]  }
0x5d: {  	[tilespmem:s31], [sflag:$0x1] =	stream.linear.gather [hbm4b:s18+s12], $0x80, $0x38;
	[tilespmem:$0x1C400] =	vst v63  }
.LBB2_4:
0x5e: {  	_ =	swait.ge [sflag:s0], $0x4000  }
0x5f: {  	[sflag:s0] =	ssyncset.done $0x0  }
0x60: {  	[sflag:s0] =	ssyncadd.s32 $0xFFFFC000  }
0x61: {  	v1 =	vld [tilespmem:$0x100]  }
0x62: {  	v2 =	vld [tilespmem:$0x110]  }
0x63: {  	v3 =	vld [tilespmem:$0x120]  }
0x64: {  	v4 =	vld [tilespmem:$0x130]  }
0x65: {  	v5 =	vld [tilespmem:$0x140]  }
0x66: {  	[tilespmem:$0x200] =	vst v1;
	v1 =	vld [tilespmem:$0x150]  }
0x67: {  	[tilespmem:$0x210] =	vst v2;
	v2 =	vld [tilespmem:$0x160]  }
0x68: {  	[tilespmem:$0x220] =	vst v3;
	v3 =	vld [tilespmem:$0x170]  }
0x69: {  	[tilespmem:$0x230] =	vst v4  }
0x6a: {  	[tilespmem:$0x240] =	vst v5  }
0x6b: {  	[tilespmem:$0x250] =	vst v1  }
0x6c: {  	p0 =	seq.s32 s13, $0x0;
	[tilespmem:$0x260] =	vst v2  }
0x6d: {  	s14 =	simm.s32 @!p0 $0x3;
	[tilespmem:$0x270] =	vst v3  }
0x6e: {  	_ =	swait.ge @!p0 [sflag:s14], $0x4000  }
0x6f: {  	[sflag:s14] =	ssyncset.done @!p0 $0x0  }
0x70: {  	[sflag:s14] =	ssyncadd.s32 @!p0 $0xFFFFC000  }
0x71: {  	_ =	swait.ge [sflag:s28], $0x80  }
0x72: {  	[sflag:s28] =	ssyncset.done $0x0  }
0x73: {  	[sflag:s28] =	ssyncadd.s32 $0xFFFFFF80  }
0x74: {  	_ =	swait.ge [sflag:s28], $0x80  }
0x75: {  	[sflag:s28] =	ssyncset.done $0x0  }
0x76: {  	[sflag:s28] =	ssyncadd.s32 $0xFFFFFF80  }
0x77: {  	_ =	swait.ge [sflag:s28], $0x80  }
0x78: {  	[sflag:s28] =	ssyncset.done $0x0  }
0x79: {  	s15 =	simm.s32 $0x440;
	v1 =	vmov s12;
	[sflag:s28] =	ssyncadd.s32 $0xFFFFFF80  }
0x7a: {  	[tilespmem:s25], [sflag:$0x2] =	stream.indirect.gather [hbm4b:s7+s29], $0x80, s29, s29, $0xb8;
	[tilespmem:$0x1C400] =	vst v63  }
0x7b: {  	v5 =	vld [tilespmem:s15+$0x30]  }
0x7c: {  	v8 =	vld [tilespmem:s15+$0x10]  }
0x7d: {  	v6 =	vld [tilespmem:s15+$0xFFFFFFC0]  }
0x7e: {  	v2 =	vld.idx.msk [tilespmem:v1+s26+$0x0], $0xffff  }
0x7f: {  	v10 =	vld [tilespmem:s15+$0xFFFFFFE0]  }
0x80: {  	v1 =	vld [tilespmem:s15+$0xFFFFFFF0]  }
0x81: {  	v3 =	vld [tilespmem:s15+$0x20]  }
0x82: {  	v4 =	vld [tilespmem:s15+$0xFFFFFFD0]  }
0x83: {  	v9 =	vmul.f32 v5, v2;
	v5 =	vld [tilespmem:s15+$0x0]  }
0x84: {  	v7 =	vmul.f32 v6, v2  }
0x85: {  	s16 =	simm.s32 $0x1;
	s17 =	simm.s32 $0x440;
	s14 =	sshll.u32 s13, $0x8;
	v6 =	vmul.f32 v10, v2;
	v8 =	vmul.f32 v8, v2  }
.LBB2_5:
0x86: {  	p0 =	sne.s32 s16, $0x7F  }
0x87: {  	v4 =	vmul.f32 v4, v2;
	v3 =	vmul.f32 v3, v2;
	[tilespmem:s15+$0x30] =	vst v9;
	s17 =	sadd.s32 $0x80, s17;
	s18 =	smov.u32 s16;
	s16 =	sadd.s32 $0x1, s16  }
0x88: {  	[tilespmem:s15+$0xFFFFFFC0] =	vst v7;
	v7 =	vmul.f32 v1, v2;
	v2 =	vmul.f32 v5, v2  }
0x89: {  	[tilespmem:s15+$0x10] =	vst v8  }
0x8a: {  	v5 =	vmov s18;
	[tilespmem:s15+$0xFFFFFFE0] =	vst v6  }
0x8b: {  	v1 =	vld [tilespmem:s17+$0xFFFFFFF0];
	[tilespmem:s15+$0xFFFFFFF0] =	vst v7  }
0x8c: {  	v6 =	vld [tilespmem:s17+$0x30];
	[tilespmem:s15+$0x0] =	vst v2  }
0x8d: {  	v8 =	vld [tilespmem:s17+$0x10];
	[tilespmem:s15+$0x20] =	vst v3  }
0x8e: {  	v7 =	vld [tilespmem:s17+$0xFFFFFFC0];
	[tilespmem:s15+$0xFFFFFFD0] =	vst v4;
	s15 =	smov.u32 s17  }
0x8f: {  	v2 =	vld.idx.msk [tilespmem:v5+s26+$0x0], $0xffff  }
0x90: {  	v10 =	vld [tilespmem:s17+$0xFFFFFFE0]  }
0x91: {  	v3 =	vld [tilespmem:s17+$0x20]  }
.Ltmp3:
0x92: {  	v4 =	vld [tilespmem:s17+$0xFFFFFFD0];
	(pc) =	sbr.rel @p0 .LBB2_5-.Ltmp3, $3  }
0x93: {  	v5 =	vld [tilespmem:s17+$0x0];
	_ =	sdelay $0x1  }
0x94: {  	v7 =	vmul.f32 v7, v2;
	v9 =	vmul.f32 v6, v2  }
0x95: {  	v8 =	vmul.f32 v8, v2;
	v6 =	vmul.f32 v10, v2  }
0x96: {  	[tilespmem:s15+$0x30] =	vst v9  }
0x97: {  	[tilespmem:s15+$0xFFFFFFC0] =	vst v7  }
0x98: {  	v1 =	vmul.f32 v1, v2;
	[tilespmem:s15+$0x10] =	vst v8  }
0x99: {  	v3 =	vmul.f32 v3, v2;
	[tilespmem:s15+$0xFFFFFFE0] =	vst v6  }
0x9a: {  	p0 =	seq.s32 s13, $0x28;
	v5 =	vmul.f32 v5, v2;
	[tilespmem:s15+$0xFFFFFFF0] =	vst v1  }
0x9b: {  	s16 =	sadd.s32 @!p0 s14, s19;
	v1 =	vmul.f32 v4, v2;
	[tilespmem:s15+$0x20] =	vst v3  }
0x9c: {  	s16 =	sshrl.u32 @!p0 s16, $0x3;
	[tilespmem:s15+$0x0] =	vst v5  }
0x9d: {  	s17 =	simm.s32 @!p0 $0x0;
	[tilespmem:s15+$0xFFFFFFD0] =	vst v1;
	s15 =	sadd.s32 @!p0 s5, s16  }
0x9e: {  	[tilespmem:s17], [sflag:$0x1] =	stream.linear.gather @!p0 [hbm4b:s15+s17], $0x80, $0x38;
	[tilespmem:$0x1C400] =	vst v63  }
0x9f: {  	s18 =	simm.s32 @!p0 $0x100;
	s15 =	sadd.s32 @!p0 s6, s16  }
0xa0: {  	[tilespmem:s18], [sflag:$0x1] =	stream.linear.gather @!p0 [hbm4b:s15+s17], $0x80, $0x38;
	[tilespmem:$0x1C400] =	vst v63  }
0xa1: {  	s15 =	sadd.s32 @!p0 s2, s16;
	s16 =	simm.s32 @!p0 $0x300  }
0xa2: {  	[tilespmem:s16], [sflag:$0x1] =	stream.linear.gather @!p0 [hbm4b:s15+s17], $0x80, $0x38;
	[tilespmem:$0x1C400] =	vst v63  }
0xa3: {  	_ = 	snop  }
0xa4: {  	[spmem:s3] =	stream.indirect.scatter.add.f32 [tilespmem:s23], [sflag:$0x3], $0x80, s1, s29, $0xb8;
	[tilespmem:$0x1C400] =	vst v63  }
0xa5: {  	_ =	swait.ge [sflag:s0], $0x4000  }
0xa6: {  	[sflag:s0] =	ssyncset.done $0x0  }
0xa7: {  	[sflag:s0] =	ssyncadd.s32 $0xFFFFC000  }
0xa8: {  	v1 =	vld [tilespmem:$0x180]  }
0xa9: {  	v2 =	vld [tilespmem:$0x190]  }
0xaa: {  	v3 =	vld [tilespmem:$0x1A0]  }
0xab: {  	v4 =	vld [tilespmem:$0x1B0]  }
0xac: {  	v5 =	vld [tilespmem:$0x1C0]  }
0xad: {  	[tilespmem:$0x280] =	vst v1;
	v1 =	vld [tilespmem:$0x1D0]  }
0xae: {  	[tilespmem:$0x290] =	vst v2;
	v2 =	vld [tilespmem:$0x1E0]  }
0xaf: {  	[tilespmem:$0x2A0] =	vst v3;
	v3 =	vld [tilespmem:$0x1F0]  }
0xb0: {  	[tilespmem:$0x2B0] =	vst v4  }
0xb1: {  	[tilespmem:$0x2C0] =	vst v5  }
0xb2: {  	[tilespmem:$0x2D0] =	vst v1  }
0xb3: {  	[tilespmem:$0x2E0] =	vst v2  }
0xb4: {  	[tilespmem:$0x2F0] =	vst v3  }
0xb5: {  	_ =	swait.ge [sflag:s9], $0x4000  }
0xb6: {  	[sflag:s9] =	ssyncset.done $0x0  }
0xb7: {  	s15 =	simm.s32 @!p0 $0x1;
	[sflag:s9] =	ssyncadd.s32 $0xFFFFC000  }
0xb8: {  	_ =	swait.ge @!p0 [sflag:s15], $0x80  }
0xb9: {  	[sflag:s15] =	ssyncset.done @!p0 $0x0  }
0xba: {  	[sflag:s15] =	ssyncadd.s32 @!p0 $0xFFFFFF80  }
0xbb: {  	_ =	swait.ge @!p0 [sflag:s15], $0x80  }
0xbc: {  	s18 =	simm.s32 $0x0;
	[sflag:s15] =	ssyncset.done @!p0 $0x0  }
0xbd: {  	v1 =	vmov s18;
	[sflag:s15] =	ssyncadd.s32 @!p0 $0xFFFFFF80  }
0xbe: {  	v1 =	vand.u32 $0x7F, v1;
	_ =	swait.ge @!p0 [sflag:s15], $0x80  }
0xbf: {  	v1 =	vor.u32 $0x80, v1;
	[sflag:s15] =	ssyncset.done @!p0 $0x0  }
0xc0: {  	s16 =	simm.s32 @!p0 $0x400;
	v1 =	vbroadcast v1, $0x0;
	[sflag:s15] =	ssyncadd.s32 @!p0 $0xFFFFFF80;
	s15 =	simm.s32 @!p0 $0x80  }
0xc1: {  	[tilespmem:s16], [sflag:$0x2] =	stream.indirect.gather @!p0 [hbm4b:s7+s15], $0x80, s17, s15, $0xb8;
	[tilespmem:$0x1C400] =	vst v63  }
0xc2: {  	s15 =	simm.s32 $0x4440  }
0xc3: {  	v5 =	vld [tilespmem:s15+$0x30]  }
0xc4: {  	v8 =	vld [tilespmem:s15+$0x10]  }
0xc5: {  	v6 =	vld [tilespmem:s15+$0xFFFFFFC0]  }
0xc6: {  	v2 =	vld.idx.msk [tilespmem:v1+s26+$0x0], $0xffff  }
0xc7: {  	v11 =	vld [tilespmem:s15+$0xFFFFFFE0]  }
0xc8: {  	v1 =	vld [tilespmem:s15+$0xFFFFFFF0]  }
0xc9: {  	v3 =	vld [tilespmem:s15+$0x20]  }
0xca: {  	v4 =	vld [tilespmem:s15+$0xFFFFFFD0]  }
0xcb: {  	v9 =	vmul.f32 v5, v2;
	v5 =	vld [tilespmem:s15+$0x0]  }
0xcc: {  	s18 =	simm.s32 $0x1;
	v7 =	vmul.f32 v6, v2  }
0xcd: {  	v10 =	vmov s18;
	s17 =	simm.s32 $0x2;
	s16 =	simm.s32 $0x4440;
	v6 =	vmul.f32 v11, v2;
	v8 =	vmul.f32 v8, v2  }
.LBB2_7:
0xce: {  	p1 =	sne.s32 s17, $0x7F  }
0xcf: {  	v10 =	vand.u32 $0x7F, v10;
	v4 =	vmul.f32 v4, v2;
	v3 =	vmul.f32 v3, v2;
	[tilespmem:s15+$0x30] =	vst v9;
	s16 =	sadd.s32 $0x80, s16;
	s18 =	smov.u32 s17;
	s17 =	sadd.s32 $0x1, s17  }
0xd0: {  	v9 =	vor.u32 $0x80, v10;
	[tilespmem:s15+$0xFFFFFFC0] =	vst v7;
	v7 =	vmul.f32 v1, v2;
	v2 =	vmul.f32 v5, v2  }
0xd1: {  	v5 =	vbroadcast v9, $0x0;
	[tilespmem:s15+$0x10] =	vst v8  }
0xd2: {  	[tilespmem:s15+$0xFFFFFFE0] =	vst v6  }
0xd3: {  	v1 =	vld [tilespmem:s16+$0xFFFFFFF0];
	[tilespmem:s15+$0xFFFFFFF0] =	vst v7  }
0xd4: {  	v6 =	vld [tilespmem:s16+$0x30];
	[tilespmem:s15+$0x0] =	vst v2  }
0xd5: {  	v8 =	vld [tilespmem:s16+$0x10];
	[tilespmem:s15+$0x20] =	vst v3  }
0xd6: {  	v7 =	vld [tilespmem:s16+$0xFFFFFFC0];
	[tilespmem:s15+$0xFFFFFFD0] =	vst v4;
	s15 =	smov.u32 s16  }
0xd7: {  	v2 =	vld.idx.msk [tilespmem:v5+s26+$0x0], $0xffff  }
0xd8: {  	v11 =	vld [tilespmem:s16+$0xFFFFFFE0]  }
0xd9: {  	v3 =	vld [tilespmem:s16+$0x20]  }
.Ltmp4:
0xda: {  	v4 =	vld [tilespmem:s16+$0xFFFFFFD0];
	(pc) =	sbr.rel @p1 .LBB2_7-.Ltmp4, $3  }
0xdb: {  	v5 =	vld [tilespmem:s16+$0x0];
	_ =	sdelay $0x1  }
0xdc: {  	v7 =	vmul.f32 v7, v2;
	v9 =	vmul.f32 v6, v2  }
0xdd: {  	v10 =	vmov s18;
	v8 =	vmul.f32 v8, v2;
	v6 =	vmul.f32 v11, v2  }
0xde: {  	[tilespmem:s15+$0x30] =	vst v9;
	v57 =	vand.u32 $0x7F, v10  }
0xdf: {  	[tilespmem:s15+$0xFFFFFFC0] =	vst v7;
	v7 =	vor.u32 $0x80, v57  }
0xe0: {  	v1 =	vmul.f32 v1, v2;
	[tilespmem:s15+$0x10] =	vst v8;
	v58 =	vbroadcast v7, $0x0  }
0xe1: {  	s16 =	sadd.s32 $0x80, s16;
	[tilespmem:s15+$0xFFFFFFE0] =	vst v6;
	v5 =	vmul.f32 v5, v2  }
0xe2: {  	v3 =	vmul.f32 v3, v2;
	v59 =	vld [tilespmem:s16+$0xFFFFFFF0];
	[tilespmem:s15+$0xFFFFFFF0] =	vst v1  }
0xe3: {  	v2 =	vmul.f32 v4, v2;
	v1 =	vld [tilespmem:s16+$0x30];
	[tilespmem:s15+$0x0] =	vst v5  }
0xe4: {  	v60 =	vld [tilespmem:s16+$0x10];
	[tilespmem:s15+$0x20] =	vst v3  }
0xe5: {  	v3 =	vld [tilespmem:s16+$0xFFFFFFC0];
	[tilespmem:s15+$0xFFFFFFD0] =	vst v2  }
0xe6: {  	v2 =	vld.idx.msk [tilespmem:v58+s26+$0x0], $0xffff;
	_ =	sdelay $0x2  }
0xe7: {  	v61 =	vld [tilespmem:s16+$0x0]  }
0xe8: {  	v5 =	vld [tilespmem:s16+$0xFFFFFFE0]  }
0xe9: {  	v1 =	vmul.f32 v1, v2  }
0xea: {  	v8 =	vld [tilespmem:s16+$0x20];
	v3 =	vmul.f32 v3, v2  }
0xeb: {  	v62 =	vld [tilespmem:s16+$0xFFFFFFD0];
	v4 =	vmul.f32 v60, v2;
	[tilespmem:s16+$0x30] =	vst v1  }
0xec: {  	v63 =	vmul.f32 v61, v2;
	[tilespmem:s16+$0xFFFFFFC0] =	vst v3  }
0xed: {  	v1 =	vmul.f32 v5, v2;
	[tilespmem:s16+$0x10] =	vst v4  }
.Ltmp5:
0xee: {  	v3 =	vmul.f32 v59, v2;
	[tilespmem:s16+$0x0] =	vst v63;
	(pc) =	sbr.rel @p0 .LBB2_10-.Ltmp5, $4  }
0xef: {  	[tilespmem:s16+$0xFFFFFFE0] =	vst v1;
	v1 =	vmul.f32 v8, v2  }
0xf0: {  	[tilespmem:s16+$0xFFFFFFF0] =	vst v3;
	v2 =	vmul.f32 v62, v2  }
0xf1: {  	[tilespmem:s16+$0x20] =	vst v1  }
0xf2: {  	[tilespmem:s16+$0xFFFFFFD0] =	vst v2  }
0xf3: {  	s14 =	sadd.s32 s14, s20  }
0xf4: {  	s14 =	sshrl.u32 s14, $0x3  }
0xf5: {  	s15 =	sadd.s32 s5, s14  }
0xf6: {  	[tilespmem:s29], [sflag:$0x1] =	stream.linear.gather [hbm4b:s15+s4], $0x80, $0x38;
	[tilespmem:$0x1C400] =	vst v63  }
0xf7: {  	s18 =	sadd.s32 s6, s14  }
0xf8: {  	[tilespmem:s30], [sflag:$0x1] =	stream.linear.gather [hbm4b:s18+s4], $0x80, $0x38;
	[tilespmem:$0x1C400] =	vst v63  }
.Ltmp6:
0xf9: {  	_ = 	snop;
	(pc) =	sbr.rel .LBB2_4-.Ltmp6, $4  }
0xfa: {  	s14 =	sadd.s32 s2, s14  }
0xfb: {  	[tilespmem:s31], [sflag:$0x1] =	stream.linear.gather [hbm4b:s14+s4], $0x80, $0x38;
	[tilespmem:$0x1C400] =	vst v63  }
0xfc: {  	s13 =	sadd.s32 $0x1, s13  }
0xfd: {  	[spmem:s3] =	stream.indirect.scatter.add.f32 [tilespmem:s25], [sflag:$0x3], $0x80, s10, s29, $0xb8;
	[tilespmem:$0x1C400] =	vst v63  }
.LBB2_11:
0xfe: {  	_ =	sfence.sel $0x180000  }
0xff: {  	[bflag:$0x0] =	sbarrier.arrive $0xFFFF  }
0x100: {  	_ =	strace $0x9000004D  }
0x101: {  	s0 =	stileid.u32;
	[bflag:$0x2] =	sbarrier.arrive $0xFFFF  }
0x102: {  	p0 =	sne.s32 s0, $0x0;
	s0 =	rddreg [dreg:$0x3]  }
0x103: {  	s0 =	sadd.s32 @!p0 $0x100000, s0  }
0x104: {  	[sflag:s0] =	ssyncadd.tile.s32 @!p0 $0x1;
	_ =	shalt  }
.Lfunc_end2:
_tile_overlayer_lowered:
.L_overlay_start_2:
0x105: {  	(tag) =	ssettag $0x2  }
0x106: {  	s0 =	rddreg [dreg:$0x0];
	s2 =	stileid.u32  }
0x107: {  	s1 =	rddreg [dreg:$0x1];
	p0 =	sne.s32 s2, $0x0  }
0x108: {  	s3 =	rddreg [dreg:$0x2];
	[bflag:$0x3] =	sbarrier.arrive $0xFFFF;
	s2 =	simm.s32 @!p0 $0x1C04  }
0x109: {  	[timem:s3], [sflag:s2] =	dma.local @!p0 [hbm:s0], s1  }
0x10a: {  	s0 =	simm.s32 @!p0 $0x4  }
0x10b: {  	_ =	swait.ge @!p0 [sflag:s0], s1  }
0x10c: {  	s1 =	ssub.s32 @!p0 $0x0, s1;
	[sflag:s0] =	ssyncset.done @!p0 $0x0  }
0x10d: {  	[sflag:s0] =	ssyncadd.s32 @!p0 s1  }
0x10e: {  	[bflag:$0x3] =	sbarrier.arrive $0xFFFF  }
0x10f: {  	_ =	shalt  }

// kernel: kernel.8.cloned.1.call-start
scs
__scs_entry_jumppad:
0x0: {  	(pc) =	sbr.rel $0x88, $3  }
0x1: {  	(tag) =	ssettag $0x0;
	lr =	simm.s32 $0x1  }
0x2: {  	[smem:$0x3F97] =	sst lr;
	_ =	strace $0xD0000000  }
0x3: {  	_ = 	snop  }
0x4: {  	_ = 	snop  }
0x5: {  	_ = 	snop  }
0x6: {  	_ = 	snop  }
0x7: {  	_ = 	snop  }
__scs_overlays_trampoline_lowered:
0x8: {  	[smem:$0x3FA6] =	sst s0  }
0x9: {  	[smem:$0x3FA7] =	sst s1  }
0xa: {  	[smem:$0x3FA8] =	sst s2  }
0xb: {  	[smem:$0x3FA9] =	sst s3  }
0xc: {  	[smem:$0x3FAA] =	sst s4  }
0xd: {  	[smem:$0x3FAB] =	sst s5  }
0xe: {  	[smem:$0x3FAC] =	sst s6  }
0xf: {  	[smem:$0x3FAD] =	sst s7  }
0x10: {  	[smem:$0x3FAE] =	sst s8  }
0x11: {  	[smem:$0x3FAF] =	sst s9;
	s0 =	simm.s32 @!p0 $0x0  }
0x12: {  	s1 =	sld [smem:$0x3F95];
	s0 =	simm.s32 @p0 $0x1  }
0x13: {  	[smem:$0x3FB0] =	sst s0;
	s0 =	simm.s32 @!p1 $0x0  }
0x14: {  	s2 =	sld [smem:$0x3F94];
	s0 =	simm.s32 @p1 $0x1  }
0x15: {  	[smem:$0x3FB1] =	sst s0;
	s0 =	simm.s32 @!p2 $0x0  }
0x16: {  	s3 =	sld [smem:$0x3FDB];
	s0 =	simm.s32 @p2 $0x1  }
0x17: {  	s4 =	simm.s32 $0x1BF5;
	[smem:$0x3FB3] =	sst s0  }
0x18: {  	s0 =	sld [smem:$0x3F96];
	_ =	swait.ge [sflag:s4], $0x0  }
0x19: {  	s7 =	sld [smem:$0x3F97]  }
0x1a: {  	s8 =	sadd.s32 $0xFFFFE003, lr  }
0x1b: {  	s9 =	sadd.s32 $0xFFFFFEF7, lr;
	s5 =	simm.s32 $0xFFFFFFFF;
	p2 =	slt.u32 s8, $0xFFFFF086  }
0x1c: {  	p1 =	slt.u32 s9, $0xF7A;
	s5 =	simm.s32 @!p2 $0x0  }
0x1d: {  	s5 =	simm.s32 @p1 $0x1;
	p0 =	seq.s32 s7, s2  }
0x1e: {  	s7 =	smul.u32 @!p0 $0xF7A, s2;
	p2 =	seq.s32 @!p0 s5, $0x0  }
0x1f: {  	s9 =	smul.u32 $0xF7A, s1;
	s8 =	simm.s32 @!p0 $0x1BF5;
	p2 =	por !p2, p0  }
0x20: {  	[sflag:s8] =	ssyncset.s32 @!p0 $0xFFFFF086;
	s6 =	sadd.s32 @!p0 s3, s7;
	s7 =	simm.s32 @!p0 $0x108  }
0x21: {  	s3 =	sadd.s32 s3, s9;
	s6 =	sadd.s32 @!p0 $0x88, s6;
	s7 =	simm.s32 @p2 $0x1082  }
0x22: {  	[simem:s7], [sflag:s8] =	dma.local @!p0 [hbm:s6], $0xF7A  }
0x23: {  	s9 =	sor.u32 $0xD0000000, s2;
	s6 =	simm.s32 $0x108;
	_ =	swait.ge @!p0 [sflag:s8], $0x0  }
0x24: {  	s3 =	sadd.s32 $0x88, s3;
	s6 =	simm.s32 @!p1 $0x1082;
	[sflag:s4] =	ssyncset.s32 $0xFFFFF086  }
0x25: {  	[simem:s6], [sflag:s4] =	dma.local [hbm:s3], $0xF7A  }
0x26: {  	[smem:$0x3F97] =	sst s1;
	(tag) =	ssettag s2;
	_ =	strace s9  }
0x27: {  	s1 =	sld [smem:$0x3FA7]  }
0x28: {  	s2 =	sld [smem:$0x3FA8]  }
0x29: {  	s4 =	sld [smem:$0x3FAA]  }
0x2a: {  	p0 =	seq.s32 s5, $0x0;
	s5 =	sld [smem:$0x3FAB]  }
0x2b: {  	s6 =	sld [smem:$0x3FAC]  }
0x2c: {  	s7 =	sld [smem:$0x3FAD]  }
0x2d: {  	s3 =	simm.s32 $0x108;
	s8 =	sld [smem:$0x3FAE]  }
0x2e: {  	s3 =	simm.s32 @!p0 $0x1082;
	s9 =	sld [smem:$0x3FAF]  }
0x2f: {  	lr =	sadd.s32 s0, s3;
	s0 =	sld [smem:$0x3FA6]  }
0x30: {  	s3 =	sld [smem:$0x3FA9]  }
0x31: {  	[smem:$0x3FB2] =	sst s10  }
0x32: {  	s10 =	sld [smem:$0x3FB0];
	_ =	sdelay $0x3  }
0x33: {  	p0 =	seq.s32 s10, $0x1;
	s10 =	sld [smem:$0x3FB2];
	_ =	sdelay $0x3  }
0x34: {  	[smem:$0x3FB2] =	sst s10  }
0x35: {  	s10 =	sld [smem:$0x3FB1];
	_ =	sdelay $0x3  }
0x36: {  	p1 =	seq.s32 s10, $0x1;
	s10 =	sld [smem:$0x3FB2];
	_ =	sdelay $0x3  }
0x37: {  	[smem:$0x3FB2] =	sst s10  }
0x38: {  	s10 =	sld [smem:$0x3FB3]  }
0x39: {  	_ = 	snop;
	(pc) =	sbr.ind lr, $3  }
0x3a: {  	_ = 	snop  }
0x3b: {  	_ = 	snop  }
0x3c: {  	p2 =	seq.s32 s10, $0x1;
	s10 =	sld [smem:$0x3FB2]  }
0x3d: {  	_ =	shalt  }
0x3e: {  	_ =	shalt  }
0x3f: {  	_ =	shalt  }
0x40: {  	_ =	shalt  }
0x41: {  	_ =	shalt  }
0x42: {  	_ =	shalt  }
0x43: {  	_ =	shalt  }
0x44: {  	_ =	shalt  }
0x45: {  	_ =	shalt  }
0x46: {  	_ =	shalt  }
0x47: {  	_ =	shalt  }
0x48: {  	_ =	shalt  }
0x49: {  	_ =	shalt  }
0x4a: {  	_ =	shalt  }
0x4b: {  	_ =	shalt  }
0x4c: {  	_ =	shalt  }
0x4d: {  	_ =	shalt  }
0x4e: {  	_ =	shalt  }
0x4f: {  	_ =	shalt  }
0x50: {  	_ =	shalt  }
0x51: {  	_ =	shalt  }
0x52: {  	_ =	shalt  }
0x53: {  	_ =	shalt  }
0x54: {  	_ =	shalt  }
0x55: {  	_ =	shalt  }
0x56: {  	_ =	shalt  }
0x57: {  	_ =	shalt  }
0x58: {  	_ =	shalt  }
0x59: {  	_ =	shalt  }
0x5a: {  	_ =	shalt  }
0x5b: {  	_ =	shalt  }
0x5c: {  	_ =	shalt  }
0x5d: {  	_ =	shalt  }
0x5e: {  	_ =	shalt  }
0x5f: {  	_ =	shalt  }
0x60: {  	_ =	shalt  }
0x61: {  	_ =	shalt  }
0x62: {  	_ =	shalt  }
0x63: {  	_ =	shalt  }
0x64: {  	_ =	shalt  }
0x65: {  	_ =	shalt  }
0x66: {  	_ =	shalt  }
0x67: {  	_ =	shalt  }
0x68: {  	_ =	shalt  }
0x69: {  	_ =	shalt  }
0x6a: {  	_ =	shalt  }
0x6b: {  	_ =	shalt  }
0x6c: {  	_ =	shalt  }
0x6d: {  	_ =	shalt  }
0x6e: {  	_ =	shalt  }
0x6f: {  	_ =	shalt  }
0x70: {  	_ =	shalt  }
0x71: {  	_ =	shalt  }
0x72: {  	_ =	shalt  }
0x73: {  	_ =	shalt  }
0x74: {  	_ =	shalt  }
0x75: {  	_ =	shalt  }
0x76: {  	_ =	shalt  }
0x77: {  	_ =	shalt  }
0x78: {  	_ =	shalt  }
0x79: {  	_ =	shalt  }
0x7a: {  	_ =	shalt  }
0x7b: {  	_ =	shalt  }
0x7c: {  	_ =	shalt  }
0x7d: {  	_ =	shalt  }
0x7e: {  	_ =	shalt  }
0x7f: {  	_ =	shalt  }
0x80: {  	_ =	shalt  }
0x81: {  	_ =	shalt  }
0x82: {  	_ =	shalt  }
0x83: {  	_ =	shalt  }
0x84: {  	_ =	shalt  }
0x85: {  	_ =	shalt  }
0x86: {  	_ =	shalt  }
0x87: {  	_ =	shalt  }
.Lfunc_end0:
.L_simem_size_0:
called_computation_lowered:
.L_overlay_start_0:
0x88: {  	s2 =	sld [smem:$0x3FD9]  }
0x89: {  	s3 =	sld [smem:$0x3FFE];
	_ =	sdelay $0x1  }
0x8a: {  	s1 =	srdreg.scid  }
0x8b: {  	s0 =	sand.u32 $0x1, s1  }
0x8c: {  	s14 =	sshll.u32 s0, $0xA;
	s2 =	sadd.s32 s3, s2  }
0x8d: {  	s2 =	sadd.s32 s2, s14  }
0x8e: {  	[smem:$0x3FBE] =	sst s2  }
0x8f: {  	_ = 	snop  }
0x90: {  	s2 =	sld [smem:$0x3FD0];
	_ =	sdelay $0x2  }
0x91: {  	s15 =	simm.s32 $0xA;
	s4 =	simm.s32 $0x10  }
0x92: {  	[smem:s4], [sflag:s15] =	dma.local [hbm:s2], $0x1  }
0x93: {  	_ =	swait.eq [sflag:s15], $0x1  }
0x94: {  	[sflag:s15] =	ssyncset.done $0x0  }
0x95: {  	s16 =	sld [smem:$0x10];
	[sflag:s15] =	ssyncadd.s32 $0xFFFFFFFF  }
0x96: {  	s17 =	sld [smem:$0x11];
	(tm) =	ssettm $0x1  }
0x97: {  	s18 =	sld [smem:$0x3FFB];
	_ =	sdelay $0x3  }
0x98: {  	_ =	strace s18  }
0x99: {  	s4 =	sld [smem:$0x3FFC];
	_ =	sdelay $0x3  }
0x9a: {  	_ =	strace s4  }
0x9b: {  	s4 =	sld [smem:$0x3FFD];
	_ =	sdelay $0x3  }
0x9c: {  	_ =	strace s4  }
0x9d: {  	_ =	strace $0x8FFFFFFF  }
0x9e: {  	s19 =	sld [smem:$0x3FDB];
	_ =	sdelay $0x1  }
0x9f: {  	s5 =	simm.s32 $_scs_section_size  }
0xa0: {  	s6 =	simm.s32 $_size__tile_overlayer_lowered;
	s7 =	simm.s32 $_tile_overlayer_lowered  }
0xa1: {  	s22 =	simm.s32 $0x1BFF;
	s21 =	sshll.u32 s7, $0x1;
	s4 =	sadd.s32 s5, s19  }
0xa2: {  	s8 =	simm.s32 $0x0;
	s20 =	sshll.u32 s6, $0x1;
	s6 =	sadd.s32 s21, s4  }
0xa3: {  	[timem:s8], [sflag:s22] =	dma.local [hbm:s6], s20  }
0xa4: {  	_ =	swait.ge [sflag:s22], s20  }
0xa5: {  	s5 =	ssub.s32 $0x0, s20;
	[sflag:s22] =	ssyncset.done $0x0  }
0xa6: {  	[sflag:s22] =	ssyncadd.s32 s5;
	_ =	sdelay $0x1  }
0xa7: {  	s23 =	simm.s32 $0x1B8B  }
0xa8: {  	_ =	swait.ge [sflag:s23], $0x1  }
0xa9: {  	[sflag:s23] =	ssyncset.done $0x0  }
0xaa: {  	s25 =	simm.s32 $0x1B8E;
	s24 =	sld [smem:$0x3FFE];
	[sflag:s23] =	ssyncadd.s32 $0xFFFFFFFF  }
0xab: {  	s26 =	simm.s32 $execute0_lowered;
	[smem:$0x3FD2] =	sst s25  }
0xac: {  	s6 =	sshll.u32 s26, $0x1;
	_ =	strace $0x80000046;
	[dreg:$0x1] =	wrdreg $0xFFFFFFFF  }
0xad: {  	s28 =	simm.s32 $_size_execute0_lowered;
	s4 =	sadd.s32 s4, s6;
	[dreg:$0x0] =	wrdreg $0x0  }
0xae: {  	s6 =	sshll.u32 s28, $0x1;
	[dreg:$0x2] =	wrdreg s4  }
0xaf: {  	[dreg:$0x3] =	wrdreg s6  }
0xb0: {  	[dreg:$0x4] =	wrdreg $0xC0  }
0xb1: {  	_ =	task [dreg:s8], $0x5FFFF  }
0xb2: {  	[dreg:$0x1] =	wrdreg $0xFFFFFFFF  }
0xb3: {  	[dreg:$0x0] =	wrdreg $0x60  }
0xb4: {  	[dreg:$0x2] =	wrdreg s24  }
0xb5: {  	[dreg:$0x3] =	wrdreg s17  }
0xb6: {  	[dreg:$0x4] =	wrdreg s16  }
0xb7: {  	[dreg:$0x5] =	wrdreg $0xE6000  }
0xb8: {  	[dreg:$0x6] =	wrdreg $0xE8800  }
0xb9: {  	[dreg:$0x7] =	wrdreg $0x9  }
0xba: {  	_ =	task.clear_ibuf [dreg:s8], $0x8FFFF;
	_ =	strace $0x90000046  }
0xbb: {  	s29 =	simm.s32 $0x9;
	_ =	strace $0x80000048  }
0xbc: {  	_ =	swait.ge [sflag:s29], $0x1  }
0xbd: {  	[sflag:s29] =	ssyncadd.s32 $0xFFFFFFFF  }
0xbe: {  	_ =	strace $0x90000048  }
0xbf: {  	_ =	sfence  }
0xc0: {  	s30 =	sld [smem:$0x0];
	_ =	sdelay $0x2  }
0xc1: {  	s31 =	sshll.u32 s1, $0xD;
	s1 =	sshrl.u32 s1, $0x2  }
0xc2: {  	s3 =	sand.u32 $0x4000, s31;
	s1 =	sadd.s32 s1, s30  }
0xc3: {  	s0 =	sor.u32 s3, s0;
	s1 =	sshll.u32 s1, $0x11  }
0xc4: {  	s0 =	sor.u32 s1, s0  }
0xc5: {  	s0 =	sadd.s32 $0x8F2B, s0  }
0xc6: {  	[sflag:s0] =	ssyncadd.remote.s32 $0x1  }
0xc7: {  	_ =	sfence.sel $0xFFFF  }
0xc8: {  	[dreg:$0x0] =	wrdreg $0xFFFFFFFF;
	(pc) =	sbr.abs _section_cstart, $3  }
0xc9: {  	[dreg:$0x1] =	wrdreg $0xFFFFFFFF  }
0xca: {  	_ =	task.clear_ibuf [dreg:s8], $0x2FFFF;
	_ =	strace $0x9FFFFFFF  }
0xcb: {  	(tm) =	ssettm $0x7FFFFFFF  }
tec
execute0_lowered:
.L_overlay_start_1:
0x0: {  	(tag) =	ssettag $0x1  }
0x1: {  	s0 =	rddreg [dreg:$0x0]  }
0x2: {  	s1 =	rddreg [dreg:$0x1]  }
0x3: {  	s2 =	srdreg.scid;
	s6 =	rddreg [dreg:$0x2]  }
0x4: {  	s11 =	stileid.u32;
	s3 =	rddreg [dreg:$0x3]  }
0x5: {  	s20 =	simm.s32 $0x3;
	s28 =	simm.s32 $0x80;
	s29 =	simm.s32 $0x1  }
0x6: {  	s30 =	simm.s32 $0xA200;
	s31 =	simm.s32 $0xC600;
	s8 =	smul.u32 $0xA000, s11  }
0x7: {  	s2 =	sand.u32 $0x1, s2;
	s4 =	sshll.u32 s11, $0x1;
	s13 =	smul.u32 $0x280, s11  }
0x8: {  	s10 =	sadd.s32 $0x3600, s0;
	s21 =	sadd.s32 $0x3000, s0;
	s12 =	smul.u32 $0x28000, s11  }
0x9: {  	s22 =	sadd.s32 $0x2E00, s0;
	s5 =	sor.u32 s2, s4;
	s9 =	smul.u32 $0xA0000, s2  }
0xa: {  	s4 =	rddreg [dreg:$0x4];
	s23 =	ssub.s32 $0x2, s2;
	s2 =	smul.u32 $0x2800, s2  }
0xb: {  	s7 =	smul.u32 $0x520, s5;
	s5 =	simm.s32 $0x0;
	s24 =	sshrl.u32 s23, $0x1  }
0xc: {  	s11 =	sadd.s32 s13, s3;
	s26 =	sshrl.u32 s12, $0x2;
	[smem:$0x7FF] =	sst s5  }
0xd: {  	s12 =	sadd.s32 s8, s4;
	_ =	strace $0x80000047;
	[dreg:$0x6] =	wrdreg s10  }
0xe: {  	s9 =	sadd.s32 s8, s9;
	s2 =	sadd.s32 s13, s2;
	[dreg:$0x7] =	wrdreg s21  }
0xf: {  	s7 =	sadd.s32 s7, s0;
	[dreg:$0x8] =	wrdreg s22;
	s9 =	sshrl.u32 s9, $0x3  }
0x10: {  	s2 =	sshrl.u32 s2, $0x3;
	s22 =	simm.s32 $0x5200;
	s21 =	simm.s32 $0x0  }
0x11: {  	s0 =	sadd.s32 s9, s0;
	s9 =	ssub.s32 s23, s24;
	s25 =	sadd.s32 $0xE000, s7  }
0x12: {  	s7 =	sadd.s32 $0x3C00, s7;
	s17 =	sadd.s32 s6, s2;
	s23 =	simm.s32 $0x7A00  }
0x13: {  	s2 =	simm.s32 $0x2;
	s24 =	simm.s32 $0x0;
	[dreg:$0x9] =	wrdreg s25  }
0x14: {  	[dreg:$0xa] =	wrdreg s7;
	s7 =	sadd.s32 s26, s4;
	s18 =	sadd.s32 $0x18400, s0  }
0x15: {  	s19 =	smax.u32 s9, $0x1;
	s26 =	simm.s32 $0xA600;
	s13 =	sadd.s32 $0x2000, s7  }
0x16: {  	v0 =	vimm.f32 $0.0e+00;
	s14 =	sadd.s32 $0x4000, s7;
	s15 =	sadd.s32 $0x6000, s7;
	s16 =	sadd.s32 $0x8000, s7  }
.LBB2_1:
0x17: {  	s0 =	rddreg [dreg:$0x9]  }
0x18: {  	[tilespmem:s5], [sflag:$0x3] =	stream.linear.gather [hbm4b:s0+s5], $0x2900, $0x38;
	[tilespmem:$0x18880] =	vst v63  }
0x19: {  	_ =	swait.ge [sflag:s20], $0x2900  }
0x1a: {  	[sflag:s20] =	ssyncset.done $0x0  }
0x1b: {  	s6 =	simm.s32 $0x2900;
	s25 =	rddreg [dreg:$0xa];
	[sflag:s20] =	ssyncadd.s32 $0xFFFFD700  }
0x1c: {  	[tilespmem:s6], [sflag:$0x3] =	stream.linear.gather [hbm4b:s25+s5], $0x2900, $0x38;
	[tilespmem:$0x18880] =	vst v63  }
0x1d: {  	_ =	swait.ge [sflag:s20], $0x2900  }
0x1e: {  	[sflag:s20] =	ssyncset.done $0x0  }
0x1f: {  	s7 =	rddreg [dreg:$0x6];
	[sflag:s20] =	ssyncadd.s32 $0xFFFFD700  }
0x20: {  	[tilespmem:s22], [sflag:$0x3] =	stream.linear.gather [hbm4b:s7+s5], $0x2800, $0x38;
	[tilespmem:$0x18880] =	vst v63  }
0x21: {  	_ =	swait.ge [sflag:s20], $0x2800  }
0x22: {  	[sflag:s20] =	ssyncset.done $0x0  }
0x23: {  	s8 =	rddreg [dreg:$0x7];
	[sflag:s20] =	ssyncadd.s32 $0xFFFFD800  }
0x24: {  	[tilespmem:s23], [sflag:$0x3] =	stream.linear.gather [hbm4b:s8+s5], $0x2800, $0x38;
	[tilespmem:$0x18880] =	vst v63  }
0x25: {  	_ =	swait.ge [sflag:s20], $0x2800  }
0x26: {  	[sflag:s20] =	ssyncset.done $0x0  }
0x27: {  	s10 =	simm.s32 $0xA500;
	s9 =	rddreg [dreg:$0x8];
	[sflag:s20] =	ssyncadd.s32 $0xFFFFD800  }
0x28: {  	[tilespmem:s10], [sflag:$0x3] =	stream.linear.gather [hbm4b:s9+s5], $0x100, $0x38;
	[tilespmem:$0x18880] =	vst v63  }
0x29: {  	_ =	swait.ge [sflag:s20], $0x100  }
0x2a: {  	[sflag:s20] =	ssyncset.done $0x0  }
0x2b: {  	[sflag:s20] =	ssyncadd.s32 $0xFFFFFF00  }
0x2c: {  	[tilespmem:$0xA280] =	vst v0  }
0x2d: {  	[tilespmem:$0xA290] =	vst v0  }
0x2e: {  	[tilespmem:$0xA2A0] =	vst v0  }
0x2f: {  	[tilespmem:$0xA2B0] =	vst v0  }
0x30: {  	[tilespmem:$0xA2C0] =	vst v0  }
0x31: {  	[tilespmem:$0xA2D0] =	vst v0  }
0x32: {  	[tilespmem:$0xA2E0] =	vst v0  }
0x33: {  	[tilespmem:$0xA2F0] =	vst v0  }
0x34: {  	[tilespmem:$0xA300] =	vst v0  }
0x35: {  	[tilespmem:$0xA310] =	vst v0  }
0x36: {  	[tilespmem:$0xA320] =	vst v0  }
0x37: {  	[tilespmem:$0xA330] =	vst v0  }
0x38: {  	[tilespmem:$0xA340] =	vst v0  }
0x39: {  	[tilespmem:$0xA350] =	vst v0  }
0x3a: {  	[tilespmem:$0xA360] =	vst v0  }
0x3b: {  	[tilespmem:$0xA370] =	vst v0  }
0x3c: {  	[tilespmem:$0xA380] =	vst v0  }
0x3d: {  	[tilespmem:$0xA390] =	vst v0  }
0x3e: {  	[tilespmem:$0xA3A0] =	vst v0  }
0x3f: {  	[tilespmem:$0xA3B0] =	vst v0  }
0x40: {  	[tilespmem:$0xA3C0] =	vst v0  }
0x41: {  	[tilespmem:$0xA3D0] =	vst v0  }
0x42: {  	[tilespmem:$0xA3E0] =	vst v0  }
0x43: {  	[tilespmem:$0xA3F0] =	vst v0  }
0x44: {  	[tilespmem:$0xA400] =	vst v0  }
0x45: {  	[tilespmem:$0xA410] =	vst v0  }
0x46: {  	[tilespmem:$0xA420] =	vst v0  }
0x47: {  	[tilespmem:$0xA430] =	vst v0  }
0x48: {  	[tilespmem:$0xA440] =	vst v0  }
0x49: {  	[tilespmem:$0xA450] =	vst v0  }
0x4a: {  	[tilespmem:$0xA460] =	vst v0  }
0x4b: {  	[tilespmem:$0xA470] =	vst v0  }
0x4c: {  	[tilespmem:$0xA480] =	vst v0  }
0x4d: {  	[tilespmem:$0xA490] =	vst v0  }
0x4e: {  	[tilespmem:$0xA4A0] =	vst v0  }
0x4f: {  	[tilespmem:$0xA4B0] =	vst v0  }
0x50: {  	[tilespmem:$0xA4C0] =	vst v0  }
0x51: {  	[tilespmem:$0xA4D0] =	vst v0  }
0x52: {  	[tilespmem:$0xA4E0] =	vst v0  }
0x53: {  	s25 =	simm.s32 $0xA280;
	[tilespmem:$0xA4F0] =	vst v0  }
0x54: {  	[spmem:s11] =	stream.linear.scatter [tilespmem:s25], [sflag:$0x3], $0x280, $0x38;
	[tilespmem:$0x18880] =	vst v63  }
0x55: {  	_ =	swait.ge [sflag:s20], $0x280  }
0x56: {  	[sflag:s20] =	ssyncset.done $0x0  }
0x57: {  	s0 =	simm.s32 $0x0;
	s6 =	simm.s32 $0x100;
	[sflag:s20] =	ssyncadd.s32 $0xFFFFFD80  }
.LBB2_2:
0x58: {  	p0 =	sne.s32 s6, $0x7F00;
	[tilespmem:s0+$0xA630] =	vst v0;
	s7 =	smov.u32 s6;
	s6 =	sadd.s32 $0x100, s6  }
.Ltmp0:
0x59: {  	[tilespmem:s0+$0xA620] =	vst v0;
	(pc) =	sbr.rel @p0 .LBB2_2-.Ltmp0, $3  }
0x5a: {  	[tilespmem:s0+$0xA600] =	vst v0  }
0x5b: {  	[tilespmem:s0+$0xA610] =	vst v0;
	_ =	sdelay $0x1  }
0x5c: {  	s0 =	sshra.s32 s7, $0x2  }
0x5d: {  	[tilespmem:s0+$0xA630] =	vst v0  }
0x5e: {  	[tilespmem:s0+$0xA620] =	vst v0  }
0x5f: {  	[tilespmem:s0+$0xA600] =	vst v0  }
0x60: {  	[tilespmem:s0+$0xA610] =	vst v0  }
0x61: {  	[spmem:s12] =	stream.linear.scatter [tilespmem:s26], [sflag:$0x3], $0x2000, $0x38;
	[tilespmem:$0x18880] =	vst v63  }
0x62: {  	_ =	swait.ge [sflag:s20], $0x2000  }
0x63: {  	[sflag:s20] =	ssyncset.done $0x0  }
0x64: {  	[sflag:s20] =	ssyncadd.s32 $0xFFFFE000  }
0x65: {  	[spmem:s13] =	stream.linear.scatter [tilespmem:s26], [sflag:$0x3], $0x2000, $0x38;
	[tilespmem:$0x18880] =	vst v63  }
0x66: {  	_ =	swait.ge [sflag:s20], $0x2000  }
0x67: {  	[sflag:s20] =	ssyncset.done $0x0  }
0x68: {  	[sflag:s20] =	ssyncadd.s32 $0xFFFFE000  }
0x69: {  	[spmem:s14] =	stream.linear.scatter [tilespmem:s26], [sflag:$0x3], $0x2000, $0x38;
	[tilespmem:$0x18880] =	vst v63  }
0x6a: {  	_ =	swait.ge [sflag:s20], $0x2000  }
0x6b: {  	[sflag:s20] =	ssyncset.done $0x0  }
0x6c: {  	[sflag:s20] =	ssyncadd.s32 $0xFFFFE000  }
0x6d: {  	[spmem:s15] =	stream.linear.scatter [tilespmem:s26], [sflag:$0x3], $0x2000, $0x38;
	[tilespmem:$0x18880] =	vst v63  }
0x6e: {  	_ =	swait.ge [sflag:s20], $0x2000  }
0x6f: {  	[sflag:s20] =	ssyncset.done $0x0  }
0x70: {  	[sflag:s20] =	ssyncadd.s32 $0xFFFFE000  }
0x71: {  	[spmem:s16] =	stream.linear.scatter [tilespmem:s26], [sflag:$0x3], $0x2000, $0x38;
	[tilespmem:$0x18880] =	vst v63  }
0x72: {  	_ =	swait.ge [sflag:s20], $0x2000  }
0x73: {  	[sflag:s20] =	ssyncset.done $0x0  }
0x74: {  	[sflag:s20] =	ssyncadd.s32 $0xFFFFE000  }
0x75: {  	v1 =	vld [tilespmem:$0xA500]  }
0x76: {  	v2 =	vld [tilespmem:$0xA580];
	_ =	sdelay $0x4  }
0x77: {  	v1 =	vadd.f32 v2, v1;
	_ =	sdelay $0x1  }
0x78: {  	v2 =	vmul.f32 $2.000000030e-01, v1  }
0x79: {  	s25 =	simm.s32 $0x0;
	[bflag:$0x0] =	sbarrier.arrive $0xFFFF  }
0x7a: {  	[tilespmem:s26], [sflag:$0x1] =	stream.indirect.gather [hbm4b:s1+s28], $0x40, s24, s28, $0xb8;
	v1 =	vmax.f32 v1, v2;
	[tilespmem:$0x18880] =	vst v63  }
.LBB2_4:
0x7b: {  	_ =	swait.ge [sflag:s29], $0x2000  }
0x7c: {  	[sflag:s29] =	ssyncset.done $0x0  }
0x7d: {  	s0 =	sshll.u32 s25, $0x8;
	[sflag:s29] =	ssyncadd.s32 $0xFFFFE000  }
0x7e: {  	v2 =	vld [tilespmem:s0+$0x0]  }
0x7f: {  	v3 =	vld [tilespmem:s0+$0x2900];
	_ =	sdelay $0x6  }
0x80: {  	v2 =	vld.idx.msk [tilespmem:v2+s22+$0x0], $0xffff  }
0x81: {  	v3 =	vld.idx.msk [tilespmem:v3+s23+$0x0], $0xffff;
	_ =	sdelay $0x4  }
0x82: {  	v2 =	vadd.f32 v3, v2;
	_ =	sdelay $0x1  }
0x83: {  	v3 =	vmul.f32 $2.000000030e-01, v2;
	_ =	sdelay $0x1  }
0x84: {  	v2 =	vmax.f32 v2, v3  }
0x85: {  	v2 =	vsub.f32 v2, v1;
	_ =	sdelay $0x1  }
0x86: {  	v2 =	vmul.f32 $1.442695020e+00, v2;
	_ =	sdelay $0x1  }
0x87: {  	(erf) = vpow2.f32 v2;
	_ =	sdelay $0x8  }
0x88: {  	v2 =	vpop (erf)  }
0x89: {  	[tilespmem:$0xA200] =	vst v2  }
0x8a: {  	v2 =	vld [tilespmem:s0+$0x10]  }
0x8b: {  	v3 =	vld [tilespmem:s0+$0x2910];
	_ =	sdelay $0x6  }
0x8c: {  	v2 =	vld.idx.msk [tilespmem:v2+s22+$0x0], $0xffff  }
0x8d: {  	v3 =	vld.idx.msk [tilespmem:v3+s23+$0x0], $0xffff;
	_ =	sdelay $0x4  }
0x8e: {  	v2 =	vadd.f32 v3, v2;
	_ =	sdelay $0x1  }
0x8f: {  	v3 =	vmul.f32 $2.000000030e-01, v2;
	_ =	sdelay $0x1  }
0x90: {  	v2 =	vmax.f32 v2, v3  }
0x91: {  	v2 =	vsub.f32 v2, v1;
	_ =	sdelay $0x1  }
0x92: {  	v2 =	vmul.f32 $1.442695020e+00, v2;
	_ =	sdelay $0x1  }
0x93: {  	(erf) = vpow2.f32 v2;
	_ =	sdelay $0x8  }
0x94: {  	v2 =	vpop (erf)  }
0x95: {  	[tilespmem:$0xA210] =	vst v2  }
0x96: {  	v2 =	vld [tilespmem:s0+$0x20]  }
0x97: {  	v3 =	vld [tilespmem:s0+$0x2920];
	_ =	sdelay $0x6  }
0x98: {  	v2 =	vld.idx.msk [tilespmem:v2+s22+$0x0], $0xffff  }
0x99: {  	v3 =	vld.idx.msk [tilespmem:v3+s23+$0x0], $0xffff;
	_ =	sdelay $0x4  }
0x9a: {  	v2 =	vadd.f32 v3, v2;
	_ =	sdelay $0x1  }
0x9b: {  	v3 =	vmul.f32 $2.000000030e-01, v2;
	_ =	sdelay $0x1  }
0x9c: {  	v2 =	vmax.f32 v2, v3  }
0x9d: {  	v2 =	vsub.f32 v2, v1;
	_ =	sdelay $0x1  }
0x9e: {  	v2 =	vmul.f32 $1.442695020e+00, v2;
	_ =	sdelay $0x1  }
0x9f: {  	(erf) = vpow2.f32 v2;
	_ =	sdelay $0x8  }
0xa0: {  	v2 =	vpop (erf)  }
0xa1: {  	[tilespmem:$0xA220] =	vst v2  }
0xa2: {  	v2 =	vld [tilespmem:s0+$0x30]  }
0xa3: {  	v3 =	vld [tilespmem:s0+$0x2930];
	_ =	sdelay $0x6  }
0xa4: {  	v2 =	vld.idx.msk [tilespmem:v2+s22+$0x0], $0xffff  }
0xa5: {  	v3 =	vld.idx.msk [tilespmem:v3+s23+$0x0], $0xffff;
	_ =	sdelay $0x4  }
0xa6: {  	v2 =	vadd.f32 v3, v2;
	_ =	sdelay $0x1  }
0xa7: {  	v3 =	vmul.f32 $2.000000030e-01, v2;
	_ =	sdelay $0x1  }
0xa8: {  	v2 =	vmax.f32 v2, v3  }
0xa9: {  	v2 =	vsub.f32 v2, v1;
	_ =	sdelay $0x1  }
0xaa: {  	v2 =	vmul.f32 $1.442695020e+00, v2;
	_ =	sdelay $0x1  }
0xab: {  	(erf) = vpow2.f32 v2;
	_ =	sdelay $0x8  }
0xac: {  	v2 =	vpop (erf)  }
0xad: {  	[tilespmem:$0xA230] =	vst v2  }
0xae: {  	v2 =	vld [tilespmem:s0+$0x40]  }
0xaf: {  	v3 =	vld [tilespmem:s0+$0x2940];
	_ =	sdelay $0x6  }
0xb0: {  	v2 =	vld.idx.msk [tilespmem:v2+s22+$0x0], $0xffff  }
0xb1: {  	v3 =	vld.idx.msk [tilespmem:v3+s23+$0x0], $0xffff;
	_ =	sdelay $0x4  }
0xb2: {  	v2 =	vadd.f32 v3, v2;
	_ =	sdelay $0x1  }
0xb3: {  	v3 =	vmul.f32 $2.000000030e-01, v2;
	_ =	sdelay $0x1  }
0xb4: {  	v2 =	vmax.f32 v2, v3  }
0xb5: {  	v2 =	vsub.f32 v2, v1;
	_ =	sdelay $0x1  }
0xb6: {  	v2 =	vmul.f32 $1.442695020e+00, v2;
	_ =	sdelay $0x1  }
0xb7: {  	(erf) = vpow2.f32 v2;
	_ =	sdelay $0x8  }
0xb8: {  	v2 =	vpop (erf)  }
0xb9: {  	[tilespmem:$0xA240] =	vst v2  }
0xba: {  	v2 =	vld [tilespmem:s0+$0x50]  }
0xbb: {  	v3 =	vld [tilespmem:s0+$0x2950];
	_ =	sdelay $0x6  }
0xbc: {  	v2 =	vld.idx.msk [tilespmem:v2+s22+$0x0], $0xffff  }
0xbd: {  	v3 =	vld.idx.msk [tilespmem:v3+s23+$0x0], $0xffff;
	_ =	sdelay $0x4  }
0xbe: {  	v2 =	vadd.f32 v3, v2;
	_ =	sdelay $0x1  }
0xbf: {  	v3 =	vmul.f32 $2.000000030e-01, v2;
	_ =	sdelay $0x1  }
0xc0: {  	v2 =	vmax.f32 v2, v3  }
0xc1: {  	v2 =	vsub.f32 v2, v1;
	_ =	sdelay $0x1  }
0xc2: {  	v2 =	vmul.f32 $1.442695020e+00, v2;
	_ =	sdelay $0x1  }
0xc3: {  	(erf) = vpow2.f32 v2;
	_ =	sdelay $0x8  }
0xc4: {  	v2 =	vpop (erf)  }
0xc5: {  	[tilespmem:$0xA250] =	vst v2  }
0xc6: {  	v2 =	vld [tilespmem:s0+$0x60]  }
0xc7: {  	v3 =	vld [tilespmem:s0+$0x2960];
	_ =	sdelay $0x6  }
0xc8: {  	v2 =	vld.idx.msk [tilespmem:v2+s22+$0x0], $0xffff  }
0xc9: {  	v3 =	vld.idx.msk [tilespmem:v3+s23+$0x0], $0xffff;
	_ =	sdelay $0x4  }
0xca: {  	v2 =	vadd.f32 v3, v2;
	_ =	sdelay $0x1  }
0xcb: {  	v3 =	vmul.f32 $2.000000030e-01, v2;
	_ =	sdelay $0x1  }
0xcc: {  	v2 =	vmax.f32 v2, v3  }
0xcd: {  	v2 =	vsub.f32 v2, v1;
	_ =	sdelay $0x1  }
0xce: {  	v2 =	vmul.f32 $1.442695020e+00, v2;
	_ =	sdelay $0x1  }
0xcf: {  	(erf) = vpow2.f32 v2;
	_ =	sdelay $0x8  }
0xd0: {  	v2 =	vpop (erf)  }
0xd1: {  	[tilespmem:$0xA260] =	vst v2  }
0xd2: {  	v2 =	vld [tilespmem:s0+$0x70]  }
0xd3: {  	v3 =	vld [tilespmem:s0+$0x2970];
	_ =	sdelay $0x6  }
0xd4: {  	v2 =	vld.idx.msk [tilespmem:v2+s22+$0x0], $0xffff  }
0xd5: {  	v3 =	vld.idx.msk [tilespmem:v3+s23+$0x0], $0xffff;
	_ =	sdelay $0x4  }
0xd6: {  	v2 =	vadd.f32 v3, v2;
	_ =	sdelay $0x1  }
0xd7: {  	v3 =	vmul.f32 $2.000000030e-01, v2;
	_ =	sdelay $0x1  }
0xd8: {  	v2 =	vmax.f32 v2, v3  }
0xd9: {  	v2 =	vsub.f32 v2, v1;
	_ =	sdelay $0x1  }
0xda: {  	v2 =	vmul.f32 $1.442695020e+00, v2;
	_ =	sdelay $0x1  }
0xdb: {  	(erf) = vpow2.f32 v2;
	_ =	sdelay $0x8  }
0xdc: {  	v2 =	vpop (erf)  }
0xdd: {  	s6 =	sadd.s32 $0x2900, s0;
	[tilespmem:$0xA270] =	vst v2  }
0xde: {  	[spmem:s3] =	stream.indirect.scatter.add.f32 [tilespmem:s30], [sflag:$0x3], $0x1, s6, s28, $0xb8;
	[tilespmem:$0x18880] =	vst v63  }
0xdf: {  	_ =	swait.ge [sflag:s20], $0x80  }
0xe0: {  	p0 =	seq.s32 s25, $0x0;
	[sflag:s20] =	ssyncset.done $0x0  }
0xe1: {  	s9 =	sshll.u32 s25, $0x1;
	s7 =	simm.s32 @!p0 $0x2;
	[sflag:s20] =	ssyncadd.s32 $0xFFFFFF80  }
0xe2: {  	s0 =	sor.u32 $0x1, s9;
	_ =	swait.ge @!p0 [sflag:s7], $0x2000  }
0xe3: {  	s0 =	sshll.u32 s0, $0x7;
	v2 =	vmov s24;
	[sflag:s7] =	ssyncset.done @!p0 $0x0  }
0xe4: {  	s10 =	sand.u32 $0x3FFFFF80, s0;
	[sflag:s7] =	ssyncadd.s32 @!p0 $0xFFFFE000;
	s7 =	simm.s32 $0xA620  }
0xe5: {  	[tilespmem:s31], [sflag:$0x1] =	stream.indirect.gather [hbm4b:s1+s28], $0x40, s10, s28, $0xb8;
	[tilespmem:$0x18880] =	vst v63  }
0xe6: {  	v4 =	vld [tilespmem:s7+$0xFFFFFFF0]  }
0xe7: {  	v5 =	vld [tilespmem:s7+$0x10]  }
0xe8: {  	v7 =	vld.idx.msk [tilespmem:v2+s30+$0x0], $0xffff  }
0xe9: {  	v2 =	vld [tilespmem:s7+$0xFFFFFFE0]  }
0xea: {  	v8 =	vld [tilespmem:s7+$0x0];
	_ =	sdelay $0x3  }
0xeb: {  	s9 =	simm.s32 $0x1;
	v3 =	vmul.f32 v2, v7;
	v6 =	vmul.f32 v5, v7  }
0xec: {  	s8 =	simm.s32 $0x2;
	v2 =	vmov s9;
	v5 =	vmul.f32 v4, v7;
	v4 =	vmul.f32 v8, v7;
	s9 =	simm.s32 $0xA620  }
.LBB2_5:
0xed: {  	p0 =	sne.s32 s8, $0x7F  }
0xee: {  	[tilespmem:s7+$0x10] =	vst v6;
	s9 =	sadd.s32 $0x40, s9;
	s10 =	smov.u32 s8;
	s8 =	sadd.s32 $0x1, s8  }
0xef: {  	[tilespmem:s7+$0xFFFFFFE0] =	vst v3  }
0xf0: {  	v7 =	vld [tilespmem:s9+$0xFFFFFFF0];
	[tilespmem:s7+$0xFFFFFFF0] =	vst v5  }
0xf1: {  	v5 =	vld [tilespmem:s9+$0x10];
	[tilespmem:s7+$0x0] =	vst v4;
	s7 =	smov.u32 s9  }
0xf2: {  	v4 =	vld.idx.msk [tilespmem:v2+s30+$0x0], $0xffff  }
0xf3: {  	v2 =	vld [tilespmem:s9+$0xFFFFFFE0]  }
0xf4: {  	v8 =	vld [tilespmem:s9+$0x0]  }
.Ltmp1:
0xf5: {  	(pc) =	sbr.rel @p0 .LBB2_5-.Ltmp1, $3  }
0xf6: {  	_ =	sdelay $0x1  }
0xf7: {  	v6 =	vmul.f32 v5, v4;
	v3 =	vmul.f32 v2, v4  }
0xf8: {  	v5 =	vmul.f32 v7, v4;
	v2 =	vmov s10;
	v4 =	vmul.f32 v8, v4  }
0xf9: {  	[tilespmem:s7+$0x10] =	vst v6  }
0xfa: {  	s8 =	sadd.s32 $0x40, s9;
	[tilespmem:s7+$0xFFFFFFE0] =	vst v3  }
0xfb: {  	v3 =	vld [tilespmem:s8+$0xFFFFFFF0];
	[tilespmem:s7+$0xFFFFFFF0] =	vst v5  }
0xfc: {  	v5 =	vld [tilespmem:s8+$0x10];
	[tilespmem:s7+$0x0] =	vst v4  }
0xfd: {  	v2 =	vld.idx.msk [tilespmem:v2+s30+$0x0], $0xffff  }
0xfe: {  	v4 =	vld [tilespmem:s8+$0xFFFFFFE0];
	_ =	sdelay $0x1  }
0xff: {  	v6 =	vld [tilespmem:s8+$0x0];
	_ =	sdelay $0x1  }
0x100: {  	v5 =	vmul.f32 v5, v2  }
0x101: {  	v4 =	vmul.f32 v4, v2  }
0x102: {  	v3 =	vmul.f32 v3, v2;
	[tilespmem:s8+$0x10] =	vst v5  }
0x103: {  	v2 =	vmul.f32 v6, v2;
	[tilespmem:s8+$0xFFFFFFE0] =	vst v4  }
0x104: {  	[tilespmem:s8+$0xFFFFFFF0] =	vst v3  }
0x105: {  	[tilespmem:s8+$0x0] =	vst v2  }
0x106: {  	[spmem:s4] =	stream.indirect.scatter.add.f32 [tilespmem:s26], [sflag:$0x2], $0x40, s6, s28, $0xb8;
	[tilespmem:$0x18880] =	vst v63  }
0x107: {  	_ =	swait.ge [sflag:s29], $0x2000  }
0x108: {  	[sflag:s29] =	ssyncset.done $0x0  }
0x109: {  	[sflag:s29] =	ssyncadd.s32 $0xFFFFE000  }
0x10a: {  	v2 =	vld [tilespmem:s0+$0x0]  }
0x10b: {  	v3 =	vld [tilespmem:s0+$0x2900];
	_ =	sdelay $0x6  }
0x10c: {  	v2 =	vld.idx.msk [tilespmem:v2+s22+$0x0], $0xffff  }
0x10d: {  	v3 =	vld.idx.msk [tilespmem:v3+s23+$0x0], $0xffff;
	_ =	sdelay $0x4  }
0x10e: {  	v2 =	vadd.f32 v3, v2;
	_ =	sdelay $0x1  }
0x10f: {  	v3 =	vmul.f32 $2.000000030e-01, v2;
	_ =	sdelay $0x1  }
0x110: {  	v2 =	vmax.f32 v2, v3  }
0x111: {  	v2 =	vsub.f32 v2, v1;
	_ =	sdelay $0x1  }
0x112: {  	v2 =	vmul.f32 $1.442695020e+00, v2;
	_ =	sdelay $0x1  }
0x113: {  	(erf) = vpow2.f32 v2;
	_ =	sdelay $0x8  }
0x114: {  	v2 =	vpop (erf)  }
0x115: {  	[tilespmem:$0xA200] =	vst v2  }
0x116: {  	v2 =	vld [tilespmem:s0+$0x10]  }
0x117: {  	v3 =	vld [tilespmem:s0+$0x2910];
	_ =	sdelay $0x6  }
0x118: {  	v2 =	vld.idx.msk [tilespmem:v2+s22+$0x0], $0xffff  }
0x119: {  	v3 =	vld.idx.msk [tilespmem:v3+s23+$0x0], $0xffff;
	_ =	sdelay $0x4  }
0x11a: {  	v2 =	vadd.f32 v3, v2;
	_ =	sdelay $0x1  }
0x11b: {  	v3 =	vmul.f32 $2.000000030e-01, v2;
	_ =	sdelay $0x1  }
0x11c: {  	v2 =	vmax.f32 v2, v3  }
0x11d: {  	v2 =	vsub.f32 v2, v1;
	_ =	sdelay $0x1  }
0x11e: {  	v2 =	vmul.f32 $1.442695020e+00, v2;
	_ =	sdelay $0x1  }
0x11f: {  	(erf) = vpow2.f32 v2;
	_ =	sdelay $0x8  }
0x120: {  	v2 =	vpop (erf)  }
0x121: {  	[tilespmem:$0xA210] =	vst v2  }
0x122: {  	v2 =	vld [tilespmem:s0+$0x20]  }
0x123: {  	v3 =	vld [tilespmem:s0+$0x2920];
	_ =	sdelay $0x6  }
0x124: {  	v2 =	vld.idx.msk [tilespmem:v2+s22+$0x0], $0xffff  }
0x125: {  	v3 =	vld.idx.msk [tilespmem:v3+s23+$0x0], $0xffff;
	_ =	sdelay $0x4  }
0x126: {  	v2 =	vadd.f32 v3, v2;
	_ =	sdelay $0x1  }
0x127: {  	v3 =	vmul.f32 $2.000000030e-01, v2;
	_ =	sdelay $0x1  }
0x128: {  	v2 =	vmax.f32 v2, v3  }
0x129: {  	v2 =	vsub.f32 v2, v1;
	_ =	sdelay $0x1  }
0x12a: {  	v2 =	vmul.f32 $1.442695020e+00, v2;
	_ =	sdelay $0x1  }
0x12b: {  	(erf) = vpow2.f32 v2;
	_ =	sdelay $0x8  }
0x12c: {  	v2 =	vpop (erf)  }
0x12d: {  	[tilespmem:$0xA220] =	vst v2  }
0x12e: {  	v2 =	vld [tilespmem:s0+$0x30]  }
0x12f: {  	v3 =	vld [tilespmem:s0+$0x2930];
	_ =	sdelay $0x6  }
0x130: {  	v2 =	vld.idx.msk [tilespmem:v2+s22+$0x0], $0xffff  }
0x131: {  	v3 =	vld.idx.msk [tilespmem:v3+s23+$0x0], $0xffff;
	_ =	sdelay $0x4  }
0x132: {  	v2 =	vadd.f32 v3, v2;
	_ =	sdelay $0x1  }
0x133: {  	v3 =	vmul.f32 $2.000000030e-01, v2;
	_ =	sdelay $0x1  }
0x134: {  	v2 =	vmax.f32 v2, v3  }
0x135: {  	v2 =	vsub.f32 v2, v1;
	_ =	sdelay $0x1  }
0x136: {  	v2 =	vmul.f32 $1.442695020e+00, v2;
	_ =	sdelay $0x1  }
0x137: {  	(erf) = vpow2.f32 v2;
	_ =	sdelay $0x8  }
0x138: {  	v2 =	vpop (erf)  }
0x139: {  	[tilespmem:$0xA230] =	vst v2  }
0x13a: {  	v2 =	vld [tilespmem:s0+$0x40]  }
0x13b: {  	v3 =	vld [tilespmem:s0+$0x2940];
	_ =	sdelay $0x6  }
0x13c: {  	v2 =	vld.idx.msk [tilespmem:v2+s22+$0x0], $0xffff  }
0x13d: {  	v3 =	vld.idx.msk [tilespmem:v3+s23+$0x0], $0xffff;
	_ =	sdelay $0x4  }
0x13e: {  	v2 =	vadd.f32 v3, v2;
	_ =	sdelay $0x1  }
0x13f: {  	v3 =	vmul.f32 $2.000000030e-01, v2;
	_ =	sdelay $0x1  }
0x140: {  	v2 =	vmax.f32 v2, v3  }
0x141: {  	v2 =	vsub.f32 v2, v1;
	_ =	sdelay $0x1  }
0x142: {  	v2 =	vmul.f32 $1.442695020e+00, v2;
	_ =	sdelay $0x1  }
0x143: {  	(erf) = vpow2.f32 v2;
	_ =	sdelay $0x8  }
0x144: {  	v2 =	vpop (erf)  }
0x145: {  	[tilespmem:$0xA240] =	vst v2  }
0x146: {  	v2 =	vld [tilespmem:s0+$0x50]  }
0x147: {  	v3 =	vld [tilespmem:s0+$0x2950];
	_ =	sdelay $0x6  }
0x148: {  	v2 =	vld.idx.msk [tilespmem:v2+s22+$0x0], $0xffff  }
0x149: {  	v3 =	vld.idx.msk [tilespmem:v3+s23+$0x0], $0xffff;
	_ =	sdelay $0x4  }
0x14a: {  	v2 =	vadd.f32 v3, v2;
	_ =	sdelay $0x1  }
0x14b: {  	v3 =	vmul.f32 $2.000000030e-01, v2;
	_ =	sdelay $0x1  }
0x14c: {  	v2 =	vmax.f32 v2, v3  }
0x14d: {  	v2 =	vsub.f32 v2, v1;
	_ =	sdelay $0x1  }
0x14e: {  	v2 =	vmul.f32 $1.442695020e+00, v2;
	_ =	sdelay $0x1  }
0x14f: {  	(erf) = vpow2.f32 v2;
	_ =	sdelay $0x8  }
0x150: {  	v2 =	vpop (erf)  }
0x151: {  	[tilespmem:$0xA250] =	vst v2  }
0x152: {  	v2 =	vld [tilespmem:s0+$0x60]  }
0x153: {  	v3 =	vld [tilespmem:s0+$0x2960];
	_ =	sdelay $0x6  }
0x154: {  	v2 =	vld.idx.msk [tilespmem:v2+s22+$0x0], $0xffff  }
0x155: {  	v3 =	vld.idx.msk [tilespmem:v3+s23+$0x0], $0xffff;
	_ =	sdelay $0x4  }
0x156: {  	v2 =	vadd.f32 v3, v2;
	_ =	sdelay $0x1  }
0x157: {  	v3 =	vmul.f32 $2.000000030e-01, v2;
	_ =	sdelay $0x1  }
0x158: {  	v2 =	vmax.f32 v2, v3  }
0x159: {  	v2 =	vsub.f32 v2, v1;
	_ =	sdelay $0x1  }
0x15a: {  	v2 =	vmul.f32 $1.442695020e+00, v2;
	_ =	sdelay $0x1  }
0x15b: {  	(erf) = vpow2.f32 v2;
	_ =	sdelay $0x8  }
0x15c: {  	v2 =	vpop (erf)  }
0x15d: {  	[tilespmem:$0xA260] =	vst v2  }
0x15e: {  	v2 =	vld [tilespmem:s0+$0x70]  }
0x15f: {  	v3 =	vld [tilespmem:s0+$0x2970];
	_ =	sdelay $0x6  }
0x160: {  	v2 =	vld.idx.msk [tilespmem:v2+s22+$0x0], $0xffff  }
0x161: {  	v3 =	vld.idx.msk [tilespmem:v3+s23+$0x0], $0xffff;
	_ =	sdelay $0x4  }
0x162: {  	v2 =	vadd.f32 v3, v2;
	_ =	sdelay $0x1  }
0x163: {  	v3 =	vmul.f32 $2.000000030e-01, v2;
	_ =	sdelay $0x1  }
0x164: {  	v2 =	vmax.f32 v2, v3  }
0x165: {  	v2 =	vsub.f32 v2, v1;
	_ =	sdelay $0x1  }
0x166: {  	v2 =	vmul.f32 $1.442695020e+00, v2;
	_ =	sdelay $0x1  }
0x167: {  	(erf) = vpow2.f32 v2;
	_ =	sdelay $0x8  }
0x168: {  	v2 =	vpop (erf)  }
0x169: {  	s0 =	sadd.s32 $0x2900, s0;
	[tilespmem:$0xA270] =	vst v2  }
0x16a: {  	[spmem:s3] =	stream.indirect.scatter.add.f32 [tilespmem:s30], [sflag:$0x3], $0x1, s0, s28, $0xb8;
	[tilespmem:$0x18880] =	vst v63  }
0x16b: {  	_ =	swait.ge [sflag:s20], $0x80  }
0x16c: {  	[sflag:s20] =	ssyncset.done $0x0  }
0x16d: {  	p0 =	seq.s32 s25, $0x28;
	[sflag:s20] =	ssyncadd.s32 $0xFFFFFF80  }
0x16e: {  	s9 =	simm.s32 $0x0;
	s6 =	sshll.u32 @!p0 s25, $0x8;
	_ =	swait.ge [sflag:s2], $0x2000  }
0x16f: {  	s7 =	simm.s32 @!p0 $0xA600;
	s6 =	sand.u32 @!p0 $0x3FFFFF00, s6;
	[sflag:s2] =	ssyncset.done $0x0  }
0x170: {  	s8 =	simm.s32 @!p0 $0x80;
	s6 =	sadd.s32 @!p0 $0x100, s6;
	v2 =	vmov s9;
	[sflag:s2] =	ssyncadd.s32 $0xFFFFE000  }
0x171: {  	[tilespmem:s7], [sflag:$0x1] =	stream.indirect.gather @!p0 [hbm4b:s1+s8], $0x40, s6, s8, $0xb8;
	[tilespmem:$0x18880] =	vst v63  }
0x172: {  	s6 =	simm.s32 $0xC620  }
0x173: {  	v4 =	vld [tilespmem:s6+$0xFFFFFFF0]  }
0x174: {  	v5 =	vld [tilespmem:s6+$0x10]  }
0x175: {  	v7 =	vld.idx.msk [tilespmem:v2+s30+$0x0], $0xffff  }
0x176: {  	v2 =	vld [tilespmem:s6+$0xFFFFFFE0]  }
0x177: {  	v8 =	vld [tilespmem:s6+$0x0];
	_ =	sdelay $0x3  }
0x178: {  	s10 =	simm.s32 $0x1;
	v3 =	vmul.f32 v2, v7;
	v6 =	vmul.f32 v5, v7  }
0x179: {  	s7 =	simm.s32 $0x2;
	s8 =	simm.s32 $0xC620;
	v2 =	vmov s10;
	v5 =	vmul.f32 v4, v7;
	v4 =	vmul.f32 v8, v7  }
.LBB2_7:
0x17a: {  	p0 =	sne.s32 s7, $0x7F  }
0x17b: {  	[tilespmem:s6+$0x10] =	vst v6;
	s8 =	sadd.s32 $0x40, s8;
	s9 =	smov.u32 s7;
	s7 =	sadd.s32 $0x1, s7  }
0x17c: {  	[tilespmem:s6+$0xFFFFFFE0] =	vst v3  }
0x17d: {  	v7 =	vld [tilespmem:s8+$0xFFFFFFF0];
	[tilespmem:s6+$0xFFFFFFF0] =	vst v5  }
0x17e: {  	v5 =	vld [tilespmem:s8+$0x10];
	[tilespmem:s6+$0x0] =	vst v4;
	s6 =	smov.u32 s8  }
0x17f: {  	v4 =	vld.idx.msk [tilespmem:v2+s30+$0x0], $0xffff  }
0x180: {  	v2 =	vld [tilespmem:s8+$0xFFFFFFE0]  }
0x181: {  	v8 =	vld [tilespmem:s8+$0x0]  }
.Ltmp2:
0x182: {  	(pc) =	sbr.rel @p0 .LBB2_7-.Ltmp2, $3  }
0x183: {  	_ =	sdelay $0x1  }
0x184: {  	v6 =	vmul.f32 v5, v4;
	v3 =	vmul.f32 v2, v4  }
0x185: {  	v5 =	vmul.f32 v7, v4;
	v2 =	vmov s9;
	v4 =	vmul.f32 v8, v4  }
0x186: {  	[tilespmem:s6+$0x10] =	vst v6  }
0x187: {  	s7 =	sadd.s32 $0x40, s8;
	[tilespmem:s6+$0xFFFFFFE0] =	vst v3  }
0x188: {  	v3 =	vld [tilespmem:s7+$0xFFFFFFF0];
	[tilespmem:s6+$0xFFFFFFF0] =	vst v5  }
0x189: {  	v5 =	vld [tilespmem:s7+$0x10];
	[tilespmem:s6+$0x0] =	vst v4  }
0x18a: {  	v2 =	vld.idx.msk [tilespmem:v2+s30+$0x0], $0xffff  }
0x18b: {  	v4 =	vld [tilespmem:s7+$0xFFFFFFE0];
	_ =	sdelay $0x1  }
0x18c: {  	v6 =	vld [tilespmem:s7+$0x0];
	_ =	sdelay $0x1  }
0x18d: {  	s25 =	sadd.s32 $0x1, s25;
	v5 =	vmul.f32 v5, v2  }
0x18e: {  	p0 =	sne.s32 s25, $0x29;
	v4 =	vmul.f32 v4, v2  }
.Ltmp3:
0x18f: {  	v3 =	vmul.f32 v3, v2;
	[tilespmem:s7+$0x10] =	vst v5;
	(pc) =	sbr.rel @p0 .LBB2_4-.Ltmp3, $4  }
0x190: {  	v2 =	vmul.f32 v6, v2;
	[tilespmem:s7+$0xFFFFFFE0] =	vst v4  }
0x191: {  	[tilespmem:s7+$0xFFFFFFF0] =	vst v3  }
0x192: {  	[tilespmem:s7+$0x0] =	vst v2  }
0x193: {  	[spmem:s4] =	stream.indirect.scatter.add.f32 [tilespmem:s31], [sflag:$0x2], $0x40, s0, s28, $0xb8;
	[tilespmem:$0x18880] =	vst v63  }
0x194: {  	_ =	swait.ge [sflag:s2], $0x2000  }
0x195: {  	s0 =	stileid.u32;
	[sflag:s2] =	ssyncset.done $0x0  }
0x196: {  	s0 =	sshll.u32 s0, $0x6;
	[sflag:s2] =	ssyncadd.s32 $0xFFFFE000  }
0x197: {  	s6 =	sshrl.u32 s11, $0x3;
	s0 =	sor.u32 $0x1C03, s0;
	[bflag:$0x0] =	sbarrier.arrive $0xFFFF  }
0x198: {  	[hbm:s17], [sflag:s0] =	dma.local [spmem:s6], $0x50  }
0x199: {  	s21 =	sadd.s32 $0x1, s21;
	_ =	swait.ge [sflag:s20], $0x50  }
0x19a: {  	p0 =	sne.s32 s21, s19;
	[sflag:s20] =	ssyncset.done $0x0  }
.Ltmp4:
0x19b: {  	s25 =	sshrl.u32 s12, $0x3;
	[sflag:s20] =	ssyncadd.s32 $0xFFFFFFB0;
	(pc) =	sbr.rel @p0 .LBB2_1-.Ltmp4, $4  }
0x19c: {  	[hbm:s18], [sflag:s0] =	dma.local [spmem:s25], $0x1400  }
0x19d: {  	_ =	swait.ge [sflag:s20], $0x1400  }
0x19e: {  	[sflag:s20] =	ssyncset.done $0x0  }
0x19f: {  	[sflag:s20] =	ssyncadd.s32 $0xFFFFEC00  }
0x1a0: {  	_ =	sfence.sel $0x180000  }
0x1a1: {  	[bflag:$0x0] =	sbarrier.arrive $0xFFFF  }
0x1a2: {  	_ =	strace $0x90000047  }
0x1a3: {  	s0 =	stileid.u32;
	[bflag:$0x2] =	sbarrier.arrive $0xFFFF  }
0x1a4: {  	p0 =	sne.s32 s0, $0x0;
	s0 =	rddreg [dreg:$0x5]  }
0x1a5: {  	s0 =	sadd.s32 @!p0 $0x100000, s0  }
0x1a6: {  	[sflag:s0] =	ssyncadd.tile.s32 @!p0 $0x1;
	_ =	shalt  }
.Lfunc_end2:
_tile_overlayer_lowered:
.L_overlay_start_2:
0x1a7: {  	(tag) =	ssettag $0x2  }
0x1a8: {  	s0 =	rddreg [dreg:$0x0];
	s2 =	stileid.u32  }
0x1a9: {  	s1 =	rddreg [dreg:$0x1];
	p0 =	sne.s32 s2, $0x0  }
0x1aa: {  	s3 =	rddreg [dreg:$0x2];
	[bflag:$0x3] =	sbarrier.arrive $0xFFFF;
	s2 =	simm.s32 @!p0 $0x1C03  }
0x1ab: {  	[timem:s3], [sflag:s2] =	dma.local @!p0 [hbm:s0], s1  }
0x1ac: {  	s0 =	simm.s32 @!p0 $0x3  }
0x1ad: {  	_ =	swait.ge @!p0 [sflag:s0], s1  }
0x1ae: {  	s1 =	ssub.s32 @!p0 $0x0, s1;
	[sflag:s0] =	ssyncset.done @!p0 $0x0  }
0x1af: {  	[sflag:s0] =	ssyncadd.s32 @!p0 s1  }
0x1b0: {  	[bflag:$0x3] =	sbarrier.arrive $0xFFFF  }
0x1b1: {  	_ =	shalt  }

</sc_bundles>
